<compile_context>
chip_gen: v7x
topology: tpu7x:2x2x1
jax: 0.10.2.dev20260603
libtpu: 0.0.44.dev20260713+nightly
codegen_flags: <defaults>
</compile_context>

<pallas_src>
import functools

import jax
import jax.numpy as jnp
from jax import lax
from jax.experimental import pallas as pl
from jax.experimental.pallas import tpu as pltpu
from jax.experimental.pallas import tpu_sc as plsc

B = 4096
L = 200
V = 100000
D = 128

NC = 2
NS = 16
LANES = 16
NW = NC * NS
BPW = B // NW
CHUNKS = ((0, 104), (104, 96))
CHMAX = 104
NBUF = 6
NVREG = D // LANES


def _bow_body(idx_hbm, table_hbm, out_hbm, idx_v, buf_v, out_v,
              sem0, sem1, sem2, sem3, sem4, sem5):
    wid = lax.axis_index("s") * NC + lax.axis_index("c")
    sems = (sem0, sem1, sem2, sem3, sem4, sem5)
    inv = jnp.full((LANES,), 1.0 / L, dtype=jnp.float32)

    pltpu.sync_copy(idx_hbm.at[pl.ds(wid * BPW, BPW)], idx_v)

    def start_gather(slot, bag, ci):
        off, ch = CHUNKS[ci]
        pltpu.make_async_copy(
            table_hbm.at[idx_v.at[bag, pl.ds(off, ch)]],
            buf_v.at[slot, pl.ds(0, ch)],
            sems[slot],
        ).start()

    def drain(slot, ci):
        off, ch = CHUNKS[ci]
        pltpu.make_async_copy(
            table_hbm.at[idx_v.at[0, pl.ds(off, ch)]],
            buf_v.at[slot, pl.ds(0, ch)],
            sems[slot],
        ).wait()

    UNROLL = 2

    def consume(slot, ci, accs):
        _, ch = CHUNKS[ci]

        def row_add(i, accs):
            l = i * UNROLL
            out = []
            for k in range(NVREG):
                a = accs[k]
                parts = [
                    buf_v[slot, l + u, pl.ds(k * LANES, LANES)]
                    for u in range(UNROLL)
                ]
                while len(parts) > 1:
                    parts = [
                        parts[j] + parts[j + 1]
                        for j in range(0, len(parts), 2)
                    ]
                out.append(a + parts[0])
            return tuple(out)

        return lax.fori_loop(0, ch // UNROLL, row_add, accs)

    def store(bag, accs):
        for k in range(NVREG):
            out_v[bag, pl.ds(k * LANES, LANES)] = accs[k] * inv

    GRP = NBUF // 2
    NSTEPS = 41

    for bagoff in range(GRP):
        for ci in range(2):
            start_gather(2 * bagoff + ci, bagoff, ci)

    def step(i, _):
        for bagoff in range(GRP):
            bag = GRP * i + bagoff
            accs = tuple(
                jnp.zeros((LANES,), jnp.float32) for _ in range(NVREG))
            for ci in range(2):
                s = 2 * bagoff + ci
                drain(s, ci)
                accs = consume(s, ci, accs)
                start_gather(s, bag + GRP, ci)
            store(bag, accs)
        return 0

    lax.fori_loop(0, NSTEPS, step, 0)

    for bag, rbag in ((123, 126), (124, 127), (125, None), (126, None),
                      (127, None)):
        s0 = (2 * bag) % NBUF
        accs = tuple(jnp.zeros((LANES,), jnp.float32) for _ in range(NVREG))
        for ci in range(2):
            drain(s0 + ci, ci)
            accs = consume(s0 + ci, ci, accs)
            if rbag is not None:
                start_gather(s0 + ci, rbag, ci)
        store(bag, accs)

    pltpu.sync_copy(out_v, out_hbm.at[pl.ds(wid * BPW, BPW)])


@jax.jit
def _bow(indices, table):
    mesh = plsc.VectorSubcoreMesh(core_axis_name="c", subcore_axis_name="s")
    return pl.kernel(
        _bow_body,
        mesh=mesh,
        compiler_params=pltpu.CompilerParams(
            needs_layout_passes=False, use_tc_tiling_on_sc=False),
        out_type=jax.ShapeDtypeStruct((B, D), jnp.float32),
        scratch_types=[
            pltpu.VMEM((BPW, L), jnp.int32),
            pltpu.VMEM((NBUF, CHMAX, D), jnp.float32),
            pltpu.VMEM((BPW, D), jnp.float32),
            pltpu.SemaphoreType.DMA,
            pltpu.SemaphoreType.DMA,
            pltpu.SemaphoreType.DMA,
            pltpu.SemaphoreType.DMA,
            pltpu.SemaphoreType.DMA,
            pltpu.SemaphoreType.DMA,
        ],
    )(indices, table)


def kernel(indices, table):
    return _bow(indices, table)

# --- scband reference (transcript-rebuilt; emitter-appended) ---
"""Pipeline reference for scband-bag-of-words-58033598104125 (READ-ONLY COPY).

The authoritative reference and input builder live on the scoring server;
editing this copy changes nothing except your own understanding.
"""

import jax, jax.numpy as jnp
import numpy as np

BATCH = 4096
SEQ = 200
VOCAB = 100000
DIM = 128

def setup_inputs(seed: int = 0) -> dict:
    key = jax.random.key(seed)
    k1, k2 = jax.random.split(key)
    indices = jax.random.randint(k1, (BATCH, SEQ), 0, VOCAB, dtype=jnp.int32)
    table = jax.random.normal(k2, (VOCAB, DIM), dtype=jnp.float32) * 0.02
    return {"indices": indices, "table": table}

def reference(indices, table):
    # Bag-of-words: gather word vectors for each token, then element-wise
    # average over the sequence (faithful to sum_of_vectors / len(words)).
    vecs = jnp.take(table, indices, axis=0)  # [B, L, D] gather (embedding lookup)
    summed = jnp.sum(vecs, axis=1)           # [B, D]
    out = summed / jnp.float32(SEQ)
    return out

if __name__ == "__main__":
    import jax
    _d = setup_inputs()
    print(jax.jit(kernel)(*tuple(_d.values())))

</pallas_src>

<mosaic_0001>
#map = affine_map<(d0, d1) -> (0, 0)>
module attributes {stable_mosaic.version = 14 : i64} {
  func.func @_bow_body(%arg0: i32, %arg1: i32, %arg2: memref<4096x200xi32, #tpu.memory_space<hbm>>, %arg3: memref<100000x128xf32, #tpu.memory_space<hbm>>, %arg4: memref<4096x128xf32, #tpu.memory_space<hbm>>, %arg5: memref<128x200xi32, #tpu.memory_space<vmem>>, %arg6: memref<6x104x128xf32, #tpu.memory_space<vmem>>, %arg7: memref<128x128xf32, #tpu.memory_space<vmem>>, %arg8: memref<!tpu.dma_semaphore, #tpu.memory_space<semaphore_mem>>, %arg9: memref<!tpu.dma_semaphore, #tpu.memory_space<semaphore_mem>>, %arg10: memref<!tpu.dma_semaphore, #tpu.memory_space<semaphore_mem>>, %arg11: memref<!tpu.dma_semaphore, #tpu.memory_space<semaphore_mem>>, %arg12: memref<!tpu.dma_semaphore, #tpu.memory_space<semaphore_mem>>, %arg13: memref<!tpu.dma_semaphore, #tpu.memory_space<semaphore_mem>>) attributes {dimension_semantics = [#tpu.dimension_semantics<core_parallel>, #tpu.dimension_semantics<subcore_parallel>], iteration_bounds = array<i64: 2, 16>, scalar_prefetch = 0 : i64, scratch_operands = 9 : i64, tpu.core_type = #tpu.core_type<sc_vector_subcore>, window_params = [{transform_indices = #map}, {transform_indices = #map}, {transform_indices = #map}]} {
    %mul3A = arith.constant 2 : i32
    %mul3A_0 = arith.muli %arg1, %mul3A : i32
    %add3A = arith.addi %mul3A_0, %arg0 : i32
    %broadcast_in_dim3A = arith.constant 5.000000e-03 : f32
    %broadcast_in_dim3A_1 = vector.broadcast %broadcast_in_dim3A : f32 to vector<16xf32>
    %mul3A_2 = arith.constant 128 : i32
    %mul3A_3 = arith.muli %add3A, %mul3A_2 : i32
    "tpu.region"() ({
      %run_scoped3A = tpu.sem_alloc : memref<!tpu.dma_semaphore, #tpu.memory_space<semaphore_mem>>
      %dma_start3A_589 = arith.constant 0 : i32
      %dma_start3A_590 = tpu.memref_slice %arg2[%mul3A_3, %dma_start3A_589] : memref<4096x200xi32, #tpu.memory_space<hbm>> -> memref<128x200xi32, #tpu.memory_space<hbm>>
      %dma_start3A_591 = arith.constant 0 : i32
      %dma_start3A_592 = tpu.memref_slice %arg2[%mul3A_3, %dma_start3A_591] : memref<4096x200xi32, #tpu.memory_space<hbm>> -> memref<128x200xi32, #tpu.memory_space<hbm>>
      tpu.enqueue_dma source(%dma_start3A_592 : memref<128x200xi32, #tpu.memory_space<hbm>>) target(%arg5 : memref<128x200xi32, #tpu.memory_space<vmem>>) target_semaphore(%run_scoped3A : memref<!tpu.dma_semaphore, #tpu.memory_space<semaphore_mem>>)
      %dma_wait3A_593 = arith.constant 0 : i32
      %dma_wait3A_594 = tpu.memref_slice %arg2[%mul3A_3, %dma_wait3A_593] : memref<4096x200xi32, #tpu.memory_space<hbm>> -> memref<128x200xi32, #tpu.memory_space<hbm>>
      %dma_wait3A_595 = arith.constant 0 : i32
      %dma_wait3A_596 = tpu.memref_slice %arg2[%mul3A_3, %dma_wait3A_595] : memref<4096x200xi32, #tpu.memory_space<hbm>> -> memref<128x200xi32, #tpu.memory_space<hbm>>
      tpu.wait_dma2 semaphore(%run_scoped3A : memref<!tpu.dma_semaphore, #tpu.memory_space<semaphore_mem>>) src(%dma_wait3A_596 : memref<128x200xi32, #tpu.memory_space<hbm>>) dst(%arg5 : memref<128x200xi32, #tpu.memory_space<vmem>>)
      tpu.yield
    }) : () -> ()
    %dma_start3A = arith.constant 0 : i32
    %dma_start3A_4 = arith.constant 0 : i32
    %dma_start3A_5 = arith.constant 0 : i32
    %dma_start3A_6 = arith.constant 0 : i32
    %dma_start3A_7 = tpu.memref_slice %arg6[%dma_start3A_4, %dma_start3A_5, %dma_start3A_6] : memref<6x104x128xf32, #tpu.memory_space<vmem>> -> memref<1x104x128xf32, #tpu.memory_space<vmem>>
    %dma_start3A_8 = tpu.memref_squeeze %dma_start3A_7 : memref<1x104x128xf32, #tpu.memory_space<vmem>> -> memref<104x128xf32, #tpu.memory_space<vmem>>
    %dma_start3A_9 = arith.constant 0 : i32
    %dma_start3A_10 = tpu.memref_slice %arg5[%dma_start3A, %dma_start3A_9] : memref<128x200xi32, #tpu.memory_space<vmem>> -> memref<1x104xi32, #tpu.memory_space<vmem>>
    %dma_start3A_11 = tpu.memref_squeeze %dma_start3A_10 : memref<1x104xi32, #tpu.memory_space<vmem>> -> memref<104xi32, #tpu.memory_space<vmem>>
    %dma_start3A_12 = arith.constant 0 : i32
    %dma_start3A_13 = arith.constant 0 : i32
    %dma_start3A_14 = tpu.memref_slice %arg3[%dma_start3A_12, %dma_start3A_13] : memref<100000x128xf32, #tpu.memory_space<hbm>> -> memref<100000x128xf32, #tpu.memory_space<hbm>>
    tpu.enqueue_indirect_dma source(%dma_start3A_14 : memref<100000x128xf32, #tpu.memory_space<hbm>>) target(%dma_start3A_8 : memref<104x128xf32, #tpu.memory_space<vmem>>) offsets(%dma_start3A_11 : memref<104xi32, #tpu.memory_space<vmem>>) semaphore(%arg8 : memref<!tpu.dma_semaphore, #tpu.memory_space<semaphore_mem>>)
    %dma_start3A_15 = arith.constant 0 : i32
    %dma_start3A_16 = arith.constant 1 : i32
    %dma_start3A_17 = arith.constant 0 : i32
    %dma_start3A_18 = arith.constant 0 : i32
    %dma_start3A_19 = tpu.memref_slice %arg6[%dma_start3A_16, %dma_start3A_17, %dma_start3A_18] : memref<6x104x128xf32, #tpu.memory_space<vmem>> -> memref<1x96x128xf32, #tpu.memory_space<vmem>>
    %dma_start3A_20 = tpu.memref_squeeze %dma_start3A_19 : memref<1x96x128xf32, #tpu.memory_space<vmem>> -> memref<96x128xf32, #tpu.memory_space<vmem>>
    %dma_start3A_21 = arith.constant 104 : i32
    %dma_start3A_22 = tpu.memref_slice %arg5[%dma_start3A_15, %dma_start3A_21] : memref<128x200xi32, #tpu.memory_space<vmem>> -> memref<1x96xi32, #tpu.memory_space<vmem>>
    %dma_start3A_23 = tpu.memref_squeeze %dma_start3A_22 : memref<1x96xi32, #tpu.memory_space<vmem>> -> memref<96xi32, #tpu.memory_space<vmem>>
    %dma_start3A_24 = arith.constant 0 : i32
    %dma_start3A_25 = arith.constant 0 : i32
    %dma_start3A_26 = tpu.memref_slice %arg3[%dma_start3A_24, %dma_start3A_25] : memref<100000x128xf32, #tpu.memory_space<hbm>> -> memref<100000x128xf32, #tpu.memory_space<hbm>>
    tpu.enqueue_indirect_dma source(%dma_start3A_26 : memref<100000x128xf32, #tpu.memory_space<hbm>>) target(%dma_start3A_20 : memref<96x128xf32, #tpu.memory_space<vmem>>) offsets(%dma_start3A_23 : memref<96xi32, #tpu.memory_space<vmem>>) semaphore(%arg9 : memref<!tpu.dma_semaphore, #tpu.memory_space<semaphore_mem>>)
    %dma_start3A_27 = arith.constant 1 : i32
    %dma_start3A_28 = arith.constant 2 : i32
    %dma_start3A_29 = arith.constant 0 : i32
    %dma_start3A_30 = arith.constant 0 : i32
    %dma_start3A_31 = tpu.memref_slice %arg6[%dma_start3A_28, %dma_start3A_29, %dma_start3A_30] : memref<6x104x128xf32, #tpu.memory_space<vmem>> -> memref<1x104x128xf32, #tpu.memory_space<vmem>>
    %dma_start3A_32 = tpu.memref_squeeze %dma_start3A_31 : memref<1x104x128xf32, #tpu.memory_space<vmem>> -> memref<104x128xf32, #tpu.memory_space<vmem>>
    %dma_start3A_33 = arith.constant 0 : i32
    %dma_start3A_34 = tpu.memref_slice %arg5[%dma_start3A_27, %dma_start3A_33] : memref<128x200xi32, #tpu.memory_space<vmem>> -> memref<1x104xi32, #tpu.memory_space<vmem>>
    %dma_start3A_35 = tpu.memref_squeeze %dma_start3A_34 : memref<1x104xi32, #tpu.memory_space<vmem>> -> memref<104xi32, #tpu.memory_space<vmem>>
    %dma_start3A_36 = arith.constant 0 : i32
    %dma_start3A_37 = arith.constant 0 : i32
    %dma_start3A_38 = tpu.memref_slice %arg3[%dma_start3A_36, %dma_start3A_37] : memref<100000x128xf32, #tpu.memory_space<hbm>> -> memref<100000x128xf32, #tpu.memory_space<hbm>>
    tpu.enqueue_indirect_dma source(%dma_start3A_38 : memref<100000x128xf32, #tpu.memory_space<hbm>>) target(%dma_start3A_32 : memref<104x128xf32, #tpu.memory_space<vmem>>) offsets(%dma_start3A_35 : memref<104xi32, #tpu.memory_space<vmem>>) semaphore(%arg10 : memref<!tpu.dma_semaphore, #tpu.memory_space<semaphore_mem>>)
    %dma_start3A_39 = arith.constant 1 : i32
    %dma_start3A_40 = arith.constant 3 : i32
    %dma_start3A_41 = arith.constant 0 : i32
    %dma_start3A_42 = arith.constant 0 : i32
    %dma_start3A_43 = tpu.memref_slice %arg6[%dma_start3A_40, %dma_start3A_41, %dma_start3A_42] : memref<6x104x128xf32, #tpu.memory_space<vmem>> -> memref<1x96x128xf32, #tpu.memory_space<vmem>>
    %dma_start3A_44 = tpu.memref_squeeze %dma_start3A_43 : memref<1x96x128xf32, #tpu.memory_space<vmem>> -> memref<96x128xf32, #tpu.memory_space<vmem>>
    %dma_start3A_45 = arith.constant 104 : i32
    %dma_start3A_46 = tpu.memref_slice %arg5[%dma_start3A_39, %dma_start3A_45] : memref<128x200xi32, #tpu.memory_space<vmem>> -> memref<1x96xi32, #tpu.memory_space<vmem>>
    %dma_start3A_47 = tpu.memref_squeeze %dma_start3A_46 : memref<1x96xi32, #tpu.memory_space<vmem>> -> memref<96xi32, #tpu.memory_space<vmem>>
    %dma_start3A_48 = arith.constant 0 : i32
    %dma_start3A_49 = arith.constant 0 : i32
    %dma_start3A_50 = tpu.memref_slice %arg3[%dma_start3A_48, %dma_start3A_49] : memref<100000x128xf32, #tpu.memory_space<hbm>> -> memref<100000x128xf32, #tpu.memory_space<hbm>>
    tpu.enqueue_indirect_dma source(%dma_start3A_50 : memref<100000x128xf32, #tpu.memory_space<hbm>>) target(%dma_start3A_44 : memref<96x128xf32, #tpu.memory_space<vmem>>) offsets(%dma_start3A_47 : memref<96xi32, #tpu.memory_space<vmem>>) semaphore(%arg11 : memref<!tpu.dma_semaphore, #tpu.memory_space<semaphore_mem>>)
    %dma_start3A_51 = arith.constant 2 : i32
    %dma_start3A_52 = arith.constant 4 : i32
    %dma_start3A_53 = arith.constant 0 : i32
    %dma_start3A_54 = arith.constant 0 : i32
    %dma_start3A_55 = tpu.memref_slice %arg6[%dma_start3A_52, %dma_start3A_53, %dma_start3A_54] : memref<6x104x128xf32, #tpu.memory_space<vmem>> -> memref<1x104x128xf32, #tpu.memory_space<vmem>>
    %dma_start3A_56 = tpu.memref_squeeze %dma_start3A_55 : memref<1x104x128xf32, #tpu.memory_space<vmem>> -> memref<104x128xf32, #tpu.memory_space<vmem>>
    %dma_start3A_57 = arith.constant 0 : i32
    %dma_start3A_58 = tpu.memref_slice %arg5[%dma_start3A_51, %dma_start3A_57] : memref<128x200xi32, #tpu.memory_space<vmem>> -> memref<1x104xi32, #tpu.memory_space<vmem>>
    %dma_start3A_59 = tpu.memref_squeeze %dma_start3A_58 : memref<1x104xi32, #tpu.memory_space<vmem>> -> memref<104xi32, #tpu.memory_space<vmem>>
    %dma_start3A_60 = arith.constant 0 : i32
    %dma_start3A_61 = arith.constant 0 : i32
    %dma_start3A_62 = tpu.memref_slice %arg3[%dma_start3A_60, %dma_start3A_61] : memref<100000x128xf32, #tpu.memory_space<hbm>> -> memref<100000x128xf32, #tpu.memory_space<hbm>>
    tpu.enqueue_indirect_dma source(%dma_start3A_62 : memref<100000x128xf32, #tpu.memory_space<hbm>>) target(%dma_start3A_56 : memref<104x128xf32, #tpu.memory_space<vmem>>) offsets(%dma_start3A_59 : memref<104xi32, #tpu.memory_space<vmem>>) semaphore(%arg12 : memref<!tpu.dma_semaphore, #tpu.memory_space<semaphore_mem>>)
    %dma_start3A_63 = arith.constant 2 : i32
    %dma_start3A_64 = arith.constant 5 : i32
    %dma_start3A_65 = arith.constant 0 : i32
    %dma_start3A_66 = arith.constant 0 : i32
    %dma_start3A_67 = tpu.memref_slice %arg6[%dma_start3A_64, %dma_start3A_65, %dma_start3A_66] : memref<6x104x128xf32, #tpu.memory_space<vmem>> -> memref<1x96x128xf32, #tpu.memory_space<vmem>>
    %dma_start3A_68 = tpu.memref_squeeze %dma_start3A_67 : memref<1x96x128xf32, #tpu.memory_space<vmem>> -> memref<96x128xf32, #tpu.memory_space<vmem>>
    %dma_start3A_69 = arith.constant 104 : i32
    %dma_start3A_70 = tpu.memref_slice %arg5[%dma_start3A_63, %dma_start3A_69] : memref<128x200xi32, #tpu.memory_space<vmem>> -> memref<1x96xi32, #tpu.memory_space<vmem>>
    %dma_start3A_71 = tpu.memref_squeeze %dma_start3A_70 : memref<1x96xi32, #tpu.memory_space<vmem>> -> memref<96xi32, #tpu.memory_space<vmem>>
    %dma_start3A_72 = arith.constant 0 : i32
    %dma_start3A_73 = arith.constant 0 : i32
    %dma_start3A_74 = tpu.memref_slice %arg3[%dma_start3A_72, %dma_start3A_73] : memref<100000x128xf32, #tpu.memory_space<hbm>> -> memref<100000x128xf32, #tpu.memory_space<hbm>>
    tpu.enqueue_indirect_dma source(%dma_start3A_74 : memref<100000x128xf32, #tpu.memory_space<hbm>>) target(%dma_start3A_68 : memref<96x128xf32, #tpu.memory_space<vmem>>) offsets(%dma_start3A_71 : memref<96xi32, #tpu.memory_space<vmem>>) semaphore(%arg13 : memref<!tpu.dma_semaphore, #tpu.memory_space<semaphore_mem>>)
    %scan3A = arith.constant 0 : i32
    %scan3A_75 = arith.constant 0 : i32
    %scan3A_76 = arith.constant 41 : i32
    %scan3A_77 = arith.addi %scan3A_75, %scan3A_76 : i32
    %scan3A_78 = arith.constant 1 : i32
    %scan3A_79 = scf.for %scan3A_589 = %scan3A_75 to %scan3A_77 step %scan3A_78 iter_args(%scan3A_590 = %scan3A) -> (i32)  : i32 {
      %mul3A_591 = arith.constant 3 : i32
      %mul3A_592 = arith.muli %mul3A_591, %scan3A_589 : i32
      %add3A_593 = arith.constant 0 : i32
      %add3A_594 = arith.addi %mul3A_592, %add3A_593 : i32
      %broadcast_in_dim3A_595 = arith.constant 0.000000e+00 : f32
      %broadcast_in_dim3A_596 = vector.broadcast %broadcast_in_dim3A_595 : f32 to vector<16xf32>
      %broadcast_in_dim3A_597 = arith.constant 0.000000e+00 : f32
      %broadcast_in_dim3A_598 = vector.broadcast %broadcast_in_dim3A_597 : f32 to vector<16xf32>
      %broadcast_in_dim3A_599 = arith.constant 0.000000e+00 : f32
      %broadcast_in_dim3A_600 = vector.broadcast %broadcast_in_dim3A_599 : f32 to vector<16xf32>
      %broadcast_in_dim3A_601 = arith.constant 0.000000e+00 : f32
      %broadcast_in_dim3A_602 = vector.broadcast %broadcast_in_dim3A_601 : f32 to vector<16xf32>
      %broadcast_in_dim3A_603 = arith.constant 0.000000e+00 : f32
      %broadcast_in_dim3A_604 = vector.broadcast %broadcast_in_dim3A_603 : f32 to vector<16xf32>
      %broadcast_in_dim3A_605 = arith.constant 0.000000e+00 : f32
      %broadcast_in_dim3A_606 = vector.broadcast %broadcast_in_dim3A_605 : f32 to vector<16xf32>
      %broadcast_in_dim3A_607 = arith.constant 0.000000e+00 : f32
      %broadcast_in_dim3A_608 = vector.broadcast %broadcast_in_dim3A_607 : f32 to vector<16xf32>
      %broadcast_in_dim3A_609 = arith.constant 0.000000e+00 : f32
      %broadcast_in_dim3A_610 = vector.broadcast %broadcast_in_dim3A_609 : f32 to vector<16xf32>
      %dma_wait3A_611 = arith.constant 0 : i32
      %dma_wait3A_612 = arith.constant 0 : i32
      %dma_wait3A_613 = arith.constant 0 : i32
      %dma_wait3A_614 = arith.constant 0 : i32
      %dma_wait3A_615 = tpu.memref_slice %arg6[%dma_wait3A_612, %dma_wait3A_613, %dma_wait3A_614] : memref<6x104x128xf32, #tpu.memory_space<vmem>> -> memref<1x104x128xf32, #tpu.memory_space<vmem>>
      %dma_wait3A_616 = tpu.memref_squeeze %dma_wait3A_615 : memref<1x104x128xf32, #tpu.memory_space<vmem>> -> memref<104x128xf32, #tpu.memory_space<vmem>>
      %dma_wait3A_617 = arith.constant 0 : i32
      %dma_wait3A_618 = tpu.memref_slice %arg5[%dma_wait3A_611, %dma_wait3A_617] : memref<128x200xi32, #tpu.memory_space<vmem>> -> memref<1x104xi32, #tpu.memory_space<vmem>>
      %dma_wait3A_619 = tpu.memref_squeeze %dma_wait3A_618 : memref<1x104xi32, #tpu.memory_space<vmem>> -> memref<104xi32, #tpu.memory_space<vmem>>
      %dma_wait3A_620 = arith.constant 0 : i32
      %dma_wait3A_621 = arith.constant 0 : i32
      %dma_wait3A_622 = tpu.memref_slice %arg3[%dma_wait3A_620, %dma_wait3A_621] : memref<100000x128xf32, #tpu.memory_space<hbm>> -> memref<100000x128xf32, #tpu.memory_space<hbm>>
      tpu.wait_indirect_dma semaphore(%arg8 : memref<!tpu.dma_semaphore, #tpu.memory_space<semaphore_mem>>) src(%dma_wait3A_622 : memref<100000x128xf32, #tpu.memory_space<hbm>>) dst(%dma_wait3A_616 : memref<104x128xf32, #tpu.memory_space<vmem>>)
      %scan3A_623 = arith.constant 0 : i32
      %scan3A_624 = arith.constant 52 : i32
      %scan3A_625 = arith.addi %scan3A_623, %scan3A_624 : i32
      %scan3A_626 = arith.constant 1 : i32
      %scan3A_627:8 = scf.for %scan3A_934 = %scan3A_623 to %scan3A_625 step %scan3A_626 iter_args(%scan3A_935 = %broadcast_in_dim3A_596, %scan3A_936 = %broadcast_in_dim3A_598, %scan3A_937 = %broadcast_in_dim3A_600, %scan3A_938 = %broadcast_in_dim3A_602, %scan3A_939 = %broadcast_in_dim3A_604, %scan3A_940 = %broadcast_in_dim3A_606, %scan3A_941 = %broadcast_in_dim3A_608, %scan3A_942 = %broadcast_in_dim3A_610) -> (vector<16xf32>, vector<16xf32>, vector<16xf32>, vector<16xf32>, vector<16xf32>, vector<16xf32>, vector<16xf32>, vector<16xf32>)  : i32 {
        %mul3A_943 = arith.constant 2 : i32
        %mul3A_944 = arith.muli %scan3A_934, %mul3A_943 : i32
        %add3A_945 = arith.constant 0 : i32
        %add3A_946 = arith.addi %mul3A_944, %add3A_945 : i32
        %get3A = arith.constant 0 : i32
        %get3A_947 = arith.index_cast %get3A : i32 to index
        %get3A_948 = arith.index_cast %add3A_946 : i32 to index
        %get3A_949 = arith.constant 0 : index
        %get3A_950 = tpu.vector_load %arg6[%get3A_947, %get3A_948, %get3A_949] {strides = array<i32>} : memref<6x104x128xf32, #tpu.memory_space<vmem>>, vector<16xf32>,
        %add3A_951 = arith.constant 1 : i32
        %add3A_952 = arith.addi %mul3A_944, %add3A_951 : i32
        %get3A_953 = arith.constant 0 : i32
        %get3A_954 = arith.index_cast %get3A_953 : i32 to index
        %get3A_955 = arith.index_cast %add3A_952 : i32 to index
        %get3A_956 = arith.constant 0 : index
        %get3A_957 = tpu.vector_load %arg6[%get3A_954, %get3A_955, %get3A_956] {strides = array<i32>} : memref<6x104x128xf32, #tpu.memory_space<vmem>>, vector<16xf32>,
        %add3A_958 = arith.addf %get3A_950, %get3A_957 : vector<16xf32>
        %add3A_959 = arith.addf %scan3A_935, %add3A_958 : vector<16xf32>
        %add3A_960 = arith.constant 0 : i32
        %add3A_961 = arith.addi %mul3A_944, %add3A_960 : i32
        %get3A_962 = arith.constant 0 : i32
        %get3A_963 = arith.index_cast %get3A_962 : i32 to index
        %get3A_964 = arith.index_cast %add3A_961 : i32 to index
        %get3A_965 = arith.constant 16 : index
        %get3A_966 = tpu.vector_load %arg6[%get3A_963, %get3A_964, %get3A_965] {strides = array<i32>} : memref<6x104x128xf32, #tpu.memory_space<vmem>>, vector<16xf32>,
        %add3A_967 = arith.constant 1 : i32
        %add3A_968 = arith.addi %mul3A_944, %add3A_967 : i32
        %get3A_969 = arith.constant 0 : i32
        %get3A_970 = arith.index_cast %get3A_969 : i32 to index
        %get3A_971 = arith.index_cast %add3A_968 : i32 to index
        %get3A_972 = arith.constant 16 : index
        %get3A_973 = tpu.vector_load %arg6[%get3A_970, %get3A_971, %get3A_972] {strides = array<i32>} : memref<6x104x128xf32, #tpu.memory_space<vmem>>, vector<16xf32>,
        %add3A_974 = arith.addf %get3A_966, %get3A_973 : vector<16xf32>
        %add3A_975 = arith.addf %scan3A_936, %add3A_974 : vector<16xf32>
        %add3A_976 = arith.constant 0 : i32
        %add3A_977 = arith.addi %mul3A_944, %add3A_976 : i32
        %get3A_978 = arith.constant 0 : i32
        %get3A_979 = arith.index_cast %get3A_978 : i32 to index
        %get3A_980 = arith.index_cast %add3A_977 : i32 to index
        %get3A_981 = arith.constant 32 : index
        %get3A_982 = tpu.vector_load %arg6[%get3A_979, %get3A_980, %get3A_981] {strides = array<i32>} : memref<6x104x128xf32, #tpu.memory_space<vmem>>, vector<16xf32>,
        %add3A_983 = arith.constant 1 : i32
        %add3A_984 = arith.addi %mul3A_944, %add3A_983 : i32
        %get3A_985 = arith.constant 0 : i32
        %get3A_986 = arith.index_cast %get3A_985 : i32 to index
        %get3A_987 = arith.index_cast %add3A_984 : i32 to index
        %get3A_988 = arith.constant 32 : index
        %get3A_989 = tpu.vector_load %arg6[%get3A_986, %get3A_987, %get3A_988] {strides = array<i32>} : memref<6x104x128xf32, #tpu.memory_space<vmem>>, vector<16xf32>,
        %add3A_990 = arith.addf %get3A_982, %get3A_989 : vector<16xf32>
        %add3A_991 = arith.addf %scan3A_937, %add3A_990 : vector<16xf32>
        %add3A_992 = arith.constant 0 : i32
        %add3A_993 = arith.addi %mul3A_944, %add3A_992 : i32
        %get3A_994 = arith.constant 0 : i32
        %get3A_995 = arith.index_cast %get3A_994 : i32 to index
        %get3A_996 = arith.index_cast %add3A_993 : i32 to index
        %get3A_997 = arith.constant 48 : index
        %get3A_998 = tpu.vector_load %arg6[%get3A_995, %get3A_996, %get3A_997] {strides = array<i32>} : memref<6x104x128xf32, #tpu.memory_space<vmem>>, vector<16xf32>,
        %add3A_999 = arith.constant 1 : i32
        %add3A_1000 = arith.addi %mul3A_944, %add3A_999 : i32
        %get3A_1001 = arith.constant 0 : i32
        %get3A_1002 = arith.index_cast %get3A_1001 : i32 to index
        %get3A_1003 = arith.index_cast %add3A_1000 : i32 to index
        %get3A_1004 = arith.constant 48 : index
        %get3A_1005 = tpu.vector_load %arg6[%get3A_1002, %get3A_1003, %get3A_1004] {strides = array<i32>} : memref<6x104x128xf32, #tpu.memory_space<vmem>>, vector<16xf32>,
        %add3A_1006 = arith.addf %get3A_998, %get3A_1005 : vector<16xf32>
        %add3A_1007 = arith.addf %scan3A_938, %add3A_1006 : vector<16xf32>
        %add3A_1008 = arith.constant 0 : i32
        %add3A_1009 = arith.addi %mul3A_944, %add3A_1008 : i32
        %get3A_1010 = arith.constant 0 : i32
        %get3A_1011 = arith.index_cast %get3A_1010 : i32 to index
        %get3A_1012 = arith.index_cast %add3A_1009 : i32 to index
        %get3A_1013 = arith.constant 64 : index
        %get3A_1014 = tpu.vector_load %arg6[%get3A_1011, %get3A_1012, %get3A_1013] {strides = array<i32>} : memref<6x104x128xf32, #tpu.memory_space<vmem>>, vector<16xf32>,
        %add3A_1015 = arith.constant 1 : i32
        %add3A_1016 = arith.addi %mul3A_944, %add3A_1015 : i32
        %get3A_1017 = arith.constant 0 : i32
        %get3A_1018 = arith.index_cast %get3A_1017 : i32 to index
        %get3A_1019 = arith.index_cast %add3A_1016 : i32 to index
        %get3A_1020 = arith.constant 64 : index
        %get3A_1021 = tpu.vector_load %arg6[%get3A_1018, %get3A_1019, %get3A_1020] {strides = array<i32>} : memref<6x104x128xf32, #tpu.memory_space<vmem>>, vector<16xf32>,
        %add3A_1022 = arith.addf %get3A_1014, %get3A_1021 : vector<16xf32>
        %add3A_1023 = arith.addf %scan3A_939, %add3A_1022 : vector<16xf32>
        %add3A_1024 = arith.constant 0 : i32
        %add3A_1025 = arith.addi %mul3A_944, %add3A_1024 : i32
        %get3A_1026 = arith.constant 0 : i32
        %get3A_1027 = arith.index_cast %get3A_1026 : i32 to index
        %get3A_1028 = arith.index_cast %add3A_1025 : i32 to index
        %get3A_1029 = arith.constant 80 : index
        %get3A_1030 = tpu.vector_load %arg6[%get3A_1027, %get3A_1028, %get3A_1029] {strides = array<i32>} : memref<6x104x128xf32, #tpu.memory_space<vmem>>, vector<16xf32>,
        %add3A_1031 = arith.constant 1 : i32
        %add3A_1032 = arith.addi %mul3A_944, %add3A_1031 : i32
        %get3A_1033 = arith.constant 0 : i32
        %get3A_1034 = arith.index_cast %get3A_1033 : i32 to index
        %get3A_1035 = arith.index_cast %add3A_1032 : i32 to index
        %get3A_1036 = arith.constant 80 : index
        %get3A_1037 = tpu.vector_load %arg6[%get3A_1034, %get3A_1035, %get3A_1036] {strides = array<i32>} : memref<6x104x128xf32, #tpu.memory_space<vmem>>, vector<16xf32>,
        %add3A_1038 = arith.addf %get3A_1030, %get3A_1037 : vector<16xf32>
        %add3A_1039 = arith.addf %scan3A_940, %add3A_1038 : vector<16xf32>
        %add3A_1040 = arith.constant 0 : i32
        %add3A_1041 = arith.addi %mul3A_944, %add3A_1040 : i32
        %get3A_1042 = arith.constant 0 : i32
        %get3A_1043 = arith.index_cast %get3A_1042 : i32 to index
        %get3A_1044 = arith.index_cast %add3A_1041 : i32 to index
        %get3A_1045 = arith.constant 96 : index
        %get3A_1046 = tpu.vector_load %arg6[%get3A_1043, %get3A_1044, %get3A_1045] {strides = array<i32>} : memref<6x104x128xf32, #tpu.memory_space<vmem>>, vector<16xf32>,
        %add3A_1047 = arith.constant 1 : i32
        %add3A_1048 = arith.addi %mul3A_944, %add3A_1047 : i32
        %get3A_1049 = arith.constant 0 : i32
        %get3A_1050 = arith.index_cast %get3A_1049 : i32 to index
        %get3A_1051 = arith.index_cast %add3A_1048 : i32 to index
        %get3A_1052 = arith.constant 96 : index
        %get3A_1053 = tpu.vector_load %arg6[%get3A_1050, %get3A_1051, %get3A_1052] {strides = array<i32>} : memref<6x104x128xf32, #tpu.memory_space<vmem>>, vector<16xf32>,
        %add3A_1054 = arith.addf %get3A_1046, %get3A_1053 : vector<16xf32>
        %add3A_1055 = arith.addf %scan3A_941, %add3A_1054 : vector<16xf32>
        %add3A_1056 = arith.constant 0 : i32
        %add3A_1057 = arith.addi %mul3A_944, %add3A_1056 : i32
        %get3A_1058 = arith.constant 0 : i32
        %get3A_1059 = arith.index_cast %get3A_1058 : i32 to index
        %get3A_1060 = arith.index_cast %add3A_1057 : i32 to index
        %get3A_1061 = arith.constant 112 : index
        %get3A_1062 = tpu.vector_load %arg6[%get3A_1059, %get3A_1060, %get3A_1061] {strides = array<i32>} : memref<6x104x128xf32, #tpu.memory_space<vmem>>, vector<16xf32>,
        %add3A_1063 = arith.constant 1 : i32
        %add3A_1064 = arith.addi %mul3A_944, %add3A_1063 : i32
        %get3A_1065 = arith.constant 0 : i32
        %get3A_1066 = arith.index_cast %get3A_1065 : i32 to index
        %get3A_1067 = arith.index_cast %add3A_1064 : i32 to index
        %get3A_1068 = arith.constant 112 : index
        %get3A_1069 = tpu.vector_load %arg6[%get3A_1066, %get3A_1067, %get3A_1068] {strides = array<i32>} : memref<6x104x128xf32, #tpu.memory_space<vmem>>, vector<16xf32>,
        %add3A_1070 = arith.addf %get3A_1062, %get3A_1069 : vector<16xf32>
        %add3A_1071 = arith.addf %scan3A_942, %add3A_1070 : vector<16xf32>
        scf.yield %add3A_959, %add3A_975, %add3A_991, %add3A_1007, %add3A_1023, %add3A_1039, %add3A_1055, %add3A_1071 : vector<16xf32>, vector<16xf32>, vector<16xf32>, vector<16xf32>, vector<16xf32>, vector<16xf32>, vector<16xf32>, vector<16xf32>
      }
      %scan3A_628 = arith.constant 52 : i32
      %add3A_629 = arith.constant 3 : i32
      %add3A_630 = arith.addi %add3A_594, %add3A_629 : i32
      %dma_start3A_631 = arith.constant 0 : i32
      %dma_start3A_632 = arith.constant 0 : i32
      %dma_start3A_633 = arith.constant 0 : i32
      %dma_start3A_634 = tpu.memref_slice %arg6[%dma_start3A_631, %dma_start3A_632, %dma_start3A_633] : memref<6x104x128xf32, #tpu.memory_space<vmem>> -> memref<1x104x128xf32, #tpu.memory_space<vmem>>
      %dma_start3A_635 = tpu.memref_squeeze %dma_start3A_634 : memref<1x104x128xf32, #tpu.memory_space<vmem>> -> memref<104x128xf32, #tpu.memory_space<vmem>>
      %dma_start3A_636 = arith.constant 0 : i32
      %dma_start3A_637 = tpu.memref_slice %arg5[%add3A_630, %dma_start3A_636] : memref<128x200xi32, #tpu.memory_space<vmem>> -> memref<1x104xi32, #tpu.memory_space<vmem>>
      %dma_start3A_638 = tpu.memref_squeeze %dma_start3A_637 : memref<1x104xi32, #tpu.memory_space<vmem>> -> memref<104xi32, #tpu.memory_space<vmem>>
      %dma_start3A_639 = arith.constant 0 : i32
      %dma_start3A_640 = arith.constant 0 : i32
      %dma_start3A_641 = tpu.memref_slice %arg3[%dma_start3A_639, %dma_start3A_640] : memref<100000x128xf32, #tpu.memory_space<hbm>> -> memref<100000x128xf32, #tpu.memory_space<hbm>>
      tpu.enqueue_indirect_dma source(%dma_start3A_641 : memref<100000x128xf32, #tpu.memory_space<hbm>>) target(%dma_start3A_635 : memref<104x128xf32, #tpu.memory_space<vmem>>) offsets(%dma_start3A_638 : memref<104xi32, #tpu.memory_space<vmem>>) semaphore(%arg8 : memref<!tpu.dma_semaphore, #tpu.memory_space<semaphore_mem>>)
      %dma_wait3A_642 = arith.constant 0 : i32
      %dma_wait3A_643 = arith.constant 1 : i32
      %dma_wait3A_644 = arith.constant 0 : i32
      %dma_wait3A_645 = arith.constant 0 : i32
      %dma_wait3A_646 = tpu.memref_slice %arg6[%dma_wait3A_643, %dma_wait3A_644, %dma_wait3A_645] : memref<6x104x128xf32, #tpu.memory_space<vmem>> -> memref<1x96x128xf32, #tpu.memory_space<vmem>>
      %dma_wait3A_647 = tpu.memref_squeeze %dma_wait3A_646 : memref<1x96x128xf32, #tpu.memory_space<vmem>> -> memref<96x128xf32, #tpu.memory_space<vmem>>
      %dma_wait3A_648 = arith.constant 104 : i32
      %dma_wait3A_649 = tpu.memref_slice %arg5[%dma_wait3A_642, %dma_wait3A_648] : memref<128x200xi32, #tpu.memory_space<vmem>> -> memref<1x96xi32, #tpu.memory_space<vmem>>
      %dma_wait3A_650 = tpu.memref_squeeze %dma_wait3A_649 : memref<1x96xi32, #tpu.memory_space<vmem>> -> memref<96xi32, #tpu.memory_space<vmem>>
      %dma_wait3A_651 = arith.constant 0 : i32
      %dma_wait3A_652 = arith.constant 0 : i32
      %dma_wait3A_653 = tpu.memref_slice %arg3[%dma_wait3A_651, %dma_wait3A_652] : memref<100000x128xf32, #tpu.memory_space<hbm>> -> memref<100000x128xf32, #tpu.memory_space<hbm>>
      tpu.wait_indirect_dma semaphore(%arg9 : memref<!tpu.dma_semaphore, #tpu.memory_space<semaphore_mem>>) src(%dma_wait3A_653 : memref<100000x128xf32, #tpu.memory_space<hbm>>) dst(%dma_wait3A_647 : memref<96x128xf32, #tpu.memory_space<vmem>>)
      %scan3A_654 = arith.constant 0 : i32
      %scan3A_655 = arith.constant 48 : i32
      %scan3A_656 = arith.addi %scan3A_654, %scan3A_655 : i32
      %scan3A_657 = arith.constant 1 : i32
      %scan3A_658:8 = scf.for %scan3A_934 = %scan3A_654 to %scan3A_656 step %scan3A_657 iter_args(%scan3A_935 = %scan3A_627#0, %scan3A_936 = %scan3A_627#1, %scan3A_937 = %scan3A_627#2, %scan3A_938 = %scan3A_627#3, %scan3A_939 = %scan3A_627#4, %scan3A_940 = %scan3A_627#5, %scan3A_941 = %scan3A_627#6, %scan3A_942 = %scan3A_627#7) -> (vector<16xf32>, vector<16xf32>, vector<16xf32>, vector<16xf32>, vector<16xf32>, vector<16xf32>, vector<16xf32>, vector<16xf32>)  : i32 {
        %mul3A_943 = arith.constant 2 : i32
        %mul3A_944 = arith.muli %scan3A_934, %mul3A_943 : i32
        %add3A_945 = arith.constant 0 : i32
        %add3A_946 = arith.addi %mul3A_944, %add3A_945 : i32
        %get3A = arith.constant 1 : i32
        %get3A_947 = arith.index_cast %get3A : i32 to index
        %get3A_948 = arith.index_cast %add3A_946 : i32 to index
        %get3A_949 = arith.constant 0 : index
        %get3A_950 = tpu.vector_load %arg6[%get3A_947, %get3A_948, %get3A_949] {strides = array<i32>} : memref<6x104x128xf32, #tpu.memory_space<vmem>>, vector<16xf32>,
        %add3A_951 = arith.constant 1 : i32
        %add3A_952 = arith.addi %mul3A_944, %add3A_951 : i32
        %get3A_953 = arith.constant 1 : i32
        %get3A_954 = arith.index_cast %get3A_953 : i32 to index
        %get3A_955 = arith.index_cast %add3A_952 : i32 to index
        %get3A_956 = arith.constant 0 : index
        %get3A_957 = tpu.vector_load %arg6[%get3A_954, %get3A_955, %get3A_956] {strides = array<i32>} : memref<6x104x128xf32, #tpu.memory_space<vmem>>, vector<16xf32>,
        %add3A_958 = arith.addf %get3A_950, %get3A_957 : vector<16xf32>
        %add3A_959 = arith.addf %scan3A_935, %add3A_958 : vector<16xf32>
        %add3A_960 = arith.constant 0 : i32
        %add3A_961 = arith.addi %mul3A_944, %add3A_960 : i32
        %get3A_962 = arith.constant 1 : i32
        %get3A_963 = arith.index_cast %get3A_962 : i32 to index
        %get3A_964 = arith.index_cast %add3A_961 : i32 to index
        %get3A_965 = arith.constant 16 : index
        %get3A_966 = tpu.vector_load %arg6[%get3A_963, %get3A_964, %get3A_965] {strides = array<i32>} : memref<6x104x128xf32, #tpu.memory_space<vmem>>, vector<16xf32>,
        %add3A_967 = arith.constant 1 : i32
        %add3A_968 = arith.addi %mul3A_944, %add3A_967 : i32
        %get3A_969 = arith.constant 1 : i32
        %get3A_970 = arith.index_cast %get3A_969 : i32 to index
        %get3A_971 = arith.index_cast %add3A_968 : i32 to index
        %get3A_972 = arith.constant 16 : index
        %get3A_973 = tpu.vector_load %arg6[%get3A_970, %get3A_971, %get3A_972] {strides = array<i32>} : memref<6x104x128xf32, #tpu.memory_space<vmem>>, vector<16xf32>,
        %add3A_974 = arith.addf %get3A_966, %get3A_973 : vector<16xf32>
        %add3A_975 = arith.addf %scan3A_936, %add3A_974 : vector<16xf32>
        %add3A_976 = arith.constant 0 : i32
        %add3A_977 = arith.addi %mul3A_944, %add3A_976 : i32
        %get3A_978 = arith.constant 1 : i32
        %get3A_979 = arith.index_cast %get3A_978 : i32 to index
        %get3A_980 = arith.index_cast %add3A_977 : i32 to index
        %get3A_981 = arith.constant 32 : index
        %get3A_982 = tpu.vector_load %arg6[%get3A_979, %get3A_980, %get3A_981] {strides = array<i32>} : memref<6x104x128xf32, #tpu.memory_space<vmem>>, vector<16xf32>,
        %add3A_983 = arith.constant 1 : i32
        %add3A_984 = arith.addi %mul3A_944, %add3A_983 : i32
        %get3A_985 = arith.constant 1 : i32
        %get3A_986 = arith.index_cast %get3A_985 : i32 to index
        %get3A_987 = arith.index_cast %add3A_984 : i32 to index
        %get3A_988 = arith.constant 32 : index
        %get3A_989 = tpu.vector_load %arg6[%get3A_986, %get3A_987, %get3A_988] {strides = array<i32>} : memref<6x104x128xf32, #tpu.memory_space<vmem>>, vector<16xf32>,
        %add3A_990 = arith.addf %get3A_982, %get3A_989 : vector<16xf32>
        %add3A_991 = arith.addf %scan3A_937, %add3A_990 : vector<16xf32>
        %add3A_992 = arith.constant 0 : i32
        %add3A_993 = arith.addi %mul3A_944, %add3A_992 : i32
        %get3A_994 = arith.constant 1 : i32
        %get3A_995 = arith.index_cast %get3A_994 : i32 to index
        %get3A_996 = arith.index_cast %add3A_993 : i32 to index
        %get3A_997 = arith.constant 48 : index
        %get3A_998 = tpu.vector_load %arg6[%get3A_995, %get3A_996, %get3A_997] {strides = array<i32>} : memref<6x104x128xf32, #tpu.memory_space<vmem>>, vector<16xf32>,
        %add3A_999 = arith.constant 1 : i32
        %add3A_1000 = arith.addi %mul3A_944, %add3A_999 : i32
        %get3A_1001 = arith.constant 1 : i32
        %get3A_1002 = arith.index_cast %get3A_1001 : i32 to index
        %get3A_1003 = arith.index_cast %add3A_1000 : i32 to index
        %get3A_1004 = arith.constant 48 : index
        %get3A_1005 = tpu.vector_load %arg6[%get3A_1002, %get3A_1003, %get3A_1004] {strides = array<i32>} : memref<6x104x128xf32, #tpu.memory_space<vmem>>, vector<16xf32>,
        %add3A_1006 = arith.addf %get3A_998, %get3A_1005 : vector<16xf32>
        %add3A_1007 = arith.addf %scan3A_938, %add3A_1006 : vector<16xf32>
        %add3A_1008 = arith.constant 0 : i32
        %add3A_1009 = arith.addi %mul3A_944, %add3A_1008 : i32
        %get3A_1010 = arith.constant 1 : i32
        %get3A_1011 = arith.index_cast %get3A_1010 : i32 to index
        %get3A_1012 = arith.index_cast %add3A_1009 : i32 to index
        %get3A_1013 = arith.constant 64 : index
        %get3A_1014 = tpu.vector_load %arg6[%get3A_1011, %get3A_1012, %get3A_1013] {strides = array<i32>} : memref<6x104x128xf32, #tpu.memory_space<vmem>>, vector<16xf32>,
        %add3A_1015 = arith.constant 1 : i32
        %add3A_1016 = arith.addi %mul3A_944, %add3A_1015 : i32
        %get3A_1017 = arith.constant 1 : i32
        %get3A_1018 = arith.index_cast %get3A_1017 : i32 to index
        %get3A_1019 = arith.index_cast %add3A_1016 : i32 to index
        %get3A_1020 = arith.constant 64 : index
        %get3A_1021 = tpu.vector_load %arg6[%get3A_1018, %get3A_1019, %get3A_1020] {strides = array<i32>} : memref<6x104x128xf32, #tpu.memory_space<vmem>>, vector<16xf32>,
        %add3A_1022 = arith.addf %get3A_1014, %get3A_1021 : vector<16xf32>
        %add3A_1023 = arith.addf %scan3A_939, %add3A_1022 : vector<16xf32>
        %add3A_1024 = arith.constant 0 : i32
        %add3A_1025 = arith.addi %mul3A_944, %add3A_1024 : i32
        %get3A_1026 = arith.constant 1 : i32
        %get3A_1027 = arith.index_cast %get3A_1026 : i32 to index
        %get3A_1028 = arith.index_cast %add3A_1025 : i32 to index
        %get3A_1029 = arith.constant 80 : index
        %get3A_1030 = tpu.vector_load %arg6[%get3A_1027, %get3A_1028, %get3A_1029] {strides = array<i32>} : memref<6x104x128xf32, #tpu.memory_space<vmem>>, vector<16xf32>,
        %add3A_1031 = arith.constant 1 : i32
        %add3A_1032 = arith.addi %mul3A_944, %add3A_1031 : i32
        %get3A_1033 = arith.constant 1 : i32
        %get3A_1034 = arith.index_cast %get3A_1033 : i32 to index
        %get3A_1035 = arith.index_cast %add3A_1032 : i32 to index
        %get3A_1036 = arith.constant 80 : index
        %get3A_1037 = tpu.vector_load %arg6[%get3A_1034, %get3A_1035, %get3A_1036] {strides = array<i32>} : memref<6x104x128xf32, #tpu.memory_space<vmem>>, vector<16xf32>,
        %add3A_1038 = arith.addf %get3A_1030, %get3A_1037 : vector<16xf32>
        %add3A_1039 = arith.addf %scan3A_940, %add3A_1038 : vector<16xf32>
        %add3A_1040 = arith.constant 0 : i32
        %add3A_1041 = arith.addi %mul3A_944, %add3A_1040 : i32
        %get3A_1042 = arith.constant 1 : i32
        %get3A_1043 = arith.index_cast %get3A_1042 : i32 to index
        %get3A_1044 = arith.index_cast %add3A_1041 : i32 to index
        %get3A_1045 = arith.constant 96 : index
        %get3A_1046 = tpu.vector_load %arg6[%get3A_1043, %get3A_1044, %get3A_1045] {strides = array<i32>} : memref<6x104x128xf32, #tpu.memory_space<vmem>>, vector<16xf32>,
        %add3A_1047 = arith.constant 1 : i32
        %add3A_1048 = arith.addi %mul3A_944, %add3A_1047 : i32
        %get3A_1049 = arith.constant 1 : i32
        %get3A_1050 = arith.index_cast %get3A_1049 : i32 to index
        %get3A_1051 = arith.index_cast %add3A_1048 : i32 to index
        %get3A_1052 = arith.constant 96 : index
        %get3A_1053 = tpu.vector_load %arg6[%get3A_1050, %get3A_1051, %get3A_1052] {strides = array<i32>} : memref<6x104x128xf32, #tpu.memory_space<vmem>>, vector<16xf32>,
        %add3A_1054 = arith.addf %get3A_1046, %get3A_1053 : vector<16xf32>
        %add3A_1055 = arith.addf %scan3A_941, %add3A_1054 : vector<16xf32>
        %add3A_1056 = arith.constant 0 : i32
        %add3A_1057 = arith.addi %mul3A_944, %add3A_1056 : i32
        %get3A_1058 = arith.constant 1 : i32
        %get3A_1059 = arith.index_cast %get3A_1058 : i32 to index
        %get3A_1060 = arith.index_cast %add3A_1057 : i32 to index
        %get3A_1061 = arith.constant 112 : index
        %get3A_1062 = tpu.vector_load %arg6[%get3A_1059, %get3A_1060, %get3A_1061] {strides = array<i32>} : memref<6x104x128xf32, #tpu.memory_space<vmem>>, vector<16xf32>,
        %add3A_1063 = arith.constant 1 : i32
        %add3A_1064 = arith.addi %mul3A_944, %add3A_1063 : i32
        %get3A_1065 = arith.constant 1 : i32
        %get3A_1066 = arith.index_cast %get3A_1065 : i32 to index
        %get3A_1067 = arith.index_cast %add3A_1064 : i32 to index
        %get3A_1068 = arith.constant 112 : index
        %get3A_1069 = tpu.vector_load %arg6[%get3A_1066, %get3A_1067, %get3A_1068] {strides = array<i32>} : memref<6x104x128xf32, #tpu.memory_space<vmem>>, vector<16xf32>,
        %add3A_1070 = arith.addf %get3A_1062, %get3A_1069 : vector<16xf32>
        %add3A_1071 = arith.addf %scan3A_942, %add3A_1070 : vector<16xf32>
        scf.yield %add3A_959, %add3A_975, %add3A_991, %add3A_1007, %add3A_1023, %add3A_1039, %add3A_1055, %add3A_1071 : vector<16xf32>, vector<16xf32>, vector<16xf32>, vector<16xf32>, vector<16xf32>, vector<16xf32>, vector<16xf32>, vector<16xf32>
      }
      %scan3A_659 = arith.constant 48 : i32
      %add3A_660 = arith.constant 3 : i32
      %add3A_661 = arith.addi %add3A_594, %add3A_660 : i32
      %dma_start3A_662 = arith.constant 1 : i32
      %dma_start3A_663 = arith.constant 0 : i32
      %dma_start3A_664 = arith.constant 0 : i32
      %dma_start3A_665 = tpu.memref_slice %arg6[%dma_start3A_662, %dma_start3A_663, %dma_start3A_664] : memref<6x104x128xf32, #tpu.memory_space<vmem>> -> memref<1x96x128xf32, #tpu.memory_space<vmem>>
      %dma_start3A_666 = tpu.memref_squeeze %dma_start3A_665 : memref<1x96x128xf32, #tpu.memory_space<vmem>> -> memref<96x128xf32, #tpu.memory_space<vmem>>
      %dma_start3A_667 = arith.constant 104 : i32
      %dma_start3A_668 = tpu.memref_slice %arg5[%add3A_661, %dma_start3A_667] : memref<128x200xi32, #tpu.memory_space<vmem>> -> memref<1x96xi32, #tpu.memory_space<vmem>>
      %dma_start3A_669 = tpu.memref_squeeze %dma_start3A_668 : memref<1x96xi32, #tpu.memory_space<vmem>> -> memref<96xi32, #tpu.memory_space<vmem>>
      %dma_start3A_670 = arith.constant 0 : i32
      %dma_start3A_671 = arith.constant 0 : i32
      %dma_start3A_672 = tpu.memref_slice %arg3[%dma_start3A_670, %dma_start3A_671] : memref<100000x128xf32, #tpu.memory_space<hbm>> -> memref<100000x128xf32, #tpu.memory_space<hbm>>
      tpu.enqueue_indirect_dma source(%dma_start3A_672 : memref<100000x128xf32, #tpu.memory_space<hbm>>) target(%dma_start3A_666 : memref<96x128xf32, #tpu.memory_space<vmem>>) offsets(%dma_start3A_669 : memref<96xi32, #tpu.memory_space<vmem>>) semaphore(%arg9 : memref<!tpu.dma_semaphore, #tpu.memory_space<semaphore_mem>>)
      %mul3A_673 = arith.mulf %scan3A_658#0, %broadcast_in_dim3A_1 : vector<16xf32>
      %swap3A_674 = arith.index_cast %add3A_594 : i32 to index
      %swap3A_675 = arith.constant 0 : index
      %swap3A_676 = tpu.vector_load %arg7[%swap3A_674, %swap3A_675] {strides = array<i32>} : memref<128x128xf32, #tpu.memory_space<vmem>>, vector<16xf32>,
      tpu.vector_store %arg7[%swap3A_674, %swap3A_675], %mul3A_673 {strides = array<i32>} : memref<128x128xf32, #tpu.memory_space<vmem>>, vector<16xf32>,
      %mul3A_677 = arith.mulf %scan3A_658#1, %broadcast_in_dim3A_1 : vector<16xf32>
      %swap3A_678 = arith.index_cast %add3A_594 : i32 to index
      %swap3A_679 = arith.constant 16 : index
      %swap3A_680 = tpu.vector_load %arg7[%swap3A_678, %swap3A_679] {strides = array<i32>} : memref<128x128xf32, #tpu.memory_space<vmem>>, vector<16xf32>,
      tpu.vector_store %arg7[%swap3A_678, %swap3A_679], %mul3A_677 {strides = array<i32>} : memref<128x128xf32, #tpu.memory_space<vmem>>, vector<16xf32>,
      %mul3A_681 = arith.mulf %scan3A_658#2, %broadcast_in_dim3A_1 : vector<16xf32>
      %swap3A_682 = arith.index_cast %add3A_594 : i32 to index
      %swap3A_683 = arith.constant 32 : index
      %swap3A_684 = tpu.vector_load %arg7[%swap3A_682, %swap3A_683] {strides = array<i32>} : memref<128x128xf32, #tpu.memory_space<vmem>>, vector<16xf32>,
      tpu.vector_store %arg7[%swap3A_682, %swap3A_683], %mul3A_681 {strides = array<i32>} : memref<128x128xf32, #tpu.memory_space<vmem>>, vector<16xf32>,
      %mul3A_685 = arith.mulf %scan3A_658#3, %broadcast_in_dim3A_1 : vector<16xf32>
      %swap3A_686 = arith.index_cast %add3A_594 : i32 to index
      %swap3A_687 = arith.constant 48 : index
      %swap3A_688 = tpu.vector_load %arg7[%swap3A_686, %swap3A_687] {strides = array<i32>} : memref<128x128xf32, #tpu.memory_space<vmem>>, vector<16xf32>,
      tpu.vector_store %arg7[%swap3A_686, %swap3A_687], %mul3A_685 {strides = array<i32>} : memref<128x128xf32, #tpu.memory_space<vmem>>, vector<16xf32>,
      %mul3A_689 = arith.mulf %scan3A_658#4, %broadcast_in_dim3A_1 : vector<16xf32>
      %swap3A_690 = arith.index_cast %add3A_594 : i32 to index
      %swap3A_691 = arith.constant 64 : index
      %swap3A_692 = tpu.vector_load %arg7[%swap3A_690, %swap3A_691] {strides = array<i32>} : memref<128x128xf32, #tpu.memory_space<vmem>>, vector<16xf32>,
      tpu.vector_store %arg7[%swap3A_690, %swap3A_691], %mul3A_689 {strides = array<i32>} : memref<128x128xf32, #tpu.memory_space<vmem>>, vector<16xf32>,
      %mul3A_693 = arith.mulf %scan3A_658#5, %broadcast_in_dim3A_1 : vector<16xf32>
      %swap3A_694 = arith.index_cast %add3A_594 : i32 to index
      %swap3A_695 = arith.constant 80 : index
      %swap3A_696 = tpu.vector_load %arg7[%swap3A_694, %swap3A_695] {strides = array<i32>} : memref<128x128xf32, #tpu.memory_space<vmem>>, vector<16xf32>,
      tpu.vector_store %arg7[%swap3A_694, %swap3A_695], %mul3A_693 {strides = array<i32>} : memref<128x128xf32, #tpu.memory_space<vmem>>, vector<16xf32>,
      %mul3A_697 = arith.mulf %scan3A_658#6, %broadcast_in_dim3A_1 : vector<16xf32>
      %swap3A_698 = arith.index_cast %add3A_594 : i32 to index
      %swap3A_699 = arith.constant 96 : index
      %swap3A_700 = tpu.vector_load %arg7[%swap3A_698, %swap3A_699] {strides = array<i32>} : memref<128x128xf32, #tpu.memory_space<vmem>>, vector<16xf32>,
      tpu.vector_store %arg7[%swap3A_698, %swap3A_699], %mul3A_697 {strides = array<i32>} : memref<128x128xf32, #tpu.memory_space<vmem>>, vector<16xf32>,
      %mul3A_701 = arith.mulf %scan3A_658#7, %broadcast_in_dim3A_1 : vector<16xf32>
      %swap3A_702 = arith.index_cast %add3A_594 : i32 to index
      %swap3A_703 = arith.constant 112 : index
      %swap3A_704 = tpu.vector_load %arg7[%swap3A_702, %swap3A_703] {strides = array<i32>} : memref<128x128xf32, #tpu.memory_space<vmem>>, vector<16xf32>,
      tpu.vector_store %arg7[%swap3A_702, %swap3A_703], %mul3A_701 {strides = array<i32>} : memref<128x128xf32, #tpu.memory_space<vmem>>, vector<16xf32>,
      %mul3A_705 = arith.constant 3 : i32
      %mul3A_706 = arith.muli %mul3A_705, %scan3A_589 : i32
      %add3A_707 = arith.constant 1 : i32
      %add3A_708 = arith.addi %mul3A_706, %add3A_707 : i32
      %broadcast_in_dim3A_709 = arith.constant 0.000000e+00 : f32
      %broadcast_in_dim3A_710 = vector.broadcast %broadcast_in_dim3A_709 : f32 to vector<16xf32>
      %broadcast_in_dim3A_711 = arith.constant 0.000000e+00 : f32
      %broadcast_in_dim3A_712 = vector.broadcast %broadcast_in_dim3A_711 : f32 to vector<16xf32>
      %broadcast_in_dim3A_713 = arith.constant 0.000000e+00 : f32
      %broadcast_in_dim3A_714 = vector.broadcast %broadcast_in_dim3A_713 : f32 to vector<16xf32>
      %broadcast_in_dim3A_715 = arith.constant 0.000000e+00 : f32
      %broadcast_in_dim3A_716 = vector.broadcast %broadcast_in_dim3A_715 : f32 to vector<16xf32>
      %broadcast_in_dim3A_717 = arith.constant 0.000000e+00 : f32
      %broadcast_in_dim3A_718 = vector.broadcast %broadcast_in_dim3A_717 : f32 to vector<16xf32>
      %broadcast_in_dim3A_719 = arith.constant 0.000000e+00 : f32
      %broadcast_in_dim3A_720 = vector.broadcast %broadcast_in_dim3A_719 : f32 to vector<16xf32>
      %broadcast_in_dim3A_721 = arith.constant 0.000000e+00 : f32
      %broadcast_in_dim3A_722 = vector.broadcast %broadcast_in_dim3A_721 : f32 to vector<16xf32>
      %broadcast_in_dim3A_723 = arith.constant 0.000000e+00 : f32
      %broadcast_in_dim3A_724 = vector.broadcast %broadcast_in_dim3A_723 : f32 to vector<16xf32>
      %dma_wait3A_725 = arith.constant 0 : i32
      %dma_wait3A_726 = arith.constant 2 : i32
      %dma_wait3A_727 = arith.constant 0 : i32
      %dma_wait3A_728 = arith.constant 0 : i32
      %dma_wait3A_729 = tpu.memref_slice %arg6[%dma_wait3A_726, %dma_wait3A_727, %dma_wait3A_728] : memref<6x104x128xf32, #tpu.memory_space<vmem>> -> memref<1x104x128xf32, #tpu.memory_space<vmem>>
      %dma_wait3A_730 = tpu.memref_squeeze %dma_wait3A_729 : memref<1x104x128xf32, #tpu.memory_space<vmem>> -> memref<104x128xf32, #tpu.memory_space<vmem>>
      %dma_wait3A_731 = arith.constant 0 : i32
      %dma_wait3A_732 = tpu.memref_slice %arg5[%dma_wait3A_725, %dma_wait3A_731] : memref<128x200xi32, #tpu.memory_space<vmem>> -> memref<1x104xi32, #tpu.memory_space<vmem>>
      %dma_wait3A_733 = tpu.memref_squeeze %dma_wait3A_732 : memref<1x104xi32, #tpu.memory_space<vmem>> -> memref<104xi32, #tpu.memory_space<vmem>>
      %dma_wait3A_734 = arith.constant 0 : i32
      %dma_wait3A_735 = arith.constant 0 : i32
      %dma_wait3A_736 = tpu.memref_slice %arg3[%dma_wait3A_734, %dma_wait3A_735] : memref<100000x128xf32, #tpu.memory_space<hbm>> -> memref<100000x128xf32, #tpu.memory_space<hbm>>
      tpu.wait_indirect_dma semaphore(%arg10 : memref<!tpu.dma_semaphore, #tpu.memory_space<semaphore_mem>>) src(%dma_wait3A_736 : memref<100000x128xf32, #tpu.memory_space<hbm>>) dst(%dma_wait3A_730 : memref<104x128xf32, #tpu.memory_space<vmem>>)
      %scan3A_737 = arith.constant 0 : i32
      %scan3A_738 = arith.constant 52 : i32
      %scan3A_739 = arith.addi %scan3A_737, %scan3A_738 : i32
      %scan3A_740 = arith.constant 1 : i32
      %scan3A_741:8 = scf.for %scan3A_934 = %scan3A_737 to %scan3A_739 step %scan3A_740 iter_args(%scan3A_935 = %broadcast_in_dim3A_710, %scan3A_936 = %broadcast_in_dim3A_712, %scan3A_937 = %broadcast_in_dim3A_714, %scan3A_938 = %broadcast_in_dim3A_716, %scan3A_939 = %broadcast_in_dim3A_718, %scan3A_940 = %broadcast_in_dim3A_720, %scan3A_941 = %broadcast_in_dim3A_722, %scan3A_942 = %broadcast_in_dim3A_724) -> (vector<16xf32>, vector<16xf32>, vector<16xf32>, vector<16xf32>, vector<16xf32>, vector<16xf32>, vector<16xf32>, vector<16xf32>)  : i32 {
        %mul3A_943 = arith.constant 2 : i32
        %mul3A_944 = arith.muli %scan3A_934, %mul3A_943 : i32
        %add3A_945 = arith.constant 0 : i32
        %add3A_946 = arith.addi %mul3A_944, %add3A_945 : i32
        %get3A = arith.constant 2 : i32
        %get3A_947 = arith.index_cast %get3A : i32 to index
        %get3A_948 = arith.index_cast %add3A_946 : i32 to index
        %get3A_949 = arith.constant 0 : index
        %get3A_950 = tpu.vector_load %arg6[%get3A_947, %get3A_948, %get3A_949] {strides = array<i32>} : memref<6x104x128xf32, #tpu.memory_space<vmem>>, vector<16xf32>,
        %add3A_951 = arith.constant 1 : i32
        %add3A_952 = arith.addi %mul3A_944, %add3A_951 : i32
        %get3A_953 = arith.constant 2 : i32
        %get3A_954 = arith.index_cast %get3A_953 : i32 to index
        %get3A_955 = arith.index_cast %add3A_952 : i32 to index
        %get3A_956 = arith.constant 0 : index
        %get3A_957 = tpu.vector_load %arg6[%get3A_954, %get3A_955, %get3A_956] {strides = array<i32>} : memref<6x104x128xf32, #tpu.memory_space<vmem>>, vector<16xf32>,
        %add3A_958 = arith.addf %get3A_950, %get3A_957 : vector<16xf32>
        %add3A_959 = arith.addf %scan3A_935, %add3A_958 : vector<16xf32>
        %add3A_960 = arith.constant 0 : i32
        %add3A_961 = arith.addi %mul3A_944, %add3A_960 : i32
        %get3A_962 = arith.constant 2 : i32
        %get3A_963 = arith.index_cast %get3A_962 : i32 to index
        %get3A_964 = arith.index_cast %add3A_961 : i32 to index
        %get3A_965 = arith.constant 16 : index
        %get3A_966 = tpu.vector_load %arg6[%get3A_963, %get3A_964, %get3A_965] {strides = array<i32>} : memref<6x104x128xf32, #tpu.memory_space<vmem>>, vector<16xf32>,
        %add3A_967 = arith.constant 1 : i32
        %add3A_968 = arith.addi %mul3A_944, %add3A_967 : i32
        %get3A_969 = arith.constant 2 : i32
        %get3A_970 = arith.index_cast %get3A_969 : i32 to index
        %get3A_971 = arith.index_cast %add3A_968 : i32 to index
        %get3A_972 = arith.constant 16 : index
        %get3A_973 = tpu.vector_load %arg6[%get3A_970, %get3A_971, %get3A_972] {strides = array<i32>} : memref<6x104x128xf32, #tpu.memory_space<vmem>>, vector<16xf32>,
        %add3A_974 = arith.addf %get3A_966, %get3A_973 : vector<16xf32>
        %add3A_975 = arith.addf %scan3A_936, %add3A_974 : vector<16xf32>
        %add3A_976 = arith.constant 0 : i32
        %add3A_977 = arith.addi %mul3A_944, %add3A_976 : i32
        %get3A_978 = arith.constant 2 : i32
        %get3A_979 = arith.index_cast %get3A_978 : i32 to index
        %get3A_980 = arith.index_cast %add3A_977 : i32 to index
        %get3A_981 = arith.constant 32 : index
        %get3A_982 = tpu.vector_load %arg6[%get3A_979, %get3A_980, %get3A_981] {strides = array<i32>} : memref<6x104x128xf32, #tpu.memory_space<vmem>>, vector<16xf32>,
        %add3A_983 = arith.constant 1 : i32
        %add3A_984 = arith.addi %mul3A_944, %add3A_983 : i32
        %get3A_985 = arith.constant 2 : i32
        %get3A_986 = arith.index_cast %get3A_985 : i32 to index
        %get3A_987 = arith.index_cast %add3A_984 : i32 to index
        %get3A_988 = arith.constant 32 : index
        %get3A_989 = tpu.vector_load %arg6[%get3A_986, %get3A_987, %get3A_988] {strides = array<i32>} : memref<6x104x128xf32, #tpu.memory_space<vmem>>, vector<16xf32>,
        %add3A_990 = arith.addf %get3A_982, %get3A_989 : vector<16xf32>
        %add3A_991 = arith.addf %scan3A_937, %add3A_990 : vector<16xf32>
        %add3A_992 = arith.constant 0 : i32
        %add3A_993 = arith.addi %mul3A_944, %add3A_992 : i32
        %get3A_994 = arith.constant 2 : i32
        %get3A_995 = arith.index_cast %get3A_994 : i32 to index
        %get3A_996 = arith.index_cast %add3A_993 : i32 to index
        %get3A_997 = arith.constant 48 : index
        %get3A_998 = tpu.vector_load %arg6[%get3A_995, %get3A_996, %get3A_997] {strides = array<i32>} : memref<6x104x128xf32, #tpu.memory_space<vmem>>, vector<16xf32>,
        %add3A_999 = arith.constant 1 : i32
        %add3A_1000 = arith.addi %mul3A_944, %add3A_999 : i32
        %get3A_1001 = arith.constant 2 : i32
        %get3A_1002 = arith.index_cast %get3A_1001 : i32 to index
        %get3A_1003 = arith.index_cast %add3A_1000 : i32 to index
        %get3A_1004 = arith.constant 48 : index
        %get3A_1005 = tpu.vector_load %arg6[%get3A_1002, %get3A_1003, %get3A_1004] {strides = array<i32>} : memref<6x104x128xf32, #tpu.memory_space<vmem>>, vector<16xf32>,
        %add3A_1006 = arith.addf %get3A_998, %get3A_1005 : vector<16xf32>
        %add3A_1007 = arith.addf %scan3A_938, %add3A_1006 : vector<16xf32>
        %add3A_1008 = arith.constant 0 : i32
        %add3A_1009 = arith.addi %mul3A_944, %add3A_1008 : i32
        %get3A_1010 = arith.constant 2 : i32
        %get3A_1011 = arith.index_cast %get3A_1010 : i32 to index
        %get3A_1012 = arith.index_cast %add3A_1009 : i32 to index
        %get3A_1013 = arith.constant 64 : index
        %get3A_1014 = tpu.vector_load %arg6[%get3A_1011, %get3A_1012, %get3A_1013] {strides = array<i32>} : memref<6x104x128xf32, #tpu.memory_space<vmem>>, vector<16xf32>,
        %add3A_1015 = arith.constant 1 : i32
        %add3A_1016 = arith.addi %mul3A_944, %add3A_1015 : i32
        %get3A_1017 = arith.constant 2 : i32
        %get3A_1018 = arith.index_cast %get3A_1017 : i32 to index
        %get3A_1019 = arith.index_cast %add3A_1016 : i32 to index
        %get3A_1020 = arith.constant 64 : index
        %get3A_1021 = tpu.vector_load %arg6[%get3A_1018, %get3A_1019, %get3A_1020] {strides = array<i32>} : memref<6x104x128xf32, #tpu.memory_space<vmem>>, vector<16xf32>,
        %add3A_1022 = arith.addf %get3A_1014, %get3A_1021 : vector<16xf32>
        %add3A_1023 = arith.addf %scan3A_939, %add3A_1022 : vector<16xf32>
        %add3A_1024 = arith.constant 0 : i32
        %add3A_1025 = arith.addi %mul3A_944, %add3A_1024 : i32
        %get3A_1026 = arith.constant 2 : i32
        %get3A_1027 = arith.index_cast %get3A_1026 : i32 to index
        %get3A_1028 = arith.index_cast %add3A_1025 : i32 to index
        %get3A_1029 = arith.constant 80 : index
        %get3A_1030 = tpu.vector_load %arg6[%get3A_1027, %get3A_1028, %get3A_1029] {strides = array<i32>} : memref<6x104x128xf32, #tpu.memory_space<vmem>>, vector<16xf32>,
        %add3A_1031 = arith.constant 1 : i32
        %add3A_1032 = arith.addi %mul3A_944, %add3A_1031 : i32
        %get3A_1033 = arith.constant 2 : i32
        %get3A_1034 = arith.index_cast %get3A_1033 : i32 to index
        %get3A_1035 = arith.index_cast %add3A_1032 : i32 to index
        %get3A_1036 = arith.constant 80 : index
        %get3A_1037 = tpu.vector_load %arg6[%get3A_1034, %get3A_1035, %get3A_1036] {strides = array<i32>} : memref<6x104x128xf32, #tpu.memory_space<vmem>>, vector<16xf32>,
        %add3A_1038 = arith.addf %get3A_1030, %get3A_1037 : vector<16xf32>
        %add3A_1039 = arith.addf %scan3A_940, %add3A_1038 : vector<16xf32>
        %add3A_1040 = arith.constant 0 : i32
        %add3A_1041 = arith.addi %mul3A_944, %add3A_1040 : i32
        %get3A_1042 = arith.constant 2 : i32
        %get3A_1043 = arith.index_cast %get3A_1042 : i32 to index
        %get3A_1044 = arith.index_cast %add3A_1041 : i32 to index
        %get3A_1045 = arith.constant 96 : index
        %get3A_1046 = tpu.vector_load %arg6[%get3A_1043, %get3A_1044, %get3A_1045] {strides = array<i32>} : memref<6x104x128xf32, #tpu.memory_space<vmem>>, vector<16xf32>,
        %add3A_1047 = arith.constant 1 : i32
        %add3A_1048 = arith.addi %mul3A_944, %add3A_1047 : i32
        %get3A_1049 = arith.constant 2 : i32
        %get3A_1050 = arith.index_cast %get3A_1049 : i32 to index
        %get3A_1051 = arith.index_cast %add3A_1048 : i32 to index
        %get3A_1052 = arith.constant 96 : index
        %get3A_1053 = tpu.vector_load %arg6[%get3A_1050, %get3A_1051, %get3A_1052] {strides = array<i32>} : memref<6x104x128xf32, #tpu.memory_space<vmem>>, vector<16xf32>,
        %add3A_1054 = arith.addf %get3A_1046, %get3A_1053 : vector<16xf32>
        %add3A_1055 = arith.addf %scan3A_941, %add3A_1054 : vector<16xf32>
        %add3A_1056 = arith.constant 0 : i32
        %add3A_1057 = arith.addi %mul3A_944, %add3A_1056 : i32
        %get3A_1058 = arith.constant 2 : i32
        %get3A_1059 = arith.index_cast %get3A_1058 : i32 to index
        %get3A_1060 = arith.index_cast %add3A_1057 : i32 to index
        %get3A_1061 = arith.constant 112 : index
        %get3A_1062 = tpu.vector_load %arg6[%get3A_1059, %get3A_1060, %get3A_1061] {strides = array<i32>} : memref<6x104x128xf32, #tpu.memory_space<vmem>>, vector<16xf32>,
        %add3A_1063 = arith.constant 1 : i32
        %add3A_1064 = arith.addi %mul3A_944, %add3A_1063 : i32
        %get3A_1065 = arith.constant 2 : i32
        %get3A_1066 = arith.index_cast %get3A_1065 : i32 to index
        %get3A_1067 = arith.index_cast %add3A_1064 : i32 to index
        %get3A_1068 = arith.constant 112 : index
        %get3A_1069 = tpu.vector_load %arg6[%get3A_1066, %get3A_1067, %get3A_1068] {strides = array<i32>} : memref<6x104x128xf32, #tpu.memory_space<vmem>>, vector<16xf32>,
        %add3A_1070 = arith.addf %get3A_1062, %get3A_1069 : vector<16xf32>
        %add3A_1071 = arith.addf %scan3A_942, %add3A_1070 : vector<16xf32>
        scf.yield %add3A_959, %add3A_975, %add3A_991, %add3A_1007, %add3A_1023, %add3A_1039, %add3A_1055, %add3A_1071 : vector<16xf32>, vector<16xf32>, vector<16xf32>, vector<16xf32>, vector<16xf32>, vector<16xf32>, vector<16xf32>, vector<16xf32>
      }
      %scan3A_742 = arith.constant 52 : i32
      %add3A_743 = arith.constant 3 : i32
      %add3A_744 = arith.addi %add3A_708, %add3A_743 : i32
      %dma_start3A_745 = arith.constant 2 : i32
      %dma_start3A_746 = arith.constant 0 : i32
      %dma_start3A_747 = arith.constant 0 : i32
      %dma_start3A_748 = tpu.memref_slice %arg6[%dma_start3A_745, %dma_start3A_746, %dma_start3A_747] : memref<6x104x128xf32, #tpu.memory_space<vmem>> -> memref<1x104x128xf32, #tpu.memory_space<vmem>>
      %dma_start3A_749 = tpu.memref_squeeze %dma_start3A_748 : memref<1x104x128xf32, #tpu.memory_space<vmem>> -> memref<104x128xf32, #tpu.memory_space<vmem>>
      %dma_start3A_750 = arith.constant 0 : i32
      %dma_start3A_751 = tpu.memref_slice %arg5[%add3A_744, %dma_start3A_750] : memref<128x200xi32, #tpu.memory_space<vmem>> -> memref<1x104xi32, #tpu.memory_space<vmem>>
      %dma_start3A_752 = tpu.memref_squeeze %dma_start3A_751 : memref<1x104xi32, #tpu.memory_space<vmem>> -> memref<104xi32, #tpu.memory_space<vmem>>
      %dma_start3A_753 = arith.constant 0 : i32
      %dma_start3A_754 = arith.constant 0 : i32
      %dma_start3A_755 = tpu.memref_slice %arg3[%dma_start3A_753, %dma_start3A_754] : memref<100000x128xf32, #tpu.memory_space<hbm>> -> memref<100000x128xf32, #tpu.memory_space<hbm>>
      tpu.enqueue_indirect_dma source(%dma_start3A_755 : memref<100000x128xf32, #tpu.memory_space<hbm>>) target(%dma_start3A_749 : memref<104x128xf32, #tpu.memory_space<vmem>>) offsets(%dma_start3A_752 : memref<104xi32, #tpu.memory_space<vmem>>) semaphore(%arg10 : memref<!tpu.dma_semaphore, #tpu.memory_space<semaphore_mem>>)
      %dma_wait3A_756 = arith.constant 0 : i32
      %dma_wait3A_757 = arith.constant 3 : i32
      %dma_wait3A_758 = arith.constant 0 : i32
      %dma_wait3A_759 = arith.constant 0 : i32
      %dma_wait3A_760 = tpu.memref_slice %arg6[%dma_wait3A_757, %dma_wait3A_758, %dma_wait3A_759] : memref<6x104x128xf32, #tpu.memory_space<vmem>> -> memref<1x96x128xf32, #tpu.memory_space<vmem>>
      %dma_wait3A_761 = tpu.memref_squeeze %dma_wait3A_760 : memref<1x96x128xf32, #tpu.memory_space<vmem>> -> memref<96x128xf32, #tpu.memory_space<vmem>>
      %dma_wait3A_762 = arith.constant 104 : i32
      %dma_wait3A_763 = tpu.memref_slice %arg5[%dma_wait3A_756, %dma_wait3A_762] : memref<128x200xi32, #tpu.memory_space<vmem>> -> memref<1x96xi32, #tpu.memory_space<vmem>>
      %dma_wait3A_764 = tpu.memref_squeeze %dma_wait3A_763 : memref<1x96xi32, #tpu.memory_space<vmem>> -> memref<96xi32, #tpu.memory_space<vmem>>
      %dma_wait3A_765 = arith.constant 0 : i32
      %dma_wait3A_766 = arith.constant 0 : i32
      %dma_wait3A_767 = tpu.memref_slice %arg3[%dma_wait3A_765, %dma_wait3A_766] : memref<100000x128xf32, #tpu.memory_space<hbm>> -> memref<100000x128xf32, #tpu.memory_space<hbm>>
      tpu.wait_indirect_dma semaphore(%arg11 : memref<!tpu.dma_semaphore, #tpu.memory_space<semaphore_mem>>) src(%dma_wait3A_767 : memref<100000x128xf32, #tpu.memory_space<hbm>>) dst(%dma_wait3A_761 : memref<96x128xf32, #tpu.memory_space<vmem>>)
      %scan3A_768 = arith.constant 0 : i32
      %scan3A_769 = arith.constant 48 : i32
      %scan3A_770 = arith.addi %scan3A_768, %scan3A_769 : i32
      %scan3A_771 = arith.constant 1 : i32
      %scan3A_772:8 = scf.for %scan3A_934 = %scan3A_768 to %scan3A_770 step %scan3A_771 iter_args(%scan3A_935 = %scan3A_741#0, %scan3A_936 = %scan3A_741#1, %scan3A_937 = %scan3A_741#2, %scan3A_938 = %scan3A_741#3, %scan3A_939 = %scan3A_741#4, %scan3A_940 = %scan3A_741#5, %scan3A_941 = %scan3A_741#6, %scan3A_942 = %scan3A_741#7) -> (vector<16xf32>, vector<16xf32>, vector<16xf32>, vector<16xf32>, vector<16xf32>, vector<16xf32>, vector<16xf32>, vector<16xf32>)  : i32 {
        %mul3A_943 = arith.constant 2 : i32
        %mul3A_944 = arith.muli %scan3A_934, %mul3A_943 : i32
        %add3A_945 = arith.constant 0 : i32
        %add3A_946 = arith.addi %mul3A_944, %add3A_945 : i32
        %get3A = arith.constant 3 : i32
        %get3A_947 = arith.index_cast %get3A : i32 to index
        %get3A_948 = arith.index_cast %add3A_946 : i32 to index
        %get3A_949 = arith.constant 0 : index
        %get3A_950 = tpu.vector_load %arg6[%get3A_947, %get3A_948, %get3A_949] {strides = array<i32>} : memref<6x104x128xf32, #tpu.memory_space<vmem>>, vector<16xf32>,
        %add3A_951 = arith.constant 1 : i32
        %add3A_952 = arith.addi %mul3A_944, %add3A_951 : i32
        %get3A_953 = arith.constant 3 : i32
        %get3A_954 = arith.index_cast %get3A_953 : i32 to index
        %get3A_955 = arith.index_cast %add3A_952 : i32 to index
        %get3A_956 = arith.constant 0 : index
        %get3A_957 = tpu.vector_load %arg6[%get3A_954, %get3A_955, %get3A_956] {strides = array<i32>} : memref<6x104x128xf32, #tpu.memory_space<vmem>>, vector<16xf32>,
        %add3A_958 = arith.addf %get3A_950, %get3A_957 : vector<16xf32>
        %add3A_959 = arith.addf %scan3A_935, %add3A_958 : vector<16xf32>
        %add3A_960 = arith.constant 0 : i32
        %add3A_961 = arith.addi %mul3A_944, %add3A_960 : i32
        %get3A_962 = arith.constant 3 : i32
        %get3A_963 = arith.index_cast %get3A_962 : i32 to index
        %get3A_964 = arith.index_cast %add3A_961 : i32 to index
        %get3A_965 = arith.constant 16 : index
        %get3A_966 = tpu.vector_load %arg6[%get3A_963, %get3A_964, %get3A_965] {strides = array<i32>} : memref<6x104x128xf32, #tpu.memory_space<vmem>>, vector<16xf32>,
        %add3A_967 = arith.constant 1 : i32
        %add3A_968 = arith.addi %mul3A_944, %add3A_967 : i32
        %get3A_969 = arith.constant 3 : i32
        %get3A_970 = arith.index_cast %get3A_969 : i32 to index
        %get3A_971 = arith.index_cast %add3A_968 : i32 to index
        %get3A_972 = arith.constant 16 : index
        %get3A_973 = tpu.vector_load %arg6[%get3A_970, %get3A_971, %get3A_972] {strides = array<i32>} : memref<6x104x128xf32, #tpu.memory_space<vmem>>, vector<16xf32>,
        %add3A_974 = arith.addf %get3A_966, %get3A_973 : vector<16xf32>
        %add3A_975 = arith.addf %scan3A_936, %add3A_974 : vector<16xf32>
        %add3A_976 = arith.constant 0 : i32
        %add3A_977 = arith.addi %mul3A_944, %add3A_976 : i32
        %get3A_978 = arith.constant 3 : i32
        %get3A_979 = arith.index_cast %get3A_978 : i32 to index
        %get3A_980 = arith.index_cast %add3A_977 : i32 to index
        %get3A_981 = arith.constant 32 : index
        %get3A_982 = tpu.vector_load %arg6[%get3A_979, %get3A_980, %get3A_981] {strides = array<i32>} : memref<6x104x128xf32, #tpu.memory_space<vmem>>, vector<16xf32>,
        %add3A_983 = arith.constant 1 : i32
        %add3A_984 = arith.addi %mul3A_944, %add3A_983 : i32
        %get3A_985 = arith.constant 3 : i32
        %get3A_986 = arith.index_cast %get3A_985 : i32 to index
        %get3A_987 = arith.index_cast %add3A_984 : i32 to index
        %get3A_988 = arith.constant 32 : index
        %get3A_989 = tpu.vector_load %arg6[%get3A_986, %get3A_987, %get3A_988] {strides = array<i32>} : memref<6x104x128xf32, #tpu.memory_space<vmem>>, vector<16xf32>,
        %add3A_990 = arith.addf %get3A_982, %get3A_989 : vector<16xf32>
        %add3A_991 = arith.addf %scan3A_937, %add3A_990 : vector<16xf32>
        %add3A_992 = arith.constant 0 : i32
        %add3A_993 = arith.addi %mul3A_944, %add3A_992 : i32
        %get3A_994 = arith.constant 3 : i32
        %get3A_995 = arith.index_cast %get3A_994 : i32 to index
        %get3A_996 = arith.index_cast %add3A_993 : i32 to index
        %get3A_997 = arith.constant 48 : index
        %get3A_998 = tpu.vector_load %arg6[%get3A_995, %get3A_996, %get3A_997] {strides = array<i32>} : memref<6x104x128xf32, #tpu.memory_space<vmem>>, vector<16xf32>,
        %add3A_999 = arith.constant 1 : i32
        %add3A_1000 = arith.addi %mul3A_944, %add3A_999 : i32
        %get3A_1001 = arith.constant 3 : i32
        %get3A_1002 = arith.index_cast %get3A_1001 : i32 to index
        %get3A_1003 = arith.index_cast %add3A_1000 : i32 to index
        %get3A_1004 = arith.constant 48 : index
        %get3A_1005 = tpu.vector_load %arg6[%get3A_1002, %get3A_1003, %get3A_1004] {strides = array<i32>} : memref<6x104x128xf32, #tpu.memory_space<vmem>>, vector<16xf32>,
        %add3A_1006 = arith.addf %get3A_998, %get3A_1005 : vector<16xf32>
        %add3A_1007 = arith.addf %scan3A_938, %add3A_1006 : vector<16xf32>
        %add3A_1008 = arith.constant 0 : i32
        %add3A_1009 = arith.addi %mul3A_944, %add3A_1008 : i32
        %get3A_1010 = arith.constant 3 : i32
        %get3A_1011 = arith.index_cast %get3A_1010 : i32 to index
        %get3A_1012 = arith.index_cast %add3A_1009 : i32 to index
        %get3A_1013 = arith.constant 64 : index
        %get3A_1014 = tpu.vector_load %arg6[%get3A_1011, %get3A_1012, %get3A_1013] {strides = array<i32>} : memref<6x104x128xf32, #tpu.memory_space<vmem>>, vector<16xf32>,
        %add3A_1015 = arith.constant 1 : i32
        %add3A_1016 = arith.addi %mul3A_944, %add3A_1015 : i32
        %get3A_1017 = arith.constant 3 : i32
        %get3A_1018 = arith.index_cast %get3A_1017 : i32 to index
        %get3A_1019 = arith.index_cast %add3A_1016 : i32 to index
        %get3A_1020 = arith.constant 64 : index
        %get3A_1021 = tpu.vector_load %arg6[%get3A_1018, %get3A_1019, %get3A_1020] {strides = array<i32>} : memref<6x104x128xf32, #tpu.memory_space<vmem>>, vector<16xf32>,
        %add3A_1022 = arith.addf %get3A_1014, %get3A_1021 : vector<16xf32>
        %add3A_1023 = arith.addf %scan3A_939, %add3A_1022 : vector<16xf32>
        %add3A_1024 = arith.constant 0 : i32
        %add3A_1025 = arith.addi %mul3A_944, %add3A_1024 : i32
        %get3A_1026 = arith.constant 3 : i32
        %get3A_1027 = arith.index_cast %get3A_1026 : i32 to index
        %get3A_1028 = arith.index_cast %add3A_1025 : i32 to index
        %get3A_1029 = arith.constant 80 : index
        %get3A_1030 = tpu.vector_load %arg6[%get3A_1027, %get3A_1028, %get3A_1029] {strides = array<i32>} : memref<6x104x128xf32, #tpu.memory_space<vmem>>, vector<16xf32>,
        %add3A_1031 = arith.constant 1 : i32
        %add3A_1032 = arith.addi %mul3A_944, %add3A_1031 : i32
        %get3A_1033 = arith.constant 3 : i32
        %get3A_1034 = arith.index_cast %get3A_1033 : i32 to index
        %get3A_1035 = arith.index_cast %add3A_1032 : i32 to index
        %get3A_1036 = arith.constant 80 : index
        %get3A_1037 = tpu.vector_load %arg6[%get3A_1034, %get3A_1035, %get3A_1036] {strides = array<i32>} : memref<6x104x128xf32, #tpu.memory_space<vmem>>, vector<16xf32>,
        %add3A_1038 = arith.addf %get3A_1030, %get3A_1037 : vector<16xf32>
        %add3A_1039 = arith.addf %scan3A_940, %add3A_1038 : vector<16xf32>
        %add3A_1040 = arith.constant 0 : i32
        %add3A_1041 = arith.addi %mul3A_944, %add3A_1040 : i32
        %get3A_1042 = arith.constant 3 : i32
        %get3A_1043 = arith.index_cast %get3A_1042 : i32 to index
        %get3A_1044 = arith.index_cast %add3A_1041 : i32 to index
        %get3A_1045 = arith.constant 96 : index
        %get3A_1046 = tpu.vector_load %arg6[%get3A_1043, %get3A_1044, %get3A_1045] {strides = array<i32>} : memref<6x104x128xf32, #tpu.memory_space<vmem>>, vector<16xf32>,
        %add3A_1047 = arith.constant 1 : i32
        %add3A_1048 = arith.addi %mul3A_944, %add3A_1047 : i32
        %get3A_1049 = arith.constant 3 : i32
        %get3A_1050 = arith.index_cast %get3A_1049 : i32 to index
        %get3A_1051 = arith.index_cast %add3A_1048 : i32 to index
        %get3A_1052 = arith.constant 96 : index
        %get3A_1053 = tpu.vector_load %arg6[%get3A_1050, %get3A_1051, %get3A_1052] {strides = array<i32>} : memref<6x104x128xf32, #tpu.memory_space<vmem>>, vector<16xf32>,
        %add3A_1054 = arith.addf %get3A_1046, %get3A_1053 : vector<16xf32>
        %add3A_1055 = arith.addf %scan3A_941, %add3A_1054 : vector<16xf32>
        %add3A_1056 = arith.constant 0 : i32
        %add3A_1057 = arith.addi %mul3A_944, %add3A_1056 : i32
        %get3A_1058 = arith.constant 3 : i32
        %get3A_1059 = arith.index_cast %get3A_1058 : i32 to index
        %get3A_1060 = arith.index_cast %add3A_1057 : i32 to index
        %get3A_1061 = arith.constant 112 : index
        %get3A_1062 = tpu.vector_load %arg6[%get3A_1059, %get3A_1060, %get3A_1061] {strides = array<i32>} : memref<6x104x128xf32, #tpu.memory_space<vmem>>, vector<16xf32>,
        %add3A_1063 = arith.constant 1 : i32
        %add3A_1064 = arith.addi %mul3A_944, %add3A_1063 : i32
        %get3A_1065 = arith.constant 3 : i32
        %get3A_1066 = arith.index_cast %get3A_1065 : i32 to index
        %get3A_1067 = arith.index_cast %add3A_1064 : i32 to index
        %get3A_1068 = arith.constant 112 : index
        %get3A_1069 = tpu.vector_load %arg6[%get3A_1066, %get3A_1067, %get3A_1068] {strides = array<i32>} : memref<6x104x128xf32, #tpu.memory_space<vmem>>, vector<16xf32>,
        %add3A_1070 = arith.addf %get3A_1062, %get3A_1069 : vector<16xf32>
        %add3A_1071 = arith.addf %scan3A_942, %add3A_1070 : vector<16xf32>
        scf.yield %add3A_959, %add3A_975, %add3A_991, %add3A_1007, %add3A_1023, %add3A_1039, %add3A_1055, %add3A_1071 : vector<16xf32>, vector<16xf32>, vector<16xf32>, vector<16xf32>, vector<16xf32>, vector<16xf32>, vector<16xf32>, vector<16xf32>
      }
      %scan3A_773 = arith.constant 48 : i32
      %add3A_774 = arith.constant 3 : i32
      %add3A_775 = arith.addi %add3A_708, %add3A_774 : i32
      %dma_start3A_776 = arith.constant 3 : i32
      %dma_start3A_777 = arith.constant 0 : i32
      %dma_start3A_778 = arith.constant 0 : i32
      %dma_start3A_779 = tpu.memref_slice %arg6[%dma_start3A_776, %dma_start3A_777, %dma_start3A_778] : memref<6x104x128xf32, #tpu.memory_space<vmem>> -> memref<1x96x128xf32, #tpu.memory_space<vmem>>
      %dma_start3A_780 = tpu.memref_squeeze %dma_start3A_779 : memref<1x96x128xf32, #tpu.memory_space<vmem>> -> memref<96x128xf32, #tpu.memory_space<vmem>>
      %dma_start3A_781 = arith.constant 104 : i32
      %dma_start3A_782 = tpu.memref_slice %arg5[%add3A_775, %dma_start3A_781] : memref<128x200xi32, #tpu.memory_space<vmem>> -> memref<1x96xi32, #tpu.memory_space<vmem>>
      %dma_start3A_783 = tpu.memref_squeeze %dma_start3A_782 : memref<1x96xi32, #tpu.memory_space<vmem>> -> memref<96xi32, #tpu.memory_space<vmem>>
      %dma_start3A_784 = arith.constant 0 : i32
      %dma_start3A_785 = arith.constant 0 : i32
      %dma_start3A_786 = tpu.memref_slice %arg3[%dma_start3A_784, %dma_start3A_785] : memref<100000x128xf32, #tpu.memory_space<hbm>> -> memref<100000x128xf32, #tpu.memory_space<hbm>>
      tpu.enqueue_indirect_dma source(%dma_start3A_786 : memref<100000x128xf32, #tpu.memory_space<hbm>>) target(%dma_start3A_780 : memref<96x128xf32, #tpu.memory_space<vmem>>) offsets(%dma_start3A_783 : memref<96xi32, #tpu.memory_space<vmem>>) semaphore(%arg11 : memref<!tpu.dma_semaphore, #tpu.memory_space<semaphore_mem>>)
      %mul3A_787 = arith.mulf %scan3A_772#0, %broadcast_in_dim3A_1 : vector<16xf32>
      %swap3A_788 = arith.index_cast %add3A_708 : i32 to index
      %swap3A_789 = arith.constant 0 : index
      %swap3A_790 = tpu.vector_load %arg7[%swap3A_788, %swap3A_789] {strides = array<i32>} : memref<128x128xf32, #tpu.memory_space<vmem>>, vector<16xf32>,
      tpu.vector_store %arg7[%swap3A_788, %swap3A_789], %mul3A_787 {strides = array<i32>} : memref<128x128xf32, #tpu.memory_space<vmem>>, vector<16xf32>,
      %mul3A_791 = arith.mulf %scan3A_772#1, %broadcast_in_dim3A_1 : vector<16xf32>
      %swap3A_792 = arith.index_cast %add3A_708 : i32 to index
      %swap3A_793 = arith.constant 16 : index
      %swap3A_794 = tpu.vector_load %arg7[%swap3A_792, %swap3A_793] {strides = array<i32>} : memref<128x128xf32, #tpu.memory_space<vmem>>, vector<16xf32>,
      tpu.vector_store %arg7[%swap3A_792, %swap3A_793], %mul3A_791 {strides = array<i32>} : memref<128x128xf32, #tpu.memory_space<vmem>>, vector<16xf32>,
      %mul3A_795 = arith.mulf %scan3A_772#2, %broadcast_in_dim3A_1 : vector<16xf32>
      %swap3A_796 = arith.index_cast %add3A_708 : i32 to index
      %swap3A_797 = arith.constant 32 : index
      %swap3A_798 = tpu.vector_load %arg7[%swap3A_796, %swap3A_797] {strides = array<i32>} : memref<128x128xf32, #tpu.memory_space<vmem>>, vector<16xf32>,
      tpu.vector_store %arg7[%swap3A_796, %swap3A_797], %mul3A_795 {strides = array<i32>} : memref<128x128xf32, #tpu.memory_space<vmem>>, vector<16xf32>,
      %mul3A_799 = arith.mulf %scan3A_772#3, %broadcast_in_dim3A_1 : vector<16xf32>
      %swap3A_800 = arith.index_cast %add3A_708 : i32 to index
      %swap3A_801 = arith.constant 48 : index
      %swap3A_802 = tpu.vector_load %arg7[%swap3A_800, %swap3A_801] {strides = array<i32>} : memref<128x128xf32, #tpu.memory_space<vmem>>, vector<16xf32>,
      tpu.vector_store %arg7[%swap3A_800, %swap3A_801], %mul3A_799 {strides = array<i32>} : memref<128x128xf32, #tpu.memory_space<vmem>>, vector<16xf32>,
      %mul3A_803 = arith.mulf %scan3A_772#4, %broadcast_in_dim3A_1 : vector<16xf32>
      %swap3A_804 = arith.index_cast %add3A_708 : i32 to index
      %swap3A_805 = arith.constant 64 : index
      %swap3A_806 = tpu.vector_load %arg7[%swap3A_804, %swap3A_805] {strides = array<i32>} : memref<128x128xf32, #tpu.memory_space<vmem>>, vector<16xf32>,
      tpu.vector_store %arg7[%swap3A_804, %swap3A_805], %mul3A_803 {strides = array<i32>} : memref<128x128xf32, #tpu.memory_space<vmem>>, vector<16xf32>,
      %mul3A_807 = arith.mulf %scan3A_772#5, %broadcast_in_dim3A_1 : vector<16xf32>
      %swap3A_808 = arith.index_cast %add3A_708 : i32 to index
      %swap3A_809 = arith.constant 80 : index
      %swap3A_810 = tpu.vector_load %arg7[%swap3A_808, %swap3A_809] {strides = array<i32>} : memref<128x128xf32, #tpu.memory_space<vmem>>, vector<16xf32>,
      tpu.vector_store %arg7[%swap3A_808, %swap3A_809], %mul3A_807 {strides = array<i32>} : memref<128x128xf32, #tpu.memory_space<vmem>>, vector<16xf32>,
      %mul3A_811 = arith.mulf %scan3A_772#6, %broadcast_in_dim3A_1 : vector<16xf32>
      %swap3A_812 = arith.index_cast %add3A_708 : i32 to index
      %swap3A_813 = arith.constant 96 : index
      %swap3A_814 = tpu.vector_load %arg7[%swap3A_812, %swap3A_813] {strides = array<i32>} : memref<128x128xf32, #tpu.memory_space<vmem>>, vector<16xf32>,
      tpu.vector_store %arg7[%swap3A_812, %swap3A_813], %mul3A_811 {strides = array<i32>} : memref<128x128xf32, #tpu.memory_space<vmem>>, vector<16xf32>,
      %mul3A_815 = arith.mulf %scan3A_772#7, %broadcast_in_dim3A_1 : vector<16xf32>
      %swap3A_816 = arith.index_cast %add3A_708 : i32 to index
      %swap3A_817 = arith.constant 112 : index
      %swap3A_818 = tpu.vector_load %arg7[%swap3A_816, %swap3A_817] {strides = array<i32>} : memref<128x128xf32, #tpu.memory_space<vmem>>, vector<16xf32>,
      tpu.vector_store %arg7[%swap3A_816, %swap3A_817], %mul3A_815 {strides = array<i32>} : memref<128x128xf32, #tpu.memory_space<vmem>>, vector<16xf32>,
      %mul3A_819 = arith.constant 3 : i32
      %mul3A_820 = arith.muli %mul3A_819, %scan3A_589 : i32
      %add3A_821 = arith.constant 2 : i32
      %add3A_822 = arith.addi %mul3A_820, %add3A_821 : i32
      %broadcast_in_dim3A_823 = arith.constant 0.000000e+00 : f32
      %broadcast_in_dim3A_824 = vector.broadcast %broadcast_in_dim3A_823 : f32 to vector<16xf32>
      %broadcast_in_dim3A_825 = arith.constant 0.000000e+00 : f32
      %broadcast_in_dim3A_826 = vector.broadcast %broadcast_in_dim3A_825 : f32 to vector<16xf32>
      %broadcast_in_dim3A_827 = arith.constant 0.000000e+00 : f32
      %broadcast_in_dim3A_828 = vector.broadcast %broadcast_in_dim3A_827 : f32 to vector<16xf32>
      %broadcast_in_dim3A_829 = arith.constant 0.000000e+00 : f32
      %broadcast_in_dim3A_830 = vector.broadcast %broadcast_in_dim3A_829 : f32 to vector<16xf32>
      %broadcast_in_dim3A_831 = arith.constant 0.000000e+00 : f32
      %broadcast_in_dim3A_832 = vector.broadcast %broadcast_in_dim3A_831 : f32 to vector<16xf32>
      %broadcast_in_dim3A_833 = arith.constant 0.000000e+00 : f32
      %broadcast_in_dim3A_834 = vector.broadcast %broadcast_in_dim3A_833 : f32 to vector<16xf32>
      %broadcast_in_dim3A_835 = arith.constant 0.000000e+00 : f32
      %broadcast_in_dim3A_836 = vector.broadcast %broadcast_in_dim3A_835 : f32 to vector<16xf32>
      %broadcast_in_dim3A_837 = arith.constant 0.000000e+00 : f32
      %broadcast_in_dim3A_838 = vector.broadcast %broadcast_in_dim3A_837 : f32 to vector<16xf32>
      %dma_wait3A_839 = arith.constant 0 : i32
      %dma_wait3A_840 = arith.constant 4 : i32
      %dma_wait3A_841 = arith.constant 0 : i32
      %dma_wait3A_842 = arith.constant 0 : i32
      %dma_wait3A_843 = tpu.memref_slice %arg6[%dma_wait3A_840, %dma_wait3A_841, %dma_wait3A_842] : memref<6x104x128xf32, #tpu.memory_space<vmem>> -> memref<1x104x128xf32, #tpu.memory_space<vmem>>
      %dma_wait3A_844 = tpu.memref_squeeze %dma_wait3A_843 : memref<1x104x128xf32, #tpu.memory_space<vmem>> -> memref<104x128xf32, #tpu.memory_space<vmem>>
      %dma_wait3A_845 = arith.constant 0 : i32
      %dma_wait3A_846 = tpu.memref_slice %arg5[%dma_wait3A_839, %dma_wait3A_845] : memref<128x200xi32, #tpu.memory_space<vmem>> -> memref<1x104xi32, #tpu.memory_space<vmem>>
      %dma_wait3A_847 = tpu.memref_squeeze %dma_wait3A_846 : memref<1x104xi32, #tpu.memory_space<vmem>> -> memref<104xi32, #tpu.memory_space<vmem>>
      %dma_wait3A_848 = arith.constant 0 : i32
      %dma_wait3A_849 = arith.constant 0 : i32
      %dma_wait3A_850 = tpu.memref_slice %arg3[%dma_wait3A_848, %dma_wait3A_849] : memref<100000x128xf32, #tpu.memory_space<hbm>> -> memref<100000x128xf32, #tpu.memory_space<hbm>>
      tpu.wait_indirect_dma semaphore(%arg12 : memref<!tpu.dma_semaphore, #tpu.memory_space<semaphore_mem>>) src(%dma_wait3A_850 : memref<100000x128xf32, #tpu.memory_space<hbm>>) dst(%dma_wait3A_844 : memref<104x128xf32, #tpu.memory_space<vmem>>)
      %scan3A_851 = arith.constant 0 : i32
      %scan3A_852 = arith.constant 52 : i32
      %scan3A_853 = arith.addi %scan3A_851, %scan3A_852 : i32
      %scan3A_854 = arith.constant 1 : i32
      %scan3A_855:8 = scf.for %scan3A_934 = %scan3A_851 to %scan3A_853 step %scan3A_854 iter_args(%scan3A_935 = %broadcast_in_dim3A_824, %scan3A_936 = %broadcast_in_dim3A_826, %scan3A_937 = %broadcast_in_dim3A_828, %scan3A_938 = %broadcast_in_dim3A_830, %scan3A_939 = %broadcast_in_dim3A_832, %scan3A_940 = %broadcast_in_dim3A_834, %scan3A_941 = %broadcast_in_dim3A_836, %scan3A_942 = %broadcast_in_dim3A_838) -> (vector<16xf32>, vector<16xf32>, vector<16xf32>, vector<16xf32>, vector<16xf32>, vector<16xf32>, vector<16xf32>, vector<16xf32>)  : i32 {
        %mul3A_943 = arith.constant 2 : i32
        %mul3A_944 = arith.muli %scan3A_934, %mul3A_943 : i32
        %add3A_945 = arith.constant 0 : i32
        %add3A_946 = arith.addi %mul3A_944, %add3A_945 : i32
        %get3A = arith.constant 4 : i32
        %get3A_947 = arith.index_cast %get3A : i32 to index
        %get3A_948 = arith.index_cast %add3A_946 : i32 to index
        %get3A_949 = arith.constant 0 : index
        %get3A_950 = tpu.vector_load %arg6[%get3A_947, %get3A_948, %get3A_949] {strides = array<i32>} : memref<6x104x128xf32, #tpu.memory_space<vmem>>, vector<16xf32>,
        %add3A_951 = arith.constant 1 : i32
        %add3A_952 = arith.addi %mul3A_944, %add3A_951 : i32
        %get3A_953 = arith.constant 4 : i32
        %get3A_954 = arith.index_cast %get3A_953 : i32 to index
        %get3A_955 = arith.index_cast %add3A_952 : i32 to index
        %get3A_956 = arith.constant 0 : index
        %get3A_957 = tpu.vector_load %arg6[%get3A_954, %get3A_955, %get3A_956] {strides = array<i32>} : memref<6x104x128xf32, #tpu.memory_space<vmem>>, vector<16xf32>,
        %add3A_958 = arith.addf %get3A_950, %get3A_957 : vector<16xf32>
        %add3A_959 = arith.addf %scan3A_935, %add3A_958 : vector<16xf32>
        %add3A_960 = arith.constant 0 : i32
        %add3A_961 = arith.addi %mul3A_944, %add3A_960 : i32
        %get3A_962 = arith.constant 4 : i32
        %get3A_963 = arith.index_cast %get3A_962 : i32 to index
        %get3A_964 = arith.index_cast %add3A_961 : i32 to index
        %get3A_965 = arith.constant 16 : index
        %get3A_966 = tpu.vector_load %arg6[%get3A_963, %get3A_964, %get3A_965] {strides = array<i32>} : memref<6x104x128xf32, #tpu.memory_space<vmem>>, vector<16xf32>,
        %add3A_967 = arith.constant 1 : i32
        %add3A_968 = arith.addi %mul3A_944, %add3A_967 : i32
        %get3A_969 = arith.constant 4 : i32
        %get3A_970 = arith.index_cast %get3A_969 : i32 to index
        %get3A_971 = arith.index_cast %add3A_968 : i32 to index
        %get3A_972 = arith.constant 16 : index
        %get3A_973 = tpu.vector_load %arg6[%get3A_970, %get3A_971, %get3A_972] {strides = array<i32>} : memref<6x104x128xf32, #tpu.memory_space<vmem>>, vector<16xf32>,
        %add3A_974 = arith.addf %get3A_966, %get3A_973 : vector<16xf32>
        %add3A_975 = arith.addf %scan3A_936, %add3A_974 : vector<16xf32>
        %add3A_976 = arith.constant 0 : i32
        %add3A_977 = arith.addi %mul3A_944, %add3A_976 : i32
        %get3A_978 = arith.constant 4 : i32
        %get3A_979 = arith.index_cast %get3A_978 : i32 to index
        %get3A_980 = arith.index_cast %add3A_977 : i32 to index
        %get3A_981 = arith.constant 32 : index
        %get3A_982 = tpu.vector_load %arg6[%get3A_979, %get3A_980, %get3A_981] {strides = array<i32>} : memref<6x104x128xf32, #tpu.memory_space<vmem>>, vector<16xf32>,
        %add3A_983 = arith.constant 1 : i32
        %add3A_984 = arith.addi %mul3A_944, %add3A_983 : i32
        %get3A_985 = arith.constant 4 : i32
        %get3A_986 = arith.index_cast %get3A_985 : i32 to index
        %get3A_987 = arith.index_cast %add3A_984 : i32 to index
        %get3A_988 = arith.constant 32 : index
        %get3A_989 = tpu.vector_load %arg6[%get3A_986, %get3A_987, %get3A_988] {strides = array<i32>} : memref<6x104x128xf32, #tpu.memory_space<vmem>>, vector<16xf32>,
        %add3A_990 = arith.addf %get3A_982, %get3A_989 : vector<16xf32>
        %add3A_991 = arith.addf %scan3A_937, %add3A_990 : vector<16xf32>
        %add3A_992 = arith.constant 0 : i32
        %add3A_993 = arith.addi %mul3A_944, %add3A_992 : i32
        %get3A_994 = arith.constant 4 : i32
        %get3A_995 = arith.index_cast %get3A_994 : i32 to index
        %get3A_996 = arith.index_cast %add3A_993 : i32 to index
        %get3A_997 = arith.constant 48 : index
        %get3A_998 = tpu.vector_load %arg6[%get3A_995, %get3A_996, %get3A_997] {strides = array<i32>} : memref<6x104x128xf32, #tpu.memory_space<vmem>>, vector<16xf32>,
        %add3A_999 = arith.constant 1 : i32
        %add3A_1000 = arith.addi %mul3A_944, %add3A_999 : i32
        %get3A_1001 = arith.constant 4 : i32
        %get3A_1002 = arith.index_cast %get3A_1001 : i32 to index
        %get3A_1003 = arith.index_cast %add3A_1000 : i32 to index
        %get3A_1004 = arith.constant 48 : index
        %get3A_1005 = tpu.vector_load %arg6[%get3A_1002, %get3A_1003, %get3A_1004] {strides = array<i32>} : memref<6x104x128xf32, #tpu.memory_space<vmem>>, vector<16xf32>,
        %add3A_1006 = arith.addf %get3A_998, %get3A_1005 : vector<16xf32>
        %add3A_1007 = arith.addf %scan3A_938, %add3A_1006 : vector<16xf32>
        %add3A_1008 = arith.constant 0 : i32
        %add3A_1009 = arith.addi %mul3A_944, %add3A_1008 : i32
        %get3A_1010 = arith.constant 4 : i32
        %get3A_1011 = arith.index_cast %get3A_1010 : i32 to index
        %get3A_1012 = arith.index_cast %add3A_1009 : i32 to index
        %get3A_1013 = arith.constant 64 : index
        %get3A_1014 = tpu.vector_load %arg6[%get3A_1011, %get3A_1012, %get3A_1013] {strides = array<i32>} : memref<6x104x128xf32, #tpu.memory_space<vmem>>, vector<16xf32>,
        %add3A_1015 = arith.constant 1 : i32
        %add3A_1016 = arith.addi %mul3A_944, %add3A_1015 : i32
        %get3A_1017 = arith.constant 4 : i32
        %get3A_1018 = arith.index_cast %get3A_1017 : i32 to index
        %get3A_1019 = arith.index_cast %add3A_1016 : i32 to index
        %get3A_1020 = arith.constant 64 : index
        %get3A_1021 = tpu.vector_load %arg6[%get3A_1018, %get3A_1019, %get3A_1020] {strides = array<i32>} : memref<6x104x128xf32, #tpu.memory_space<vmem>>, vector<16xf32>,
        %add3A_1022 = arith.addf %get3A_1014, %get3A_1021 : vector<16xf32>
        %add3A_1023 = arith.addf %scan3A_939, %add3A_1022 : vector<16xf32>
        %add3A_1024 = arith.constant 0 : i32
        %add3A_1025 = arith.addi %mul3A_944, %add3A_1024 : i32
        %get3A_1026 = arith.constant 4 : i32
        %get3A_1027 = arith.index_cast %get3A_1026 : i32 to index
        %get3A_1028 = arith.index_cast %add3A_1025 : i32 to index
        %get3A_1029 = arith.constant 80 : index
        %get3A_1030 = tpu.vector_load %arg6[%get3A_1027, %get3A_1028, %get3A_1029] {strides = array<i32>} : memref<6x104x128xf32, #tpu.memory_space<vmem>>, vector<16xf32>,
        %add3A_1031 = arith.constant 1 : i32
        %add3A_1032 = arith.addi %mul3A_944, %add3A_1031 : i32
        %get3A_1033 = arith.constant 4 : i32
        %get3A_1034 = arith.index_cast %get3A_1033 : i32 to index
        %get3A_1035 = arith.index_cast %add3A_1032 : i32 to index
        %get3A_1036 = arith.constant 80 : index
        %get3A_1037 = tpu.vector_load %arg6[%get3A_1034, %get3A_1035, %get3A_1036] {strides = array<i32>} : memref<6x104x128xf32, #tpu.memory_space<vmem>>, vector<16xf32>,
        %add3A_1038 = arith.addf %get3A_1030, %get3A_1037 : vector<16xf32>
        %add3A_1039 = arith.addf %scan3A_940, %add3A_1038 : vector<16xf32>
        %add3A_1040 = arith.constant 0 : i32
        %add3A_1041 = arith.addi %mul3A_944, %add3A_1040 : i32
        %get3A_1042 = arith.constant 4 : i32
        %get3A_1043 = arith.index_cast %get3A_1042 : i32 to index
        %get3A_1044 = arith.index_cast %add3A_1041 : i32 to index
        %get3A_1045 = arith.constant 96 : index
        %get3A_1046 = tpu.vector_load %arg6[%get3A_1043, %get3A_1044, %get3A_1045] {strides = array<i32>} : memref<6x104x128xf32, #tpu.memory_space<vmem>>, vector<16xf32>,
        %add3A_1047 = arith.constant 1 : i32
        %add3A_1048 = arith.addi %mul3A_944, %add3A_1047 : i32
        %get3A_1049 = arith.constant 4 : i32
        %get3A_1050 = arith.index_cast %get3A_1049 : i32 to index
        %get3A_1051 = arith.index_cast %add3A_1048 : i32 to index
        %get3A_1052 = arith.constant 96 : index
        %get3A_1053 = tpu.vector_load %arg6[%get3A_1050, %get3A_1051, %get3A_1052] {strides = array<i32>} : memref<6x104x128xf32, #tpu.memory_space<vmem>>, vector<16xf32>,
        %add3A_1054 = arith.addf %get3A_1046, %get3A_1053 : vector<16xf32>
        %add3A_1055 = arith.addf %scan3A_941, %add3A_1054 : vector<16xf32>
        %add3A_1056 = arith.constant 0 : i32
        %add3A_1057 = arith.addi %mul3A_944, %add3A_1056 : i32
        %get3A_1058 = arith.constant 4 : i32
        %get3A_1059 = arith.index_cast %get3A_1058 : i32 to index
        %get3A_1060 = arith.index_cast %add3A_1057 : i32 to index
        %get3A_1061 = arith.constant 112 : index
        %get3A_1062 = tpu.vector_load %arg6[%get3A_1059, %get3A_1060, %get3A_1061] {strides = array<i32>} : memref<6x104x128xf32, #tpu.memory_space<vmem>>, vector<16xf32>,
        %add3A_1063 = arith.constant 1 : i32
        %add3A_1064 = arith.addi %mul3A_944, %add3A_1063 : i32
        %get3A_1065 = arith.constant 4 : i32
        %get3A_1066 = arith.index_cast %get3A_1065 : i32 to index
        %get3A_1067 = arith.index_cast %add3A_1064 : i32 to index
        %get3A_1068 = arith.constant 112 : index
        %get3A_1069 = tpu.vector_load %arg6[%get3A_1066, %get3A_1067, %get3A_1068] {strides = array<i32>} : memref<6x104x128xf32, #tpu.memory_space<vmem>>, vector<16xf32>,
        %add3A_1070 = arith.addf %get3A_1062, %get3A_1069 : vector<16xf32>
        %add3A_1071 = arith.addf %scan3A_942, %add3A_1070 : vector<16xf32>
        scf.yield %add3A_959, %add3A_975, %add3A_991, %add3A_1007, %add3A_1023, %add3A_1039, %add3A_1055, %add3A_1071 : vector<16xf32>, vector<16xf32>, vector<16xf32>, vector<16xf32>, vector<16xf32>, vector<16xf32>, vector<16xf32>, vector<16xf32>
      }
      %scan3A_856 = arith.constant 52 : i32
      %add3A_857 = arith.constant 3 : i32
      %add3A_858 = arith.addi %add3A_822, %add3A_857 : i32
      %dma_start3A_859 = arith.constant 4 : i32
      %dma_start3A_860 = arith.constant 0 : i32
      %dma_start3A_861 = arith.constant 0 : i32
      %dma_start3A_862 = tpu.memref_slice %arg6[%dma_start3A_859, %dma_start3A_860, %dma_start3A_861] : memref<6x104x128xf32, #tpu.memory_space<vmem>> -> memref<1x104x128xf32, #tpu.memory_space<vmem>>
      %dma_start3A_863 = tpu.memref_squeeze %dma_start3A_862 : memref<1x104x128xf32, #tpu.memory_space<vmem>> -> memref<104x128xf32, #tpu.memory_space<vmem>>
      %dma_start3A_864 = arith.constant 0 : i32
      %dma_start3A_865 = tpu.memref_slice %arg5[%add3A_858, %dma_start3A_864] : memref<128x200xi32, #tpu.memory_space<vmem>> -> memref<1x104xi32, #tpu.memory_space<vmem>>
      %dma_start3A_866 = tpu.memref_squeeze %dma_start3A_865 : memref<1x104xi32, #tpu.memory_space<vmem>> -> memref<104xi32, #tpu.memory_space<vmem>>
      %dma_start3A_867 = arith.constant 0 : i32
      %dma_start3A_868 = arith.constant 0 : i32
      %dma_start3A_869 = tpu.memref_slice %arg3[%dma_start3A_867, %dma_start3A_868] : memref<100000x128xf32, #tpu.memory_space<hbm>> -> memref<100000x128xf32, #tpu.memory_space<hbm>>
      tpu.enqueue_indirect_dma source(%dma_start3A_869 : memref<100000x128xf32, #tpu.memory_space<hbm>>) target(%dma_start3A_863 : memref<104x128xf32, #tpu.memory_space<vmem>>) offsets(%dma_start3A_866 : memref<104xi32, #tpu.memory_space<vmem>>) semaphore(%arg12 : memref<!tpu.dma_semaphore, #tpu.memory_space<semaphore_mem>>)
      %dma_wait3A_870 = arith.constant 0 : i32
      %dma_wait3A_871 = arith.constant 5 : i32
      %dma_wait3A_872 = arith.constant 0 : i32
      %dma_wait3A_873 = arith.constant 0 : i32
      %dma_wait3A_874 = tpu.memref_slice %arg6[%dma_wait3A_871, %dma_wait3A_872, %dma_wait3A_873] : memref<6x104x128xf32, #tpu.memory_space<vmem>> -> memref<1x96x128xf32, #tpu.memory_space<vmem>>
      %dma_wait3A_875 = tpu.memref_squeeze %dma_wait3A_874 : memref<1x96x128xf32, #tpu.memory_space<vmem>> -> memref<96x128xf32, #tpu.memory_space<vmem>>
      %dma_wait3A_876 = arith.constant 104 : i32
      %dma_wait3A_877 = tpu.memref_slice %arg5[%dma_wait3A_870, %dma_wait3A_876] : memref<128x200xi32, #tpu.memory_space<vmem>> -> memref<1x96xi32, #tpu.memory_space<vmem>>
      %dma_wait3A_878 = tpu.memref_squeeze %dma_wait3A_877 : memref<1x96xi32, #tpu.memory_space<vmem>> -> memref<96xi32, #tpu.memory_space<vmem>>
      %dma_wait3A_879 = arith.constant 0 : i32
      %dma_wait3A_880 = arith.constant 0 : i32
      %dma_wait3A_881 = tpu.memref_slice %arg3[%dma_wait3A_879, %dma_wait3A_880] : memref<100000x128xf32, #tpu.memory_space<hbm>> -> memref<100000x128xf32, #tpu.memory_space<hbm>>
      tpu.wait_indirect_dma semaphore(%arg13 : memref<!tpu.dma_semaphore, #tpu.memory_space<semaphore_mem>>) src(%dma_wait3A_881 : memref<100000x128xf32, #tpu.memory_space<hbm>>) dst(%dma_wait3A_875 : memref<96x128xf32, #tpu.memory_space<vmem>>)
      %scan3A_882 = arith.constant 0 : i32
      %scan3A_883 = arith.constant 48 : i32
      %scan3A_884 = arith.addi %scan3A_882, %scan3A_883 : i32
      %scan3A_885 = arith.constant 1 : i32
      %scan3A_886:8 = scf.for %scan3A_934 = %scan3A_882 to %scan3A_884 step %scan3A_885 iter_args(%scan3A_935 = %scan3A_855#0, %scan3A_936 = %scan3A_855#1, %scan3A_937 = %scan3A_855#2, %scan3A_938 = %scan3A_855#3, %scan3A_939 = %scan3A_855#4, %scan3A_940 = %scan3A_855#5, %scan3A_941 = %scan3A_855#6, %scan3A_942 = %scan3A_855#7) -> (vector<16xf32>, vector<16xf32>, vector<16xf32>, vector<16xf32>, vector<16xf32>, vector<16xf32>, vector<16xf32>, vector<16xf32>)  : i32 {
        %mul3A_943 = arith.constant 2 : i32
        %mul3A_944 = arith.muli %scan3A_934, %mul3A_943 : i32
        %add3A_945 = arith.constant 0 : i32
        %add3A_946 = arith.addi %mul3A_944, %add3A_945 : i32
        %get3A = arith.constant 5 : i32
        %get3A_947 = arith.index_cast %get3A : i32 to index
        %get3A_948 = arith.index_cast %add3A_946 : i32 to index
        %get3A_949 = arith.constant 0 : index
        %get3A_950 = tpu.vector_load %arg6[%get3A_947, %get3A_948, %get3A_949] {strides = array<i32>} : memref<6x104x128xf32, #tpu.memory_space<vmem>>, vector<16xf32>,
        %add3A_951 = arith.constant 1 : i32
        %add3A_952 = arith.addi %mul3A_944, %add3A_951 : i32
        %get3A_953 = arith.constant 5 : i32
        %get3A_954 = arith.index_cast %get3A_953 : i32 to index
        %get3A_955 = arith.index_cast %add3A_952 : i32 to index
        %get3A_956 = arith.constant 0 : index
        %get3A_957 = tpu.vector_load %arg6[%get3A_954, %get3A_955, %get3A_956] {strides = array<i32>} : memref<6x104x128xf32, #tpu.memory_space<vmem>>, vector<16xf32>,
        %add3A_958 = arith.addf %get3A_950, %get3A_957 : vector<16xf32>
        %add3A_959 = arith.addf %scan3A_935, %add3A_958 : vector<16xf32>
        %add3A_960 = arith.constant 0 : i32
        %add3A_961 = arith.addi %mul3A_944, %add3A_960 : i32
        %get3A_962 = arith.constant 5 : i32
        %get3A_963 = arith.index_cast %get3A_962 : i32 to index
        %get3A_964 = arith.index_cast %add3A_961 : i32 to index
        %get3A_965 = arith.constant 16 : index
        %get3A_966 = tpu.vector_load %arg6[%get3A_963, %get3A_964, %get3A_965] {strides = array<i32>} : memref<6x104x128xf32, #tpu.memory_space<vmem>>, vector<16xf32>,
        %add3A_967 = arith.constant 1 : i32
        %add3A_968 = arith.addi %mul3A_944, %add3A_967 : i32
        %get3A_969 = arith.constant 5 : i32
        %get3A_970 = arith.index_cast %get3A_969 : i32 to index
        %get3A_971 = arith.index_cast %add3A_968 : i32 to index
        %get3A_972 = arith.constant 16 : index
        %get3A_973 = tpu.vector_load %arg6[%get3A_970, %get3A_971, %get3A_972] {strides = array<i32>} : memref<6x104x128xf32, #tpu.memory_space<vmem>>, vector<16xf32>,
        %add3A_974 = arith.addf %get3A_966, %get3A_973 : vector<16xf32>
        %add3A_975 = arith.addf %scan3A_936, %add3A_974 : vector<16xf32>
        %add3A_976 = arith.constant 0 : i32
        %add3A_977 = arith.addi %mul3A_944, %add3A_976 : i32
        %get3A_978 = arith.constant 5 : i32
        %get3A_979 = arith.index_cast %get3A_978 : i32 to index
        %get3A_980 = arith.index_cast %add3A_977 : i32 to index
        %get3A_981 = arith.constant 32 : index
        %get3A_982 = tpu.vector_load %arg6[%get3A_979, %get3A_980, %get3A_981] {strides = array<i32>} : memref<6x104x128xf32, #tpu.memory_space<vmem>>, vector<16xf32>,
        %add3A_983 = arith.constant 1 : i32
        %add3A_984 = arith.addi %mul3A_944, %add3A_983 : i32
        %get3A_985 = arith.constant 5 : i32
        %get3A_986 = arith.index_cast %get3A_985 : i32 to index
        %get3A_987 = arith.index_cast %add3A_984 : i32 to index
        %get3A_988 = arith.constant 32 : index
        %get3A_989 = tpu.vector_load %arg6[%get3A_986, %get3A_987, %get3A_988] {strides = array<i32>} : memref<6x104x128xf32, #tpu.memory_space<vmem>>, vector<16xf32>,
        %add3A_990 = arith.addf %get3A_982, %get3A_989 : vector<16xf32>
        %add3A_991 = arith.addf %scan3A_937, %add3A_990 : vector<16xf32>
        %add3A_992 = arith.constant 0 : i32
        %add3A_993 = arith.addi %mul3A_944, %add3A_992 : i32
        %get3A_994 = arith.constant 5 : i32
        %get3A_995 = arith.index_cast %get3A_994 : i32 to index
        %get3A_996 = arith.index_cast %add3A_993 : i32 to index
        %get3A_997 = arith.constant 48 : index
        %get3A_998 = tpu.vector_load %arg6[%get3A_995, %get3A_996, %get3A_997] {strides = array<i32>} : memref<6x104x128xf32, #tpu.memory_space<vmem>>, vector<16xf32>,
        %add3A_999 = arith.constant 1 : i32
        %add3A_1000 = arith.addi %mul3A_944, %add3A_999 : i32
        %get3A_1001 = arith.constant 5 : i32
        %get3A_1002 = arith.index_cast %get3A_1001 : i32 to index
        %get3A_1003 = arith.index_cast %add3A_1000 : i32 to index
        %get3A_1004 = arith.constant 48 : index
        %get3A_1005 = tpu.vector_load %arg6[%get3A_1002, %get3A_1003, %get3A_1004] {strides = array<i32>} : memref<6x104x128xf32, #tpu.memory_space<vmem>>, vector<16xf32>,
        %add3A_1006 = arith.addf %get3A_998, %get3A_1005 : vector<16xf32>
        %add3A_1007 = arith.addf %scan3A_938, %add3A_1006 : vector<16xf32>
        %add3A_1008 = arith.constant 0 : i32
        %add3A_1009 = arith.addi %mul3A_944, %add3A_1008 : i32
        %get3A_1010 = arith.constant 5 : i32
        %get3A_1011 = arith.index_cast %get3A_1010 : i32 to index
        %get3A_1012 = arith.index_cast %add3A_1009 : i32 to index
        %get3A_1013 = arith.constant 64 : index
        %get3A_1014 = tpu.vector_load %arg6[%get3A_1011, %get3A_1012, %get3A_1013] {strides = array<i32>} : memref<6x104x128xf32, #tpu.memory_space<vmem>>, vector<16xf32>,
        %add3A_1015 = arith.constant 1 : i32
        %add3A_1016 = arith.addi %mul3A_944, %add3A_1015 : i32
        %get3A_1017 = arith.constant 5 : i32
        %get3A_1018 = arith.index_cast %get3A_1017 : i32 to index
        %get3A_1019 = arith.index_cast %add3A_1016 : i32 to index
        %get3A_1020 = arith.constant 64 : index
        %get3A_1021 = tpu.vector_load %arg6[%get3A_1018, %get3A_1019, %get3A_1020] {strides = array<i32>} : memref<6x104x128xf32, #tpu.memory_space<vmem>>, vector<16xf32>,
        %add3A_1022 = arith.addf %get3A_1014, %get3A_1021 : vector<16xf32>
        %add3A_1023 = arith.addf %scan3A_939, %add3A_1022 : vector<16xf32>
        %add3A_1024 = arith.constant 0 : i32
        %add3A_1025 = arith.addi %mul3A_944, %add3A_1024 : i32
        %get3A_1026 = arith.constant 5 : i32
        %get3A_1027 = arith.index_cast %get3A_1026 : i32 to index
        %get3A_1028 = arith.index_cast %add3A_1025 : i32 to index
        %get3A_1029 = arith.constant 80 : index
        %get3A_1030 = tpu.vector_load %arg6[%get3A_1027, %get3A_1028, %get3A_1029] {strides = array<i32>} : memref<6x104x128xf32, #tpu.memory_space<vmem>>, vector<16xf32>,
        %add3A_1031 = arith.constant 1 : i32
        %add3A_1032 = arith.addi %mul3A_944, %add3A_1031 : i32
        %get3A_1033 = arith.constant 5 : i32
        %get3A_1034 = arith.index_cast %get3A_1033 : i32 to index
        %get3A_1035 = arith.index_cast %add3A_1032 : i32 to index
        %get3A_1036 = arith.constant 80 : index
        %get3A_1037 = tpu.vector_load %arg6[%get3A_1034, %get3A_1035, %get3A_1036] {strides = array<i32>} : memref<6x104x128xf32, #tpu.memory_space<vmem>>, vector<16xf32>,
        %add3A_1038 = arith.addf %get3A_1030, %get3A_1037 : vector<16xf32>
        %add3A_1039 = arith.addf %scan3A_940, %add3A_1038 : vector<16xf32>
        %add3A_1040 = arith.constant 0 : i32
        %add3A_1041 = arith.addi %mul3A_944, %add3A_1040 : i32
        %get3A_1042 = arith.constant 5 : i32
        %get3A_1043 = arith.index_cast %get3A_1042 : i32 to index
        %get3A_1044 = arith.index_cast %add3A_1041 : i32 to index
        %get3A_1045 = arith.constant 96 : index
        %get3A_1046 = tpu.vector_load %arg6[%get3A_1043, %get3A_1044, %get3A_1045] {strides = array<i32>} : memref<6x104x128xf32, #tpu.memory_space<vmem>>, vector<16xf32>,
        %add3A_1047 = arith.constant 1 : i32
        %add3A_1048 = arith.addi %mul3A_944, %add3A_1047 : i32
        %get3A_1049 = arith.constant 5 : i32
        %get3A_1050 = arith.index_cast %get3A_1049 : i32 to index
        %get3A_1051 = arith.index_cast %add3A_1048 : i32 to index
        %get3A_1052 = arith.constant 96 : index
        %get3A_1053 = tpu.vector_load %arg6[%get3A_1050, %get3A_1051, %get3A_1052] {strides = array<i32>} : memref<6x104x128xf32, #tpu.memory_space<vmem>>, vector<16xf32>,
        %add3A_1054 = arith.addf %get3A_1046, %get3A_1053 : vector<16xf32>
        %add3A_1055 = arith.addf %scan3A_941, %add3A_1054 : vector<16xf32>
        %add3A_1056 = arith.constant 0 : i32
        %add3A_1057 = arith.addi %mul3A_944, %add3A_1056 : i32
        %get3A_1058 = arith.constant 5 : i32
        %get3A_1059 = arith.index_cast %get3A_1058 : i32 to index
        %get3A_1060 = arith.index_cast %add3A_1057 : i32 to index
        %get3A_1061 = arith.constant 112 : index
        %get3A_1062 = tpu.vector_load %arg6[%get3A_1059, %get3A_1060, %get3A_1061] {strides = array<i32>} : memref<6x104x128xf32, #tpu.memory_space<vmem>>, vector<16xf32>,
        %add3A_1063 = arith.constant 1 : i32
        %add3A_1064 = arith.addi %mul3A_944, %add3A_1063 : i32
        %get3A_1065 = arith.constant 5 : i32
        %get3A_1066 = arith.index_cast %get3A_1065 : i32 to index
        %get3A_1067 = arith.index_cast %add3A_1064 : i32 to index
        %get3A_1068 = arith.constant 112 : index
        %get3A_1069 = tpu.vector_load %arg6[%get3A_1066, %get3A_1067, %get3A_1068] {strides = array<i32>} : memref<6x104x128xf32, #tpu.memory_space<vmem>>, vector<16xf32>,
        %add3A_1070 = arith.addf %get3A_1062, %get3A_1069 : vector<16xf32>
        %add3A_1071 = arith.addf %scan3A_942, %add3A_1070 : vector<16xf32>
        scf.yield %add3A_959, %add3A_975, %add3A_991, %add3A_1007, %add3A_1023, %add3A_1039, %add3A_1055, %add3A_1071 : vector<16xf32>, vector<16xf32>, vector<16xf32>, vector<16xf32>, vector<16xf32>, vector<16xf32>, vector<16xf32>, vector<16xf32>
      }
      %scan3A_887 = arith.constant 48 : i32
      %add3A_888 = arith.constant 3 : i32
      %add3A_889 = arith.addi %add3A_822, %add3A_888 : i32
      %dma_start3A_890 = arith.constant 5 : i32
      %dma_start3A_891 = arith.constant 0 : i32
      %dma_start3A_892 = arith.constant 0 : i32
      %dma_start3A_893 = tpu.memref_slice %arg6[%dma_start3A_890, %dma_start3A_891, %dma_start3A_892] : memref<6x104x128xf32, #tpu.memory_space<vmem>> -> memref<1x96x128xf32, #tpu.memory_space<vmem>>
      %dma_start3A_894 = tpu.memref_squeeze %dma_start3A_893 : memref<1x96x128xf32, #tpu.memory_space<vmem>> -> memref<96x128xf32, #tpu.memory_space<vmem>>
      %dma_start3A_895 = arith.constant 104 : i32
      %dma_start3A_896 = tpu.memref_slice %arg5[%add3A_889, %dma_start3A_895] : memref<128x200xi32, #tpu.memory_space<vmem>> -> memref<1x96xi32, #tpu.memory_space<vmem>>
      %dma_start3A_897 = tpu.memref_squeeze %dma_start3A_896 : memref<1x96xi32, #tpu.memory_space<vmem>> -> memref<96xi32, #tpu.memory_space<vmem>>
      %dma_start3A_898 = arith.constant 0 : i32
      %dma_start3A_899 = arith.constant 0 : i32
      %dma_start3A_900 = tpu.memref_slice %arg3[%dma_start3A_898, %dma_start3A_899] : memref<100000x128xf32, #tpu.memory_space<hbm>> -> memref<100000x128xf32, #tpu.memory_space<hbm>>
      tpu.enqueue_indirect_dma source(%dma_start3A_900 : memref<100000x128xf32, #tpu.memory_space<hbm>>) target(%dma_start3A_894 : memref<96x128xf32, #tpu.memory_space<vmem>>) offsets(%dma_start3A_897 : memref<96xi32, #tpu.memory_space<vmem>>) semaphore(%arg13 : memref<!tpu.dma_semaphore, #tpu.memory_space<semaphore_mem>>)
      %mul3A_901 = arith.mulf %scan3A_886#0, %broadcast_in_dim3A_1 : vector<16xf32>
      %swap3A_902 = arith.index_cast %add3A_822 : i32 to index
      %swap3A_903 = arith.constant 0 : index
      %swap3A_904 = tpu.vector_load %arg7[%swap3A_902, %swap3A_903] {strides = array<i32>} : memref<128x128xf32, #tpu.memory_space<vmem>>, vector<16xf32>,
      tpu.vector_store %arg7[%swap3A_902, %swap3A_903], %mul3A_901 {strides = array<i32>} : memref<128x128xf32, #tpu.memory_space<vmem>>, vector<16xf32>,
      %mul3A_905 = arith.mulf %scan3A_886#1, %broadcast_in_dim3A_1 : vector<16xf32>
      %swap3A_906 = arith.index_cast %add3A_822 : i32 to index
      %swap3A_907 = arith.constant 16 : index
      %swap3A_908 = tpu.vector_load %arg7[%swap3A_906, %swap3A_907] {strides = array<i32>} : memref<128x128xf32, #tpu.memory_space<vmem>>, vector<16xf32>,
      tpu.vector_store %arg7[%swap3A_906, %swap3A_907], %mul3A_905 {strides = array<i32>} : memref<128x128xf32, #tpu.memory_space<vmem>>, vector<16xf32>,
      %mul3A_909 = arith.mulf %scan3A_886#2, %broadcast_in_dim3A_1 : vector<16xf32>
      %swap3A_910 = arith.index_cast %add3A_822 : i32 to index
      %swap3A_911 = arith.constant 32 : index
      %swap3A_912 = tpu.vector_load %arg7[%swap3A_910, %swap3A_911] {strides = array<i32>} : memref<128x128xf32, #tpu.memory_space<vmem>>, vector<16xf32>,
      tpu.vector_store %arg7[%swap3A_910, %swap3A_911], %mul3A_909 {strides = array<i32>} : memref<128x128xf32, #tpu.memory_space<vmem>>, vector<16xf32>,
      %mul3A_913 = arith.mulf %scan3A_886#3, %broadcast_in_dim3A_1 : vector<16xf32>
      %swap3A_914 = arith.index_cast %add3A_822 : i32 to index
      %swap3A_915 = arith.constant 48 : index
      %swap3A_916 = tpu.vector_load %arg7[%swap3A_914, %swap3A_915] {strides = array<i32>} : memref<128x128xf32, #tpu.memory_space<vmem>>, vector<16xf32>,
      tpu.vector_store %arg7[%swap3A_914, %swap3A_915], %mul3A_913 {strides = array<i32>} : memref<128x128xf32, #tpu.memory_space<vmem>>, vector<16xf32>,
      %mul3A_917 = arith.mulf %scan3A_886#4, %broadcast_in_dim3A_1 : vector<16xf32>
      %swap3A_918 = arith.index_cast %add3A_822 : i32 to index
      %swap3A_919 = arith.constant 64 : index
      %swap3A_920 = tpu.vector_load %arg7[%swap3A_918, %swap3A_919] {strides = array<i32>} : memref<128x128xf32, #tpu.memory_space<vmem>>, vector<16xf32>,
      tpu.vector_store %arg7[%swap3A_918, %swap3A_919], %mul3A_917 {strides = array<i32>} : memref<128x128xf32, #tpu.memory_space<vmem>>, vector<16xf32>,
      %mul3A_921 = arith.mulf %scan3A_886#5, %broadcast_in_dim3A_1 : vector<16xf32>
      %swap3A_922 = arith.index_cast %add3A_822 : i32 to index
      %swap3A_923 = arith.constant 80 : index
      %swap3A_924 = tpu.vector_load %arg7[%swap3A_922, %swap3A_923] {strides = array<i32>} : memref<128x128xf32, #tpu.memory_space<vmem>>, vector<16xf32>,
      tpu.vector_store %arg7[%swap3A_922, %swap3A_923], %mul3A_921 {strides = array<i32>} : memref<128x128xf32, #tpu.memory_space<vmem>>, vector<16xf32>,
      %mul3A_925 = arith.mulf %scan3A_886#6, %broadcast_in_dim3A_1 : vector<16xf32>
      %swap3A_926 = arith.index_cast %add3A_822 : i32 to index
      %swap3A_927 = arith.constant 96 : index
      %swap3A_928 = tpu.vector_load %arg7[%swap3A_926, %swap3A_927] {strides = array<i32>} : memref<128x128xf32, #tpu.memory_space<vmem>>, vector<16xf32>,
      tpu.vector_store %arg7[%swap3A_926, %swap3A_927], %mul3A_925 {strides = array<i32>} : memref<128x128xf32, #tpu.memory_space<vmem>>, vector<16xf32>,
      %mul3A_929 = arith.mulf %scan3A_886#7, %broadcast_in_dim3A_1 : vector<16xf32>
      %swap3A_930 = arith.index_cast %add3A_822 : i32 to index
      %swap3A_931 = arith.constant 112 : index
      %swap3A_932 = tpu.vector_load %arg7[%swap3A_930, %swap3A_931] {strides = array<i32>} : memref<128x128xf32, #tpu.memory_space<vmem>>, vector<16xf32>,
      tpu.vector_store %arg7[%swap3A_930, %swap3A_931], %mul3A_929 {strides = array<i32>} : memref<128x128xf32, #tpu.memory_space<vmem>>, vector<16xf32>,
      %scan3A_933 = arith.constant 0 : i32
      scf.yield %scan3A_933 : i32
    }
    %scan3A_80 = arith.constant 41 : i32
    %broadcast_in_dim3A_81 = arith.constant 0.000000e+00 : f32
    %broadcast_in_dim3A_82 = vector.broadcast %broadcast_in_dim3A_81 : f32 to vector<16xf32>
    %broadcast_in_dim3A_83 = arith.constant 0.000000e+00 : f32
    %broadcast_in_dim3A_84 = vector.broadcast %broadcast_in_dim3A_83 : f32 to vector<16xf32>
    %broadcast_in_dim3A_85 = arith.constant 0.000000e+00 : f32
    %broadcast_in_dim3A_86 = vector.broadcast %broadcast_in_dim3A_85 : f32 to vector<16xf32>
    %broadcast_in_dim3A_87 = arith.constant 0.000000e+00 : f32
    %broadcast_in_dim3A_88 = vector.broadcast %broadcast_in_dim3A_87 : f32 to vector<16xf32>
    %broadcast_in_dim3A_89 = arith.constant 0.000000e+00 : f32
    %broadcast_in_dim3A_90 = vector.broadcast %broadcast_in_dim3A_89 : f32 to vector<16xf32>
    %broadcast_in_dim3A_91 = arith.constant 0.000000e+00 : f32
    %broadcast_in_dim3A_92 = vector.broadcast %broadcast_in_dim3A_91 : f32 to vector<16xf32>
    %broadcast_in_dim3A_93 = arith.constant 0.000000e+00 : f32
    %broadcast_in_dim3A_94 = vector.broadcast %broadcast_in_dim3A_93 : f32 to vector<16xf32>
    %broadcast_in_dim3A_95 = arith.constant 0.000000e+00 : f32
    %broadcast_in_dim3A_96 = vector.broadcast %broadcast_in_dim3A_95 : f32 to vector<16xf32>
    %dma_wait3A = arith.constant 0 : i32
    %dma_wait3A_97 = arith.constant 0 : i32
    %dma_wait3A_98 = arith.constant 0 : i32
    %dma_wait3A_99 = arith.constant 0 : i32
    %dma_wait3A_100 = tpu.memref_slice %arg6[%dma_wait3A_97, %dma_wait3A_98, %dma_wait3A_99] : memref<6x104x128xf32, #tpu.memory_space<vmem>> -> memref<1x104x128xf32, #tpu.memory_space<vmem>>
    %dma_wait3A_101 = tpu.memref_squeeze %dma_wait3A_100 : memref<1x104x128xf32, #tpu.memory_space<vmem>> -> memref<104x128xf32, #tpu.memory_space<vmem>>
    %dma_wait3A_102 = arith.constant 0 : i32
    %dma_wait3A_103 = tpu.memref_slice %arg5[%dma_wait3A, %dma_wait3A_102] : memref<128x200xi32, #tpu.memory_space<vmem>> -> memref<1x104xi32, #tpu.memory_space<vmem>>
    %dma_wait3A_104 = tpu.memref_squeeze %dma_wait3A_103 : memref<1x104xi32, #tpu.memory_space<vmem>> -> memref<104xi32, #tpu.memory_space<vmem>>
    %dma_wait3A_105 = arith.constant 0 : i32
    %dma_wait3A_106 = arith.constant 0 : i32
    %dma_wait3A_107 = tpu.memref_slice %arg3[%dma_wait3A_105, %dma_wait3A_106] : memref<100000x128xf32, #tpu.memory_space<hbm>> -> memref<100000x128xf32, #tpu.memory_space<hbm>>
    tpu.wait_indirect_dma semaphore(%arg8 : memref<!tpu.dma_semaphore, #tpu.memory_space<semaphore_mem>>) src(%dma_wait3A_107 : memref<100000x128xf32, #tpu.memory_space<hbm>>) dst(%dma_wait3A_101 : memref<104x128xf32, #tpu.memory_space<vmem>>)
    %scan3A_108 = arith.constant 0 : i32
    %scan3A_109 = arith.constant 52 : i32
    %scan3A_110 = arith.addi %scan3A_108, %scan3A_109 : i32
    %scan3A_111 = arith.constant 1 : i32
    %scan3A_112:8 = scf.for %scan3A_589 = %scan3A_108 to %scan3A_110 step %scan3A_111 iter_args(%scan3A_590 = %broadcast_in_dim3A_82, %scan3A_591 = %broadcast_in_dim3A_84, %scan3A_592 = %broadcast_in_dim3A_86, %scan3A_593 = %broadcast_in_dim3A_88, %scan3A_594 = %broadcast_in_dim3A_90, %scan3A_595 = %broadcast_in_dim3A_92, %scan3A_596 = %broadcast_in_dim3A_94, %scan3A_597 = %broadcast_in_dim3A_96) -> (vector<16xf32>, vector<16xf32>, vector<16xf32>, vector<16xf32>, vector<16xf32>, vector<16xf32>, vector<16xf32>, vector<16xf32>)  : i32 {
      %mul3A_598 = arith.constant 2 : i32
      %mul3A_599 = arith.muli %scan3A_589, %mul3A_598 : i32
      %add3A_600 = arith.constant 0 : i32
      %add3A_601 = arith.addi %mul3A_599, %add3A_600 : i32
      %get3A = arith.constant 0 : i32
      %get3A_602 = arith.index_cast %get3A : i32 to index
      %get3A_603 = arith.index_cast %add3A_601 : i32 to index
      %get3A_604 = arith.constant 0 : index
      %get3A_605 = tpu.vector_load %arg6[%get3A_602, %get3A_603, %get3A_604] {strides = array<i32>} : memref<6x104x128xf32, #tpu.memory_space<vmem>>, vector<16xf32>,
      %add3A_606 = arith.constant 1 : i32
      %add3A_607 = arith.addi %mul3A_599, %add3A_606 : i32
      %get3A_608 = arith.constant 0 : i32
      %get3A_609 = arith.index_cast %get3A_608 : i32 to index
      %get3A_610 = arith.index_cast %add3A_607 : i32 to index
      %get3A_611 = arith.constant 0 : index
      %get3A_612 = tpu.vector_load %arg6[%get3A_609, %get3A_610, %get3A_611] {strides = array<i32>} : memref<6x104x128xf32, #tpu.memory_space<vmem>>, vector<16xf32>,
      %add3A_613 = arith.addf %get3A_605, %get3A_612 : vector<16xf32>
      %add3A_614 = arith.addf %scan3A_590, %add3A_613 : vector<16xf32>
      %add3A_615 = arith.constant 0 : i32
      %add3A_616 = arith.addi %mul3A_599, %add3A_615 : i32
      %get3A_617 = arith.constant 0 : i32
      %get3A_618 = arith.index_cast %get3A_617 : i32 to index
      %get3A_619 = arith.index_cast %add3A_616 : i32 to index
      %get3A_620 = arith.constant 16 : index
      %get3A_621 = tpu.vector_load %arg6[%get3A_618, %get3A_619, %get3A_620] {strides = array<i32>} : memref<6x104x128xf32, #tpu.memory_space<vmem>>, vector<16xf32>,
      %add3A_622 = arith.constant 1 : i32
      %add3A_623 = arith.addi %mul3A_599, %add3A_622 : i32
      %get3A_624 = arith.constant 0 : i32
      %get3A_625 = arith.index_cast %get3A_624 : i32 to index
      %get3A_626 = arith.index_cast %add3A_623 : i32 to index
      %get3A_627 = arith.constant 16 : index
      %get3A_628 = tpu.vector_load %arg6[%get3A_625, %get3A_626, %get3A_627] {strides = array<i32>} : memref<6x104x128xf32, #tpu.memory_space<vmem>>, vector<16xf32>,
      %add3A_629 = arith.addf %get3A_621, %get3A_628 : vector<16xf32>
      %add3A_630 = arith.addf %scan3A_591, %add3A_629 : vector<16xf32>
      %add3A_631 = arith.constant 0 : i32
      %add3A_632 = arith.addi %mul3A_599, %add3A_631 : i32
      %get3A_633 = arith.constant 0 : i32
      %get3A_634 = arith.index_cast %get3A_633 : i32 to index
      %get3A_635 = arith.index_cast %add3A_632 : i32 to index
      %get3A_636 = arith.constant 32 : index
      %get3A_637 = tpu.vector_load %arg6[%get3A_634, %get3A_635, %get3A_636] {strides = array<i32>} : memref<6x104x128xf32, #tpu.memory_space<vmem>>, vector<16xf32>,
      %add3A_638 = arith.constant 1 : i32
      %add3A_639 = arith.addi %mul3A_599, %add3A_638 : i32
      %get3A_640 = arith.constant 0 : i32
      %get3A_641 = arith.index_cast %get3A_640 : i32 to index
      %get3A_642 = arith.index_cast %add3A_639 : i32 to index
      %get3A_643 = arith.constant 32 : index
      %get3A_644 = tpu.vector_load %arg6[%get3A_641, %get3A_642, %get3A_643] {strides = array<i32>} : memref<6x104x128xf32, #tpu.memory_space<vmem>>, vector<16xf32>,
      %add3A_645 = arith.addf %get3A_637, %get3A_644 : vector<16xf32>
      %add3A_646 = arith.addf %scan3A_592, %add3A_645 : vector<16xf32>
      %add3A_647 = arith.constant 0 : i32
      %add3A_648 = arith.addi %mul3A_599, %add3A_647 : i32
      %get3A_649 = arith.constant 0 : i32
      %get3A_650 = arith.index_cast %get3A_649 : i32 to index
      %get3A_651 = arith.index_cast %add3A_648 : i32 to index
      %get3A_652 = arith.constant 48 : index
      %get3A_653 = tpu.vector_load %arg6[%get3A_650, %get3A_651, %get3A_652] {strides = array<i32>} : memref<6x104x128xf32, #tpu.memory_space<vmem>>, vector<16xf32>,
      %add3A_654 = arith.constant 1 : i32
      %add3A_655 = arith.addi %mul3A_599, %add3A_654 : i32
      %get3A_656 = arith.constant 0 : i32
      %get3A_657 = arith.index_cast %get3A_656 : i32 to index
      %get3A_658 = arith.index_cast %add3A_655 : i32 to index
      %get3A_659 = arith.constant 48 : index
      %get3A_660 = tpu.vector_load %arg6[%get3A_657, %get3A_658, %get3A_659] {strides = array<i32>} : memref<6x104x128xf32, #tpu.memory_space<vmem>>, vector<16xf32>,
      %add3A_661 = arith.addf %get3A_653, %get3A_660 : vector<16xf32>
      %add3A_662 = arith.addf %scan3A_593, %add3A_661 : vector<16xf32>
      %add3A_663 = arith.constant 0 : i32
      %add3A_664 = arith.addi %mul3A_599, %add3A_663 : i32
      %get3A_665 = arith.constant 0 : i32
      %get3A_666 = arith.index_cast %get3A_665 : i32 to index
      %get3A_667 = arith.index_cast %add3A_664 : i32 to index
      %get3A_668 = arith.constant 64 : index
      %get3A_669 = tpu.vector_load %arg6[%get3A_666, %get3A_667, %get3A_668] {strides = array<i32>} : memref<6x104x128xf32, #tpu.memory_space<vmem>>, vector<16xf32>,
      %add3A_670 = arith.constant 1 : i32
      %add3A_671 = arith.addi %mul3A_599, %add3A_670 : i32
      %get3A_672 = arith.constant 0 : i32
      %get3A_673 = arith.index_cast %get3A_672 : i32 to index
      %get3A_674 = arith.index_cast %add3A_671 : i32 to index
      %get3A_675 = arith.constant 64 : index
      %get3A_676 = tpu.vector_load %arg6[%get3A_673, %get3A_674, %get3A_675] {strides = array<i32>} : memref<6x104x128xf32, #tpu.memory_space<vmem>>, vector<16xf32>,
      %add3A_677 = arith.addf %get3A_669, %get3A_676 : vector<16xf32>
      %add3A_678 = arith.addf %scan3A_594, %add3A_677 : vector<16xf32>
      %add3A_679 = arith.constant 0 : i32
      %add3A_680 = arith.addi %mul3A_599, %add3A_679 : i32
      %get3A_681 = arith.constant 0 : i32
      %get3A_682 = arith.index_cast %get3A_681 : i32 to index
      %get3A_683 = arith.index_cast %add3A_680 : i32 to index
      %get3A_684 = arith.constant 80 : index
      %get3A_685 = tpu.vector_load %arg6[%get3A_682, %get3A_683, %get3A_684] {strides = array<i32>} : memref<6x104x128xf32, #tpu.memory_space<vmem>>, vector<16xf32>,
      %add3A_686 = arith.constant 1 : i32
      %add3A_687 = arith.addi %mul3A_599, %add3A_686 : i32
      %get3A_688 = arith.constant 0 : i32
      %get3A_689 = arith.index_cast %get3A_688 : i32 to index
      %get3A_690 = arith.index_cast %add3A_687 : i32 to index
      %get3A_691 = arith.constant 80 : index
      %get3A_692 = tpu.vector_load %arg6[%get3A_689, %get3A_690, %get3A_691] {strides = array<i32>} : memref<6x104x128xf32, #tpu.memory_space<vmem>>, vector<16xf32>,
      %add3A_693 = arith.addf %get3A_685, %get3A_692 : vector<16xf32>
      %add3A_694 = arith.addf %scan3A_595, %add3A_693 : vector<16xf32>
      %add3A_695 = arith.constant 0 : i32
      %add3A_696 = arith.addi %mul3A_599, %add3A_695 : i32
      %get3A_697 = arith.constant 0 : i32
      %get3A_698 = arith.index_cast %get3A_697 : i32 to index
      %get3A_699 = arith.index_cast %add3A_696 : i32 to index
      %get3A_700 = arith.constant 96 : index
      %get3A_701 = tpu.vector_load %arg6[%get3A_698, %get3A_699, %get3A_700] {strides = array<i32>} : memref<6x104x128xf32, #tpu.memory_space<vmem>>, vector<16xf32>,
      %add3A_702 = arith.constant 1 : i32
      %add3A_703 = arith.addi %mul3A_599, %add3A_702 : i32
      %get3A_704 = arith.constant 0 : i32
      %get3A_705 = arith.index_cast %get3A_704 : i32 to index
      %get3A_706 = arith.index_cast %add3A_703 : i32 to index
      %get3A_707 = arith.constant 96 : index
      %get3A_708 = tpu.vector_load %arg6[%get3A_705, %get3A_706, %get3A_707] {strides = array<i32>} : memref<6x104x128xf32, #tpu.memory_space<vmem>>, vector<16xf32>,
      %add3A_709 = arith.addf %get3A_701, %get3A_708 : vector<16xf32>
      %add3A_710 = arith.addf %scan3A_596, %add3A_709 : vector<16xf32>
      %add3A_711 = arith.constant 0 : i32
      %add3A_712 = arith.addi %mul3A_599, %add3A_711 : i32
      %get3A_713 = arith.constant 0 : i32
      %get3A_714 = arith.index_cast %get3A_713 : i32 to index
      %get3A_715 = arith.index_cast %add3A_712 : i32 to index
      %get3A_716 = arith.constant 112 : index
      %get3A_717 = tpu.vector_load %arg6[%get3A_714, %get3A_715, %get3A_716] {strides = array<i32>} : memref<6x104x128xf32, #tpu.memory_space<vmem>>, vector<16xf32>,
      %add3A_718 = arith.constant 1 : i32
      %add3A_719 = arith.addi %mul3A_599, %add3A_718 : i32
      %get3A_720 = arith.constant 0 : i32
      %get3A_721 = arith.index_cast %get3A_720 : i32 to index
      %get3A_722 = arith.index_cast %add3A_719 : i32 to index
      %get3A_723 = arith.constant 112 : index
      %get3A_724 = tpu.vector_load %arg6[%get3A_721, %get3A_722, %get3A_723] {strides = array<i32>} : memref<6x104x128xf32, #tpu.memory_space<vmem>>, vector<16xf32>,
      %add3A_725 = arith.addf %get3A_717, %get3A_724 : vector<16xf32>
      %add3A_726 = arith.addf %scan3A_597, %add3A_725 : vector<16xf32>
      scf.yield %add3A_614, %add3A_630, %add3A_646, %add3A_662, %add3A_678, %add3A_694, %add3A_710, %add3A_726 : vector<16xf32>, vector<16xf32>, vector<16xf32>, vector<16xf32>, vector<16xf32>, vector<16xf32>, vector<16xf32>, vector<16xf32>
    }
    %scan3A_113 = arith.constant 52 : i32
    %dma_start3A_114 = arith.constant 126 : i32
    %dma_start3A_115 = arith.constant 0 : i32
    %dma_start3A_116 = arith.constant 0 : i32
    %dma_start3A_117 = arith.constant 0 : i32
    %dma_start3A_118 = tpu.memref_slice %arg6[%dma_start3A_115, %dma_start3A_116, %dma_start3A_117] : memref<6x104x128xf32, #tpu.memory_space<vmem>> -> memref<1x104x128xf32, #tpu.memory_space<vmem>>
    %dma_start3A_119 = tpu.memref_squeeze %dma_start3A_118 : memref<1x104x128xf32, #tpu.memory_space<vmem>> -> memref<104x128xf32, #tpu.memory_space<vmem>>
    %dma_start3A_120 = arith.constant 0 : i32
    %dma_start3A_121 = tpu.memref_slice %arg5[%dma_start3A_114, %dma_start3A_120] : memref<128x200xi32, #tpu.memory_space<vmem>> -> memref<1x104xi32, #tpu.memory_space<vmem>>
    %dma_start3A_122 = tpu.memref_squeeze %dma_start3A_121 : memref<1x104xi32, #tpu.memory_space<vmem>> -> memref<104xi32, #tpu.memory_space<vmem>>
    %dma_start3A_123 = arith.constant 0 : i32
    %dma_start3A_124 = arith.constant 0 : i32
    %dma_start3A_125 = tpu.memref_slice %arg3[%dma_start3A_123, %dma_start3A_124] : memref<100000x128xf32, #tpu.memory_space<hbm>> -> memref<100000x128xf32, #tpu.memory_space<hbm>>
    tpu.enqueue_indirect_dma source(%dma_start3A_125 : memref<100000x128xf32, #tpu.memory_space<hbm>>) target(%dma_start3A_119 : memref<104x128xf32, #tpu.memory_space<vmem>>) offsets(%dma_start3A_122 : memref<104xi32, #tpu.memory_space<vmem>>) semaphore(%arg8 : memref<!tpu.dma_semaphore, #tpu.memory_space<semaphore_mem>>)
    %dma_wait3A_126 = arith.constant 0 : i32
    %dma_wait3A_127 = arith.constant 1 : i32
    %dma_wait3A_128 = arith.constant 0 : i32
    %dma_wait3A_129 = arith.constant 0 : i32
    %dma_wait3A_130 = tpu.memref_slice %arg6[%dma_wait3A_127, %dma_wait3A_128, %dma_wait3A_129] : memref<6x104x128xf32, #tpu.memory_space<vmem>> -> memref<1x96x128xf32, #tpu.memory_space<vmem>>
    %dma_wait3A_131 = tpu.memref_squeeze %dma_wait3A_130 : memref<1x96x128xf32, #tpu.memory_space<vmem>> -> memref<96x128xf32, #tpu.memory_space<vmem>>
    %dma_wait3A_132 = arith.constant 104 : i32
    %dma_wait3A_133 = tpu.memref_slice %arg5[%dma_wait3A_126, %dma_wait3A_132] : memref<128x200xi32, #tpu.memory_space<vmem>> -> memref<1x96xi32, #tpu.memory_space<vmem>>
    %dma_wait3A_134 = tpu.memref_squeeze %dma_wait3A_133 : memref<1x96xi32, #tpu.memory_space<vmem>> -> memref<96xi32, #tpu.memory_space<vmem>>
    %dma_wait3A_135 = arith.constant 0 : i32
    %dma_wait3A_136 = arith.constant 0 : i32
    %dma_wait3A_137 = tpu.memref_slice %arg3[%dma_wait3A_135, %dma_wait3A_136] : memref<100000x128xf32, #tpu.memory_space<hbm>> -> memref<100000x128xf32, #tpu.memory_space<hbm>>
    tpu.wait_indirect_dma semaphore(%arg9 : memref<!tpu.dma_semaphore, #tpu.memory_space<semaphore_mem>>) src(%dma_wait3A_137 : memref<100000x128xf32, #tpu.memory_space<hbm>>) dst(%dma_wait3A_131 : memref<96x128xf32, #tpu.memory_space<vmem>>)
    %scan3A_138 = arith.constant 0 : i32
    %scan3A_139 = arith.constant 48 : i32
    %scan3A_140 = arith.addi %scan3A_138, %scan3A_139 : i32
    %scan3A_141 = arith.constant 1 : i32
    %scan3A_142:8 = scf.for %scan3A_589 = %scan3A_138 to %scan3A_140 step %scan3A_141 iter_args(%scan3A_590 = %scan3A_112#0, %scan3A_591 = %scan3A_112#1, %scan3A_592 = %scan3A_112#2, %scan3A_593 = %scan3A_112#3, %scan3A_594 = %scan3A_112#4, %scan3A_595 = %scan3A_112#5, %scan3A_596 = %scan3A_112#6, %scan3A_597 = %scan3A_112#7) -> (vector<16xf32>, vector<16xf32>, vector<16xf32>, vector<16xf32>, vector<16xf32>, vector<16xf32>, vector<16xf32>, vector<16xf32>)  : i32 {
      %mul3A_598 = arith.constant 2 : i32
      %mul3A_599 = arith.muli %scan3A_589, %mul3A_598 : i32
      %add3A_600 = arith.constant 0 : i32
      %add3A_601 = arith.addi %mul3A_599, %add3A_600 : i32
      %get3A = arith.constant 1 : i32
      %get3A_602 = arith.index_cast %get3A : i32 to index
      %get3A_603 = arith.index_cast %add3A_601 : i32 to index
      %get3A_604 = arith.constant 0 : index
      %get3A_605 = tpu.vector_load %arg6[%get3A_602, %get3A_603, %get3A_604] {strides = array<i32>} : memref<6x104x128xf32, #tpu.memory_space<vmem>>, vector<16xf32>,
      %add3A_606 = arith.constant 1 : i32
      %add3A_607 = arith.addi %mul3A_599, %add3A_606 : i32
      %get3A_608 = arith.constant 1 : i32
      %get3A_609 = arith.index_cast %get3A_608 : i32 to index
      %get3A_610 = arith.index_cast %add3A_607 : i32 to index
      %get3A_611 = arith.constant 0 : index
      %get3A_612 = tpu.vector_load %arg6[%get3A_609, %get3A_610, %get3A_611] {strides = array<i32>} : memref<6x104x128xf32, #tpu.memory_space<vmem>>, vector<16xf32>,
      %add3A_613 = arith.addf %get3A_605, %get3A_612 : vector<16xf32>
      %add3A_614 = arith.addf %scan3A_590, %add3A_613 : vector<16xf32>
      %add3A_615 = arith.constant 0 : i32
      %add3A_616 = arith.addi %mul3A_599, %add3A_615 : i32
      %get3A_617 = arith.constant 1 : i32
      %get3A_618 = arith.index_cast %get3A_617 : i32 to index
      %get3A_619 = arith.index_cast %add3A_616 : i32 to index
      %get3A_620 = arith.constant 16 : index
      %get3A_621 = tpu.vector_load %arg6[%get3A_618, %get3A_619, %get3A_620] {strides = array<i32>} : memref<6x104x128xf32, #tpu.memory_space<vmem>>, vector<16xf32>,
      %add3A_622 = arith.constant 1 : i32
      %add3A_623 = arith.addi %mul3A_599, %add3A_622 : i32
      %get3A_624 = arith.constant 1 : i32
      %get3A_625 = arith.index_cast %get3A_624 : i32 to index
      %get3A_626 = arith.index_cast %add3A_623 : i32 to index
      %get3A_627 = arith.constant 16 : index
      %get3A_628 = tpu.vector_load %arg6[%get3A_625, %get3A_626, %get3A_627] {strides = array<i32>} : memref<6x104x128xf32, #tpu.memory_space<vmem>>, vector<16xf32>,
      %add3A_629 = arith.addf %get3A_621, %get3A_628 : vector<16xf32>
      %add3A_630 = arith.addf %scan3A_591, %add3A_629 : vector<16xf32>
      %add3A_631 = arith.constant 0 : i32
      %add3A_632 = arith.addi %mul3A_599, %add3A_631 : i32
      %get3A_633 = arith.constant 1 : i32
      %get3A_634 = arith.index_cast %get3A_633 : i32 to index
      %get3A_635 = arith.index_cast %add3A_632 : i32 to index
      %get3A_636 = arith.constant 32 : index
      %get3A_637 = tpu.vector_load %arg6[%get3A_634, %get3A_635, %get3A_636] {strides = array<i32>} : memref<6x104x128xf32, #tpu.memory_space<vmem>>, vector<16xf32>,
      %add3A_638 = arith.constant 1 : i32
      %add3A_639 = arith.addi %mul3A_599, %add3A_638 : i32
      %get3A_640 = arith.constant 1 : i32
      %get3A_641 = arith.index_cast %get3A_640 : i32 to index
      %get3A_642 = arith.index_cast %add3A_639 : i32 to index
      %get3A_643 = arith.constant 32 : index
      %get3A_644 = tpu.vector_load %arg6[%get3A_641, %get3A_642, %get3A_643] {strides = array<i32>} : memref<6x104x128xf32, #tpu.memory_space<vmem>>, vector<16xf32>,
      %add3A_645 = arith.addf %get3A_637, %get3A_644 : vector<16xf32>
      %add3A_646 = arith.addf %scan3A_592, %add3A_645 : vector<16xf32>
      %add3A_647 = arith.constant 0 : i32
      %add3A_648 = arith.addi %mul3A_599, %add3A_647 : i32
      %get3A_649 = arith.constant 1 : i32
      %get3A_650 = arith.index_cast %get3A_649 : i32 to index
      %get3A_651 = arith.index_cast %add3A_648 : i32 to index
      %get3A_652 = arith.constant 48 : index
      %get3A_653 = tpu.vector_load %arg6[%get3A_650, %get3A_651, %get3A_652] {strides = array<i32>} : memref<6x104x128xf32, #tpu.memory_space<vmem>>, vector<16xf32>,
      %add3A_654 = arith.constant 1 : i32
      %add3A_655 = arith.addi %mul3A_599, %add3A_654 : i32
      %get3A_656 = arith.constant 1 : i32
      %get3A_657 = arith.index_cast %get3A_656 : i32 to index
      %get3A_658 = arith.index_cast %add3A_655 : i32 to index
      %get3A_659 = arith.constant 48 : index
      %get3A_660 = tpu.vector_load %arg6[%get3A_657, %get3A_658, %get3A_659] {strides = array<i32>} : memref<6x104x128xf32, #tpu.memory_space<vmem>>, vector<16xf32>,
      %add3A_661 = arith.addf %get3A_653, %get3A_660 : vector<16xf32>
      %add3A_662 = arith.addf %scan3A_593, %add3A_661 : vector<16xf32>
      %add3A_663 = arith.constant 0 : i32
      %add3A_664 = arith.addi %mul3A_599, %add3A_663 : i32
      %get3A_665 = arith.constant 1 : i32
      %get3A_666 = arith.index_cast %get3A_665 : i32 to index
      %get3A_667 = arith.index_cast %add3A_664 : i32 to index
      %get3A_668 = arith.constant 64 : index
      %get3A_669 = tpu.vector_load %arg6[%get3A_666, %get3A_667, %get3A_668] {strides = array<i32>} : memref<6x104x128xf32, #tpu.memory_space<vmem>>, vector<16xf32>,
      %add3A_670 = arith.constant 1 : i32
      %add3A_671 = arith.addi %mul3A_599, %add3A_670 : i32
      %get3A_672 = arith.constant 1 : i32
      %get3A_673 = arith.index_cast %get3A_672 : i32 to index
      %get3A_674 = arith.index_cast %add3A_671 : i32 to index
      %get3A_675 = arith.constant 64 : index
      %get3A_676 = tpu.vector_load %arg6[%get3A_673, %get3A_674, %get3A_675] {strides = array<i32>} : memref<6x104x128xf32, #tpu.memory_space<vmem>>, vector<16xf32>,
      %add3A_677 = arith.addf %get3A_669, %get3A_676 : vector<16xf32>
      %add3A_678 = arith.addf %scan3A_594, %add3A_677 : vector<16xf32>
      %add3A_679 = arith.constant 0 : i32
      %add3A_680 = arith.addi %mul3A_599, %add3A_679 : i32
      %get3A_681 = arith.constant 1 : i32
      %get3A_682 = arith.index_cast %get3A_681 : i32 to index
      %get3A_683 = arith.index_cast %add3A_680 : i32 to index
      %get3A_684 = arith.constant 80 : index
      %get3A_685 = tpu.vector_load %arg6[%get3A_682, %get3A_683, %get3A_684] {strides = array<i32>} : memref<6x104x128xf32, #tpu.memory_space<vmem>>, vector<16xf32>,
      %add3A_686 = arith.constant 1 : i32
      %add3A_687 = arith.addi %mul3A_599, %add3A_686 : i32
      %get3A_688 = arith.constant 1 : i32
      %get3A_689 = arith.index_cast %get3A_688 : i32 to index
      %get3A_690 = arith.index_cast %add3A_687 : i32 to index
      %get3A_691 = arith.constant 80 : index
      %get3A_692 = tpu.vector_load %arg6[%get3A_689, %get3A_690, %get3A_691] {strides = array<i32>} : memref<6x104x128xf32, #tpu.memory_space<vmem>>, vector<16xf32>,
      %add3A_693 = arith.addf %get3A_685, %get3A_692 : vector<16xf32>
      %add3A_694 = arith.addf %scan3A_595, %add3A_693 : vector<16xf32>
      %add3A_695 = arith.constant 0 : i32
      %add3A_696 = arith.addi %mul3A_599, %add3A_695 : i32
      %get3A_697 = arith.constant 1 : i32
      %get3A_698 = arith.index_cast %get3A_697 : i32 to index
      %get3A_699 = arith.index_cast %add3A_696 : i32 to index
      %get3A_700 = arith.constant 96 : index
      %get3A_701 = tpu.vector_load %arg6[%get3A_698, %get3A_699, %get3A_700] {strides = array<i32>} : memref<6x104x128xf32, #tpu.memory_space<vmem>>, vector<16xf32>,
      %add3A_702 = arith.constant 1 : i32
      %add3A_703 = arith.addi %mul3A_599, %add3A_702 : i32
      %get3A_704 = arith.constant 1 : i32
      %get3A_705 = arith.index_cast %get3A_704 : i32 to index
      %get3A_706 = arith.index_cast %add3A_703 : i32 to index
      %get3A_707 = arith.constant 96 : index
      %get3A_708 = tpu.vector_load %arg6[%get3A_705, %get3A_706, %get3A_707] {strides = array<i32>} : memref<6x104x128xf32, #tpu.memory_space<vmem>>, vector<16xf32>,
      %add3A_709 = arith.addf %get3A_701, %get3A_708 : vector<16xf32>
      %add3A_710 = arith.addf %scan3A_596, %add3A_709 : vector<16xf32>
      %add3A_711 = arith.constant 0 : i32
      %add3A_712 = arith.addi %mul3A_599, %add3A_711 : i32
      %get3A_713 = arith.constant 1 : i32
      %get3A_714 = arith.index_cast %get3A_713 : i32 to index
      %get3A_715 = arith.index_cast %add3A_712 : i32 to index
      %get3A_716 = arith.constant 112 : index
      %get3A_717 = tpu.vector_load %arg6[%get3A_714, %get3A_715, %get3A_716] {strides = array<i32>} : memref<6x104x128xf32, #tpu.memory_space<vmem>>, vector<16xf32>,
      %add3A_718 = arith.constant 1 : i32
      %add3A_719 = arith.addi %mul3A_599, %add3A_718 : i32
      %get3A_720 = arith.constant 1 : i32
      %get3A_721 = arith.index_cast %get3A_720 : i32 to index
      %get3A_722 = arith.index_cast %add3A_719 : i32 to index
      %get3A_723 = arith.constant 112 : index
      %get3A_724 = tpu.vector_load %arg6[%get3A_721, %get3A_722, %get3A_723] {strides = array<i32>} : memref<6x104x128xf32, #tpu.memory_space<vmem>>, vector<16xf32>,
      %add3A_725 = arith.addf %get3A_717, %get3A_724 : vector<16xf32>
      %add3A_726 = arith.addf %scan3A_597, %add3A_725 : vector<16xf32>
      scf.yield %add3A_614, %add3A_630, %add3A_646, %add3A_662, %add3A_678, %add3A_694, %add3A_710, %add3A_726 : vector<16xf32>, vector<16xf32>, vector<16xf32>, vector<16xf32>, vector<16xf32>, vector<16xf32>, vector<16xf32>, vector<16xf32>
    }
    %scan3A_143 = arith.constant 48 : i32
    %dma_start3A_144 = arith.constant 126 : i32
    %dma_start3A_145 = arith.constant 1 : i32
    %dma_start3A_146 = arith.constant 0 : i32
    %dma_start3A_147 = arith.constant 0 : i32
    %dma_start3A_148 = tpu.memref_slice %arg6[%dma_start3A_145, %dma_start3A_146, %dma_start3A_147] : memref<6x104x128xf32, #tpu.memory_space<vmem>> -> memref<1x96x128xf32, #tpu.memory_space<vmem>>
    %dma_start3A_149 = tpu.memref_squeeze %dma_start3A_148 : memref<1x96x128xf32, #tpu.memory_space<vmem>> -> memref<96x128xf32, #tpu.memory_space<vmem>>
    %dma_start3A_150 = arith.constant 104 : i32
    %dma_start3A_151 = tpu.memref_slice %arg5[%dma_start3A_144, %dma_start3A_150] : memref<128x200xi32, #tpu.memory_space<vmem>> -> memref<1x96xi32, #tpu.memory_space<vmem>>
    %dma_start3A_152 = tpu.memref_squeeze %dma_start3A_151 : memref<1x96xi32, #tpu.memory_space<vmem>> -> memref<96xi32, #tpu.memory_space<vmem>>
    %dma_start3A_153 = arith.constant 0 : i32
    %dma_start3A_154 = arith.constant 0 : i32
    %dma_start3A_155 = tpu.memref_slice %arg3[%dma_start3A_153, %dma_start3A_154] : memref<100000x128xf32, #tpu.memory_space<hbm>> -> memref<100000x128xf32, #tpu.memory_space<hbm>>
    tpu.enqueue_indirect_dma source(%dma_start3A_155 : memref<100000x128xf32, #tpu.memory_space<hbm>>) target(%dma_start3A_149 : memref<96x128xf32, #tpu.memory_space<vmem>>) offsets(%dma_start3A_152 : memref<96xi32, #tpu.memory_space<vmem>>) semaphore(%arg9 : memref<!tpu.dma_semaphore, #tpu.memory_space<semaphore_mem>>)
    %mul3A_156 = arith.mulf %scan3A_142#0, %broadcast_in_dim3A_1 : vector<16xf32>
    %swap3A = arith.constant 123 : i32
    %swap3A_157 = arith.index_cast %swap3A : i32 to index
    %swap3A_158 = arith.constant 0 : index
    %swap3A_159 = tpu.vector_load %arg7[%swap3A_157, %swap3A_158] {strides = array<i32>} : memref<128x128xf32, #tpu.memory_space<vmem>>, vector<16xf32>,
    tpu.vector_store %arg7[%swap3A_157, %swap3A_158], %mul3A_156 {strides = array<i32>} : memref<128x128xf32, #tpu.memory_space<vmem>>, vector<16xf32>,
    %mul3A_160 = arith.mulf %scan3A_142#1, %broadcast_in_dim3A_1 : vector<16xf32>
    %swap3A_161 = arith.constant 123 : i32
    %swap3A_162 = arith.index_cast %swap3A_161 : i32 to index
    %swap3A_163 = arith.constant 16 : index
    %swap3A_164 = tpu.vector_load %arg7[%swap3A_162, %swap3A_163] {strides = array<i32>} : memref<128x128xf32, #tpu.memory_space<vmem>>, vector<16xf32>,
    tpu.vector_store %arg7[%swap3A_162, %swap3A_163], %mul3A_160 {strides = array<i32>} : memref<128x128xf32, #tpu.memory_space<vmem>>, vector<16xf32>,
    %mul3A_165 = arith.mulf %scan3A_142#2, %broadcast_in_dim3A_1 : vector<16xf32>
    %swap3A_166 = arith.constant 123 : i32
    %swap3A_167 = arith.index_cast %swap3A_166 : i32 to index
    %swap3A_168 = arith.constant 32 : index
    %swap3A_169 = tpu.vector_load %arg7[%swap3A_167, %swap3A_168] {strides = array<i32>} : memref<128x128xf32, #tpu.memory_space<vmem>>, vector<16xf32>,
    tpu.vector_store %arg7[%swap3A_167, %swap3A_168], %mul3A_165 {strides = array<i32>} : memref<128x128xf32, #tpu.memory_space<vmem>>, vector<16xf32>,
    %mul3A_170 = arith.mulf %scan3A_142#3, %broadcast_in_dim3A_1 : vector<16xf32>
    %swap3A_171 = arith.constant 123 : i32
    %swap3A_172 = arith.index_cast %swap3A_171 : i32 to index
    %swap3A_173 = arith.constant 48 : index
    %swap3A_174 = tpu.vector_load %arg7[%swap3A_172, %swap3A_173] {strides = array<i32>} : memref<128x128xf32, #tpu.memory_space<vmem>>, vector<16xf32>,
    tpu.vector_store %arg7[%swap3A_172, %swap3A_173], %mul3A_170 {strides = array<i32>} : memref<128x128xf32, #tpu.memory_space<vmem>>, vector<16xf32>,
    %mul3A_175 = arith.mulf %scan3A_142#4, %broadcast_in_dim3A_1 : vector<16xf32>
    %swap3A_176 = arith.constant 123 : i32
    %swap3A_177 = arith.index_cast %swap3A_176 : i32 to index
    %swap3A_178 = arith.constant 64 : index
    %swap3A_179 = tpu.vector_load %arg7[%swap3A_177, %swap3A_178] {strides = array<i32>} : memref<128x128xf32, #tpu.memory_space<vmem>>, vector<16xf32>,
    tpu.vector_store %arg7[%swap3A_177, %swap3A_178], %mul3A_175 {strides = array<i32>} : memref<128x128xf32, #tpu.memory_space<vmem>>, vector<16xf32>,
    %mul3A_180 = arith.mulf %scan3A_142#5, %broadcast_in_dim3A_1 : vector<16xf32>
    %swap3A_181 = arith.constant 123 : i32
    %swap3A_182 = arith.index_cast %swap3A_181 : i32 to index
    %swap3A_183 = arith.constant 80 : index
    %swap3A_184 = tpu.vector_load %arg7[%swap3A_182, %swap3A_183] {strides = array<i32>} : memref<128x128xf32, #tpu.memory_space<vmem>>, vector<16xf32>,
    tpu.vector_store %arg7[%swap3A_182, %swap3A_183], %mul3A_180 {strides = array<i32>} : memref<128x128xf32, #tpu.memory_space<vmem>>, vector<16xf32>,
    %mul3A_185 = arith.mulf %scan3A_142#6, %broadcast_in_dim3A_1 : vector<16xf32>
    %swap3A_186 = arith.constant 123 : i32
    %swap3A_187 = arith.index_cast %swap3A_186 : i32 to index
    %swap3A_188 = arith.constant 96 : index
    %swap3A_189 = tpu.vector_load %arg7[%swap3A_187, %swap3A_188] {strides = array<i32>} : memref<128x128xf32, #tpu.memory_space<vmem>>, vector<16xf32>,
    tpu.vector_store %arg7[%swap3A_187, %swap3A_188], %mul3A_185 {strides = array<i32>} : memref<128x128xf32, #tpu.memory_space<vmem>>, vector<16xf32>,
    %mul3A_190 = arith.mulf %scan3A_142#7, %broadcast_in_dim3A_1 : vector<16xf32>
    %swap3A_191 = arith.constant 123 : i32
    %swap3A_192 = arith.index_cast %swap3A_191 : i32 to index
    %swap3A_193 = arith.constant 112 : index
    %swap3A_194 = tpu.vector_load %arg7[%swap3A_192, %swap3A_193] {strides = array<i32>} : memref<128x128xf32, #tpu.memory_space<vmem>>, vector<16xf32>,
    tpu.vector_store %arg7[%swap3A_192, %swap3A_193], %mul3A_190 {strides = array<i32>} : memref<128x128xf32, #tpu.memory_space<vmem>>, vector<16xf32>,
    %broadcast_in_dim3A_195 = arith.constant 0.000000e+00 : f32
    %broadcast_in_dim3A_196 = vector.broadcast %broadcast_in_dim3A_195 : f32 to vector<16xf32>
    %broadcast_in_dim3A_197 = arith.constant 0.000000e+00 : f32
    %broadcast_in_dim3A_198 = vector.broadcast %broadcast_in_dim3A_197 : f32 to vector<16xf32>
    %broadcast_in_dim3A_199 = arith.constant 0.000000e+00 : f32
    %broadcast_in_dim3A_200 = vector.broadcast %broadcast_in_dim3A_199 : f32 to vector<16xf32>
    %broadcast_in_dim3A_201 = arith.constant 0.000000e+00 : f32
    %broadcast_in_dim3A_202 = vector.broadcast %broadcast_in_dim3A_201 : f32 to vector<16xf32>
    %broadcast_in_dim3A_203 = arith.constant 0.000000e+00 : f32
    %broadcast_in_dim3A_204 = vector.broadcast %broadcast_in_dim3A_203 : f32 to vector<16xf32>
    %broadcast_in_dim3A_205 = arith.constant 0.000000e+00 : f32
    %broadcast_in_dim3A_206 = vector.broadcast %broadcast_in_dim3A_205 : f32 to vector<16xf32>
    %broadcast_in_dim3A_207 = arith.constant 0.000000e+00 : f32
    %broadcast_in_dim3A_208 = vector.broadcast %broadcast_in_dim3A_207 : f32 to vector<16xf32>
    %broadcast_in_dim3A_209 = arith.constant 0.000000e+00 : f32
    %broadcast_in_dim3A_210 = vector.broadcast %broadcast_in_dim3A_209 : f32 to vector<16xf32>
    %dma_wait3A_211 = arith.constant 0 : i32
    %dma_wait3A_212 = arith.constant 2 : i32
    %dma_wait3A_213 = arith.constant 0 : i32
    %dma_wait3A_214 = arith.constant 0 : i32
    %dma_wait3A_215 = tpu.memref_slice %arg6[%dma_wait3A_212, %dma_wait3A_213, %dma_wait3A_214] : memref<6x104x128xf32, #tpu.memory_space<vmem>> -> memref<1x104x128xf32, #tpu.memory_space<vmem>>
    %dma_wait3A_216 = tpu.memref_squeeze %dma_wait3A_215 : memref<1x104x128xf32, #tpu.memory_space<vmem>> -> memref<104x128xf32, #tpu.memory_space<vmem>>
    %dma_wait3A_217 = arith.constant 0 : i32
    %dma_wait3A_218 = tpu.memref_slice %arg5[%dma_wait3A_211, %dma_wait3A_217] : memref<128x200xi32, #tpu.memory_space<vmem>> -> memref<1x104xi32, #tpu.memory_space<vmem>>
    %dma_wait3A_219 = tpu.memref_squeeze %dma_wait3A_218 : memref<1x104xi32, #tpu.memory_space<vmem>> -> memref<104xi32, #tpu.memory_space<vmem>>
    %dma_wait3A_220 = arith.constant 0 : i32
    %dma_wait3A_221 = arith.constant 0 : i32
    %dma_wait3A_222 = tpu.memref_slice %arg3[%dma_wait3A_220, %dma_wait3A_221] : memref<100000x128xf32, #tpu.memory_space<hbm>> -> memref<100000x128xf32, #tpu.memory_space<hbm>>
    tpu.wait_indirect_dma semaphore(%arg10 : memref<!tpu.dma_semaphore, #tpu.memory_space<semaphore_mem>>) src(%dma_wait3A_222 : memref<100000x128xf32, #tpu.memory_space<hbm>>) dst(%dma_wait3A_216 : memref<104x128xf32, #tpu.memory_space<vmem>>)
    %scan3A_223 = arith.constant 0 : i32
    %scan3A_224 = arith.constant 52 : i32
    %scan3A_225 = arith.addi %scan3A_223, %scan3A_224 : i32
    %scan3A_226 = arith.constant 1 : i32
    %scan3A_227:8 = scf.for %scan3A_589 = %scan3A_223 to %scan3A_225 step %scan3A_226 iter_args(%scan3A_590 = %broadcast_in_dim3A_196, %scan3A_591 = %broadcast_in_dim3A_198, %scan3A_592 = %broadcast_in_dim3A_200, %scan3A_593 = %broadcast_in_dim3A_202, %scan3A_594 = %broadcast_in_dim3A_204, %scan3A_595 = %broadcast_in_dim3A_206, %scan3A_596 = %broadcast_in_dim3A_208, %scan3A_597 = %broadcast_in_dim3A_210) -> (vector<16xf32>, vector<16xf32>, vector<16xf32>, vector<16xf32>, vector<16xf32>, vector<16xf32>, vector<16xf32>, vector<16xf32>)  : i32 {
      %mul3A_598 = arith.constant 2 : i32
      %mul3A_599 = arith.muli %scan3A_589, %mul3A_598 : i32
      %add3A_600 = arith.constant 0 : i32
      %add3A_601 = arith.addi %mul3A_599, %add3A_600 : i32
      %get3A = arith.constant 2 : i32
      %get3A_602 = arith.index_cast %get3A : i32 to index
      %get3A_603 = arith.index_cast %add3A_601 : i32 to index
      %get3A_604 = arith.constant 0 : index
      %get3A_605 = tpu.vector_load %arg6[%get3A_602, %get3A_603, %get3A_604] {strides = array<i32>} : memref<6x104x128xf32, #tpu.memory_space<vmem>>, vector<16xf32>,
      %add3A_606 = arith.constant 1 : i32
      %add3A_607 = arith.addi %mul3A_599, %add3A_606 : i32
      %get3A_608 = arith.constant 2 : i32
      %get3A_609 = arith.index_cast %get3A_608 : i32 to index
      %get3A_610 = arith.index_cast %add3A_607 : i32 to index
      %get3A_611 = arith.constant 0 : index
      %get3A_612 = tpu.vector_load %arg6[%get3A_609, %get3A_610, %get3A_611] {strides = array<i32>} : memref<6x104x128xf32, #tpu.memory_space<vmem>>, vector<16xf32>,
      %add3A_613 = arith.addf %get3A_605, %get3A_612 : vector<16xf32>
      %add3A_614 = arith.addf %scan3A_590, %add3A_613 : vector<16xf32>
      %add3A_615 = arith.constant 0 : i32
      %add3A_616 = arith.addi %mul3A_599, %add3A_615 : i32
      %get3A_617 = arith.constant 2 : i32
      %get3A_618 = arith.index_cast %get3A_617 : i32 to index
      %get3A_619 = arith.index_cast %add3A_616 : i32 to index
      %get3A_620 = arith.constant 16 : index
      %get3A_621 = tpu.vector_load %arg6[%get3A_618, %get3A_619, %get3A_620] {strides = array<i32>} : memref<6x104x128xf32, #tpu.memory_space<vmem>>, vector<16xf32>,
      %add3A_622 = arith.constant 1 : i32
      %add3A_623 = arith.addi %mul3A_599, %add3A_622 : i32
      %get3A_624 = arith.constant 2 : i32
      %get3A_625 = arith.index_cast %get3A_624 : i32 to index
      %get3A_626 = arith.index_cast %add3A_623 : i32 to index
      %get3A_627 = arith.constant 16 : index
      %get3A_628 = tpu.vector_load %arg6[%get3A_625, %get3A_626, %get3A_627] {strides = array<i32>} : memref<6x104x128xf32, #tpu.memory_space<vmem>>, vector<16xf32>,
      %add3A_629 = arith.addf %get3A_621, %get3A_628 : vector<16xf32>
      %add3A_630 = arith.addf %scan3A_591, %add3A_629 : vector<16xf32>
      %add3A_631 = arith.constant 0 : i32
      %add3A_632 = arith.addi %mul3A_599, %add3A_631 : i32
      %get3A_633 = arith.constant 2 : i32
      %get3A_634 = arith.index_cast %get3A_633 : i32 to index
      %get3A_635 = arith.index_cast %add3A_632 : i32 to index
      %get3A_636 = arith.constant 32 : index
      %get3A_637 = tpu.vector_load %arg6[%get3A_634, %get3A_635, %get3A_636] {strides = array<i32>} : memref<6x104x128xf32, #tpu.memory_space<vmem>>, vector<16xf32>,
      %add3A_638 = arith.constant 1 : i32
      %add3A_639 = arith.addi %mul3A_599, %add3A_638 : i32
      %get3A_640 = arith.constant 2 : i32
      %get3A_641 = arith.index_cast %get3A_640 : i32 to index
      %get3A_642 = arith.index_cast %add3A_639 : i32 to index
      %get3A_643 = arith.constant 32 : index
      %get3A_644 = tpu.vector_load %arg6[%get3A_641, %get3A_642, %get3A_643] {strides = array<i32>} : memref<6x104x128xf32, #tpu.memory_space<vmem>>, vector<16xf32>,
      %add3A_645 = arith.addf %get3A_637, %get3A_644 : vector<16xf32>
      %add3A_646 = arith.addf %scan3A_592, %add3A_645 : vector<16xf32>
      %add3A_647 = arith.constant 0 : i32
      %add3A_648 = arith.addi %mul3A_599, %add3A_647 : i32
      %get3A_649 = arith.constant 2 : i32
      %get3A_650 = arith.index_cast %get3A_649 : i32 to index
      %get3A_651 = arith.index_cast %add3A_648 : i32 to index
      %get3A_652 = arith.constant 48 : index
      %get3A_653 = tpu.vector_load %arg6[%get3A_650, %get3A_651, %get3A_652] {strides = array<i32>} : memref<6x104x128xf32, #tpu.memory_space<vmem>>, vector<16xf32>,
      %add3A_654 = arith.constant 1 : i32
      %add3A_655 = arith.addi %mul3A_599, %add3A_654 : i32
      %get3A_656 = arith.constant 2 : i32
      %get3A_657 = arith.index_cast %get3A_656 : i32 to index
      %get3A_658 = arith.index_cast %add3A_655 : i32 to index
      %get3A_659 = arith.constant 48 : index
      %get3A_660 = tpu.vector_load %arg6[%get3A_657, %get3A_658, %get3A_659] {strides = array<i32>} : memref<6x104x128xf32, #tpu.memory_space<vmem>>, vector<16xf32>,
      %add3A_661 = arith.addf %get3A_653, %get3A_660 : vector<16xf32>
      %add3A_662 = arith.addf %scan3A_593, %add3A_661 : vector<16xf32>
      %add3A_663 = arith.constant 0 : i32
      %add3A_664 = arith.addi %mul3A_599, %add3A_663 : i32
      %get3A_665 = arith.constant 2 : i32
      %get3A_666 = arith.index_cast %get3A_665 : i32 to index
      %get3A_667 = arith.index_cast %add3A_664 : i32 to index
      %get3A_668 = arith.constant 64 : index
      %get3A_669 = tpu.vector_load %arg6[%get3A_666, %get3A_667, %get3A_668] {strides = array<i32>} : memref<6x104x128xf32, #tpu.memory_space<vmem>>, vector<16xf32>,
      %add3A_670 = arith.constant 1 : i32
      %add3A_671 = arith.addi %mul3A_599, %add3A_670 : i32
      %get3A_672 = arith.constant 2 : i32
      %get3A_673 = arith.index_cast %get3A_672 : i32 to index
      %get3A_674 = arith.index_cast %add3A_671 : i32 to index
      %get3A_675 = arith.constant 64 : index
      %get3A_676 = tpu.vector_load %arg6[%get3A_673, %get3A_674, %get3A_675] {strides = array<i32>} : memref<6x104x128xf32, #tpu.memory_space<vmem>>, vector<16xf32>,
      %add3A_677 = arith.addf %get3A_669, %get3A_676 : vector<16xf32>
      %add3A_678 = arith.addf %scan3A_594, %add3A_677 : vector<16xf32>
      %add3A_679 = arith.constant 0 : i32
      %add3A_680 = arith.addi %mul3A_599, %add3A_679 : i32
      %get3A_681 = arith.constant 2 : i32
      %get3A_682 = arith.index_cast %get3A_681 : i32 to index
      %get3A_683 = arith.index_cast %add3A_680 : i32 to index
      %get3A_684 = arith.constant 80 : index
      %get3A_685 = tpu.vector_load %arg6[%get3A_682, %get3A_683, %get3A_684] {strides = array<i32>} : memref<6x104x128xf32, #tpu.memory_space<vmem>>, vector<16xf32>,
      %add3A_686 = arith.constant 1 : i32
      %add3A_687 = arith.addi %mul3A_599, %add3A_686 : i32
      %get3A_688 = arith.constant 2 : i32
      %get3A_689 = arith.index_cast %get3A_688 : i32 to index
      %get3A_690 = arith.index_cast %add3A_687 : i32 to index
      %get3A_691 = arith.constant 80 : index
      %get3A_692 = tpu.vector_load %arg6[%get3A_689, %get3A_690, %get3A_691] {strides = array<i32>} : memref<6x104x128xf32, #tpu.memory_space<vmem>>, vector<16xf32>,
      %add3A_693 = arith.addf %get3A_685, %get3A_692 : vector<16xf32>
      %add3A_694 = arith.addf %scan3A_595, %add3A_693 : vector<16xf32>
      %add3A_695 = arith.constant 0 : i32
      %add3A_696 = arith.addi %mul3A_599, %add3A_695 : i32
      %get3A_697 = arith.constant 2 : i32
      %get3A_698 = arith.index_cast %get3A_697 : i32 to index
      %get3A_699 = arith.index_cast %add3A_696 : i32 to index
      %get3A_700 = arith.constant 96 : index
      %get3A_701 = tpu.vector_load %arg6[%get3A_698, %get3A_699, %get3A_700] {strides = array<i32>} : memref<6x104x128xf32, #tpu.memory_space<vmem>>, vector<16xf32>,
      %add3A_702 = arith.constant 1 : i32
      %add3A_703 = arith.addi %mul3A_599, %add3A_702 : i32
      %get3A_704 = arith.constant 2 : i32
      %get3A_705 = arith.index_cast %get3A_704 : i32 to index
      %get3A_706 = arith.index_cast %add3A_703 : i32 to index
      %get3A_707 = arith.constant 96 : index
      %get3A_708 = tpu.vector_load %arg6[%get3A_705, %get3A_706, %get3A_707] {strides = array<i32>} : memref<6x104x128xf32, #tpu.memory_space<vmem>>, vector<16xf32>,
      %add3A_709 = arith.addf %get3A_701, %get3A_708 : vector<16xf32>
      %add3A_710 = arith.addf %scan3A_596, %add3A_709 : vector<16xf32>
      %add3A_711 = arith.constant 0 : i32
      %add3A_712 = arith.addi %mul3A_599, %add3A_711 : i32
      %get3A_713 = arith.constant 2 : i32
      %get3A_714 = arith.index_cast %get3A_713 : i32 to index
      %get3A_715 = arith.index_cast %add3A_712 : i32 to index
      %get3A_716 = arith.constant 112 : index
      %get3A_717 = tpu.vector_load %arg6[%get3A_714, %get3A_715, %get3A_716] {strides = array<i32>} : memref<6x104x128xf32, #tpu.memory_space<vmem>>, vector<16xf32>,
      %add3A_718 = arith.constant 1 : i32
      %add3A_719 = arith.addi %mul3A_599, %add3A_718 : i32
      %get3A_720 = arith.constant 2 : i32
      %get3A_721 = arith.index_cast %get3A_720 : i32 to index
      %get3A_722 = arith.index_cast %add3A_719 : i32 to index
      %get3A_723 = arith.constant 112 : index
      %get3A_724 = tpu.vector_load %arg6[%get3A_721, %get3A_722, %get3A_723] {strides = array<i32>} : memref<6x104x128xf32, #tpu.memory_space<vmem>>, vector<16xf32>,
      %add3A_725 = arith.addf %get3A_717, %get3A_724 : vector<16xf32>
      %add3A_726 = arith.addf %scan3A_597, %add3A_725 : vector<16xf32>
      scf.yield %add3A_614, %add3A_630, %add3A_646, %add3A_662, %add3A_678, %add3A_694, %add3A_710, %add3A_726 : vector<16xf32>, vector<16xf32>, vector<16xf32>, vector<16xf32>, vector<16xf32>, vector<16xf32>, vector<16xf32>, vector<16xf32>
    }
    %scan3A_228 = arith.constant 52 : i32
    %dma_start3A_229 = arith.constant 127 : i32
    %dma_start3A_230 = arith.constant 2 : i32
    %dma_start3A_231 = arith.constant 0 : i32
    %dma_start3A_232 = arith.constant 0 : i32
    %dma_start3A_233 = tpu.memref_slice %arg6[%dma_start3A_230, %dma_start3A_231, %dma_start3A_232] : memref<6x104x128xf32, #tpu.memory_space<vmem>> -> memref<1x104x128xf32, #tpu.memory_space<vmem>>
    %dma_start3A_234 = tpu.memref_squeeze %dma_start3A_233 : memref<1x104x128xf32, #tpu.memory_space<vmem>> -> memref<104x128xf32, #tpu.memory_space<vmem>>
    %dma_start3A_235 = arith.constant 0 : i32
    %dma_start3A_236 = tpu.memref_slice %arg5[%dma_start3A_229, %dma_start3A_235] : memref<128x200xi32, #tpu.memory_space<vmem>> -> memref<1x104xi32, #tpu.memory_space<vmem>>
    %dma_start3A_237 = tpu.memref_squeeze %dma_start3A_236 : memref<1x104xi32, #tpu.memory_space<vmem>> -> memref<104xi32, #tpu.memory_space<vmem>>
    %dma_start3A_238 = arith.constant 0 : i32
    %dma_start3A_239 = arith.constant 0 : i32
    %dma_start3A_240 = tpu.memref_slice %arg3[%dma_start3A_238, %dma_start3A_239] : memref<100000x128xf32, #tpu.memory_space<hbm>> -> memref<100000x128xf32, #tpu.memory_space<hbm>>
    tpu.enqueue_indirect_dma source(%dma_start3A_240 : memref<100000x128xf32, #tpu.memory_space<hbm>>) target(%dma_start3A_234 : memref<104x128xf32, #tpu.memory_space<vmem>>) offsets(%dma_start3A_237 : memref<104xi32, #tpu.memory_space<vmem>>) semaphore(%arg10 : memref<!tpu.dma_semaphore, #tpu.memory_space<semaphore_mem>>)
    %dma_wait3A_241 = arith.constant 0 : i32
    %dma_wait3A_242 = arith.constant 3 : i32
    %dma_wait3A_243 = arith.constant 0 : i32
    %dma_wait3A_244 = arith.constant 0 : i32
    %dma_wait3A_245 = tpu.memref_slice %arg6[%dma_wait3A_242, %dma_wait3A_243, %dma_wait3A_244] : memref<6x104x128xf32, #tpu.memory_space<vmem>> -> memref<1x96x128xf32, #tpu.memory_space<vmem>>
    %dma_wait3A_246 = tpu.memref_squeeze %dma_wait3A_245 : memref<1x96x128xf32, #tpu.memory_space<vmem>> -> memref<96x128xf32, #tpu.memory_space<vmem>>
    %dma_wait3A_247 = arith.constant 104 : i32
    %dma_wait3A_248 = tpu.memref_slice %arg5[%dma_wait3A_241, %dma_wait3A_247] : memref<128x200xi32, #tpu.memory_space<vmem>> -> memref<1x96xi32, #tpu.memory_space<vmem>>
    %dma_wait3A_249 = tpu.memref_squeeze %dma_wait3A_248 : memref<1x96xi32, #tpu.memory_space<vmem>> -> memref<96xi32, #tpu.memory_space<vmem>>
    %dma_wait3A_250 = arith.constant 0 : i32
    %dma_wait3A_251 = arith.constant 0 : i32
    %dma_wait3A_252 = tpu.memref_slice %arg3[%dma_wait3A_250, %dma_wait3A_251] : memref<100000x128xf32, #tpu.memory_space<hbm>> -> memref<100000x128xf32, #tpu.memory_space<hbm>>
    tpu.wait_indirect_dma semaphore(%arg11 : memref<!tpu.dma_semaphore, #tpu.memory_space<semaphore_mem>>) src(%dma_wait3A_252 : memref<100000x128xf32, #tpu.memory_space<hbm>>) dst(%dma_wait3A_246 : memref<96x128xf32, #tpu.memory_space<vmem>>)
    %scan3A_253 = arith.constant 0 : i32
    %scan3A_254 = arith.constant 48 : i32
    %scan3A_255 = arith.addi %scan3A_253, %scan3A_254 : i32
    %scan3A_256 = arith.constant 1 : i32
    %scan3A_257:8 = scf.for %scan3A_589 = %scan3A_253 to %scan3A_255 step %scan3A_256 iter_args(%scan3A_590 = %scan3A_227#0, %scan3A_591 = %scan3A_227#1, %scan3A_592 = %scan3A_227#2, %scan3A_593 = %scan3A_227#3, %scan3A_594 = %scan3A_227#4, %scan3A_595 = %scan3A_227#5, %scan3A_596 = %scan3A_227#6, %scan3A_597 = %scan3A_227#7) -> (vector<16xf32>, vector<16xf32>, vector<16xf32>, vector<16xf32>, vector<16xf32>, vector<16xf32>, vector<16xf32>, vector<16xf32>)  : i32 {
      %mul3A_598 = arith.constant 2 : i32
      %mul3A_599 = arith.muli %scan3A_589, %mul3A_598 : i32
      %add3A_600 = arith.constant 0 : i32
      %add3A_601 = arith.addi %mul3A_599, %add3A_600 : i32
      %get3A = arith.constant 3 : i32
      %get3A_602 = arith.index_cast %get3A : i32 to index
      %get3A_603 = arith.index_cast %add3A_601 : i32 to index
      %get3A_604 = arith.constant 0 : index
      %get3A_605 = tpu.vector_load %arg6[%get3A_602, %get3A_603, %get3A_604] {strides = array<i32>} : memref<6x104x128xf32, #tpu.memory_space<vmem>>, vector<16xf32>,
      %add3A_606 = arith.constant 1 : i32
      %add3A_607 = arith.addi %mul3A_599, %add3A_606 : i32
      %get3A_608 = arith.constant 3 : i32
      %get3A_609 = arith.index_cast %get3A_608 : i32 to index
      %get3A_610 = arith.index_cast %add3A_607 : i32 to index
      %get3A_611 = arith.constant 0 : index
      %get3A_612 = tpu.vector_load %arg6[%get3A_609, %get3A_610, %get3A_611] {strides = array<i32>} : memref<6x104x128xf32, #tpu.memory_space<vmem>>, vector<16xf32>,
      %add3A_613 = arith.addf %get3A_605, %get3A_612 : vector<16xf32>
      %add3A_614 = arith.addf %scan3A_590, %add3A_613 : vector<16xf32>
      %add3A_615 = arith.constant 0 : i32
      %add3A_616 = arith.addi %mul3A_599, %add3A_615 : i32
      %get3A_617 = arith.constant 3 : i32
      %get3A_618 = arith.index_cast %get3A_617 : i32 to index
      %get3A_619 = arith.index_cast %add3A_616 : i32 to index
      %get3A_620 = arith.constant 16 : index
      %get3A_621 = tpu.vector_load %arg6[%get3A_618, %get3A_619, %get3A_620] {strides = array<i32>} : memref<6x104x128xf32, #tpu.memory_space<vmem>>, vector<16xf32>,
      %add3A_622 = arith.constant 1 : i32
      %add3A_623 = arith.addi %mul3A_599, %add3A_622 : i32
      %get3A_624 = arith.constant 3 : i32
      %get3A_625 = arith.index_cast %get3A_624 : i32 to index
      %get3A_626 = arith.index_cast %add3A_623 : i32 to index
      %get3A_627 = arith.constant 16 : index
      %get3A_628 = tpu.vector_load %arg6[%get3A_625, %get3A_626, %get3A_627] {strides = array<i32>} : memref<6x104x128xf32, #tpu.memory_space<vmem>>, vector<16xf32>,
      %add3A_629 = arith.addf %get3A_621, %get3A_628 : vector<16xf32>
      %add3A_630 = arith.addf %scan3A_591, %add3A_629 : vector<16xf32>
      %add3A_631 = arith.constant 0 : i32
      %add3A_632 = arith.addi %mul3A_599, %add3A_631 : i32
      %get3A_633 = arith.constant 3 : i32
      %get3A_634 = arith.index_cast %get3A_633 : i32 to index
      %get3A_635 = arith.index_cast %add3A_632 : i32 to index
      %get3A_636 = arith.constant 32 : index
      %get3A_637 = tpu.vector_load %arg6[%get3A_634, %get3A_635, %get3A_636] {strides = array<i32>} : memref<6x104x128xf32, #tpu.memory_space<vmem>>, vector<16xf32>,
      %add3A_638 = arith.constant 1 : i32
      %add3A_639 = arith.addi %mul3A_599, %add3A_638 : i32
      %get3A_640 = arith.constant 3 : i32
      %get3A_641 = arith.index_cast %get3A_640 : i32 to index
      %get3A_642 = arith.index_cast %add3A_639 : i32 to index
      %get3A_643 = arith.constant 32 : index
      %get3A_644 = tpu.vector_load %arg6[%get3A_641, %get3A_642, %get3A_643] {strides = array<i32>} : memref<6x104x128xf32, #tpu.memory_space<vmem>>, vector<16xf32>,
      %add3A_645 = arith.addf %get3A_637, %get3A_644 : vector<16xf32>
      %add3A_646 = arith.addf %scan3A_592, %add3A_645 : vector<16xf32>
      %add3A_647 = arith.constant 0 : i32
      %add3A_648 = arith.addi %mul3A_599, %add3A_647 : i32
      %get3A_649 = arith.constant 3 : i32
      %get3A_650 = arith.index_cast %get3A_649 : i32 to index
      %get3A_651 = arith.index_cast %add3A_648 : i32 to index
      %get3A_652 = arith.constant 48 : index
      %get3A_653 = tpu.vector_load %arg6[%get3A_650, %get3A_651, %get3A_652] {strides = array<i32>} : memref<6x104x128xf32, #tpu.memory_space<vmem>>, vector<16xf32>,
      %add3A_654 = arith.constant 1 : i32
      %add3A_655 = arith.addi %mul3A_599, %add3A_654 : i32
      %get3A_656 = arith.constant 3 : i32
      %get3A_657 = arith.index_cast %get3A_656 : i32 to index
      %get3A_658 = arith.index_cast %add3A_655 : i32 to index
      %get3A_659 = arith.constant 48 : index
      %get3A_660 = tpu.vector_load %arg6[%get3A_657, %get3A_658, %get3A_659] {strides = array<i32>} : memref<6x104x128xf32, #tpu.memory_space<vmem>>, vector<16xf32>,
      %add3A_661 = arith.addf %get3A_653, %get3A_660 : vector<16xf32>
      %add3A_662 = arith.addf %scan3A_593, %add3A_661 : vector<16xf32>
      %add3A_663 = arith.constant 0 : i32
      %add3A_664 = arith.addi %mul3A_599, %add3A_663 : i32
      %get3A_665 = arith.constant 3 : i32
      %get3A_666 = arith.index_cast %get3A_665 : i32 to index
      %get3A_667 = arith.index_cast %add3A_664 : i32 to index
      %get3A_668 = arith.constant 64 : index
      %get3A_669 = tpu.vector_load %arg6[%get3A_666, %get3A_667, %get3A_668] {strides = array<i32>} : memref<6x104x128xf32, #tpu.memory_space<vmem>>, vector<16xf32>,
      %add3A_670 = arith.constant 1 : i32
      %add3A_671 = arith.addi %mul3A_599, %add3A_670 : i32
      %get3A_672 = arith.constant 3 : i32
      %get3A_673 = arith.index_cast %get3A_672 : i32 to index
      %get3A_674 = arith.index_cast %add3A_671 : i32 to index
      %get3A_675 = arith.constant 64 : index
      %get3A_676 = tpu.vector_load %arg6[%get3A_673, %get3A_674, %get3A_675] {strides = array<i32>} : memref<6x104x128xf32, #tpu.memory_space<vmem>>, vector<16xf32>,
      %add3A_677 = arith.addf %get3A_669, %get3A_676 : vector<16xf32>
      %add3A_678 = arith.addf %scan3A_594, %add3A_677 : vector<16xf32>
      %add3A_679 = arith.constant 0 : i32
      %add3A_680 = arith.addi %mul3A_599, %add3A_679 : i32
      %get3A_681 = arith.constant 3 : i32
      %get3A_682 = arith.index_cast %get3A_681 : i32 to index
      %get3A_683 = arith.index_cast %add3A_680 : i32 to index
      %get3A_684 = arith.constant 80 : index
      %get3A_685 = tpu.vector_load %arg6[%get3A_682, %get3A_683, %get3A_684] {strides = array<i32>} : memref<6x104x128xf32, #tpu.memory_space<vmem>>, vector<16xf32>,
      %add3A_686 = arith.constant 1 : i32
      %add3A_687 = arith.addi %mul3A_599, %add3A_686 : i32
      %get3A_688 = arith.constant 3 : i32
      %get3A_689 = arith.index_cast %get3A_688 : i32 to index
      %get3A_690 = arith.index_cast %add3A_687 : i32 to index
      %get3A_691 = arith.constant 80 : index
      %get3A_692 = tpu.vector_load %arg6[%get3A_689, %get3A_690, %get3A_691] {strides = array<i32>} : memref<6x104x128xf32, #tpu.memory_space<vmem>>, vector<16xf32>,
      %add3A_693 = arith.addf %get3A_685, %get3A_692 : vector<16xf32>
      %add3A_694 = arith.addf %scan3A_595, %add3A_693 : vector<16xf32>
      %add3A_695 = arith.constant 0 : i32
      %add3A_696 = arith.addi %mul3A_599, %add3A_695 : i32
      %get3A_697 = arith.constant 3 : i32
      %get3A_698 = arith.index_cast %get3A_697 : i32 to index
      %get3A_699 = arith.index_cast %add3A_696 : i32 to index
      %get3A_700 = arith.constant 96 : index
      %get3A_701 = tpu.vector_load %arg6[%get3A_698, %get3A_699, %get3A_700] {strides = array<i32>} : memref<6x104x128xf32, #tpu.memory_space<vmem>>, vector<16xf32>,
      %add3A_702 = arith.constant 1 : i32
      %add3A_703 = arith.addi %mul3A_599, %add3A_702 : i32
      %get3A_704 = arith.constant 3 : i32
      %get3A_705 = arith.index_cast %get3A_704 : i32 to index
      %get3A_706 = arith.index_cast %add3A_703 : i32 to index
      %get3A_707 = arith.constant 96 : index
      %get3A_708 = tpu.vector_load %arg6[%get3A_705, %get3A_706, %get3A_707] {strides = array<i32>} : memref<6x104x128xf32, #tpu.memory_space<vmem>>, vector<16xf32>,
      %add3A_709 = arith.addf %get3A_701, %get3A_708 : vector<16xf32>
      %add3A_710 = arith.addf %scan3A_596, %add3A_709 : vector<16xf32>
      %add3A_711 = arith.constant 0 : i32
      %add3A_712 = arith.addi %mul3A_599, %add3A_711 : i32
      %get3A_713 = arith.constant 3 : i32
      %get3A_714 = arith.index_cast %get3A_713 : i32 to index
      %get3A_715 = arith.index_cast %add3A_712 : i32 to index
      %get3A_716 = arith.constant 112 : index
      %get3A_717 = tpu.vector_load %arg6[%get3A_714, %get3A_715, %get3A_716] {strides = array<i32>} : memref<6x104x128xf32, #tpu.memory_space<vmem>>, vector<16xf32>,
      %add3A_718 = arith.constant 1 : i32
      %add3A_719 = arith.addi %mul3A_599, %add3A_718 : i32
      %get3A_720 = arith.constant 3 : i32
      %get3A_721 = arith.index_cast %get3A_720 : i32 to index
      %get3A_722 = arith.index_cast %add3A_719 : i32 to index
      %get3A_723 = arith.constant 112 : index
      %get3A_724 = tpu.vector_load %arg6[%get3A_721, %get3A_722, %get3A_723] {strides = array<i32>} : memref<6x104x128xf32, #tpu.memory_space<vmem>>, vector<16xf32>,
      %add3A_725 = arith.addf %get3A_717, %get3A_724 : vector<16xf32>
      %add3A_726 = arith.addf %scan3A_597, %add3A_725 : vector<16xf32>
      scf.yield %add3A_614, %add3A_630, %add3A_646, %add3A_662, %add3A_678, %add3A_694, %add3A_710, %add3A_726 : vector<16xf32>, vector<16xf32>, vector<16xf32>, vector<16xf32>, vector<16xf32>, vector<16xf32>, vector<16xf32>, vector<16xf32>
    }
    %scan3A_258 = arith.constant 48 : i32
    %dma_start3A_259 = arith.constant 127 : i32
    %dma_start3A_260 = arith.constant 3 : i32
    %dma_start3A_261 = arith.constant 0 : i32
    %dma_start3A_262 = arith.constant 0 : i32
    %dma_start3A_263 = tpu.memref_slice %arg6[%dma_start3A_260, %dma_start3A_261, %dma_start3A_262] : memref<6x104x128xf32, #tpu.memory_space<vmem>> -> memref<1x96x128xf32, #tpu.memory_space<vmem>>
    %dma_start3A_264 = tpu.memref_squeeze %dma_start3A_263 : memref<1x96x128xf32, #tpu.memory_space<vmem>> -> memref<96x128xf32, #tpu.memory_space<vmem>>
    %dma_start3A_265 = arith.constant 104 : i32
    %dma_start3A_266 = tpu.memref_slice %arg5[%dma_start3A_259, %dma_start3A_265] : memref<128x200xi32, #tpu.memory_space<vmem>> -> memref<1x96xi32, #tpu.memory_space<vmem>>
    %dma_start3A_267 = tpu.memref_squeeze %dma_start3A_266 : memref<1x96xi32, #tpu.memory_space<vmem>> -> memref<96xi32, #tpu.memory_space<vmem>>
    %dma_start3A_268 = arith.constant 0 : i32
    %dma_start3A_269 = arith.constant 0 : i32
    %dma_start3A_270 = tpu.memref_slice %arg3[%dma_start3A_268, %dma_start3A_269] : memref<100000x128xf32, #tpu.memory_space<hbm>> -> memref<100000x128xf32, #tpu.memory_space<hbm>>
    tpu.enqueue_indirect_dma source(%dma_start3A_270 : memref<100000x128xf32, #tpu.memory_space<hbm>>) target(%dma_start3A_264 : memref<96x128xf32, #tpu.memory_space<vmem>>) offsets(%dma_start3A_267 : memref<96xi32, #tpu.memory_space<vmem>>) semaphore(%arg11 : memref<!tpu.dma_semaphore, #tpu.memory_space<semaphore_mem>>)
    %mul3A_271 = arith.mulf %scan3A_257#0, %broadcast_in_dim3A_1 : vector<16xf32>
    %swap3A_272 = arith.constant 124 : i32
    %swap3A_273 = arith.index_cast %swap3A_272 : i32 to index
    %swap3A_274 = arith.constant 0 : index
    %swap3A_275 = tpu.vector_load %arg7[%swap3A_273, %swap3A_274] {strides = array<i32>} : memref<128x128xf32, #tpu.memory_space<vmem>>, vector<16xf32>,
    tpu.vector_store %arg7[%swap3A_273, %swap3A_274], %mul3A_271 {strides = array<i32>} : memref<128x128xf32, #tpu.memory_space<vmem>>, vector<16xf32>,
    %mul3A_276 = arith.mulf %scan3A_257#1, %broadcast_in_dim3A_1 : vector<16xf32>
    %swap3A_277 = arith.constant 124 : i32
    %swap3A_278 = arith.index_cast %swap3A_277 : i32 to index
    %swap3A_279 = arith.constant 16 : index
    %swap3A_280 = tpu.vector_load %arg7[%swap3A_278, %swap3A_279] {strides = array<i32>} : memref<128x128xf32, #tpu.memory_space<vmem>>, vector<16xf32>,
    tpu.vector_store %arg7[%swap3A_278, %swap3A_279], %mul3A_276 {strides = array<i32>} : memref<128x128xf32, #tpu.memory_space<vmem>>, vector<16xf32>,
    %mul3A_281 = arith.mulf %scan3A_257#2, %broadcast_in_dim3A_1 : vector<16xf32>
    %swap3A_282 = arith.constant 124 : i32
    %swap3A_283 = arith.index_cast %swap3A_282 : i32 to index
    %swap3A_284 = arith.constant 32 : index
    %swap3A_285 = tpu.vector_load %arg7[%swap3A_283, %swap3A_284] {strides = array<i32>} : memref<128x128xf32, #tpu.memory_space<vmem>>, vector<16xf32>,
    tpu.vector_store %arg7[%swap3A_283, %swap3A_284], %mul3A_281 {strides = array<i32>} : memref<128x128xf32, #tpu.memory_space<vmem>>, vector<16xf32>,
    %mul3A_286 = arith.mulf %scan3A_257#3, %broadcast_in_dim3A_1 : vector<16xf32>
    %swap3A_287 = arith.constant 124 : i32
    %swap3A_288 = arith.index_cast %swap3A_287 : i32 to index
    %swap3A_289 = arith.constant 48 : index
    %swap3A_290 = tpu.vector_load %arg7[%swap3A_288, %swap3A_289] {strides = array<i32>} : memref<128x128xf32, #tpu.memory_space<vmem>>, vector<16xf32>,
    tpu.vector_store %arg7[%swap3A_288, %swap3A_289], %mul3A_286 {strides = array<i32>} : memref<128x128xf32, #tpu.memory_space<vmem>>, vector<16xf32>,
    %mul3A_291 = arith.mulf %scan3A_257#4, %broadcast_in_dim3A_1 : vector<16xf32>
    %swap3A_292 = arith.constant 124 : i32
    %swap3A_293 = arith.index_cast %swap3A_292 : i32 to index
    %swap3A_294 = arith.constant 64 : index
    %swap3A_295 = tpu.vector_load %arg7[%swap3A_293, %swap3A_294] {strides = array<i32>} : memref<128x128xf32, #tpu.memory_space<vmem>>, vector<16xf32>,
    tpu.vector_store %arg7[%swap3A_293, %swap3A_294], %mul3A_291 {strides = array<i32>} : memref<128x128xf32, #tpu.memory_space<vmem>>, vector<16xf32>,
    %mul3A_296 = arith.mulf %scan3A_257#5, %broadcast_in_dim3A_1 : vector<16xf32>
    %swap3A_297 = arith.constant 124 : i32
    %swap3A_298 = arith.index_cast %swap3A_297 : i32 to index
    %swap3A_299 = arith.constant 80 : index
    %swap3A_300 = tpu.vector_load %arg7[%swap3A_298, %swap3A_299] {strides = array<i32>} : memref<128x128xf32, #tpu.memory_space<vmem>>, vector<16xf32>,
    tpu.vector_store %arg7[%swap3A_298, %swap3A_299], %mul3A_296 {strides = array<i32>} : memref<128x128xf32, #tpu.memory_space<vmem>>, vector<16xf32>,
    %mul3A_301 = arith.mulf %scan3A_257#6, %broadcast_in_dim3A_1 : vector<16xf32>
    %swap3A_302 = arith.constant 124 : i32
    %swap3A_303 = arith.index_cast %swap3A_302 : i32 to index
    %swap3A_304 = arith.constant 96 : index
    %swap3A_305 = tpu.vector_load %arg7[%swap3A_303, %swap3A_304] {strides = array<i32>} : memref<128x128xf32, #tpu.memory_space<vmem>>, vector<16xf32>,
    tpu.vector_store %arg7[%swap3A_303, %swap3A_304], %mul3A_301 {strides = array<i32>} : memref<128x128xf32, #tpu.memory_space<vmem>>, vector<16xf32>,
    %mul3A_306 = arith.mulf %scan3A_257#7, %broadcast_in_dim3A_1 : vector<16xf32>
    %swap3A_307 = arith.constant 124 : i32
    %swap3A_308 = arith.index_cast %swap3A_307 : i32 to index
    %swap3A_309 = arith.constant 112 : index
    %swap3A_310 = tpu.vector_load %arg7[%swap3A_308, %swap3A_309] {strides = array<i32>} : memref<128x128xf32, #tpu.memory_space<vmem>>, vector<16xf32>,
    tpu.vector_store %arg7[%swap3A_308, %swap3A_309], %mul3A_306 {strides = array<i32>} : memref<128x128xf32, #tpu.memory_space<vmem>>, vector<16xf32>,
    %broadcast_in_dim3A_311 = arith.constant 0.000000e+00 : f32
    %broadcast_in_dim3A_312 = vector.broadcast %broadcast_in_dim3A_311 : f32 to vector<16xf32>
    %broadcast_in_dim3A_313 = arith.constant 0.000000e+00 : f32
    %broadcast_in_dim3A_314 = vector.broadcast %broadcast_in_dim3A_313 : f32 to vector<16xf32>
    %broadcast_in_dim3A_315 = arith.constant 0.000000e+00 : f32
    %broadcast_in_dim3A_316 = vector.broadcast %broadcast_in_dim3A_315 : f32 to vector<16xf32>
    %broadcast_in_dim3A_317 = arith.constant 0.000000e+00 : f32
    %broadcast_in_dim3A_318 = vector.broadcast %broadcast_in_dim3A_317 : f32 to vector<16xf32>
    %broadcast_in_dim3A_319 = arith.constant 0.000000e+00 : f32
    %broadcast_in_dim3A_320 = vector.broadcast %broadcast_in_dim3A_319 : f32 to vector<16xf32>
    %broadcast_in_dim3A_321 = arith.constant 0.000000e+00 : f32
    %broadcast_in_dim3A_322 = vector.broadcast %broadcast_in_dim3A_321 : f32 to vector<16xf32>
    %broadcast_in_dim3A_323 = arith.constant 0.000000e+00 : f32
    %broadcast_in_dim3A_324 = vector.broadcast %broadcast_in_dim3A_323 : f32 to vector<16xf32>
    %broadcast_in_dim3A_325 = arith.constant 0.000000e+00 : f32
    %broadcast_in_dim3A_326 = vector.broadcast %broadcast_in_dim3A_325 : f32 to vector<16xf32>
    %dma_wait3A_327 = arith.constant 0 : i32
    %dma_wait3A_328 = arith.constant 4 : i32
    %dma_wait3A_329 = arith.constant 0 : i32
    %dma_wait3A_330 = arith.constant 0 : i32
    %dma_wait3A_331 = tpu.memref_slice %arg6[%dma_wait3A_328, %dma_wait3A_329, %dma_wait3A_330] : memref<6x104x128xf32, #tpu.memory_space<vmem>> -> memref<1x104x128xf32, #tpu.memory_space<vmem>>
    %dma_wait3A_332 = tpu.memref_squeeze %dma_wait3A_331 : memref<1x104x128xf32, #tpu.memory_space<vmem>> -> memref<104x128xf32, #tpu.memory_space<vmem>>
    %dma_wait3A_333 = arith.constant 0 : i32
    %dma_wait3A_334 = tpu.memref_slice %arg5[%dma_wait3A_327, %dma_wait3A_333] : memref<128x200xi32, #tpu.memory_space<vmem>> -> memref<1x104xi32, #tpu.memory_space<vmem>>
    %dma_wait3A_335 = tpu.memref_squeeze %dma_wait3A_334 : memref<1x104xi32, #tpu.memory_space<vmem>> -> memref<104xi32, #tpu.memory_space<vmem>>
    %dma_wait3A_336 = arith.constant 0 : i32
    %dma_wait3A_337 = arith.constant 0 : i32
    %dma_wait3A_338 = tpu.memref_slice %arg3[%dma_wait3A_336, %dma_wait3A_337] : memref<100000x128xf32, #tpu.memory_space<hbm>> -> memref<100000x128xf32, #tpu.memory_space<hbm>>
    tpu.wait_indirect_dma semaphore(%arg12 : memref<!tpu.dma_semaphore, #tpu.memory_space<semaphore_mem>>) src(%dma_wait3A_338 : memref<100000x128xf32, #tpu.memory_space<hbm>>) dst(%dma_wait3A_332 : memref<104x128xf32, #tpu.memory_space<vmem>>)
    %scan3A_339 = arith.constant 0 : i32
    %scan3A_340 = arith.constant 52 : i32
    %scan3A_341 = arith.addi %scan3A_339, %scan3A_340 : i32
    %scan3A_342 = arith.constant 1 : i32
    %scan3A_343:8 = scf.for %scan3A_589 = %scan3A_339 to %scan3A_341 step %scan3A_342 iter_args(%scan3A_590 = %broadcast_in_dim3A_312, %scan3A_591 = %broadcast_in_dim3A_314, %scan3A_592 = %broadcast_in_dim3A_316, %scan3A_593 = %broadcast_in_dim3A_318, %scan3A_594 = %broadcast_in_dim3A_320, %scan3A_595 = %broadcast_in_dim3A_322, %scan3A_596 = %broadcast_in_dim3A_324, %scan3A_597 = %broadcast_in_dim3A_326) -> (vector<16xf32>, vector<16xf32>, vector<16xf32>, vector<16xf32>, vector<16xf32>, vector<16xf32>, vector<16xf32>, vector<16xf32>)  : i32 {
      %mul3A_598 = arith.constant 2 : i32
      %mul3A_599 = arith.muli %scan3A_589, %mul3A_598 : i32
      %add3A_600 = arith.constant 0 : i32
      %add3A_601 = arith.addi %mul3A_599, %add3A_600 : i32
      %get3A = arith.constant 4 : i32
      %get3A_602 = arith.index_cast %get3A : i32 to index
      %get3A_603 = arith.index_cast %add3A_601 : i32 to index
      %get3A_604 = arith.constant 0 : index
      %get3A_605 = tpu.vector_load %arg6[%get3A_602, %get3A_603, %get3A_604] {strides = array<i32>} : memref<6x104x128xf32, #tpu.memory_space<vmem>>, vector<16xf32>,
      %add3A_606 = arith.constant 1 : i32
      %add3A_607 = arith.addi %mul3A_599, %add3A_606 : i32
      %get3A_608 = arith.constant 4 : i32
      %get3A_609 = arith.index_cast %get3A_608 : i32 to index
      %get3A_610 = arith.index_cast %add3A_607 : i32 to index
      %get3A_611 = arith.constant 0 : index
      %get3A_612 = tpu.vector_load %arg6[%get3A_609, %get3A_610, %get3A_611] {strides = array<i32>} : memref<6x104x128xf32, #tpu.memory_space<vmem>>, vector<16xf32>,
      %add3A_613 = arith.addf %get3A_605, %get3A_612 : vector<16xf32>
      %add3A_614 = arith.addf %scan3A_590, %add3A_613 : vector<16xf32>
      %add3A_615 = arith.constant 0 : i32
      %add3A_616 = arith.addi %mul3A_599, %add3A_615 : i32
      %get3A_617 = arith.constant 4 : i32
      %get3A_618 = arith.index_cast %get3A_617 : i32 to index
      %get3A_619 = arith.index_cast %add3A_616 : i32 to index
      %get3A_620 = arith.constant 16 : index
      %get3A_621 = tpu.vector_load %arg6[%get3A_618, %get3A_619, %get3A_620] {strides = array<i32>} : memref<6x104x128xf32, #tpu.memory_space<vmem>>, vector<16xf32>,
      %add3A_622 = arith.constant 1 : i32
      %add3A_623 = arith.addi %mul3A_599, %add3A_622 : i32
      %get3A_624 = arith.constant 4 : i32
      %get3A_625 = arith.index_cast %get3A_624 : i32 to index
      %get3A_626 = arith.index_cast %add3A_623 : i32 to index
      %get3A_627 = arith.constant 16 : index
      %get3A_628 = tpu.vector_load %arg6[%get3A_625, %get3A_626, %get3A_627] {strides = array<i32>} : memref<6x104x128xf32, #tpu.memory_space<vmem>>, vector<16xf32>,
      %add3A_629 = arith.addf %get3A_621, %get3A_628 : vector<16xf32>
      %add3A_630 = arith.addf %scan3A_591, %add3A_629 : vector<16xf32>
      %add3A_631 = arith.constant 0 : i32
      %add3A_632 = arith.addi %mul3A_599, %add3A_631 : i32
      %get3A_633 = arith.constant 4 : i32
      %get3A_634 = arith.index_cast %get3A_633 : i32 to index
      %get3A_635 = arith.index_cast %add3A_632 : i32 to index
      %get3A_636 = arith.constant 32 : index
      %get3A_637 = tpu.vector_load %arg6[%get3A_634, %get3A_635, %get3A_636] {strides = array<i32>} : memref<6x104x128xf32, #tpu.memory_space<vmem>>, vector<16xf32>,
      %add3A_638 = arith.constant 1 : i32
      %add3A_639 = arith.addi %mul3A_599, %add3A_638 : i32
      %get3A_640 = arith.constant 4 : i32
      %get3A_641 = arith.index_cast %get3A_640 : i32 to index
      %get3A_642 = arith.index_cast %add3A_639 : i32 to index
      %get3A_643 = arith.constant 32 : index
      %get3A_644 = tpu.vector_load %arg6[%get3A_641, %get3A_642, %get3A_643] {strides = array<i32>} : memref<6x104x128xf32, #tpu.memory_space<vmem>>, vector<16xf32>,
      %add3A_645 = arith.addf %get3A_637, %get3A_644 : vector<16xf32>
      %add3A_646 = arith.addf %scan3A_592, %add3A_645 : vector<16xf32>
      %add3A_647 = arith.constant 0 : i32
      %add3A_648 = arith.addi %mul3A_599, %add3A_647 : i32
      %get3A_649 = arith.constant 4 : i32
      %get3A_650 = arith.index_cast %get3A_649 : i32 to index
      %get3A_651 = arith.index_cast %add3A_648 : i32 to index
      %get3A_652 = arith.constant 48 : index
      %get3A_653 = tpu.vector_load %arg6[%get3A_650, %get3A_651, %get3A_652] {strides = array<i32>} : memref<6x104x128xf32, #tpu.memory_space<vmem>>, vector<16xf32>,
      %add3A_654 = arith.constant 1 : i32
      %add3A_655 = arith.addi %mul3A_599, %add3A_654 : i32
      %get3A_656 = arith.constant 4 : i32
      %get3A_657 = arith.index_cast %get3A_656 : i32 to index
      %get3A_658 = arith.index_cast %add3A_655 : i32 to index
      %get3A_659 = arith.constant 48 : index
      %get3A_660 = tpu.vector_load %arg6[%get3A_657, %get3A_658, %get3A_659] {strides = array<i32>} : memref<6x104x128xf32, #tpu.memory_space<vmem>>, vector<16xf32>,
      %add3A_661 = arith.addf %get3A_653, %get3A_660 : vector<16xf32>
      %add3A_662 = arith.addf %scan3A_593, %add3A_661 : vector<16xf32>
      %add3A_663 = arith.constant 0 : i32
      %add3A_664 = arith.addi %mul3A_599, %add3A_663 : i32
      %get3A_665 = arith.constant 4 : i32
      %get3A_666 = arith.index_cast %get3A_665 : i32 to index
      %get3A_667 = arith.index_cast %add3A_664 : i32 to index
      %get3A_668 = arith.constant 64 : index
      %get3A_669 = tpu.vector_load %arg6[%get3A_666, %get3A_667, %get3A_668] {strides = array<i32>} : memref<6x104x128xf32, #tpu.memory_space<vmem>>, vector<16xf32>,
      %add3A_670 = arith.constant 1 : i32
      %add3A_671 = arith.addi %mul3A_599, %add3A_670 : i32
      %get3A_672 = arith.constant 4 : i32
      %get3A_673 = arith.index_cast %get3A_672 : i32 to index
      %get3A_674 = arith.index_cast %add3A_671 : i32 to index
      %get3A_675 = arith.constant 64 : index
      %get3A_676 = tpu.vector_load %arg6[%get3A_673, %get3A_674, %get3A_675] {strides = array<i32>} : memref<6x104x128xf32, #tpu.memory_space<vmem>>, vector<16xf32>,
      %add3A_677 = arith.addf %get3A_669, %get3A_676 : vector<16xf32>
      %add3A_678 = arith.addf %scan3A_594, %add3A_677 : vector<16xf32>
      %add3A_679 = arith.constant 0 : i32
      %add3A_680 = arith.addi %mul3A_599, %add3A_679 : i32
      %get3A_681 = arith.constant 4 : i32
      %get3A_682 = arith.index_cast %get3A_681 : i32 to index
      %get3A_683 = arith.index_cast %add3A_680 : i32 to index
      %get3A_684 = arith.constant 80 : index
      %get3A_685 = tpu.vector_load %arg6[%get3A_682, %get3A_683, %get3A_684] {strides = array<i32>} : memref<6x104x128xf32, #tpu.memory_space<vmem>>, vector<16xf32>,
      %add3A_686 = arith.constant 1 : i32
      %add3A_687 = arith.addi %mul3A_599, %add3A_686 : i32
      %get3A_688 = arith.constant 4 : i32
      %get3A_689 = arith.index_cast %get3A_688 : i32 to index
      %get3A_690 = arith.index_cast %add3A_687 : i32 to index
      %get3A_691 = arith.constant 80 : index
      %get3A_692 = tpu.vector_load %arg6[%get3A_689, %get3A_690, %get3A_691] {strides = array<i32>} : memref<6x104x128xf32, #tpu.memory_space<vmem>>, vector<16xf32>,
      %add3A_693 = arith.addf %get3A_685, %get3A_692 : vector<16xf32>
      %add3A_694 = arith.addf %scan3A_595, %add3A_693 : vector<16xf32>
      %add3A_695 = arith.constant 0 : i32
      %add3A_696 = arith.addi %mul3A_599, %add3A_695 : i32
      %get3A_697 = arith.constant 4 : i32
      %get3A_698 = arith.index_cast %get3A_697 : i32 to index
      %get3A_699 = arith.index_cast %add3A_696 : i32 to index
      %get3A_700 = arith.constant 96 : index
      %get3A_701 = tpu.vector_load %arg6[%get3A_698, %get3A_699, %get3A_700] {strides = array<i32>} : memref<6x104x128xf32, #tpu.memory_space<vmem>>, vector<16xf32>,
      %add3A_702 = arith.constant 1 : i32
      %add3A_703 = arith.addi %mul3A_599, %add3A_702 : i32
      %get3A_704 = arith.constant 4 : i32
      %get3A_705 = arith.index_cast %get3A_704 : i32 to index
      %get3A_706 = arith.index_cast %add3A_703 : i32 to index
      %get3A_707 = arith.constant 96 : index
      %get3A_708 = tpu.vector_load %arg6[%get3A_705, %get3A_706, %get3A_707] {strides = array<i32>} : memref<6x104x128xf32, #tpu.memory_space<vmem>>, vector<16xf32>,
      %add3A_709 = arith.addf %get3A_701, %get3A_708 : vector<16xf32>
      %add3A_710 = arith.addf %scan3A_596, %add3A_709 : vector<16xf32>
      %add3A_711 = arith.constant 0 : i32
      %add3A_712 = arith.addi %mul3A_599, %add3A_711 : i32
      %get3A_713 = arith.constant 4 : i32
      %get3A_714 = arith.index_cast %get3A_713 : i32 to index
      %get3A_715 = arith.index_cast %add3A_712 : i32 to index
      %get3A_716 = arith.constant 112 : index
      %get3A_717 = tpu.vector_load %arg6[%get3A_714, %get3A_715, %get3A_716] {strides = array<i32>} : memref<6x104x128xf32, #tpu.memory_space<vmem>>, vector<16xf32>,
      %add3A_718 = arith.constant 1 : i32
      %add3A_719 = arith.addi %mul3A_599, %add3A_718 : i32
      %get3A_720 = arith.constant 4 : i32
      %get3A_721 = arith.index_cast %get3A_720 : i32 to index
      %get3A_722 = arith.index_cast %add3A_719 : i32 to index
      %get3A_723 = arith.constant 112 : index
      %get3A_724 = tpu.vector_load %arg6[%get3A_721, %get3A_722, %get3A_723] {strides = array<i32>} : memref<6x104x128xf32, #tpu.memory_space<vmem>>, vector<16xf32>,
      %add3A_725 = arith.addf %get3A_717, %get3A_724 : vector<16xf32>
      %add3A_726 = arith.addf %scan3A_597, %add3A_725 : vector<16xf32>
      scf.yield %add3A_614, %add3A_630, %add3A_646, %add3A_662, %add3A_678, %add3A_694, %add3A_710, %add3A_726 : vector<16xf32>, vector<16xf32>, vector<16xf32>, vector<16xf32>, vector<16xf32>, vector<16xf32>, vector<16xf32>, vector<16xf32>
    }
    %scan3A_344 = arith.constant 52 : i32
    %dma_wait3A_345 = arith.constant 0 : i32
    %dma_wait3A_346 = arith.constant 5 : i32
    %dma_wait3A_347 = arith.constant 0 : i32
    %dma_wait3A_348 = arith.constant 0 : i32
    %dma_wait3A_349 = tpu.memref_slice %arg6[%dma_wait3A_346, %dma_wait3A_347, %dma_wait3A_348] : memref<6x104x128xf32, #tpu.memory_space<vmem>> -> memref<1x96x128xf32, #tpu.memory_space<vmem>>
    %dma_wait3A_350 = tpu.memref_squeeze %dma_wait3A_349 : memref<1x96x128xf32, #tpu.memory_space<vmem>> -> memref<96x128xf32, #tpu.memory_space<vmem>>
    %dma_wait3A_351 = arith.constant 104 : i32
    %dma_wait3A_352 = tpu.memref_slice %arg5[%dma_wait3A_345, %dma_wait3A_351] : memref<128x200xi32, #tpu.memory_space<vmem>> -> memref<1x96xi32, #tpu.memory_space<vmem>>
    %dma_wait3A_353 = tpu.memref_squeeze %dma_wait3A_352 : memref<1x96xi32, #tpu.memory_space<vmem>> -> memref<96xi32, #tpu.memory_space<vmem>>
    %dma_wait3A_354 = arith.constant 0 : i32
    %dma_wait3A_355 = arith.constant 0 : i32
    %dma_wait3A_356 = tpu.memref_slice %arg3[%dma_wait3A_354, %dma_wait3A_355] : memref<100000x128xf32, #tpu.memory_space<hbm>> -> memref<100000x128xf32, #tpu.memory_space<hbm>>
    tpu.wait_indirect_dma semaphore(%arg13 : memref<!tpu.dma_semaphore, #tpu.memory_space<semaphore_mem>>) src(%dma_wait3A_356 : memref<100000x128xf32, #tpu.memory_space<hbm>>) dst(%dma_wait3A_350 : memref<96x128xf32, #tpu.memory_space<vmem>>)
    %scan3A_357 = arith.constant 0 : i32
    %scan3A_358 = arith.constant 48 : i32
    %scan3A_359 = arith.addi %scan3A_357, %scan3A_358 : i32
    %scan3A_360 = arith.constant 1 : i32
    %scan3A_361:8 = scf.for %scan3A_589 = %scan3A_357 to %scan3A_359 step %scan3A_360 iter_args(%scan3A_590 = %scan3A_343#0, %scan3A_591 = %scan3A_343#1, %scan3A_592 = %scan3A_343#2, %scan3A_593 = %scan3A_343#3, %scan3A_594 = %scan3A_343#4, %scan3A_595 = %scan3A_343#5, %scan3A_596 = %scan3A_343#6, %scan3A_597 = %scan3A_343#7) -> (vector<16xf32>, vector<16xf32>, vector<16xf32>, vector<16xf32>, vector<16xf32>, vector<16xf32>, vector<16xf32>, vector<16xf32>)  : i32 {
      %mul3A_598 = arith.constant 2 : i32
      %mul3A_599 = arith.muli %scan3A_589, %mul3A_598 : i32
      %add3A_600 = arith.constant 0 : i32
      %add3A_601 = arith.addi %mul3A_599, %add3A_600 : i32
      %get3A = arith.constant 5 : i32
      %get3A_602 = arith.index_cast %get3A : i32 to index
      %get3A_603 = arith.index_cast %add3A_601 : i32 to index
      %get3A_604 = arith.constant 0 : index
      %get3A_605 = tpu.vector_load %arg6[%get3A_602, %get3A_603, %get3A_604] {strides = array<i32>} : memref<6x104x128xf32, #tpu.memory_space<vmem>>, vector<16xf32>,
      %add3A_606 = arith.constant 1 : i32
      %add3A_607 = arith.addi %mul3A_599, %add3A_606 : i32
      %get3A_608 = arith.constant 5 : i32
      %get3A_609 = arith.index_cast %get3A_608 : i32 to index
      %get3A_610 = arith.index_cast %add3A_607 : i32 to index
      %get3A_611 = arith.constant 0 : index
      %get3A_612 = tpu.vector_load %arg6[%get3A_609, %get3A_610, %get3A_611] {strides = array<i32>} : memref<6x104x128xf32, #tpu.memory_space<vmem>>, vector<16xf32>,
      %add3A_613 = arith.addf %get3A_605, %get3A_612 : vector<16xf32>
      %add3A_614 = arith.addf %scan3A_590, %add3A_613 : vector<16xf32>
      %add3A_615 = arith.constant 0 : i32
      %add3A_616 = arith.addi %mul3A_599, %add3A_615 : i32
      %get3A_617 = arith.constant 5 : i32
      %get3A_618 = arith.index_cast %get3A_617 : i32 to index
      %get3A_619 = arith.index_cast %add3A_616 : i32 to index
      %get3A_620 = arith.constant 16 : index
      %get3A_621 = tpu.vector_load %arg6[%get3A_618, %get3A_619, %get3A_620] {strides = array<i32>} : memref<6x104x128xf32, #tpu.memory_space<vmem>>, vector<16xf32>,
      %add3A_622 = arith.constant 1 : i32
      %add3A_623 = arith.addi %mul3A_599, %add3A_622 : i32
      %get3A_624 = arith.constant 5 : i32
      %get3A_625 = arith.index_cast %get3A_624 : i32 to index
      %get3A_626 = arith.index_cast %add3A_623 : i32 to index
      %get3A_627 = arith.constant 16 : index
      %get3A_628 = tpu.vector_load %arg6[%get3A_625, %get3A_626, %get3A_627] {strides = array<i32>} : memref<6x104x128xf32, #tpu.memory_space<vmem>>, vector<16xf32>,
      %add3A_629 = arith.addf %get3A_621, %get3A_628 : vector<16xf32>
      %add3A_630 = arith.addf %scan3A_591, %add3A_629 : vector<16xf32>
      %add3A_631 = arith.constant 0 : i32
      %add3A_632 = arith.addi %mul3A_599, %add3A_631 : i32
      %get3A_633 = arith.constant 5 : i32
      %get3A_634 = arith.index_cast %get3A_633 : i32 to index
      %get3A_635 = arith.index_cast %add3A_632 : i32 to index
      %get3A_636 = arith.constant 32 : index
      %get3A_637 = tpu.vector_load %arg6[%get3A_634, %get3A_635, %get3A_636] {strides = array<i32>} : memref<6x104x128xf32, #tpu.memory_space<vmem>>, vector<16xf32>,
      %add3A_638 = arith.constant 1 : i32
      %add3A_639 = arith.addi %mul3A_599, %add3A_638 : i32
      %get3A_640 = arith.constant 5 : i32
      %get3A_641 = arith.index_cast %get3A_640 : i32 to index
      %get3A_642 = arith.index_cast %add3A_639 : i32 to index
      %get3A_643 = arith.constant 32 : index
      %get3A_644 = tpu.vector_load %arg6[%get3A_641, %get3A_642, %get3A_643] {strides = array<i32>} : memref<6x104x128xf32, #tpu.memory_space<vmem>>, vector<16xf32>,
      %add3A_645 = arith.addf %get3A_637, %get3A_644 : vector<16xf32>
      %add3A_646 = arith.addf %scan3A_592, %add3A_645 : vector<16xf32>
      %add3A_647 = arith.constant 0 : i32
      %add3A_648 = arith.addi %mul3A_599, %add3A_647 : i32
      %get3A_649 = arith.constant 5 : i32
      %get3A_650 = arith.index_cast %get3A_649 : i32 to index
      %get3A_651 = arith.index_cast %add3A_648 : i32 to index
      %get3A_652 = arith.constant 48 : index
      %get3A_653 = tpu.vector_load %arg6[%get3A_650, %get3A_651, %get3A_652] {strides = array<i32>} : memref<6x104x128xf32, #tpu.memory_space<vmem>>, vector<16xf32>,
      %add3A_654 = arith.constant 1 : i32
      %add3A_655 = arith.addi %mul3A_599, %add3A_654 : i32
      %get3A_656 = arith.constant 5 : i32
      %get3A_657 = arith.index_cast %get3A_656 : i32 to index
      %get3A_658 = arith.index_cast %add3A_655 : i32 to index
      %get3A_659 = arith.constant 48 : index
      %get3A_660 = tpu.vector_load %arg6[%get3A_657, %get3A_658, %get3A_659] {strides = array<i32>} : memref<6x104x128xf32, #tpu.memory_space<vmem>>, vector<16xf32>,
      %add3A_661 = arith.addf %get3A_653, %get3A_660 : vector<16xf32>
      %add3A_662 = arith.addf %scan3A_593, %add3A_661 : vector<16xf32>
      %add3A_663 = arith.constant 0 : i32
      %add3A_664 = arith.addi %mul3A_599, %add3A_663 : i32
      %get3A_665 = arith.constant 5 : i32
      %get3A_666 = arith.index_cast %get3A_665 : i32 to index
      %get3A_667 = arith.index_cast %add3A_664 : i32 to index
      %get3A_668 = arith.constant 64 : index
      %get3A_669 = tpu.vector_load %arg6[%get3A_666, %get3A_667, %get3A_668] {strides = array<i32>} : memref<6x104x128xf32, #tpu.memory_space<vmem>>, vector<16xf32>,
      %add3A_670 = arith.constant 1 : i32
      %add3A_671 = arith.addi %mul3A_599, %add3A_670 : i32
      %get3A_672 = arith.constant 5 : i32
      %get3A_673 = arith.index_cast %get3A_672 : i32 to index
      %get3A_674 = arith.index_cast %add3A_671 : i32 to index
      %get3A_675 = arith.constant 64 : index
      %get3A_676 = tpu.vector_load %arg6[%get3A_673, %get3A_674, %get3A_675] {strides = array<i32>} : memref<6x104x128xf32, #tpu.memory_space<vmem>>, vector<16xf32>,
      %add3A_677 = arith.addf %get3A_669, %get3A_676 : vector<16xf32>
      %add3A_678 = arith.addf %scan3A_594, %add3A_677 : vector<16xf32>
      %add3A_679 = arith.constant 0 : i32
      %add3A_680 = arith.addi %mul3A_599, %add3A_679 : i32
      %get3A_681 = arith.constant 5 : i32
      %get3A_682 = arith.index_cast %get3A_681 : i32 to index
      %get3A_683 = arith.index_cast %add3A_680 : i32 to index
      %get3A_684 = arith.constant 80 : index
      %get3A_685 = tpu.vector_load %arg6[%get3A_682, %get3A_683, %get3A_684] {strides = array<i32>} : memref<6x104x128xf32, #tpu.memory_space<vmem>>, vector<16xf32>,
      %add3A_686 = arith.constant 1 : i32
      %add3A_687 = arith.addi %mul3A_599, %add3A_686 : i32
      %get3A_688 = arith.constant 5 : i32
      %get3A_689 = arith.index_cast %get3A_688 : i32 to index
      %get3A_690 = arith.index_cast %add3A_687 : i32 to index
      %get3A_691 = arith.constant 80 : index
      %get3A_692 = tpu.vector_load %arg6[%get3A_689, %get3A_690, %get3A_691] {strides = array<i32>} : memref<6x104x128xf32, #tpu.memory_space<vmem>>, vector<16xf32>,
      %add3A_693 = arith.addf %get3A_685, %get3A_692 : vector<16xf32>
      %add3A_694 = arith.addf %scan3A_595, %add3A_693 : vector<16xf32>
      %add3A_695 = arith.constant 0 : i32
      %add3A_696 = arith.addi %mul3A_599, %add3A_695 : i32
      %get3A_697 = arith.constant 5 : i32
      %get3A_698 = arith.index_cast %get3A_697 : i32 to index
      %get3A_699 = arith.index_cast %add3A_696 : i32 to index
      %get3A_700 = arith.constant 96 : index
      %get3A_701 = tpu.vector_load %arg6[%get3A_698, %get3A_699, %get3A_700] {strides = array<i32>} : memref<6x104x128xf32, #tpu.memory_space<vmem>>, vector<16xf32>,
      %add3A_702 = arith.constant 1 : i32
      %add3A_703 = arith.addi %mul3A_599, %add3A_702 : i32
      %get3A_704 = arith.constant 5 : i32
      %get3A_705 = arith.index_cast %get3A_704 : i32 to index
      %get3A_706 = arith.index_cast %add3A_703 : i32 to index
      %get3A_707 = arith.constant 96 : index
      %get3A_708 = tpu.vector_load %arg6[%get3A_705, %get3A_706, %get3A_707] {strides = array<i32>} : memref<6x104x128xf32, #tpu.memory_space<vmem>>, vector<16xf32>,
      %add3A_709 = arith.addf %get3A_701, %get3A_708 : vector<16xf32>
      %add3A_710 = arith.addf %scan3A_596, %add3A_709 : vector<16xf32>
      %add3A_711 = arith.constant 0 : i32
      %add3A_712 = arith.addi %mul3A_599, %add3A_711 : i32
      %get3A_713 = arith.constant 5 : i32
      %get3A_714 = arith.index_cast %get3A_713 : i32 to index
      %get3A_715 = arith.index_cast %add3A_712 : i32 to index
      %get3A_716 = arith.constant 112 : index
      %get3A_717 = tpu.vector_load %arg6[%get3A_714, %get3A_715, %get3A_716] {strides = array<i32>} : memref<6x104x128xf32, #tpu.memory_space<vmem>>, vector<16xf32>,
      %add3A_718 = arith.constant 1 : i32
      %add3A_719 = arith.addi %mul3A_599, %add3A_718 : i32
      %get3A_720 = arith.constant 5 : i32
      %get3A_721 = arith.index_cast %get3A_720 : i32 to index
      %get3A_722 = arith.index_cast %add3A_719 : i32 to index
      %get3A_723 = arith.constant 112 : index
      %get3A_724 = tpu.vector_load %arg6[%get3A_721, %get3A_722, %get3A_723] {strides = array<i32>} : memref<6x104x128xf32, #tpu.memory_space<vmem>>, vector<16xf32>,
      %add3A_725 = arith.addf %get3A_717, %get3A_724 : vector<16xf32>
      %add3A_726 = arith.addf %scan3A_597, %add3A_725 : vector<16xf32>
      scf.yield %add3A_614, %add3A_630, %add3A_646, %add3A_662, %add3A_678, %add3A_694, %add3A_710, %add3A_726 : vector<16xf32>, vector<16xf32>, vector<16xf32>, vector<16xf32>, vector<16xf32>, vector<16xf32>, vector<16xf32>, vector<16xf32>
    }
    %scan3A_362 = arith.constant 48 : i32
    %mul3A_363 = arith.mulf %scan3A_361#0, %broadcast_in_dim3A_1 : vector<16xf32>
    %swap3A_364 = arith.constant 125 : i32
    %swap3A_365 = arith.index_cast %swap3A_364 : i32 to index
    %swap3A_366 = arith.constant 0 : index
    %swap3A_367 = tpu.vector_load %arg7[%swap3A_365, %swap3A_366] {strides = array<i32>} : memref<128x128xf32, #tpu.memory_space<vmem>>, vector<16xf32>,
    tpu.vector_store %arg7[%swap3A_365, %swap3A_366], %mul3A_363 {strides = array<i32>} : memref<128x128xf32, #tpu.memory_space<vmem>>, vector<16xf32>,
    %mul3A_368 = arith.mulf %scan3A_361#1, %broadcast_in_dim3A_1 : vector<16xf32>
    %swap3A_369 = arith.constant 125 : i32
    %swap3A_370 = arith.index_cast %swap3A_369 : i32 to index
    %swap3A_371 = arith.constant 16 : index
    %swap3A_372 = tpu.vector_load %arg7[%swap3A_370, %swap3A_371] {strides = array<i32>} : memref<128x128xf32, #tpu.memory_space<vmem>>, vector<16xf32>,
    tpu.vector_store %arg7[%swap3A_370, %swap3A_371], %mul3A_368 {strides = array<i32>} : memref<128x128xf32, #tpu.memory_space<vmem>>, vector<16xf32>,
    %mul3A_373 = arith.mulf %scan3A_361#2, %broadcast_in_dim3A_1 : vector<16xf32>
    %swap3A_374 = arith.constant 125 : i32
    %swap3A_375 = arith.index_cast %swap3A_374 : i32 to index
    %swap3A_376 = arith.constant 32 : index
    %swap3A_377 = tpu.vector_load %arg7[%swap3A_375, %swap3A_376] {strides = array<i32>} : memref<128x128xf32, #tpu.memory_space<vmem>>, vector<16xf32>,
    tpu.vector_store %arg7[%swap3A_375, %swap3A_376], %mul3A_373 {strides = array<i32>} : memref<128x128xf32, #tpu.memory_space<vmem>>, vector<16xf32>,
    %mul3A_378 = arith.mulf %scan3A_361#3, %broadcast_in_dim3A_1 : vector<16xf32>
    %swap3A_379 = arith.constant 125 : i32
    %swap3A_380 = arith.index_cast %swap3A_379 : i32 to index
    %swap3A_381 = arith.constant 48 : index
    %swap3A_382 = tpu.vector_load %arg7[%swap3A_380, %swap3A_381] {strides = array<i32>} : memref<128x128xf32, #tpu.memory_space<vmem>>, vector<16xf32>,
    tpu.vector_store %arg7[%swap3A_380, %swap3A_381], %mul3A_378 {strides = array<i32>} : memref<128x128xf32, #tpu.memory_space<vmem>>, vector<16xf32>,
    %mul3A_383 = arith.mulf %scan3A_361#4, %broadcast_in_dim3A_1 : vector<16xf32>
    %swap3A_384 = arith.constant 125 : i32
    %swap3A_385 = arith.index_cast %swap3A_384 : i32 to index
    %swap3A_386 = arith.constant 64 : index
    %swap3A_387 = tpu.vector_load %arg7[%swap3A_385, %swap3A_386] {strides = array<i32>} : memref<128x128xf32, #tpu.memory_space<vmem>>, vector<16xf32>,
    tpu.vector_store %arg7[%swap3A_385, %swap3A_386], %mul3A_383 {strides = array<i32>} : memref<128x128xf32, #tpu.memory_space<vmem>>, vector<16xf32>,
    %mul3A_388 = arith.mulf %scan3A_361#5, %broadcast_in_dim3A_1 : vector<16xf32>
    %swap3A_389 = arith.constant 125 : i32
    %swap3A_390 = arith.index_cast %swap3A_389 : i32 to index
    %swap3A_391 = arith.constant 80 : index
    %swap3A_392 = tpu.vector_load %arg7[%swap3A_390, %swap3A_391] {strides = array<i32>} : memref<128x128xf32, #tpu.memory_space<vmem>>, vector<16xf32>,
    tpu.vector_store %arg7[%swap3A_390, %swap3A_391], %mul3A_388 {strides = array<i32>} : memref<128x128xf32, #tpu.memory_space<vmem>>, vector<16xf32>,
    %mul3A_393 = arith.mulf %scan3A_361#6, %broadcast_in_dim3A_1 : vector<16xf32>
    %swap3A_394 = arith.constant 125 : i32
    %swap3A_395 = arith.index_cast %swap3A_394 : i32 to index
    %swap3A_396 = arith.constant 96 : index
    %swap3A_397 = tpu.vector_load %arg7[%swap3A_395, %swap3A_396] {strides = array<i32>} : memref<128x128xf32, #tpu.memory_space<vmem>>, vector<16xf32>,
    tpu.vector_store %arg7[%swap3A_395, %swap3A_396], %mul3A_393 {strides = array<i32>} : memref<128x128xf32, #tpu.memory_space<vmem>>, vector<16xf32>,
    %mul3A_398 = arith.mulf %scan3A_361#7, %broadcast_in_dim3A_1 : vector<16xf32>
    %swap3A_399 = arith.constant 125 : i32
    %swap3A_400 = arith.index_cast %swap3A_399 : i32 to index
    %swap3A_401 = arith.constant 112 : index
    %swap3A_402 = tpu.vector_load %arg7[%swap3A_400, %swap3A_401] {strides = array<i32>} : memref<128x128xf32, #tpu.memory_space<vmem>>, vector<16xf32>,
    tpu.vector_store %arg7[%swap3A_400, %swap3A_401], %mul3A_398 {strides = array<i32>} : memref<128x128xf32, #tpu.memory_space<vmem>>, vector<16xf32>,
    %broadcast_in_dim3A_403 = arith.constant 0.000000e+00 : f32
    %broadcast_in_dim3A_404 = vector.broadcast %broadcast_in_dim3A_403 : f32 to vector<16xf32>
    %broadcast_in_dim3A_405 = arith.constant 0.000000e+00 : f32
    %broadcast_in_dim3A_406 = vector.broadcast %broadcast_in_dim3A_405 : f32 to vector<16xf32>
    %broadcast_in_dim3A_407 = arith.constant 0.000000e+00 : f32
    %broadcast_in_dim3A_408 = vector.broadcast %broadcast_in_dim3A_407 : f32 to vector<16xf32>
    %broadcast_in_dim3A_409 = arith.constant 0.000000e+00 : f32
    %broadcast_in_dim3A_410 = vector.broadcast %broadcast_in_dim3A_409 : f32 to vector<16xf32>
    %broadcast_in_dim3A_411 = arith.constant 0.000000e+00 : f32
    %broadcast_in_dim3A_412 = vector.broadcast %broadcast_in_dim3A_411 : f32 to vector<16xf32>
    %broadcast_in_dim3A_413 = arith.constant 0.000000e+00 : f32
    %broadcast_in_dim3A_414 = vector.broadcast %broadcast_in_dim3A_413 : f32 to vector<16xf32>
    %broadcast_in_dim3A_415 = arith.constant 0.000000e+00 : f32
    %broadcast_in_dim3A_416 = vector.broadcast %broadcast_in_dim3A_415 : f32 to vector<16xf32>
    %broadcast_in_dim3A_417 = arith.constant 0.000000e+00 : f32
    %broadcast_in_dim3A_418 = vector.broadcast %broadcast_in_dim3A_417 : f32 to vector<16xf32>
    %dma_wait3A_419 = arith.constant 0 : i32
    %dma_wait3A_420 = arith.constant 0 : i32
    %dma_wait3A_421 = arith.constant 0 : i32
    %dma_wait3A_422 = arith.constant 0 : i32
    %dma_wait3A_423 = tpu.memref_slice %arg6[%dma_wait3A_420, %dma_wait3A_421, %dma_wait3A_422] : memref<6x104x128xf32, #tpu.memory_space<vmem>> -> memref<1x104x128xf32, #tpu.memory_space<vmem>>
    %dma_wait3A_424 = tpu.memref_squeeze %dma_wait3A_423 : memref<1x104x128xf32, #tpu.memory_space<vmem>> -> memref<104x128xf32, #tpu.memory_space<vmem>>
    %dma_wait3A_425 = arith.constant 0 : i32
    %dma_wait3A_426 = tpu.memref_slice %arg5[%dma_wait3A_419, %dma_wait3A_425] : memref<128x200xi32, #tpu.memory_space<vmem>> -> memref<1x104xi32, #tpu.memory_space<vmem>>
    %dma_wait3A_427 = tpu.memref_squeeze %dma_wait3A_426 : memref<1x104xi32, #tpu.memory_space<vmem>> -> memref<104xi32, #tpu.memory_space<vmem>>
    %dma_wait3A_428 = arith.constant 0 : i32
    %dma_wait3A_429 = arith.constant 0 : i32
    %dma_wait3A_430 = tpu.memref_slice %arg3[%dma_wait3A_428, %dma_wait3A_429] : memref<100000x128xf32, #tpu.memory_space<hbm>> -> memref<100000x128xf32, #tpu.memory_space<hbm>>
    tpu.wait_indirect_dma semaphore(%arg8 : memref<!tpu.dma_semaphore, #tpu.memory_space<semaphore_mem>>) src(%dma_wait3A_430 : memref<100000x128xf32, #tpu.memory_space<hbm>>) dst(%dma_wait3A_424 : memref<104x128xf32, #tpu.memory_space<vmem>>)
    %scan3A_431 = arith.constant 0 : i32
    %scan3A_432 = arith.constant 52 : i32
    %scan3A_433 = arith.addi %scan3A_431, %scan3A_432 : i32
    %scan3A_434 = arith.constant 1 : i32
    %scan3A_435:8 = scf.for %scan3A_589 = %scan3A_431 to %scan3A_433 step %scan3A_434 iter_args(%scan3A_590 = %broadcast_in_dim3A_404, %scan3A_591 = %broadcast_in_dim3A_406, %scan3A_592 = %broadcast_in_dim3A_408, %scan3A_593 = %broadcast_in_dim3A_410, %scan3A_594 = %broadcast_in_dim3A_412, %scan3A_595 = %broadcast_in_dim3A_414, %scan3A_596 = %broadcast_in_dim3A_416, %scan3A_597 = %broadcast_in_dim3A_418) -> (vector<16xf32>, vector<16xf32>, vector<16xf32>, vector<16xf32>, vector<16xf32>, vector<16xf32>, vector<16xf32>, vector<16xf32>)  : i32 {
      %mul3A_598 = arith.constant 2 : i32
      %mul3A_599 = arith.muli %scan3A_589, %mul3A_598 : i32
      %add3A_600 = arith.constant 0 : i32
      %add3A_601 = arith.addi %mul3A_599, %add3A_600 : i32
      %get3A = arith.constant 0 : i32
      %get3A_602 = arith.index_cast %get3A : i32 to index
      %get3A_603 = arith.index_cast %add3A_601 : i32 to index
      %get3A_604 = arith.constant 0 : index
      %get3A_605 = tpu.vector_load %arg6[%get3A_602, %get3A_603, %get3A_604] {strides = array<i32>} : memref<6x104x128xf32, #tpu.memory_space<vmem>>, vector<16xf32>,
      %add3A_606 = arith.constant 1 : i32
      %add3A_607 = arith.addi %mul3A_599, %add3A_606 : i32
      %get3A_608 = arith.constant 0 : i32
      %get3A_609 = arith.index_cast %get3A_608 : i32 to index
      %get3A_610 = arith.index_cast %add3A_607 : i32 to index
      %get3A_611 = arith.constant 0 : index
      %get3A_612 = tpu.vector_load %arg6[%get3A_609, %get3A_610, %get3A_611] {strides = array<i32>} : memref<6x104x128xf32, #tpu.memory_space<vmem>>, vector<16xf32>,
      %add3A_613 = arith.addf %get3A_605, %get3A_612 : vector<16xf32>
      %add3A_614 = arith.addf %scan3A_590, %add3A_613 : vector<16xf32>
      %add3A_615 = arith.constant 0 : i32
      %add3A_616 = arith.addi %mul3A_599, %add3A_615 : i32
      %get3A_617 = arith.constant 0 : i32
      %get3A_618 = arith.index_cast %get3A_617 : i32 to index
      %get3A_619 = arith.index_cast %add3A_616 : i32 to index
      %get3A_620 = arith.constant 16 : index
      %get3A_621 = tpu.vector_load %arg6[%get3A_618, %get3A_619, %get3A_620] {strides = array<i32>} : memref<6x104x128xf32, #tpu.memory_space<vmem>>, vector<16xf32>,
      %add3A_622 = arith.constant 1 : i32
      %add3A_623 = arith.addi %mul3A_599, %add3A_622 : i32
      %get3A_624 = arith.constant 0 : i32
      %get3A_625 = arith.index_cast %get3A_624 : i32 to index
      %get3A_626 = arith.index_cast %add3A_623 : i32 to index
      %get3A_627 = arith.constant 16 : index
      %get3A_628 = tpu.vector_load %arg6[%get3A_625, %get3A_626, %get3A_627] {strides = array<i32>} : memref<6x104x128xf32, #tpu.memory_space<vmem>>, vector<16xf32>,
      %add3A_629 = arith.addf %get3A_621, %get3A_628 : vector<16xf32>
      %add3A_630 = arith.addf %scan3A_591, %add3A_629 : vector<16xf32>
      %add3A_631 = arith.constant 0 : i32
      %add3A_632 = arith.addi %mul3A_599, %add3A_631 : i32
      %get3A_633 = arith.constant 0 : i32
      %get3A_634 = arith.index_cast %get3A_633 : i32 to index
      %get3A_635 = arith.index_cast %add3A_632 : i32 to index
      %get3A_636 = arith.constant 32 : index
      %get3A_637 = tpu.vector_load %arg6[%get3A_634, %get3A_635, %get3A_636] {strides = array<i32>} : memref<6x104x128xf32, #tpu.memory_space<vmem>>, vector<16xf32>,
      %add3A_638 = arith.constant 1 : i32
      %add3A_639 = arith.addi %mul3A_599, %add3A_638 : i32
      %get3A_640 = arith.constant 0 : i32
      %get3A_641 = arith.index_cast %get3A_640 : i32 to index
      %get3A_642 = arith.index_cast %add3A_639 : i32 to index
      %get3A_643 = arith.constant 32 : index
      %get3A_644 = tpu.vector_load %arg6[%get3A_641, %get3A_642, %get3A_643] {strides = array<i32>} : memref<6x104x128xf32, #tpu.memory_space<vmem>>, vector<16xf32>,
      %add3A_645 = arith.addf %get3A_637, %get3A_644 : vector<16xf32>
      %add3A_646 = arith.addf %scan3A_592, %add3A_645 : vector<16xf32>
      %add3A_647 = arith.constant 0 : i32
      %add3A_648 = arith.addi %mul3A_599, %add3A_647 : i32
      %get3A_649 = arith.constant 0 : i32
      %get3A_650 = arith.index_cast %get3A_649 : i32 to index
      %get3A_651 = arith.index_cast %add3A_648 : i32 to index
      %get3A_652 = arith.constant 48 : index
      %get3A_653 = tpu.vector_load %arg6[%get3A_650, %get3A_651, %get3A_652] {strides = array<i32>} : memref<6x104x128xf32, #tpu.memory_space<vmem>>, vector<16xf32>,
      %add3A_654 = arith.constant 1 : i32
      %add3A_655 = arith.addi %mul3A_599, %add3A_654 : i32
      %get3A_656 = arith.constant 0 : i32
      %get3A_657 = arith.index_cast %get3A_656 : i32 to index
      %get3A_658 = arith.index_cast %add3A_655 : i32 to index
      %get3A_659 = arith.constant 48 : index
      %get3A_660 = tpu.vector_load %arg6[%get3A_657, %get3A_658, %get3A_659] {strides = array<i32>} : memref<6x104x128xf32, #tpu.memory_space<vmem>>, vector<16xf32>,
      %add3A_661 = arith.addf %get3A_653, %get3A_660 : vector<16xf32>
      %add3A_662 = arith.addf %scan3A_593, %add3A_661 : vector<16xf32>
      %add3A_663 = arith.constant 0 : i32
      %add3A_664 = arith.addi %mul3A_599, %add3A_663 : i32
      %get3A_665 = arith.constant 0 : i32
      %get3A_666 = arith.index_cast %get3A_665 : i32 to index
      %get3A_667 = arith.index_cast %add3A_664 : i32 to index
      %get3A_668 = arith.constant 64 : index
      %get3A_669 = tpu.vector_load %arg6[%get3A_666, %get3A_667, %get3A_668] {strides = array<i32>} : memref<6x104x128xf32, #tpu.memory_space<vmem>>, vector<16xf32>,
      %add3A_670 = arith.constant 1 : i32
      %add3A_671 = arith.addi %mul3A_599, %add3A_670 : i32
      %get3A_672 = arith.constant 0 : i32
      %get3A_673 = arith.index_cast %get3A_672 : i32 to index
      %get3A_674 = arith.index_cast %add3A_671 : i32 to index
      %get3A_675 = arith.constant 64 : index
      %get3A_676 = tpu.vector_load %arg6[%get3A_673, %get3A_674, %get3A_675] {strides = array<i32>} : memref<6x104x128xf32, #tpu.memory_space<vmem>>, vector<16xf32>,
      %add3A_677 = arith.addf %get3A_669, %get3A_676 : vector<16xf32>
      %add3A_678 = arith.addf %scan3A_594, %add3A_677 : vector<16xf32>
      %add3A_679 = arith.constant 0 : i32
      %add3A_680 = arith.addi %mul3A_599, %add3A_679 : i32
      %get3A_681 = arith.constant 0 : i32
      %get3A_682 = arith.index_cast %get3A_681 : i32 to index
      %get3A_683 = arith.index_cast %add3A_680 : i32 to index
      %get3A_684 = arith.constant 80 : index
      %get3A_685 = tpu.vector_load %arg6[%get3A_682, %get3A_683, %get3A_684] {strides = array<i32>} : memref<6x104x128xf32, #tpu.memory_space<vmem>>, vector<16xf32>,
      %add3A_686 = arith.constant 1 : i32
      %add3A_687 = arith.addi %mul3A_599, %add3A_686 : i32
      %get3A_688 = arith.constant 0 : i32
      %get3A_689 = arith.index_cast %get3A_688 : i32 to index
      %get3A_690 = arith.index_cast %add3A_687 : i32 to index
      %get3A_691 = arith.constant 80 : index
      %get3A_692 = tpu.vector_load %arg6[%get3A_689, %get3A_690, %get3A_691] {strides = array<i32>} : memref<6x104x128xf32, #tpu.memory_space<vmem>>, vector<16xf32>,
      %add3A_693 = arith.addf %get3A_685, %get3A_692 : vector<16xf32>
      %add3A_694 = arith.addf %scan3A_595, %add3A_693 : vector<16xf32>
      %add3A_695 = arith.constant 0 : i32
      %add3A_696 = arith.addi %mul3A_599, %add3A_695 : i32
      %get3A_697 = arith.constant 0 : i32
      %get3A_698 = arith.index_cast %get3A_697 : i32 to index
      %get3A_699 = arith.index_cast %add3A_696 : i32 to index
      %get3A_700 = arith.constant 96 : index
      %get3A_701 = tpu.vector_load %arg6[%get3A_698, %get3A_699, %get3A_700] {strides = array<i32>} : memref<6x104x128xf32, #tpu.memory_space<vmem>>, vector<16xf32>,
      %add3A_702 = arith.constant 1 : i32
      %add3A_703 = arith.addi %mul3A_599, %add3A_702 : i32
      %get3A_704 = arith.constant 0 : i32
      %get3A_705 = arith.index_cast %get3A_704 : i32 to index
      %get3A_706 = arith.index_cast %add3A_703 : i32 to index
      %get3A_707 = arith.constant 96 : index
      %get3A_708 = tpu.vector_load %arg6[%get3A_705, %get3A_706, %get3A_707] {strides = array<i32>} : memref<6x104x128xf32, #tpu.memory_space<vmem>>, vector<16xf32>,
      %add3A_709 = arith.addf %get3A_701, %get3A_708 : vector<16xf32>
      %add3A_710 = arith.addf %scan3A_596, %add3A_709 : vector<16xf32>
      %add3A_711 = arith.constant 0 : i32
      %add3A_712 = arith.addi %mul3A_599, %add3A_711 : i32
      %get3A_713 = arith.constant 0 : i32
      %get3A_714 = arith.index_cast %get3A_713 : i32 to index
      %get3A_715 = arith.index_cast %add3A_712 : i32 to index
      %get3A_716 = arith.constant 112 : index
      %get3A_717 = tpu.vector_load %arg6[%get3A_714, %get3A_715, %get3A_716] {strides = array<i32>} : memref<6x104x128xf32, #tpu.memory_space<vmem>>, vector<16xf32>,
      %add3A_718 = arith.constant 1 : i32
      %add3A_719 = arith.addi %mul3A_599, %add3A_718 : i32
      %get3A_720 = arith.constant 0 : i32
      %get3A_721 = arith.index_cast %get3A_720 : i32 to index
      %get3A_722 = arith.index_cast %add3A_719 : i32 to index
      %get3A_723 = arith.constant 112 : index
      %get3A_724 = tpu.vector_load %arg6[%get3A_721, %get3A_722, %get3A_723] {strides = array<i32>} : memref<6x104x128xf32, #tpu.memory_space<vmem>>, vector<16xf32>,
      %add3A_725 = arith.addf %get3A_717, %get3A_724 : vector<16xf32>
      %add3A_726 = arith.addf %scan3A_597, %add3A_725 : vector<16xf32>
      scf.yield %add3A_614, %add3A_630, %add3A_646, %add3A_662, %add3A_678, %add3A_694, %add3A_710, %add3A_726 : vector<16xf32>, vector<16xf32>, vector<16xf32>, vector<16xf32>, vector<16xf32>, vector<16xf32>, vector<16xf32>, vector<16xf32>
    }
    %scan3A_436 = arith.constant 52 : i32
    %dma_wait3A_437 = arith.constant 0 : i32
    %dma_wait3A_438 = arith.constant 1 : i32
    %dma_wait3A_439 = arith.constant 0 : i32
    %dma_wait3A_440 = arith.constant 0 : i32
    %dma_wait3A_441 = tpu.memref_slice %arg6[%dma_wait3A_438, %dma_wait3A_439, %dma_wait3A_440] : memref<6x104x128xf32, #tpu.memory_space<vmem>> -> memref<1x96x128xf32, #tpu.memory_space<vmem>>
    %dma_wait3A_442 = tpu.memref_squeeze %dma_wait3A_441 : memref<1x96x128xf32, #tpu.memory_space<vmem>> -> memref<96x128xf32, #tpu.memory_space<vmem>>
    %dma_wait3A_443 = arith.constant 104 : i32
    %dma_wait3A_444 = tpu.memref_slice %arg5[%dma_wait3A_437, %dma_wait3A_443] : memref<128x200xi32, #tpu.memory_space<vmem>> -> memref<1x96xi32, #tpu.memory_space<vmem>>
    %dma_wait3A_445 = tpu.memref_squeeze %dma_wait3A_444 : memref<1x96xi32, #tpu.memory_space<vmem>> -> memref<96xi32, #tpu.memory_space<vmem>>
    %dma_wait3A_446 = arith.constant 0 : i32
    %dma_wait3A_447 = arith.constant 0 : i32
    %dma_wait3A_448 = tpu.memref_slice %arg3[%dma_wait3A_446, %dma_wait3A_447] : memref<100000x128xf32, #tpu.memory_space<hbm>> -> memref<100000x128xf32, #tpu.memory_space<hbm>>
    tpu.wait_indirect_dma semaphore(%arg9 : memref<!tpu.dma_semaphore, #tpu.memory_space<semaphore_mem>>) src(%dma_wait3A_448 : memref<100000x128xf32, #tpu.memory_space<hbm>>) dst(%dma_wait3A_442 : memref<96x128xf32, #tpu.memory_space<vmem>>)
    %scan3A_449 = arith.constant 0 : i32
    %scan3A_450 = arith.constant 48 : i32
    %scan3A_451 = arith.addi %scan3A_449, %scan3A_450 : i32
    %scan3A_452 = arith.constant 1 : i32
    %scan3A_453:8 = scf.for %scan3A_589 = %scan3A_449 to %scan3A_451 step %scan3A_452 iter_args(%scan3A_590 = %scan3A_435#0, %scan3A_591 = %scan3A_435#1, %scan3A_592 = %scan3A_435#2, %scan3A_593 = %scan3A_435#3, %scan3A_594 = %scan3A_435#4, %scan3A_595 = %scan3A_435#5, %scan3A_596 = %scan3A_435#6, %scan3A_597 = %scan3A_435#7) -> (vector<16xf32>, vector<16xf32>, vector<16xf32>, vector<16xf32>, vector<16xf32>, vector<16xf32>, vector<16xf32>, vector<16xf32>)  : i32 {
      %mul3A_598 = arith.constant 2 : i32
      %mul3A_599 = arith.muli %scan3A_589, %mul3A_598 : i32
      %add3A_600 = arith.constant 0 : i32
      %add3A_601 = arith.addi %mul3A_599, %add3A_600 : i32
      %get3A = arith.constant 1 : i32
      %get3A_602 = arith.index_cast %get3A : i32 to index
      %get3A_603 = arith.index_cast %add3A_601 : i32 to index
      %get3A_604 = arith.constant 0 : index
      %get3A_605 = tpu.vector_load %arg6[%get3A_602, %get3A_603, %get3A_604] {strides = array<i32>} : memref<6x104x128xf32, #tpu.memory_space<vmem>>, vector<16xf32>,
      %add3A_606 = arith.constant 1 : i32
      %add3A_607 = arith.addi %mul3A_599, %add3A_606 : i32
      %get3A_608 = arith.constant 1 : i32
      %get3A_609 = arith.index_cast %get3A_608 : i32 to index
      %get3A_610 = arith.index_cast %add3A_607 : i32 to index
      %get3A_611 = arith.constant 0 : index
      %get3A_612 = tpu.vector_load %arg6[%get3A_609, %get3A_610, %get3A_611] {strides = array<i32>} : memref<6x104x128xf32, #tpu.memory_space<vmem>>, vector<16xf32>,
      %add3A_613 = arith.addf %get3A_605, %get3A_612 : vector<16xf32>
      %add3A_614 = arith.addf %scan3A_590, %add3A_613 : vector<16xf32>
      %add3A_615 = arith.constant 0 : i32
      %add3A_616 = arith.addi %mul3A_599, %add3A_615 : i32
      %get3A_617 = arith.constant 1 : i32
      %get3A_618 = arith.index_cast %get3A_617 : i32 to index
      %get3A_619 = arith.index_cast %add3A_616 : i32 to index
      %get3A_620 = arith.constant 16 : index
      %get3A_621 = tpu.vector_load %arg6[%get3A_618, %get3A_619, %get3A_620] {strides = array<i32>} : memref<6x104x128xf32, #tpu.memory_space<vmem>>, vector<16xf32>,
      %add3A_622 = arith.constant 1 : i32
      %add3A_623 = arith.addi %mul3A_599, %add3A_622 : i32
      %get3A_624 = arith.constant 1 : i32
      %get3A_625 = arith.index_cast %get3A_624 : i32 to index
      %get3A_626 = arith.index_cast %add3A_623 : i32 to index
      %get3A_627 = arith.constant 16 : index
      %get3A_628 = tpu.vector_load %arg6[%get3A_625, %get3A_626, %get3A_627] {strides = array<i32>} : memref<6x104x128xf32, #tpu.memory_space<vmem>>, vector<16xf32>,
      %add3A_629 = arith.addf %get3A_621, %get3A_628 : vector<16xf32>
      %add3A_630 = arith.addf %scan3A_591, %add3A_629 : vector<16xf32>
      %add3A_631 = arith.constant 0 : i32
      %add3A_632 = arith.addi %mul3A_599, %add3A_631 : i32
      %get3A_633 = arith.constant 1 : i32
      %get3A_634 = arith.index_cast %get3A_633 : i32 to index
      %get3A_635 = arith.index_cast %add3A_632 : i32 to index
      %get3A_636 = arith.constant 32 : index
      %get3A_637 = tpu.vector_load %arg6[%get3A_634, %get3A_635, %get3A_636] {strides = array<i32>} : memref<6x104x128xf32, #tpu.memory_space<vmem>>, vector<16xf32>,
      %add3A_638 = arith.constant 1 : i32
      %add3A_639 = arith.addi %mul3A_599, %add3A_638 : i32
      %get3A_640 = arith.constant 1 : i32
      %get3A_641 = arith.index_cast %get3A_640 : i32 to index
      %get3A_642 = arith.index_cast %add3A_639 : i32 to index
      %get3A_643 = arith.constant 32 : index
      %get3A_644 = tpu.vector_load %arg6[%get3A_641, %get3A_642, %get3A_643] {strides = array<i32>} : memref<6x104x128xf32, #tpu.memory_space<vmem>>, vector<16xf32>,
      %add3A_645 = arith.addf %get3A_637, %get3A_644 : vector<16xf32>
      %add3A_646 = arith.addf %scan3A_592, %add3A_645 : vector<16xf32>
      %add3A_647 = arith.constant 0 : i32
      %add3A_648 = arith.addi %mul3A_599, %add3A_647 : i32
      %get3A_649 = arith.constant 1 : i32
      %get3A_650 = arith.index_cast %get3A_649 : i32 to index
      %get3A_651 = arith.index_cast %add3A_648 : i32 to index
      %get3A_652 = arith.constant 48 : index
      %get3A_653 = tpu.vector_load %arg6[%get3A_650, %get3A_651, %get3A_652] {strides = array<i32>} : memref<6x104x128xf32, #tpu.memory_space<vmem>>, vector<16xf32>,
      %add3A_654 = arith.constant 1 : i32
      %add3A_655 = arith.addi %mul3A_599, %add3A_654 : i32
      %get3A_656 = arith.constant 1 : i32
      %get3A_657 = arith.index_cast %get3A_656 : i32 to index
      %get3A_658 = arith.index_cast %add3A_655 : i32 to index
      %get3A_659 = arith.constant 48 : index
      %get3A_660 = tpu.vector_load %arg6[%get3A_657, %get3A_658, %get3A_659] {strides = array<i32>} : memref<6x104x128xf32, #tpu.memory_space<vmem>>, vector<16xf32>,
      %add3A_661 = arith.addf %get3A_653, %get3A_660 : vector<16xf32>
      %add3A_662 = arith.addf %scan3A_593, %add3A_661 : vector<16xf32>
      %add3A_663 = arith.constant 0 : i32
      %add3A_664 = arith.addi %mul3A_599, %add3A_663 : i32
      %get3A_665 = arith.constant 1 : i32
      %get3A_666 = arith.index_cast %get3A_665 : i32 to index
      %get3A_667 = arith.index_cast %add3A_664 : i32 to index
      %get3A_668 = arith.constant 64 : index
      %get3A_669 = tpu.vector_load %arg6[%get3A_666, %get3A_667, %get3A_668] {strides = array<i32>} : memref<6x104x128xf32, #tpu.memory_space<vmem>>, vector<16xf32>,
      %add3A_670 = arith.constant 1 : i32
      %add3A_671 = arith.addi %mul3A_599, %add3A_670 : i32
      %get3A_672 = arith.constant 1 : i32
      %get3A_673 = arith.index_cast %get3A_672 : i32 to index
      %get3A_674 = arith.index_cast %add3A_671 : i32 to index
      %get3A_675 = arith.constant 64 : index
      %get3A_676 = tpu.vector_load %arg6[%get3A_673, %get3A_674, %get3A_675] {strides = array<i32>} : memref<6x104x128xf32, #tpu.memory_space<vmem>>, vector<16xf32>,
      %add3A_677 = arith.addf %get3A_669, %get3A_676 : vector<16xf32>
      %add3A_678 = arith.addf %scan3A_594, %add3A_677 : vector<16xf32>
      %add3A_679 = arith.constant 0 : i32
      %add3A_680 = arith.addi %mul3A_599, %add3A_679 : i32
      %get3A_681 = arith.constant 1 : i32
      %get3A_682 = arith.index_cast %get3A_681 : i32 to index
      %get3A_683 = arith.index_cast %add3A_680 : i32 to index
      %get3A_684 = arith.constant 80 : index
      %get3A_685 = tpu.vector_load %arg6[%get3A_682, %get3A_683, %get3A_684] {strides = array<i32>} : memref<6x104x128xf32, #tpu.memory_space<vmem>>, vector<16xf32>,
      %add3A_686 = arith.constant 1 : i32
      %add3A_687 = arith.addi %mul3A_599, %add3A_686 : i32
      %get3A_688 = arith.constant 1 : i32
      %get3A_689 = arith.index_cast %get3A_688 : i32 to index
      %get3A_690 = arith.index_cast %add3A_687 : i32 to index
      %get3A_691 = arith.constant 80 : index
      %get3A_692 = tpu.vector_load %arg6[%get3A_689, %get3A_690, %get3A_691] {strides = array<i32>} : memref<6x104x128xf32, #tpu.memory_space<vmem>>, vector<16xf32>,
      %add3A_693 = arith.addf %get3A_685, %get3A_692 : vector<16xf32>
      %add3A_694 = arith.addf %scan3A_595, %add3A_693 : vector<16xf32>
      %add3A_695 = arith.constant 0 : i32
      %add3A_696 = arith.addi %mul3A_599, %add3A_695 : i32
      %get3A_697 = arith.constant 1 : i32
      %get3A_698 = arith.index_cast %get3A_697 : i32 to index
      %get3A_699 = arith.index_cast %add3A_696 : i32 to index
      %get3A_700 = arith.constant 96 : index
      %get3A_701 = tpu.vector_load %arg6[%get3A_698, %get3A_699, %get3A_700] {strides = array<i32>} : memref<6x104x128xf32, #tpu.memory_space<vmem>>, vector<16xf32>,
      %add3A_702 = arith.constant 1 : i32
      %add3A_703 = arith.addi %mul3A_599, %add3A_702 : i32
      %get3A_704 = arith.constant 1 : i32
      %get3A_705 = arith.index_cast %get3A_704 : i32 to index
      %get3A_706 = arith.index_cast %add3A_703 : i32 to index
      %get3A_707 = arith.constant 96 : index
      %get3A_708 = tpu.vector_load %arg6[%get3A_705, %get3A_706, %get3A_707] {strides = array<i32>} : memref<6x104x128xf32, #tpu.memory_space<vmem>>, vector<16xf32>,
      %add3A_709 = arith.addf %get3A_701, %get3A_708 : vector<16xf32>
      %add3A_710 = arith.addf %scan3A_596, %add3A_709 : vector<16xf32>
      %add3A_711 = arith.constant 0 : i32
      %add3A_712 = arith.addi %mul3A_599, %add3A_711 : i32
      %get3A_713 = arith.constant 1 : i32
      %get3A_714 = arith.index_cast %get3A_713 : i32 to index
      %get3A_715 = arith.index_cast %add3A_712 : i32 to index
      %get3A_716 = arith.constant 112 : index
      %get3A_717 = tpu.vector_load %arg6[%get3A_714, %get3A_715, %get3A_716] {strides = array<i32>} : memref<6x104x128xf32, #tpu.memory_space<vmem>>, vector<16xf32>,
      %add3A_718 = arith.constant 1 : i32
      %add3A_719 = arith.addi %mul3A_599, %add3A_718 : i32
      %get3A_720 = arith.constant 1 : i32
      %get3A_721 = arith.index_cast %get3A_720 : i32 to index
      %get3A_722 = arith.index_cast %add3A_719 : i32 to index
      %get3A_723 = arith.constant 112 : index
      %get3A_724 = tpu.vector_load %arg6[%get3A_721, %get3A_722, %get3A_723] {strides = array<i32>} : memref<6x104x128xf32, #tpu.memory_space<vmem>>, vector<16xf32>,
      %add3A_725 = arith.addf %get3A_717, %get3A_724 : vector<16xf32>
      %add3A_726 = arith.addf %scan3A_597, %add3A_725 : vector<16xf32>
      scf.yield %add3A_614, %add3A_630, %add3A_646, %add3A_662, %add3A_678, %add3A_694, %add3A_710, %add3A_726 : vector<16xf32>, vector<16xf32>, vector<16xf32>, vector<16xf32>, vector<16xf32>, vector<16xf32>, vector<16xf32>, vector<16xf32>
    }
    %scan3A_454 = arith.constant 48 : i32
    %mul3A_455 = arith.mulf %scan3A_453#0, %broadcast_in_dim3A_1 : vector<16xf32>
    %swap3A_456 = arith.constant 126 : i32
    %swap3A_457 = arith.index_cast %swap3A_456 : i32 to index
    %swap3A_458 = arith.constant 0 : index
    %swap3A_459 = tpu.vector_load %arg7[%swap3A_457, %swap3A_458] {strides = array<i32>} : memref<128x128xf32, #tpu.memory_space<vmem>>, vector<16xf32>,
    tpu.vector_store %arg7[%swap3A_457, %swap3A_458], %mul3A_455 {strides = array<i32>} : memref<128x128xf32, #tpu.memory_space<vmem>>, vector<16xf32>,
    %mul3A_460 = arith.mulf %scan3A_453#1, %broadcast_in_dim3A_1 : vector<16xf32>
    %swap3A_461 = arith.constant 126 : i32
    %swap3A_462 = arith.index_cast %swap3A_461 : i32 to index
    %swap3A_463 = arith.constant 16 : index
    %swap3A_464 = tpu.vector_load %arg7[%swap3A_462, %swap3A_463] {strides = array<i32>} : memref<128x128xf32, #tpu.memory_space<vmem>>, vector<16xf32>,
    tpu.vector_store %arg7[%swap3A_462, %swap3A_463], %mul3A_460 {strides = array<i32>} : memref<128x128xf32, #tpu.memory_space<vmem>>, vector<16xf32>,
    %mul3A_465 = arith.mulf %scan3A_453#2, %broadcast_in_dim3A_1 : vector<16xf32>
    %swap3A_466 = arith.constant 126 : i32
    %swap3A_467 = arith.index_cast %swap3A_466 : i32 to index
    %swap3A_468 = arith.constant 32 : index
    %swap3A_469 = tpu.vector_load %arg7[%swap3A_467, %swap3A_468] {strides = array<i32>} : memref<128x128xf32, #tpu.memory_space<vmem>>, vector<16xf32>,
    tpu.vector_store %arg7[%swap3A_467, %swap3A_468], %mul3A_465 {strides = array<i32>} : memref<128x128xf32, #tpu.memory_space<vmem>>, vector<16xf32>,
    %mul3A_470 = arith.mulf %scan3A_453#3, %broadcast_in_dim3A_1 : vector<16xf32>
    %swap3A_471 = arith.constant 126 : i32
    %swap3A_472 = arith.index_cast %swap3A_471 : i32 to index
    %swap3A_473 = arith.constant 48 : index
    %swap3A_474 = tpu.vector_load %arg7[%swap3A_472, %swap3A_473] {strides = array<i32>} : memref<128x128xf32, #tpu.memory_space<vmem>>, vector<16xf32>,
    tpu.vector_store %arg7[%swap3A_472, %swap3A_473], %mul3A_470 {strides = array<i32>} : memref<128x128xf32, #tpu.memory_space<vmem>>, vector<16xf32>,
    %mul3A_475 = arith.mulf %scan3A_453#4, %broadcast_in_dim3A_1 : vector<16xf32>
    %swap3A_476 = arith.constant 126 : i32
    %swap3A_477 = arith.index_cast %swap3A_476 : i32 to index
    %swap3A_478 = arith.constant 64 : index
    %swap3A_479 = tpu.vector_load %arg7[%swap3A_477, %swap3A_478] {strides = array<i32>} : memref<128x128xf32, #tpu.memory_space<vmem>>, vector<16xf32>,
    tpu.vector_store %arg7[%swap3A_477, %swap3A_478], %mul3A_475 {strides = array<i32>} : memref<128x128xf32, #tpu.memory_space<vmem>>, vector<16xf32>,
    %mul3A_480 = arith.mulf %scan3A_453#5, %broadcast_in_dim3A_1 : vector<16xf32>
    %swap3A_481 = arith.constant 126 : i32
    %swap3A_482 = arith.index_cast %swap3A_481 : i32 to index
    %swap3A_483 = arith.constant 80 : index
    %swap3A_484 = tpu.vector_load %arg7[%swap3A_482, %swap3A_483] {strides = array<i32>} : memref<128x128xf32, #tpu.memory_space<vmem>>, vector<16xf32>,
    tpu.vector_store %arg7[%swap3A_482, %swap3A_483], %mul3A_480 {strides = array<i32>} : memref<128x128xf32, #tpu.memory_space<vmem>>, vector<16xf32>,
    %mul3A_485 = arith.mulf %scan3A_453#6, %broadcast_in_dim3A_1 : vector<16xf32>
    %swap3A_486 = arith.constant 126 : i32
    %swap3A_487 = arith.index_cast %swap3A_486 : i32 to index
    %swap3A_488 = arith.constant 96 : index
    %swap3A_489 = tpu.vector_load %arg7[%swap3A_487, %swap3A_488] {strides = array<i32>} : memref<128x128xf32, #tpu.memory_space<vmem>>, vector<16xf32>,
    tpu.vector_store %arg7[%swap3A_487, %swap3A_488], %mul3A_485 {strides = array<i32>} : memref<128x128xf32, #tpu.memory_space<vmem>>, vector<16xf32>,
    %mul3A_490 = arith.mulf %scan3A_453#7, %broadcast_in_dim3A_1 : vector<16xf32>
    %swap3A_491 = arith.constant 126 : i32
    %swap3A_492 = arith.index_cast %swap3A_491 : i32 to index
    %swap3A_493 = arith.constant 112 : index
    %swap3A_494 = tpu.vector_load %arg7[%swap3A_492, %swap3A_493] {strides = array<i32>} : memref<128x128xf32, #tpu.memory_space<vmem>>, vector<16xf32>,
    tpu.vector_store %arg7[%swap3A_492, %swap3A_493], %mul3A_490 {strides = array<i32>} : memref<128x128xf32, #tpu.memory_space<vmem>>, vector<16xf32>,
    %broadcast_in_dim3A_495 = arith.constant 0.000000e+00 : f32
    %broadcast_in_dim3A_496 = vector.broadcast %broadcast_in_dim3A_495 : f32 to vector<16xf32>
    %broadcast_in_dim3A_497 = arith.constant 0.000000e+00 : f32
    %broadcast_in_dim3A_498 = vector.broadcast %broadcast_in_dim3A_497 : f32 to vector<16xf32>
    %broadcast_in_dim3A_499 = arith.constant 0.000000e+00 : f32
    %broadcast_in_dim3A_500 = vector.broadcast %broadcast_in_dim3A_499 : f32 to vector<16xf32>
    %broadcast_in_dim3A_501 = arith.constant 0.000000e+00 : f32
    %broadcast_in_dim3A_502 = vector.broadcast %broadcast_in_dim3A_501 : f32 to vector<16xf32>
    %broadcast_in_dim3A_503 = arith.constant 0.000000e+00 : f32
    %broadcast_in_dim3A_504 = vector.broadcast %broadcast_in_dim3A_503 : f32 to vector<16xf32>
    %broadcast_in_dim3A_505 = arith.constant 0.000000e+00 : f32
    %broadcast_in_dim3A_506 = vector.broadcast %broadcast_in_dim3A_505 : f32 to vector<16xf32>
    %broadcast_in_dim3A_507 = arith.constant 0.000000e+00 : f32
    %broadcast_in_dim3A_508 = vector.broadcast %broadcast_in_dim3A_507 : f32 to vector<16xf32>
    %broadcast_in_dim3A_509 = arith.constant 0.000000e+00 : f32
    %broadcast_in_dim3A_510 = vector.broadcast %broadcast_in_dim3A_509 : f32 to vector<16xf32>
    %dma_wait3A_511 = arith.constant 0 : i32
    %dma_wait3A_512 = arith.constant 2 : i32
    %dma_wait3A_513 = arith.constant 0 : i32
    %dma_wait3A_514 = arith.constant 0 : i32
    %dma_wait3A_515 = tpu.memref_slice %arg6[%dma_wait3A_512, %dma_wait3A_513, %dma_wait3A_514] : memref<6x104x128xf32, #tpu.memory_space<vmem>> -> memref<1x104x128xf32, #tpu.memory_space<vmem>>
    %dma_wait3A_516 = tpu.memref_squeeze %dma_wait3A_515 : memref<1x104x128xf32, #tpu.memory_space<vmem>> -> memref<104x128xf32, #tpu.memory_space<vmem>>
    %dma_wait3A_517 = arith.constant 0 : i32
    %dma_wait3A_518 = tpu.memref_slice %arg5[%dma_wait3A_511, %dma_wait3A_517] : memref<128x200xi32, #tpu.memory_space<vmem>> -> memref<1x104xi32, #tpu.memory_space<vmem>>
    %dma_wait3A_519 = tpu.memref_squeeze %dma_wait3A_518 : memref<1x104xi32, #tpu.memory_space<vmem>> -> memref<104xi32, #tpu.memory_space<vmem>>
    %dma_wait3A_520 = arith.constant 0 : i32
    %dma_wait3A_521 = arith.constant 0 : i32
    %dma_wait3A_522 = tpu.memref_slice %arg3[%dma_wait3A_520, %dma_wait3A_521] : memref<100000x128xf32, #tpu.memory_space<hbm>> -> memref<100000x128xf32, #tpu.memory_space<hbm>>
    tpu.wait_indirect_dma semaphore(%arg10 : memref<!tpu.dma_semaphore, #tpu.memory_space<semaphore_mem>>) src(%dma_wait3A_522 : memref<100000x128xf32, #tpu.memory_space<hbm>>) dst(%dma_wait3A_516 : memref<104x128xf32, #tpu.memory_space<vmem>>)
    %scan3A_523 = arith.constant 0 : i32
    %scan3A_524 = arith.constant 52 : i32
    %scan3A_525 = arith.addi %scan3A_523, %scan3A_524 : i32
    %scan3A_526 = arith.constant 1 : i32
    %scan3A_527:8 = scf.for %scan3A_589 = %scan3A_523 to %scan3A_525 step %scan3A_526 iter_args(%scan3A_590 = %broadcast_in_dim3A_496, %scan3A_591 = %broadcast_in_dim3A_498, %scan3A_592 = %broadcast_in_dim3A_500, %scan3A_593 = %broadcast_in_dim3A_502, %scan3A_594 = %broadcast_in_dim3A_504, %scan3A_595 = %broadcast_in_dim3A_506, %scan3A_596 = %broadcast_in_dim3A_508, %scan3A_597 = %broadcast_in_dim3A_510) -> (vector<16xf32>, vector<16xf32>, vector<16xf32>, vector<16xf32>, vector<16xf32>, vector<16xf32>, vector<16xf32>, vector<16xf32>)  : i32 {
      %mul3A_598 = arith.constant 2 : i32
      %mul3A_599 = arith.muli %scan3A_589, %mul3A_598 : i32
      %add3A_600 = arith.constant 0 : i32
      %add3A_601 = arith.addi %mul3A_599, %add3A_600 : i32
      %get3A = arith.constant 2 : i32
      %get3A_602 = arith.index_cast %get3A : i32 to index
      %get3A_603 = arith.index_cast %add3A_601 : i32 to index
      %get3A_604 = arith.constant 0 : index
      %get3A_605 = tpu.vector_load %arg6[%get3A_602, %get3A_603, %get3A_604] {strides = array<i32>} : memref<6x104x128xf32, #tpu.memory_space<vmem>>, vector<16xf32>,
      %add3A_606 = arith.constant 1 : i32
      %add3A_607 = arith.addi %mul3A_599, %add3A_606 : i32
      %get3A_608 = arith.constant 2 : i32
      %get3A_609 = arith.index_cast %get3A_608 : i32 to index
      %get3A_610 = arith.index_cast %add3A_607 : i32 to index
      %get3A_611 = arith.constant 0 : index
      %get3A_612 = tpu.vector_load %arg6[%get3A_609, %get3A_610, %get3A_611] {strides = array<i32>} : memref<6x104x128xf32, #tpu.memory_space<vmem>>, vector<16xf32>,
      %add3A_613 = arith.addf %get3A_605, %get3A_612 : vector<16xf32>
      %add3A_614 = arith.addf %scan3A_590, %add3A_613 : vector<16xf32>
      %add3A_615 = arith.constant 0 : i32
      %add3A_616 = arith.addi %mul3A_599, %add3A_615 : i32
      %get3A_617 = arith.constant 2 : i32
      %get3A_618 = arith.index_cast %get3A_617 : i32 to index
      %get3A_619 = arith.index_cast %add3A_616 : i32 to index
      %get3A_620 = arith.constant 16 : index
      %get3A_621 = tpu.vector_load %arg6[%get3A_618, %get3A_619, %get3A_620] {strides = array<i32>} : memref<6x104x128xf32, #tpu.memory_space<vmem>>, vector<16xf32>,
      %add3A_622 = arith.constant 1 : i32
      %add3A_623 = arith.addi %mul3A_599, %add3A_622 : i32
      %get3A_624 = arith.constant 2 : i32
      %get3A_625 = arith.index_cast %get3A_624 : i32 to index
      %get3A_626 = arith.index_cast %add3A_623 : i32 to index
      %get3A_627 = arith.constant 16 : index
      %get3A_628 = tpu.vector_load %arg6[%get3A_625, %get3A_626, %get3A_627] {strides = array<i32>} : memref<6x104x128xf32, #tpu.memory_space<vmem>>, vector<16xf32>,
      %add3A_629 = arith.addf %get3A_621, %get3A_628 : vector<16xf32>
      %add3A_630 = arith.addf %scan3A_591, %add3A_629 : vector<16xf32>
      %add3A_631 = arith.constant 0 : i32
      %add3A_632 = arith.addi %mul3A_599, %add3A_631 : i32
      %get3A_633 = arith.constant 2 : i32
      %get3A_634 = arith.index_cast %get3A_633 : i32 to index
      %get3A_635 = arith.index_cast %add3A_632 : i32 to index
      %get3A_636 = arith.constant 32 : index
      %get3A_637 = tpu.vector_load %arg6[%get3A_634, %get3A_635, %get3A_636] {strides = array<i32>} : memref<6x104x128xf32, #tpu.memory_space<vmem>>, vector<16xf32>,
      %add3A_638 = arith.constant 1 : i32
      %add3A_639 = arith.addi %mul3A_599, %add3A_638 : i32
      %get3A_640 = arith.constant 2 : i32
      %get3A_641 = arith.index_cast %get3A_640 : i32 to index
      %get3A_642 = arith.index_cast %add3A_639 : i32 to index
      %get3A_643 = arith.constant 32 : index
      %get3A_644 = tpu.vector_load %arg6[%get3A_641, %get3A_642, %get3A_643] {strides = array<i32>} : memref<6x104x128xf32, #tpu.memory_space<vmem>>, vector<16xf32>,
      %add3A_645 = arith.addf %get3A_637, %get3A_644 : vector<16xf32>
      %add3A_646 = arith.addf %scan3A_592, %add3A_645 : vector<16xf32>
      %add3A_647 = arith.constant 0 : i32
      %add3A_648 = arith.addi %mul3A_599, %add3A_647 : i32
      %get3A_649 = arith.constant 2 : i32
      %get3A_650 = arith.index_cast %get3A_649 : i32 to index
      %get3A_651 = arith.index_cast %add3A_648 : i32 to index
      %get3A_652 = arith.constant 48 : index
      %get3A_653 = tpu.vector_load %arg6[%get3A_650, %get3A_651, %get3A_652] {strides = array<i32>} : memref<6x104x128xf32, #tpu.memory_space<vmem>>, vector<16xf32>,
      %add3A_654 = arith.constant 1 : i32
      %add3A_655 = arith.addi %mul3A_599, %add3A_654 : i32
      %get3A_656 = arith.constant 2 : i32
      %get3A_657 = arith.index_cast %get3A_656 : i32 to index
      %get3A_658 = arith.index_cast %add3A_655 : i32 to index
      %get3A_659 = arith.constant 48 : index
      %get3A_660 = tpu.vector_load %arg6[%get3A_657, %get3A_658, %get3A_659] {strides = array<i32>} : memref<6x104x128xf32, #tpu.memory_space<vmem>>, vector<16xf32>,
      %add3A_661 = arith.addf %get3A_653, %get3A_660 : vector<16xf32>
      %add3A_662 = arith.addf %scan3A_593, %add3A_661 : vector<16xf32>
      %add3A_663 = arith.constant 0 : i32
      %add3A_664 = arith.addi %mul3A_599, %add3A_663 : i32
      %get3A_665 = arith.constant 2 : i32
      %get3A_666 = arith.index_cast %get3A_665 : i32 to index
      %get3A_667 = arith.index_cast %add3A_664 : i32 to index
      %get3A_668 = arith.constant 64 : index
      %get3A_669 = tpu.vector_load %arg6[%get3A_666, %get3A_667, %get3A_668] {strides = array<i32>} : memref<6x104x128xf32, #tpu.memory_space<vmem>>, vector<16xf32>,
      %add3A_670 = arith.constant 1 : i32
      %add3A_671 = arith.addi %mul3A_599, %add3A_670 : i32
      %get3A_672 = arith.constant 2 : i32
      %get3A_673 = arith.index_cast %get3A_672 : i32 to index
      %get3A_674 = arith.index_cast %add3A_671 : i32 to index
      %get3A_675 = arith.constant 64 : index
      %get3A_676 = tpu.vector_load %arg6[%get3A_673, %get3A_674, %get3A_675] {strides = array<i32>} : memref<6x104x128xf32, #tpu.memory_space<vmem>>, vector<16xf32>,
      %add3A_677 = arith.addf %get3A_669, %get3A_676 : vector<16xf32>
      %add3A_678 = arith.addf %scan3A_594, %add3A_677 : vector<16xf32>
      %add3A_679 = arith.constant 0 : i32
      %add3A_680 = arith.addi %mul3A_599, %add3A_679 : i32
      %get3A_681 = arith.constant 2 : i32
      %get3A_682 = arith.index_cast %get3A_681 : i32 to index
      %get3A_683 = arith.index_cast %add3A_680 : i32 to index
      %get3A_684 = arith.constant 80 : index
      %get3A_685 = tpu.vector_load %arg6[%get3A_682, %get3A_683, %get3A_684] {strides = array<i32>} : memref<6x104x128xf32, #tpu.memory_space<vmem>>, vector<16xf32>,
      %add3A_686 = arith.constant 1 : i32
      %add3A_687 = arith.addi %mul3A_599, %add3A_686 : i32
      %get3A_688 = arith.constant 2 : i32
      %get3A_689 = arith.index_cast %get3A_688 : i32 to index
      %get3A_690 = arith.index_cast %add3A_687 : i32 to index
      %get3A_691 = arith.constant 80 : index
      %get3A_692 = tpu.vector_load %arg6[%get3A_689, %get3A_690, %get3A_691] {strides = array<i32>} : memref<6x104x128xf32, #tpu.memory_space<vmem>>, vector<16xf32>,
      %add3A_693 = arith.addf %get3A_685, %get3A_692 : vector<16xf32>
      %add3A_694 = arith.addf %scan3A_595, %add3A_693 : vector<16xf32>
      %add3A_695 = arith.constant 0 : i32
      %add3A_696 = arith.addi %mul3A_599, %add3A_695 : i32
      %get3A_697 = arith.constant 2 : i32
      %get3A_698 = arith.index_cast %get3A_697 : i32 to index
      %get3A_699 = arith.index_cast %add3A_696 : i32 to index
      %get3A_700 = arith.constant 96 : index
      %get3A_701 = tpu.vector_load %arg6[%get3A_698, %get3A_699, %get3A_700] {strides = array<i32>} : memref<6x104x128xf32, #tpu.memory_space<vmem>>, vector<16xf32>,
      %add3A_702 = arith.constant 1 : i32
      %add3A_703 = arith.addi %mul3A_599, %add3A_702 : i32
      %get3A_704 = arith.constant 2 : i32
      %get3A_705 = arith.index_cast %get3A_704 : i32 to index
      %get3A_706 = arith.index_cast %add3A_703 : i32 to index
      %get3A_707 = arith.constant 96 : index
      %get3A_708 = tpu.vector_load %arg6[%get3A_705, %get3A_706, %get3A_707] {strides = array<i32>} : memref<6x104x128xf32, #tpu.memory_space<vmem>>, vector<16xf32>,
      %add3A_709 = arith.addf %get3A_701, %get3A_708 : vector<16xf32>
      %add3A_710 = arith.addf %scan3A_596, %add3A_709 : vector<16xf32>
      %add3A_711 = arith.constant 0 : i32
      %add3A_712 = arith.addi %mul3A_599, %add3A_711 : i32
      %get3A_713 = arith.constant 2 : i32
      %get3A_714 = arith.index_cast %get3A_713 : i32 to index
      %get3A_715 = arith.index_cast %add3A_712 : i32 to index
      %get3A_716 = arith.constant 112 : index
      %get3A_717 = tpu.vector_load %arg6[%get3A_714, %get3A_715, %get3A_716] {strides = array<i32>} : memref<6x104x128xf32, #tpu.memory_space<vmem>>, vector<16xf32>,
      %add3A_718 = arith.constant 1 : i32
      %add3A_719 = arith.addi %mul3A_599, %add3A_718 : i32
      %get3A_720 = arith.constant 2 : i32
      %get3A_721 = arith.index_cast %get3A_720 : i32 to index
      %get3A_722 = arith.index_cast %add3A_719 : i32 to index
      %get3A_723 = arith.constant 112 : index
      %get3A_724 = tpu.vector_load %arg6[%get3A_721, %get3A_722, %get3A_723] {strides = array<i32>} : memref<6x104x128xf32, #tpu.memory_space<vmem>>, vector<16xf32>,
      %add3A_725 = arith.addf %get3A_717, %get3A_724 : vector<16xf32>
      %add3A_726 = arith.addf %scan3A_597, %add3A_725 : vector<16xf32>
      scf.yield %add3A_614, %add3A_630, %add3A_646, %add3A_662, %add3A_678, %add3A_694, %add3A_710, %add3A_726 : vector<16xf32>, vector<16xf32>, vector<16xf32>, vector<16xf32>, vector<16xf32>, vector<16xf32>, vector<16xf32>, vector<16xf32>
    }
    %scan3A_528 = arith.constant 52 : i32
    %dma_wait3A_529 = arith.constant 0 : i32
    %dma_wait3A_530 = arith.constant 3 : i32
    %dma_wait3A_531 = arith.constant 0 : i32
    %dma_wait3A_532 = arith.constant 0 : i32
    %dma_wait3A_533 = tpu.memref_slice %arg6[%dma_wait3A_530, %dma_wait3A_531, %dma_wait3A_532] : memref<6x104x128xf32, #tpu.memory_space<vmem>> -> memref<1x96x128xf32, #tpu.memory_space<vmem>>
    %dma_wait3A_534 = tpu.memref_squeeze %dma_wait3A_533 : memref<1x96x128xf32, #tpu.memory_space<vmem>> -> memref<96x128xf32, #tpu.memory_space<vmem>>
    %dma_wait3A_535 = arith.constant 104 : i32
    %dma_wait3A_536 = tpu.memref_slice %arg5[%dma_wait3A_529, %dma_wait3A_535] : memref<128x200xi32, #tpu.memory_space<vmem>> -> memref<1x96xi32, #tpu.memory_space<vmem>>
    %dma_wait3A_537 = tpu.memref_squeeze %dma_wait3A_536 : memref<1x96xi32, #tpu.memory_space<vmem>> -> memref<96xi32, #tpu.memory_space<vmem>>
    %dma_wait3A_538 = arith.constant 0 : i32
    %dma_wait3A_539 = arith.constant 0 : i32
    %dma_wait3A_540 = tpu.memref_slice %arg3[%dma_wait3A_538, %dma_wait3A_539] : memref<100000x128xf32, #tpu.memory_space<hbm>> -> memref<100000x128xf32, #tpu.memory_space<hbm>>
    tpu.wait_indirect_dma semaphore(%arg11 : memref<!tpu.dma_semaphore, #tpu.memory_space<semaphore_mem>>) src(%dma_wait3A_540 : memref<100000x128xf32, #tpu.memory_space<hbm>>) dst(%dma_wait3A_534 : memref<96x128xf32, #tpu.memory_space<vmem>>)
    %scan3A_541 = arith.constant 0 : i32
    %scan3A_542 = arith.constant 48 : i32
    %scan3A_543 = arith.addi %scan3A_541, %scan3A_542 : i32
    %scan3A_544 = arith.constant 1 : i32
    %scan3A_545:8 = scf.for %scan3A_589 = %scan3A_541 to %scan3A_543 step %scan3A_544 iter_args(%scan3A_590 = %scan3A_527#0, %scan3A_591 = %scan3A_527#1, %scan3A_592 = %scan3A_527#2, %scan3A_593 = %scan3A_527#3, %scan3A_594 = %scan3A_527#4, %scan3A_595 = %scan3A_527#5, %scan3A_596 = %scan3A_527#6, %scan3A_597 = %scan3A_527#7) -> (vector<16xf32>, vector<16xf32>, vector<16xf32>, vector<16xf32>, vector<16xf32>, vector<16xf32>, vector<16xf32>, vector<16xf32>)  : i32 {
      %mul3A_598 = arith.constant 2 : i32
      %mul3A_599 = arith.muli %scan3A_589, %mul3A_598 : i32
      %add3A_600 = arith.constant 0 : i32
      %add3A_601 = arith.addi %mul3A_599, %add3A_600 : i32
      %get3A = arith.constant 3 : i32
      %get3A_602 = arith.index_cast %get3A : i32 to index
      %get3A_603 = arith.index_cast %add3A_601 : i32 to index
      %get3A_604 = arith.constant 0 : index
      %get3A_605 = tpu.vector_load %arg6[%get3A_602, %get3A_603, %get3A_604] {strides = array<i32>} : memref<6x104x128xf32, #tpu.memory_space<vmem>>, vector<16xf32>,
      %add3A_606 = arith.constant 1 : i32
      %add3A_607 = arith.addi %mul3A_599, %add3A_606 : i32
      %get3A_608 = arith.constant 3 : i32
      %get3A_609 = arith.index_cast %get3A_608 : i32 to index
      %get3A_610 = arith.index_cast %add3A_607 : i32 to index
      %get3A_611 = arith.constant 0 : index
      %get3A_612 = tpu.vector_load %arg6[%get3A_609, %get3A_610, %get3A_611] {strides = array<i32>} : memref<6x104x128xf32, #tpu.memory_space<vmem>>, vector<16xf32>,
      %add3A_613 = arith.addf %get3A_605, %get3A_612 : vector<16xf32>
      %add3A_614 = arith.addf %scan3A_590, %add3A_613 : vector<16xf32>
      %add3A_615 = arith.constant 0 : i32
      %add3A_616 = arith.addi %mul3A_599, %add3A_615 : i32
      %get3A_617 = arith.constant 3 : i32
      %get3A_618 = arith.index_cast %get3A_617 : i32 to index
      %get3A_619 = arith.index_cast %add3A_616 : i32 to index
      %get3A_620 = arith.constant 16 : index
      %get3A_621 = tpu.vector_load %arg6[%get3A_618, %get3A_619, %get3A_620] {strides = array<i32>} : memref<6x104x128xf32, #tpu.memory_space<vmem>>, vector<16xf32>,
      %add3A_622 = arith.constant 1 : i32
      %add3A_623 = arith.addi %mul3A_599, %add3A_622 : i32
      %get3A_624 = arith.constant 3 : i32
      %get3A_625 = arith.index_cast %get3A_624 : i32 to index
      %get3A_626 = arith.index_cast %add3A_623 : i32 to index
      %get3A_627 = arith.constant 16 : index
      %get3A_628 = tpu.vector_load %arg6[%get3A_625, %get3A_626, %get3A_627] {strides = array<i32>} : memref<6x104x128xf32, #tpu.memory_space<vmem>>, vector<16xf32>,
      %add3A_629 = arith.addf %get3A_621, %get3A_628 : vector<16xf32>
      %add3A_630 = arith.addf %scan3A_591, %add3A_629 : vector<16xf32>
      %add3A_631 = arith.constant 0 : i32
      %add3A_632 = arith.addi %mul3A_599, %add3A_631 : i32
      %get3A_633 = arith.constant 3 : i32
      %get3A_634 = arith.index_cast %get3A_633 : i32 to index
      %get3A_635 = arith.index_cast %add3A_632 : i32 to index
      %get3A_636 = arith.constant 32 : index
      %get3A_637 = tpu.vector_load %arg6[%get3A_634, %get3A_635, %get3A_636] {strides = array<i32>} : memref<6x104x128xf32, #tpu.memory_space<vmem>>, vector<16xf32>,
      %add3A_638 = arith.constant 1 : i32
      %add3A_639 = arith.addi %mul3A_599, %add3A_638 : i32
      %get3A_640 = arith.constant 3 : i32
      %get3A_641 = arith.index_cast %get3A_640 : i32 to index
      %get3A_642 = arith.index_cast %add3A_639 : i32 to index
      %get3A_643 = arith.constant 32 : index
      %get3A_644 = tpu.vector_load %arg6[%get3A_641, %get3A_642, %get3A_643] {strides = array<i32>} : memref<6x104x128xf32, #tpu.memory_space<vmem>>, vector<16xf32>,
      %add3A_645 = arith.addf %get3A_637, %get3A_644 : vector<16xf32>
      %add3A_646 = arith.addf %scan3A_592, %add3A_645 : vector<16xf32>
      %add3A_647 = arith.constant 0 : i32
      %add3A_648 = arith.addi %mul3A_599, %add3A_647 : i32
      %get3A_649 = arith.constant 3 : i32
      %get3A_650 = arith.index_cast %get3A_649 : i32 to index
      %get3A_651 = arith.index_cast %add3A_648 : i32 to index
      %get3A_652 = arith.constant 48 : index
      %get3A_653 = tpu.vector_load %arg6[%get3A_650, %get3A_651, %get3A_652] {strides = array<i32>} : memref<6x104x128xf32, #tpu.memory_space<vmem>>, vector<16xf32>,
      %add3A_654 = arith.constant 1 : i32
      %add3A_655 = arith.addi %mul3A_599, %add3A_654 : i32
      %get3A_656 = arith.constant 3 : i32
      %get3A_657 = arith.index_cast %get3A_656 : i32 to index
      %get3A_658 = arith.index_cast %add3A_655 : i32 to index
      %get3A_659 = arith.constant 48 : index
      %get3A_660 = tpu.vector_load %arg6[%get3A_657, %get3A_658, %get3A_659] {strides = array<i32>} : memref<6x104x128xf32, #tpu.memory_space<vmem>>, vector<16xf32>,
      %add3A_661 = arith.addf %get3A_653, %get3A_660 : vector<16xf32>
      %add3A_662 = arith.addf %scan3A_593, %add3A_661 : vector<16xf32>
      %add3A_663 = arith.constant 0 : i32
      %add3A_664 = arith.addi %mul3A_599, %add3A_663 : i32
      %get3A_665 = arith.constant 3 : i32
      %get3A_666 = arith.index_cast %get3A_665 : i32 to index
      %get3A_667 = arith.index_cast %add3A_664 : i32 to index
      %get3A_668 = arith.constant 64 : index
      %get3A_669 = tpu.vector_load %arg6[%get3A_666, %get3A_667, %get3A_668] {strides = array<i32>} : memref<6x104x128xf32, #tpu.memory_space<vmem>>, vector<16xf32>,
      %add3A_670 = arith.constant 1 : i32
      %add3A_671 = arith.addi %mul3A_599, %add3A_670 : i32
      %get3A_672 = arith.constant 3 : i32
      %get3A_673 = arith.index_cast %get3A_672 : i32 to index
      %get3A_674 = arith.index_cast %add3A_671 : i32 to index
      %get3A_675 = arith.constant 64 : index
      %get3A_676 = tpu.vector_load %arg6[%get3A_673, %get3A_674, %get3A_675] {strides = array<i32>} : memref<6x104x128xf32, #tpu.memory_space<vmem>>, vector<16xf32>,
      %add3A_677 = arith.addf %get3A_669, %get3A_676 : vector<16xf32>
      %add3A_678 = arith.addf %scan3A_594, %add3A_677 : vector<16xf32>
      %add3A_679 = arith.constant 0 : i32
      %add3A_680 = arith.addi %mul3A_599, %add3A_679 : i32
      %get3A_681 = arith.constant 3 : i32
      %get3A_682 = arith.index_cast %get3A_681 : i32 to index
      %get3A_683 = arith.index_cast %add3A_680 : i32 to index
      %get3A_684 = arith.constant 80 : index
      %get3A_685 = tpu.vector_load %arg6[%get3A_682, %get3A_683, %get3A_684] {strides = array<i32>} : memref<6x104x128xf32, #tpu.memory_space<vmem>>, vector<16xf32>,
      %add3A_686 = arith.constant 1 : i32
      %add3A_687 = arith.addi %mul3A_599, %add3A_686 : i32
      %get3A_688 = arith.constant 3 : i32
      %get3A_689 = arith.index_cast %get3A_688 : i32 to index
      %get3A_690 = arith.index_cast %add3A_687 : i32 to index
      %get3A_691 = arith.constant 80 : index
      %get3A_692 = tpu.vector_load %arg6[%get3A_689, %get3A_690, %get3A_691] {strides = array<i32>} : memref<6x104x128xf32, #tpu.memory_space<vmem>>, vector<16xf32>,
      %add3A_693 = arith.addf %get3A_685, %get3A_692 : vector<16xf32>
      %add3A_694 = arith.addf %scan3A_595, %add3A_693 : vector<16xf32>
      %add3A_695 = arith.constant 0 : i32
      %add3A_696 = arith.addi %mul3A_599, %add3A_695 : i32
      %get3A_697 = arith.constant 3 : i32
      %get3A_698 = arith.index_cast %get3A_697 : i32 to index
      %get3A_699 = arith.index_cast %add3A_696 : i32 to index
      %get3A_700 = arith.constant 96 : index
      %get3A_701 = tpu.vector_load %arg6[%get3A_698, %get3A_699, %get3A_700] {strides = array<i32>} : memref<6x104x128xf32, #tpu.memory_space<vmem>>, vector<16xf32>,
      %add3A_702 = arith.constant 1 : i32
      %add3A_703 = arith.addi %mul3A_599, %add3A_702 : i32
      %get3A_704 = arith.constant 3 : i32
      %get3A_705 = arith.index_cast %get3A_704 : i32 to index
      %get3A_706 = arith.index_cast %add3A_703 : i32 to index
      %get3A_707 = arith.constant 96 : index
      %get3A_708 = tpu.vector_load %arg6[%get3A_705, %get3A_706, %get3A_707] {strides = array<i32>} : memref<6x104x128xf32, #tpu.memory_space<vmem>>, vector<16xf32>,
      %add3A_709 = arith.addf %get3A_701, %get3A_708 : vector<16xf32>
      %add3A_710 = arith.addf %scan3A_596, %add3A_709 : vector<16xf32>
      %add3A_711 = arith.constant 0 : i32
      %add3A_712 = arith.addi %mul3A_599, %add3A_711 : i32
      %get3A_713 = arith.constant 3 : i32
      %get3A_714 = arith.index_cast %get3A_713 : i32 to index
      %get3A_715 = arith.index_cast %add3A_712 : i32 to index
      %get3A_716 = arith.constant 112 : index
      %get3A_717 = tpu.vector_load %arg6[%get3A_714, %get3A_715, %get3A_716] {strides = array<i32>} : memref<6x104x128xf32, #tpu.memory_space<vmem>>, vector<16xf32>,
      %add3A_718 = arith.constant 1 : i32
      %add3A_719 = arith.addi %mul3A_599, %add3A_718 : i32
      %get3A_720 = arith.constant 3 : i32
      %get3A_721 = arith.index_cast %get3A_720 : i32 to index
      %get3A_722 = arith.index_cast %add3A_719 : i32 to index
      %get3A_723 = arith.constant 112 : index
      %get3A_724 = tpu.vector_load %arg6[%get3A_721, %get3A_722, %get3A_723] {strides = array<i32>} : memref<6x104x128xf32, #tpu.memory_space<vmem>>, vector<16xf32>,
      %add3A_725 = arith.addf %get3A_717, %get3A_724 : vector<16xf32>
      %add3A_726 = arith.addf %scan3A_597, %add3A_725 : vector<16xf32>
      scf.yield %add3A_614, %add3A_630, %add3A_646, %add3A_662, %add3A_678, %add3A_694, %add3A_710, %add3A_726 : vector<16xf32>, vector<16xf32>, vector<16xf32>, vector<16xf32>, vector<16xf32>, vector<16xf32>, vector<16xf32>, vector<16xf32>
    }
    %scan3A_546 = arith.constant 48 : i32
    %mul3A_547 = arith.mulf %scan3A_545#0, %broadcast_in_dim3A_1 : vector<16xf32>
    %swap3A_548 = arith.constant 127 : i32
    %swap3A_549 = arith.index_cast %swap3A_548 : i32 to index
    %swap3A_550 = arith.constant 0 : index
    %swap3A_551 = tpu.vector_load %arg7[%swap3A_549, %swap3A_550] {strides = array<i32>} : memref<128x128xf32, #tpu.memory_space<vmem>>, vector<16xf32>,
    tpu.vector_store %arg7[%swap3A_549, %swap3A_550], %mul3A_547 {strides = array<i32>} : memref<128x128xf32, #tpu.memory_space<vmem>>, vector<16xf32>,
    %mul3A_552 = arith.mulf %scan3A_545#1, %broadcast_in_dim3A_1 : vector<16xf32>
    %swap3A_553 = arith.constant 127 : i32
    %swap3A_554 = arith.index_cast %swap3A_553 : i32 to index
    %swap3A_555 = arith.constant 16 : index
    %swap3A_556 = tpu.vector_load %arg7[%swap3A_554, %swap3A_555] {strides = array<i32>} : memref<128x128xf32, #tpu.memory_space<vmem>>, vector<16xf32>,
    tpu.vector_store %arg7[%swap3A_554, %swap3A_555], %mul3A_552 {strides = array<i32>} : memref<128x128xf32, #tpu.memory_space<vmem>>, vector<16xf32>,
    %mul3A_557 = arith.mulf %scan3A_545#2, %broadcast_in_dim3A_1 : vector<16xf32>
    %swap3A_558 = arith.constant 127 : i32
    %swap3A_559 = arith.index_cast %swap3A_558 : i32 to index
    %swap3A_560 = arith.constant 32 : index
    %swap3A_561 = tpu.vector_load %arg7[%swap3A_559, %swap3A_560] {strides = array<i32>} : memref<128x128xf32, #tpu.memory_space<vmem>>, vector<16xf32>,
    tpu.vector_store %arg7[%swap3A_559, %swap3A_560], %mul3A_557 {strides = array<i32>} : memref<128x128xf32, #tpu.memory_space<vmem>>, vector<16xf32>,
    %mul3A_562 = arith.mulf %scan3A_545#3, %broadcast_in_dim3A_1 : vector<16xf32>
    %swap3A_563 = arith.constant 127 : i32
    %swap3A_564 = arith.index_cast %swap3A_563 : i32 to index
    %swap3A_565 = arith.constant 48 : index
    %swap3A_566 = tpu.vector_load %arg7[%swap3A_564, %swap3A_565] {strides = array<i32>} : memref<128x128xf32, #tpu.memory_space<vmem>>, vector<16xf32>,
    tpu.vector_store %arg7[%swap3A_564, %swap3A_565], %mul3A_562 {strides = array<i32>} : memref<128x128xf32, #tpu.memory_space<vmem>>, vector<16xf32>,
    %mul3A_567 = arith.mulf %scan3A_545#4, %broadcast_in_dim3A_1 : vector<16xf32>
    %swap3A_568 = arith.constant 127 : i32
    %swap3A_569 = arith.index_cast %swap3A_568 : i32 to index
    %swap3A_570 = arith.constant 64 : index
    %swap3A_571 = tpu.vector_load %arg7[%swap3A_569, %swap3A_570] {strides = array<i32>} : memref<128x128xf32, #tpu.memory_space<vmem>>, vector<16xf32>,
    tpu.vector_store %arg7[%swap3A_569, %swap3A_570], %mul3A_567 {strides = array<i32>} : memref<128x128xf32, #tpu.memory_space<vmem>>, vector<16xf32>,
    %mul3A_572 = arith.mulf %scan3A_545#5, %broadcast_in_dim3A_1 : vector<16xf32>
    %swap3A_573 = arith.constant 127 : i32
    %swap3A_574 = arith.index_cast %swap3A_573 : i32 to index
    %swap3A_575 = arith.constant 80 : index
    %swap3A_576 = tpu.vector_load %arg7[%swap3A_574, %swap3A_575] {strides = array<i32>} : memref<128x128xf32, #tpu.memory_space<vmem>>, vector<16xf32>,
    tpu.vector_store %arg7[%swap3A_574, %swap3A_575], %mul3A_572 {strides = array<i32>} : memref<128x128xf32, #tpu.memory_space<vmem>>, vector<16xf32>,
    %mul3A_577 = arith.mulf %scan3A_545#6, %broadcast_in_dim3A_1 : vector<16xf32>
    %swap3A_578 = arith.constant 127 : i32
    %swap3A_579 = arith.index_cast %swap3A_578 : i32 to index
    %swap3A_580 = arith.constant 96 : index
    %swap3A_581 = tpu.vector_load %arg7[%swap3A_579, %swap3A_580] {strides = array<i32>} : memref<128x128xf32, #tpu.memory_space<vmem>>, vector<16xf32>,
    tpu.vector_store %arg7[%swap3A_579, %swap3A_580], %mul3A_577 {strides = array<i32>} : memref<128x128xf32, #tpu.memory_space<vmem>>, vector<16xf32>,
    %mul3A_582 = arith.mulf %scan3A_545#7, %broadcast_in_dim3A_1 : vector<16xf32>
    %swap3A_583 = arith.constant 127 : i32
    %swap3A_584 = arith.index_cast %swap3A_583 : i32 to index
    %swap3A_585 = arith.constant 112 : index
    %swap3A_586 = tpu.vector_load %arg7[%swap3A_584, %swap3A_585] {strides = array<i32>} : memref<128x128xf32, #tpu.memory_space<vmem>>, vector<16xf32>,
    tpu.vector_store %arg7[%swap3A_584, %swap3A_585], %mul3A_582 {strides = array<i32>} : memref<128x128xf32, #tpu.memory_space<vmem>>, vector<16xf32>,
    %mul3A_587 = arith.constant 128 : i32
    %mul3A_588 = arith.muli %add3A, %mul3A_587 : i32
    "tpu.region"() ({
      %run_scoped3A = tpu.sem_alloc : memref<!tpu.dma_semaphore, #tpu.memory_space<semaphore_mem>>
      %dma_start3A_589 = arith.constant 0 : i32
      %dma_start3A_590 = tpu.memref_slice %arg4[%mul3A_588, %dma_start3A_589] : memref<4096x128xf32, #tpu.memory_space<hbm>> -> memref<128x128xf32, #tpu.memory_space<hbm>>
      %dma_start3A_591 = arith.constant 0 : i32
      %dma_start3A_592 = tpu.memref_slice %arg4[%mul3A_588, %dma_start3A_591] : memref<4096x128xf32, #tpu.memory_space<hbm>> -> memref<128x128xf32, #tpu.memory_space<hbm>>
      tpu.enqueue_dma source(%arg7 : memref<128x128xf32, #tpu.memory_space<vmem>>) target(%dma_start3A_592 : memref<128x128xf32, #tpu.memory_space<hbm>>) target_semaphore(%run_scoped3A : memref<!tpu.dma_semaphore, #tpu.memory_space<semaphore_mem>>)
      %dma_wait3A_593 = arith.constant 0 : i32
      %dma_wait3A_594 = tpu.memref_slice %arg4[%mul3A_588, %dma_wait3A_593] : memref<4096x128xf32, #tpu.memory_space<hbm>> -> memref<128x128xf32, #tpu.memory_space<hbm>>
      %dma_wait3A_595 = arith.constant 0 : i32
      %dma_wait3A_596 = tpu.memref_slice %arg4[%mul3A_588, %dma_wait3A_595] : memref<4096x128xf32, #tpu.memory_space<hbm>> -> memref<128x128xf32, #tpu.memory_space<hbm>>
      tpu.wait_dma2 semaphore(%run_scoped3A : memref<!tpu.dma_semaphore, #tpu.memory_space<semaphore_mem>>) src(%arg7 : memref<128x128xf32, #tpu.memory_space<vmem>>) dst(%dma_wait3A_596 : memref<128x128xf32, #tpu.memory_space<hbm>>)
      tpu.yield
    }) : () -> ()
    return
  }
}

</mosaic_0001>

<sc_bundles>
// kernel: _bow.3.cloned.1.call-start
scs
__scs_entry_jumppad:
0x0: {  	(pc) =	sbr.rel $0x88, $3  }
0x1: {  	(tag) =	ssettag $0x0;
	lr =	simm.s32 $0x1  }
0x2: {  	[smem:$0x3F9F] =	sst lr;
	_ =	strace $0xD0000000  }
0x3: {  	_ = 	snop  }
0x4: {  	_ = 	snop  }
0x5: {  	_ = 	snop  }
0x6: {  	_ = 	snop  }
0x7: {  	_ = 	snop  }
__scs_overlays_trampoline_lowered:
0x8: {  	[smem:$0x3FAE] =	sst s0  }
0x9: {  	[smem:$0x3FAF] =	sst s1  }
0xa: {  	[smem:$0x3FB0] =	sst s2  }
0xb: {  	[smem:$0x3FB1] =	sst s3  }
0xc: {  	[smem:$0x3FB2] =	sst s4  }
0xd: {  	[smem:$0x3FB3] =	sst s5  }
0xe: {  	[smem:$0x3FB4] =	sst s6  }
0xf: {  	[smem:$0x3FB5] =	sst s7  }
0x10: {  	[smem:$0x3FB6] =	sst s8  }
0x11: {  	[smem:$0x3FB7] =	sst s9;
	s0 =	simm.s32 @!p0 $0x0  }
0x12: {  	s1 =	sld [smem:$0x3F9D];
	s0 =	simm.s32 @p0 $0x1  }
0x13: {  	[smem:$0x3FB8] =	sst s0;
	s0 =	simm.s32 @!p1 $0x0  }
0x14: {  	s2 =	sld [smem:$0x3F9C];
	s0 =	simm.s32 @p1 $0x1  }
0x15: {  	[smem:$0x3FB9] =	sst s0;
	s0 =	simm.s32 @!p2 $0x0  }
0x16: {  	s3 =	sld [smem:$0x3FDB];
	s0 =	simm.s32 @p2 $0x1  }
0x17: {  	s4 =	simm.s32 $0x1BF5;
	[smem:$0x3FBB] =	sst s0  }
0x18: {  	s0 =	sld [smem:$0x3F9E];
	_ =	swait.ge [sflag:s4], $0x0  }
0x19: {  	s7 =	sld [smem:$0x3F9F]  }
0x1a: {  	s8 =	sadd.s32 $0xFFFFE003, lr  }
0x1b: {  	s9 =	sadd.s32 $0xFFFFFEF7, lr;
	s5 =	simm.s32 $0xFFFFFFFF;
	p2 =	slt.u32 s8, $0xFFFFF086  }
0x1c: {  	p1 =	slt.u32 s9, $0xF7A;
	s5 =	simm.s32 @!p2 $0x0  }
0x1d: {  	s5 =	simm.s32 @p1 $0x1;
	p0 =	seq.s32 s7, s2  }
0x1e: {  	s7 =	smul.u32 @!p0 $0xF7A, s2;
	p2 =	seq.s32 @!p0 s5, $0x0  }
0x1f: {  	s9 =	smul.u32 $0xF7A, s1;
	s8 =	simm.s32 @!p0 $0x1BF5;
	p2 =	por !p2, p0  }
0x20: {  	[sflag:s8] =	ssyncset.s32 @!p0 $0xFFFFF086;
	s6 =	sadd.s32 @!p0 s3, s7;
	s7 =	simm.s32 @!p0 $0x108  }
0x21: {  	s3 =	sadd.s32 s3, s9;
	s6 =	sadd.s32 @!p0 $0x88, s6;
	s7 =	simm.s32 @p2 $0x1082  }
0x22: {  	[simem:s7], [sflag:s8] =	dma.local @!p0 [hbm:s6], $0xF7A  }
0x23: {  	s9 =	sor.u32 $0xD0000000, s2;
	s6 =	simm.s32 $0x108;
	_ =	swait.ge @!p0 [sflag:s8], $0x0  }
0x24: {  	s3 =	sadd.s32 $0x88, s3;
	s6 =	simm.s32 @!p1 $0x1082;
	[sflag:s4] =	ssyncset.s32 $0xFFFFF086  }
0x25: {  	[simem:s6], [sflag:s4] =	dma.local [hbm:s3], $0xF7A  }
0x26: {  	[smem:$0x3F9F] =	sst s1;
	(tag) =	ssettag s2;
	_ =	strace s9  }
0x27: {  	s1 =	sld [smem:$0x3FAF]  }
0x28: {  	s2 =	sld [smem:$0x3FB0]  }
0x29: {  	s4 =	sld [smem:$0x3FB2]  }
0x2a: {  	p0 =	seq.s32 s5, $0x0;
	s5 =	sld [smem:$0x3FB3]  }
0x2b: {  	s6 =	sld [smem:$0x3FB4]  }
0x2c: {  	s7 =	sld [smem:$0x3FB5]  }
0x2d: {  	s3 =	simm.s32 $0x108;
	s8 =	sld [smem:$0x3FB6]  }
0x2e: {  	s3 =	simm.s32 @!p0 $0x1082;
	s9 =	sld [smem:$0x3FB7]  }
0x2f: {  	lr =	sadd.s32 s0, s3;
	s0 =	sld [smem:$0x3FAE]  }
0x30: {  	s3 =	sld [smem:$0x3FB1]  }
0x31: {  	[smem:$0x3FBA] =	sst s10  }
0x32: {  	s10 =	sld [smem:$0x3FB8];
	_ =	sdelay $0x3  }
0x33: {  	p0 =	seq.s32 s10, $0x1;
	s10 =	sld [smem:$0x3FBA];
	_ =	sdelay $0x3  }
0x34: {  	[smem:$0x3FBA] =	sst s10  }
0x35: {  	s10 =	sld [smem:$0x3FB9];
	_ =	sdelay $0x3  }
0x36: {  	p1 =	seq.s32 s10, $0x1;
	s10 =	sld [smem:$0x3FBA];
	_ =	sdelay $0x3  }
0x37: {  	[smem:$0x3FBA] =	sst s10  }
0x38: {  	s10 =	sld [smem:$0x3FBB]  }
0x39: {  	_ = 	snop;
	(pc) =	sbr.ind lr, $3  }
0x3a: {  	_ = 	snop  }
0x3b: {  	_ = 	snop  }
0x3c: {  	p2 =	seq.s32 s10, $0x1;
	s10 =	sld [smem:$0x3FBA]  }
0x3d: {  	_ =	shalt  }
0x3e: {  	_ =	shalt  }
0x3f: {  	_ =	shalt  }
0x40: {  	_ =	shalt  }
0x41: {  	_ =	shalt  }
0x42: {  	_ =	shalt  }
0x43: {  	_ =	shalt  }
0x44: {  	_ =	shalt  }
0x45: {  	_ =	shalt  }
0x46: {  	_ =	shalt  }
0x47: {  	_ =	shalt  }
0x48: {  	_ =	shalt  }
0x49: {  	_ =	shalt  }
0x4a: {  	_ =	shalt  }
0x4b: {  	_ =	shalt  }
0x4c: {  	_ =	shalt  }
0x4d: {  	_ =	shalt  }
0x4e: {  	_ =	shalt  }
0x4f: {  	_ =	shalt  }
0x50: {  	_ =	shalt  }
0x51: {  	_ =	shalt  }
0x52: {  	_ =	shalt  }
0x53: {  	_ =	shalt  }
0x54: {  	_ =	shalt  }
0x55: {  	_ =	shalt  }
0x56: {  	_ =	shalt  }
0x57: {  	_ =	shalt  }
0x58: {  	_ =	shalt  }
0x59: {  	_ =	shalt  }
0x5a: {  	_ =	shalt  }
0x5b: {  	_ =	shalt  }
0x5c: {  	_ =	shalt  }
0x5d: {  	_ =	shalt  }
0x5e: {  	_ =	shalt  }
0x5f: {  	_ =	shalt  }
0x60: {  	_ =	shalt  }
0x61: {  	_ =	shalt  }
0x62: {  	_ =	shalt  }
0x63: {  	_ =	shalt  }
0x64: {  	_ =	shalt  }
0x65: {  	_ =	shalt  }
0x66: {  	_ =	shalt  }
0x67: {  	_ =	shalt  }
0x68: {  	_ =	shalt  }
0x69: {  	_ =	shalt  }
0x6a: {  	_ =	shalt  }
0x6b: {  	_ =	shalt  }
0x6c: {  	_ =	shalt  }
0x6d: {  	_ =	shalt  }
0x6e: {  	_ =	shalt  }
0x6f: {  	_ =	shalt  }
0x70: {  	_ =	shalt  }
0x71: {  	_ =	shalt  }
0x72: {  	_ =	shalt  }
0x73: {  	_ =	shalt  }
0x74: {  	_ =	shalt  }
0x75: {  	_ =	shalt  }
0x76: {  	_ =	shalt  }
0x77: {  	_ =	shalt  }
0x78: {  	_ =	shalt  }
0x79: {  	_ =	shalt  }
0x7a: {  	_ =	shalt  }
0x7b: {  	_ =	shalt  }
0x7c: {  	_ =	shalt  }
0x7d: {  	_ =	shalt  }
0x7e: {  	_ =	shalt  }
0x7f: {  	_ =	shalt  }
0x80: {  	_ =	shalt  }
0x81: {  	_ =	shalt  }
0x82: {  	_ =	shalt  }
0x83: {  	_ =	shalt  }
0x84: {  	_ =	shalt  }
0x85: {  	_ =	shalt  }
0x86: {  	_ =	shalt  }
0x87: {  	_ =	shalt  }
.Lfunc_end0:
.L_simem_size_0:
called_computation_lowered:
.L_overlay_start_0:
0x88: {  	s2 =	sld [smem:$0x3FD9]  }
0x89: {  	s3 =	sld [smem:$0x3FFE];
	_ =	sdelay $0x1  }
0x8a: {  	s1 =	srdreg.scid  }
0x8b: {  	s0 =	sand.u32 $0x1, s1  }
0x8c: {  	s17 =	sshll.u32 s0, $0xA;
	s2 =	sadd.s32 s3, s2  }
0x8d: {  	s2 =	sadd.s32 s2, s17  }
0x8e: {  	[smem:$0x3FC6] =	sst s2  }
0x8f: {  	_ = 	snop  }
0x90: {  	s2 =	sld [smem:$0x3FC8]  }
0x91: {  	s18 =	sld [smem:$0x3FD0];
	(tm) =	ssettm $0x1  }
0x92: {  	s4 =	sld [smem:$0x3FFB];
	_ =	sdelay $0x3  }
0x93: {  	_ =	strace s4  }
0x94: {  	s4 =	sld [smem:$0x3FFC];
	_ =	sdelay $0x3  }
0x95: {  	_ =	strace s4  }
0x96: {  	s4 =	sld [smem:$0x3FFD];
	_ =	sdelay $0x3  }
0x97: {  	_ =	strace s4  }
0x98: {  	_ =	strace $0x8FFFFFFF  }
0x99: {  	s19 =	sld [smem:$0x3FDB];
	_ =	sdelay $0x1  }
0x9a: {  	s5 =	simm.s32 $_scs_section_size  }
0x9b: {  	s6 =	simm.s32 $_size__tile_overlayer_lowered;
	s7 =	simm.s32 $_tile_overlayer_lowered  }
0x9c: {  	s22 =	simm.s32 $0x1BFF;
	s21 =	sshll.u32 s7, $0x1;
	s4 =	sadd.s32 s5, s19  }
0x9d: {  	s8 =	simm.s32 $0x0;
	s20 =	sshll.u32 s6, $0x1;
	s6 =	sadd.s32 s21, s4  }
0x9e: {  	[timem:s8], [sflag:s22] =	dma.local [hbm:s6], s20  }
0x9f: {  	_ =	swait.ge [sflag:s22], s20  }
0xa0: {  	s5 =	ssub.s32 $0x0, s20;
	[sflag:s22] =	ssyncset.done $0x0  }
0xa1: {  	[sflag:s22] =	ssyncadd.s32 s5;
	_ =	sdelay $0x1  }
0xa2: {  	s23 =	simm.s32 $0x1B8B  }
0xa3: {  	_ =	swait.ge [sflag:s23], $0x1  }
0xa4: {  	[sflag:s23] =	ssyncset.done $0x0  }
0xa5: {  	s25 =	simm.s32 $0x1B8E;
	s24 =	sld [smem:$0x3FFE];
	[sflag:s23] =	ssyncadd.s32 $0xFFFFFFFF  }
0xa6: {  	s26 =	simm.s32 $execute0_lowered;
	[smem:$0x3FD2] =	sst s25  }
0xa7: {  	s6 =	sshll.u32 s26, $0x1;
	_ =	strace $0x80000046;
	[dreg:$0x1] =	wrdreg $0xFFFFFFFF  }
0xa8: {  	s28 =	simm.s32 $_size_execute0_lowered;
	s4 =	sadd.s32 s4, s6;
	[dreg:$0x0] =	wrdreg $0x0  }
0xa9: {  	s6 =	sshll.u32 s28, $0x1;
	[dreg:$0x2] =	wrdreg s4  }
0xaa: {  	[dreg:$0x3] =	wrdreg s6  }
0xab: {  	[dreg:$0x4] =	wrdreg $0xC0  }
0xac: {  	_ =	task [dreg:s8], $0x5FFFF  }
0xad: {  	[dreg:$0x1] =	wrdreg $0xFFFFFFFF  }
0xae: {  	[dreg:$0x0] =	wrdreg $0x60  }
0xaf: {  	[dreg:$0x2] =	wrdreg s24  }
0xb0: {  	[dreg:$0x3] =	wrdreg s2  }
0xb1: {  	[dreg:$0x4] =	wrdreg s18  }
0xb2: {  	[dreg:$0x5] =	wrdreg $0x9  }
0xb3: {  	_ =	task.clear_ibuf [dreg:s8], $0x6FFFF;
	_ =	strace $0x90000046  }
0xb4: {  	s29 =	simm.s32 $0x9;
	_ =	strace $0x80000048  }
0xb5: {  	_ =	swait.ge [sflag:s29], $0x1  }
0xb6: {  	[sflag:s29] =	ssyncadd.s32 $0xFFFFFFFF  }
0xb7: {  	_ =	strace $0x90000048  }
0xb8: {  	_ =	sfence  }
0xb9: {  	s30 =	sld [smem:$0x0];
	_ =	sdelay $0x2  }
0xba: {  	s31 =	sshll.u32 s1, $0xD;
	s1 =	sshrl.u32 s1, $0x2  }
0xbb: {  	s3 =	sand.u32 $0x4000, s31;
	s1 =	sadd.s32 s1, s30  }
0xbc: {  	s0 =	sor.u32 s3, s0;
	s1 =	sshll.u32 s1, $0x11  }
0xbd: {  	s0 =	sor.u32 s1, s0  }
0xbe: {  	s0 =	sadd.s32 $0x8F2B, s0  }
0xbf: {  	[sflag:s0] =	ssyncadd.remote.s32 $0x1  }
0xc0: {  	_ =	sfence.sel $0xFFFF  }
0xc1: {  	[dreg:$0x0] =	wrdreg $0xFFFFFFFF;
	(pc) =	sbr.abs _section_cstart, $3  }
0xc2: {  	[dreg:$0x1] =	wrdreg $0xFFFFFFFF  }
0xc3: {  	_ =	task.clear_ibuf [dreg:s8], $0x2FFFF;
	_ =	strace $0x9FFFFFFF  }
0xc4: {  	(tm) =	ssettm $0x7FFFFFFF  }
0xc5: {  	_ =	shalt  }
tec
execute0_lowered:
.L_overlay_start_1:
0x0: {  	(tag) =	ssettag $0x1  }
0x1: {  	s1 =	rddreg [dreg:$0x0]  }
0x2: {  	s0 =	srdreg.scid;
	s2 =	rddreg [dreg:$0x1]  }
0x3: {  	s3 =	stileid.u32;
	s5 =	rddreg [dreg:$0x2];
	s7 =	simm.s32 $0x7  }
0x4: {  	s8 =	simm.s32 $0x68;
	s9 =	simm.s32 $0x6400;
	s10 =	simm.s32 $0x60  }
0x5: {  	s11 =	simm.s32 $0x9800;
	s13 =	simm.s32 $0xCC00;
	s15 =	simm.s32 $0x10000  }
0x6: {  	s17 =	simm.s32 $0x13400;
	s19 =	simm.s32 $0x16800;
	s20 =	simm.s32 $0x1  }
0x7: {  	s21 =	simm.s32 $0x2;
	s22 =	simm.s32 $0x3;
	s23 =	simm.s32 $0x4  }
0x8: {  	s24 =	simm.s32 $0x5;
	s28 =	simm.s32 $0x62D8;
	s29 =	simm.s32 $0x6338  }
0x9: {  	s30 =	simm.s32 $0x63A0;
	s31 =	simm.s32 $0x19C00;
	s0 =	sand.u32 $0x1, s0  }
0xa: {  	s3 =	sshll.u32 s3, $0x8;
	s4 =	sshll.u32 s0, $0x7;
	s0 =	ssub.s32 $0x2, s0  }
0xb: {  	s6 =	sor.u32 s4, s3;
	s3 =	simm.s32 $0x0;
	s25 =	sshrl.u32 s0, $0x1  }
0xc: {  	s4 =	smul.u32 $0x19, s6;
	[smem:$0x7FF] =	sst s3;
	s0 =	ssub.s32 s0, s25  }
0xd: {  	s26 =	sshll.u32 s6, $0x4;
	s25 =	simm.s32 $0x6;
	_ =	strace $0x80000047  }
0xe: {  	s5 =	sadd.s32 s5, s26;
	s6 =	smax.u32 s0, $0x1;
	s1 =	sadd.s32 s4, s1  }
0xf: {  	s26 =	simm.s32 $0x6270;
	s4 =	sadd.s32 $0x400, s1;
	s1 =	simm.s32 $0x0  }
.LBB2_1:
0x10: {  	[tilespmem:s3], [sflag:$0x7] =	stream.linear.gather [hbm4b:s4+s3], $0x6400, $0x38;
	[tilespmem:$0x1DC00] =	vst v63  }
0x11: {  	_ =	swait.ge [sflag:s7], $0x6400  }
0x12: {  	[sflag:s7] =	ssyncset.done $0x0  }
0x13: {  	[sflag:s7] =	ssyncadd.s32 $0xFFFF9C00  }
0x14: {  	[tilespmem:s9], [sflag:$0x1] =	stream.indirect.gather [hbm4b:s2+s8], $0x80, s3, s8, $0xb8;
	[tilespmem:$0x1DC00] =	vst v63  }
0x15: {  	_ = 	snop  }
0x16: {  	[tilespmem:s11], [sflag:$0x2] =	stream.indirect.gather [hbm4b:s2+s10], $0x80, s8, s10, $0xb8;
	[tilespmem:$0x1DC00] =	vst v63  }
0x17: {  	s0 =	simm.s32 $0xC8  }
0x18: {  	[tilespmem:s13], [sflag:$0x3] =	stream.indirect.gather [hbm4b:s2+s8], $0x80, s0, s8, $0xb8;
	[tilespmem:$0x1DC00] =	vst v63  }
0x19: {  	s14 =	simm.s32 $0x130  }
0x1a: {  	[tilespmem:s15], [sflag:$0x4] =	stream.indirect.gather [hbm4b:s2+s10], $0x80, s14, s10, $0xb8;
	[tilespmem:$0x1DC00] =	vst v63  }
0x1b: {  	s16 =	simm.s32 $0x190  }
0x1c: {  	[tilespmem:s17], [sflag:$0x5] =	stream.indirect.gather [hbm4b:s2+s8], $0x80, s16, s8, $0xb8;
	[tilespmem:$0x1DC00] =	vst v63  }
0x1d: {  	s18 =	simm.s32 $0x1F8;
	s0 =	simm.s32 $0x0  }
0x1e: {  	[tilespmem:s19], [sflag:$0x6] =	stream.indirect.gather [hbm4b:s2+s10], $0x80, s18, s10, $0xb8;
	[tilespmem:$0x1DC00] =	vst v63  }
.LBB2_2:
0x1f: {  	_ =	swait.ge [sflag:s20], $0x3400  }
0x20: {  	[sflag:s20] =	ssyncset.done $0x0  }
0x21: {  	s12 =	simm.s32 $0x0;
	[sflag:s20] =	ssyncadd.s32 $0xFFFFCC00  }
0x22: {  	v0 =	vld [tilespmem:s12+$0x6470]  }
0x23: {  	v1 =	vld [tilespmem:s12+$0x64F0]  }
0x24: {  	v2 =	vld [tilespmem:s12+$0x6400]  }
0x25: {  	v3 =	vld [tilespmem:s12+$0x6480]  }
0x26: {  	v4 =	vld [tilespmem:s12+$0x6410]  }
0x27: {  	v6 =	vld [tilespmem:s12+$0x6490]  }
0x28: {  	v7 =	vld [tilespmem:s12+$0x6420]  }
0x29: {  	v9 =	vld [tilespmem:s12+$0x64A0]  }
0x2a: {  	v10 =	vld [tilespmem:s12+$0x6430]  }
0x2b: {  	v11 =	vld [tilespmem:s12+$0x64B0]  }
0x2c: {  	v13 =	vld [tilespmem:s12+$0x6440]  }
0x2d: {  	v14 =	vld [tilespmem:s12+$0x64C0]  }
0x2e: {  	v0 =	vadd.f32 v1, v0  }
0x2f: {  	v5 =	vimm.f32 $0.0e+00  }
0x30: {  	v8 =	vld [tilespmem:s12+$0x6450];
	v2 =	vadd.f32 v3, v2;
	v1 =	vadd.f32 v0, v5  }
0x31: {  	v0 =	vadd.f32 v6, v4;
	v4 =	vadd.f32 v9, v7;
	v9 =	vld [tilespmem:s12+$0x64D0]  }
0x32: {  	v12 =	vld [tilespmem:s12+$0x64E0];
	v13 =	vadd.f32 v14, v13;
	v6 =	vadd.f32 v11, v10  }
0x33: {  	s14 =	simm.s32 $0x100;
	v3 =	vadd.f32 v2, v5;
	v10 =	vld [tilespmem:s12+$0x6460];
	v7 =	vimm.f32 $0.0e+00;
	v0 =	vadd.f32 v0, v5  }
0x34: {  	v11 =	vld [tilespmem:s14+$0x6470];
	s12 =	simm.s32 $0x800;
	v2 =	vadd.f32 v4, v5;
	v4 =	vadd.f32 v6, v5;
	v6 =	vimm.f32 $0.0e+00  }
.LBB2_3:
0x35: {  	p0 =	sne.s32 s12, $0xCC00;
	v14 =	vld [tilespmem:s14+$0x64F0]  }
0x36: {  	v15 =	vld [tilespmem:s14+$0x6400];
	v5 =	vadd.f32 v13, v5;
	v8 =	vadd.f32 v9, v8  }
0x37: {  	v9 =	vld [tilespmem:s14+$0x6480]  }
0x38: {  	v13 =	vld [tilespmem:s14+$0x6410];
	v6 =	vadd.f32 v8, v6;
	v8 =	vadd.f32 v12, v10  }
0x39: {  	v10 =	vld [tilespmem:s14+$0x6490]  }
0x3a: {  	v12 =	vld [tilespmem:s14+$0x6420];
	v11 =	vadd.f32 v14, v11;
	v7 =	vadd.f32 v8, v7  }
0x3b: {  	v8 =	vld [tilespmem:s14+$0x64A0]  }
0x3c: {  	v9 =	vadd.f32 v9, v15;
	v14 =	vld [tilespmem:s14+$0x6430];
	v1 =	vadd.f32 v11, v1  }
0x3d: {  	v11 =	vld [tilespmem:s14+$0x64B0]  }
0x3e: {  	v3 =	vadd.f32 v9, v3;
	v9 =	vadd.f32 v10, v13;
	v13 =	vld [tilespmem:s14+$0x6440]  }
0x3f: {  	v15 =	vld [tilespmem:s14+$0x64C0]  }
.Ltmp0:
0x40: {  	v0 =	vadd.f32 v9, v0;
	v10 =	vadd.f32 v8, v12;
	v8 =	vld [tilespmem:s14+$0x6450];
	(pc) =	sbr.rel @p0 .LBB2_3-.Ltmp0, $4  }
0x41: {  	v9 =	vld [tilespmem:s14+$0x64D0]  }
0x42: {  	v2 =	vadd.f32 v10, v2;
	v14 =	vadd.f32 v11, v14;
	v10 =	vld [tilespmem:s14+$0x6460]  }
0x43: {  	v12 =	vld [tilespmem:s14+$0x64E0];
	s14 =	sshra.s32 s12, $0x2  }
0x44: {  	s12 =	sadd.s32 $0x400, s12;
	v11 =	vld [tilespmem:s14+$0x6470];
	v4 =	vadd.f32 v14, v4;
	v13 =	vadd.f32 v15, v13  }
0x45: {  	v14 =	vld [tilespmem:s14+$0x64F0]  }
0x46: {  	v15 =	vld [tilespmem:s14+$0x6400]  }
0x47: {  	v16 =	vld [tilespmem:s14+$0x6480]  }
0x48: {  	v17 =	vld [tilespmem:s14+$0x6410]  }
0x49: {  	v18 =	vld [tilespmem:s14+$0x6490]  }
0x4a: {  	v19 =	vld [tilespmem:s14+$0x6420]  }
0x4b: {  	v20 =	vld [tilespmem:s14+$0x64A0]  }
0x4c: {  	v21 =	vld [tilespmem:s14+$0x6430]  }
0x4d: {  	v22 =	vld [tilespmem:s14+$0x64B0]  }
0x4e: {  	v23 =	vld [tilespmem:s14+$0x6440]  }
0x4f: {  	v24 =	vld [tilespmem:s14+$0x64C0];
	s12 =	smul.u32 $0x960, s0  }
0x50: {  	v25 =	vld [tilespmem:s14+$0x6450]  }
0x51: {  	v26 =	vld [tilespmem:s14+$0x64D0];
	s12 =	sshra.s32 s12, $0x2  }
0x52: {  	v27 =	vld [tilespmem:s14+$0x6460];
	s18 =	sadd.s32 $0x258, s12  }
0x53: {  	v28 =	vld [tilespmem:s14+$0x64E0];
	[tilespmem:s9], [sflag:$0x1] =	stream.indirect.gather [hbm4b:s2+s8], $0x80, s18, s8, $0xb8  }
0x54: {  	_ =	swait.ge [sflag:s21], $0x3000  }
0x55: {  	[sflag:s21] =	ssyncset.done $0x0  }
0x56: {  	s16 =	simm.s32 $0x0;
	[sflag:s21] =	ssyncadd.s32 $0xFFFFD000  }
0x57: {  	v29 =	vld [tilespmem:s16+$0x9870]  }
0x58: {  	v8 =	vadd.f32 v9, v8;
	v9 =	vadd.f32 v12, v10;
	v10 =	vld [tilespmem:s16+$0x98F0]  }
0x59: {  	v12 =	vld [tilespmem:s16+$0x9800]  }
0x5a: {  	v5 =	vadd.f32 v13, v5;
	v6 =	vadd.f32 v8, v6;
	v8 =	vld [tilespmem:s16+$0x9880]  }
0x5b: {  	v11 =	vadd.f32 v14, v11;
	v7 =	vadd.f32 v9, v7;
	v13 =	vld [tilespmem:s16+$0x9810]  }
0x5c: {  	v9 =	vadd.f32 v16, v15;
	v14 =	vadd.f32 v20, v19;
	v15 =	vld [tilespmem:s16+$0x9890]  }
0x5d: {  	v11 =	vadd.f32 v11, v1;
	v1 =	vadd.f32 v18, v17;
	v58 =	vld [tilespmem:s16+$0x9820]  }
0x5e: {  	v16 =	vadd.f32 v9, v3;
	v3 =	vadd.f32 v22, v21;
	v59 =	vld [tilespmem:s16+$0x98A0]  }
0x5f: {  	v14 =	vadd.f32 v14, v2;
	v61 =	vld [tilespmem:s16+$0x98B0];
	v18 =	vadd.f32 v1, v0  }
0x60: {  	v62 =	vld [tilespmem:s16+$0x9840];
	v0 =	vadd.f32 v24, v23;
	v1 =	vadd.f32 v26, v25  }
0x61: {  	v9 =	vadd.f32 v28, v27;
	v60 =	vadd.f32 v3, v4;
	v4 =	vld [tilespmem:s16+$0x9830]  }
0x62: {  	v63 =	vld [tilespmem:s16+$0x98C0];
	v2 =	vadd.f32 v0, v5;
	v3 =	vadd.f32 v1, v6  }
0x63: {  	v1 =	vadd.f32 v9, v7;
	v0 =	vadd.f32 v10, v29  }
0x64: {  	v9 =	vld [tilespmem:s16+$0x9850];
	v5 =	vadd.f32 v8, v12;
	v7 =	vadd.f32 v15, v13  }
0x65: {  	v8 =	vadd.f32 v59, v58;
	v0 =	vadd.f32 v0, v11;
	v11 =	vld [tilespmem:s16+$0x98D0]  }
0x66: {  	v10 =	vld [tilespmem:s16+$0x9860];
	v6 =	vadd.f32 v5, v16;
	v5 =	vadd.f32 v61, v4  }
0x67: {  	s14 =	simm.s32 $0x100;
	v12 =	vld [tilespmem:s16+$0x98E0];
	v13 =	vadd.f32 v63, v62;
	v7 =	vadd.f32 v7, v18  }
0x68: {  	v4 =	vadd.f32 v8, v14;
	v8 =	vld [tilespmem:s14+$0x9870];
	s16 =	simm.s32 $0x800;
	v5 =	vadd.f32 v5, v60  }
.LBB2_5:
0x69: {  	p0 =	sne.s32 s16, $0xBC00;
	v14 =	vld [tilespmem:s14+$0x98F0]  }
0x6a: {  	v15 =	vld [tilespmem:s14+$0x9800];
	v2 =	vadd.f32 v13, v2;
	v9 =	vadd.f32 v11, v9  }
0x6b: {  	v11 =	vld [tilespmem:s14+$0x9880]  }
0x6c: {  	v13 =	vld [tilespmem:s14+$0x9810];
	v3 =	vadd.f32 v9, v3;
	v9 =	vadd.f32 v12, v10  }
0x6d: {  	v10 =	vld [tilespmem:s14+$0x9890]  }
0x6e: {  	v12 =	vld [tilespmem:s14+$0x9820];
	v8 =	vadd.f32 v14, v8;
	v1 =	vadd.f32 v9, v1  }
0x6f: {  	v9 =	vld [tilespmem:s14+$0x98A0]  }
0x70: {  	v11 =	vadd.f32 v11, v15;
	v14 =	vld [tilespmem:s14+$0x9830];
	v0 =	vadd.f32 v8, v0  }
0x71: {  	v8 =	vld [tilespmem:s14+$0x98B0]  }
0x72: {  	v6 =	vadd.f32 v11, v6;
	v10 =	vadd.f32 v10, v13;
	v13 =	vld [tilespmem:s14+$0x9840]  }
0x73: {  	v15 =	vld [tilespmem:s14+$0x98C0]  }
.Ltmp1:
0x74: {  	v7 =	vadd.f32 v10, v7;
	v10 =	vadd.f32 v9, v12;
	v9 =	vld [tilespmem:s14+$0x9850];
	(pc) =	sbr.rel @p0 .LBB2_5-.Ltmp1, $4  }
0x75: {  	v11 =	vld [tilespmem:s14+$0x98D0]  }
0x76: {  	v4 =	vadd.f32 v10, v4;
	v14 =	vadd.f32 v8, v14;
	v10 =	vld [tilespmem:s14+$0x9860]  }
0x77: {  	v12 =	vld [tilespmem:s14+$0x98E0];
	s14 =	sshra.s32 s16, $0x2  }
0x78: {  	s16 =	sadd.s32 $0x400, s16;
	v8 =	vld [tilespmem:s14+$0x9870];
	v5 =	vadd.f32 v14, v5;
	v13 =	vadd.f32 v15, v13  }
0x79: {  	v14 =	vld [tilespmem:s14+$0x9800]  }
0x7a: {  	v15 =	vld [tilespmem:s14+$0x9880]  }
0x7b: {  	v16 =	vld [tilespmem:s14+$0x9810]  }
0x7c: {  	v17 =	vld [tilespmem:s14+$0x9890]  }
0x7d: {  	v18 =	vld [tilespmem:s14+$0x9820]  }
0x7e: {  	v19 =	vld [tilespmem:s14+$0x98A0]  }
0x7f: {  	v20 =	vld [tilespmem:s14+$0x9830]  }
0x80: {  	v21 =	vld [tilespmem:s14+$0x98B0]  }
0x81: {  	v22 =	vld [tilespmem:s14+$0x9840]  }
0x82: {  	v23 =	vld [tilespmem:s14+$0x98C0]  }
0x83: {  	v9 =	vadd.f32 v11, v9;
	v11 =	vld [tilespmem:s14+$0x9850]  }
0x84: {  	v2 =	vadd.f32 v13, v2;
	v13 =	vld [tilespmem:s14+$0x9860];
	v10 =	vadd.f32 v12, v10  }
0x85: {  	v12 =	vld [tilespmem:s14+$0x98D0];
	v3 =	vadd.f32 v9, v3;
	v9 =	vadd.f32 v15, v14  }
0x86: {  	v1 =	vadd.f32 v10, v1;
	v10 =	vadd.f32 v17, v16;
	v14 =	vld [tilespmem:s14+$0x98E0]  }
0x87: {  	v15 =	vld [tilespmem:s14+$0x98F0];
	v6 =	vadd.f32 v9, v6;
	v9 =	vadd.f32 v19, v18  }
0x88: {  	s18 =	sadd.s32 $0x2C0, s12;
	s16 =	smul.u32 $0x600, s0;
	v7 =	vadd.f32 v10, v7;
	v10 =	vadd.f32 v21, v20  }
0x89: {  	[tilespmem:s11], [sflag:$0x2] =	stream.indirect.gather [hbm4b:s2+s10], $0x80, s18, s10, $0xb8;
	v4 =	vadd.f32 v9, v4;
	v9 =	vadd.f32 v23, v22;
	v6 =	vmul.f32 $4.999999890e-03, v6;
	[tilespmem:$0x1DC00] =	vst v63  }
0x8a: {  	s14 =	sshra.s32 s16, $0x2;
	v5 =	vadd.f32 v10, v5;
	v10 =	vadd.f32 v12, v11;
	v7 =	vmul.f32 $4.999999890e-03, v7  }
0x8b: {  	v2 =	vadd.f32 v9, v2;
	v9 =	vadd.f32 v14, v13;
	[tilespmem:s14+$0x19C00] =	vst v6;
	v4 =	vmul.f32 $4.999999890e-03, v4  }
0x8c: {  	v6 =	vadd.f32 v15, v8;
	v3 =	vadd.f32 v10, v3;
	[tilespmem:s14+$0x19C10] =	vst v7;
	v5 =	vmul.f32 $4.999999890e-03, v5  }
0x8d: {  	v1 =	vadd.f32 v9, v1;
	[tilespmem:s14+$0x19C20] =	vst v4;
	v2 =	vmul.f32 $4.999999890e-03, v2  }
0x8e: {  	v0 =	vadd.f32 v6, v0;
	[tilespmem:s14+$0x19C30] =	vst v5;
	v3 =	vmul.f32 $4.999999890e-03, v3  }
0x8f: {  	[tilespmem:s14+$0x19C40] =	vst v2;
	v1 =	vmul.f32 $4.999999890e-03, v1  }
0x90: {  	[tilespmem:s14+$0x19C50] =	vst v3;
	v0 =	vmul.f32 $4.999999890e-03, v0  }
0x91: {  	[tilespmem:s14+$0x19C60] =	vst v1  }
0x92: {  	[tilespmem:s14+$0x19C70] =	vst v0  }
0x93: {  	_ =	swait.ge [sflag:s22], $0x3400  }
0x94: {  	[sflag:s22] =	ssyncset.done $0x0  }
0x95: {  	s18 =	simm.s32 $0x0;
	[sflag:s22] =	ssyncadd.s32 $0xFFFFCC00  }
0x96: {  	v0 =	vld [tilespmem:s18+$0xCC70]  }
0x97: {  	v1 =	vld [tilespmem:s18+$0xCCF0]  }
0x98: {  	v2 =	vld [tilespmem:s18+$0xCC00]  }
0x99: {  	v3 =	vld [tilespmem:s18+$0xCC80]  }
0x9a: {  	v4 =	vld [tilespmem:s18+$0xCC10]  }
0x9b: {  	v6 =	vld [tilespmem:s18+$0xCC90]  }
0x9c: {  	v7 =	vld [tilespmem:s18+$0xCC20]  }
0x9d: {  	v9 =	vld [tilespmem:s18+$0xCCA0]  }
0x9e: {  	v10 =	vld [tilespmem:s18+$0xCC30]  }
0x9f: {  	v11 =	vld [tilespmem:s18+$0xCCB0]  }
0xa0: {  	v13 =	vld [tilespmem:s18+$0xCC40]  }
0xa1: {  	v14 =	vld [tilespmem:s18+$0xCCC0]  }
0xa2: {  	v0 =	vadd.f32 v1, v0  }
0xa3: {  	v5 =	vimm.f32 $0.0e+00  }
0xa4: {  	v8 =	vld [tilespmem:s18+$0xCC50];
	v2 =	vadd.f32 v3, v2;
	v1 =	vadd.f32 v0, v5  }
0xa5: {  	v0 =	vadd.f32 v6, v4;
	v4 =	vadd.f32 v9, v7;
	v9 =	vld [tilespmem:s18+$0xCCD0]  }
0xa6: {  	v12 =	vld [tilespmem:s18+$0xCCE0];
	v13 =	vadd.f32 v14, v13;
	v6 =	vadd.f32 v11, v10  }
0xa7: {  	s16 =	simm.s32 $0x100;
	v3 =	vadd.f32 v2, v5;
	v10 =	vld [tilespmem:s18+$0xCC60];
	v7 =	vimm.f32 $0.0e+00;
	v0 =	vadd.f32 v0, v5  }
0xa8: {  	v11 =	vld [tilespmem:s16+$0xCC70];
	s18 =	simm.s32 $0x800;
	v2 =	vadd.f32 v4, v5;
	v4 =	vadd.f32 v6, v5;
	v6 =	vimm.f32 $0.0e+00  }
.LBB2_7:
0xa9: {  	p0 =	sne.s32 s18, $0xCC00;
	v14 =	vld [tilespmem:s16+$0xCCF0]  }
0xaa: {  	v15 =	vld [tilespmem:s16+$0xCC00];
	v5 =	vadd.f32 v13, v5;
	v8 =	vadd.f32 v9, v8  }
0xab: {  	v9 =	vld [tilespmem:s16+$0xCC80]  }
0xac: {  	v13 =	vld [tilespmem:s16+$0xCC10];
	v6 =	vadd.f32 v8, v6;
	v8 =	vadd.f32 v12, v10  }
0xad: {  	v10 =	vld [tilespmem:s16+$0xCC90]  }
0xae: {  	v12 =	vld [tilespmem:s16+$0xCC20];
	v11 =	vadd.f32 v14, v11;
	v7 =	vadd.f32 v8, v7  }
0xaf: {  	v8 =	vld [tilespmem:s16+$0xCCA0]  }
0xb0: {  	v9 =	vadd.f32 v9, v15;
	v14 =	vld [tilespmem:s16+$0xCC30];
	v1 =	vadd.f32 v11, v1  }
0xb1: {  	v11 =	vld [tilespmem:s16+$0xCCB0]  }
0xb2: {  	v3 =	vadd.f32 v9, v3;
	v9 =	vadd.f32 v10, v13;
	v13 =	vld [tilespmem:s16+$0xCC40]  }
0xb3: {  	v15 =	vld [tilespmem:s16+$0xCCC0]  }
.Ltmp2:
0xb4: {  	v0 =	vadd.f32 v9, v0;
	v10 =	vadd.f32 v8, v12;
	v8 =	vld [tilespmem:s16+$0xCC50];
	(pc) =	sbr.rel @p0 .LBB2_7-.Ltmp2, $4  }
0xb5: {  	v9 =	vld [tilespmem:s16+$0xCCD0]  }
0xb6: {  	v2 =	vadd.f32 v10, v2;
	v14 =	vadd.f32 v11, v14;
	v10 =	vld [tilespmem:s16+$0xCC60]  }
0xb7: {  	v12 =	vld [tilespmem:s16+$0xCCE0];
	s16 =	sshra.s32 s18, $0x2  }
0xb8: {  	s18 =	sadd.s32 $0x400, s18;
	v11 =	vld [tilespmem:s16+$0xCC70];
	v4 =	vadd.f32 v14, v4;
	v13 =	vadd.f32 v15, v13  }
0xb9: {  	v14 =	vld [tilespmem:s16+$0xCCF0]  }
0xba: {  	v15 =	vld [tilespmem:s16+$0xCC00]  }
0xbb: {  	v16 =	vld [tilespmem:s16+$0xCC80]  }
0xbc: {  	v17 =	vld [tilespmem:s16+$0xCC10]  }
0xbd: {  	v18 =	vld [tilespmem:s16+$0xCC90]  }
0xbe: {  	v19 =	vld [tilespmem:s16+$0xCC20]  }
0xbf: {  	v20 =	vld [tilespmem:s16+$0xCCA0]  }
0xc0: {  	v21 =	vld [tilespmem:s16+$0xCC30]  }
0xc1: {  	v22 =	vld [tilespmem:s16+$0xCCB0]  }
0xc2: {  	v23 =	vld [tilespmem:s16+$0xCC40]  }
0xc3: {  	v24 =	vld [tilespmem:s16+$0xCCC0]  }
0xc4: {  	v25 =	vld [tilespmem:s16+$0xCC50]  }
0xc5: {  	v26 =	vld [tilespmem:s16+$0xCCD0]  }
0xc6: {  	v27 =	vld [tilespmem:s16+$0xCC60];
	s18 =	sadd.s32 $0x320, s12  }
0xc7: {  	v28 =	vld [tilespmem:s16+$0xCCE0];
	[tilespmem:s13], [sflag:$0x3] =	stream.indirect.gather [hbm4b:s2+s8], $0x80, s18, s8, $0xb8  }
0xc8: {  	_ =	swait.ge [sflag:s23], $0x3000  }
0xc9: {  	[sflag:s23] =	ssyncset.done $0x0  }
0xca: {  	s18 =	simm.s32 $0x0;
	[sflag:s23] =	ssyncadd.s32 $0xFFFFD000  }
0xcb: {  	v8 =	vadd.f32 v9, v8;
	v29 =	vld [tilespmem:s18+$0x10070]  }
0xcc: {  	v9 =	vadd.f32 v12, v10;
	v10 =	vld [tilespmem:s18+$0x100F0]  }
0xcd: {  	v5 =	vadd.f32 v13, v5;
	v6 =	vadd.f32 v8, v6;
	v12 =	vld [tilespmem:s18+$0x10000]  }
0xce: {  	v11 =	vadd.f32 v14, v11;
	v7 =	vadd.f32 v9, v7;
	v8 =	vld [tilespmem:s18+$0x10080]  }
0xcf: {  	v9 =	vadd.f32 v16, v15;
	v13 =	vld [tilespmem:s18+$0x10010];
	v14 =	vadd.f32 v20, v19  }
0xd0: {  	v15 =	vld [tilespmem:s18+$0x10090];
	v11 =	vadd.f32 v11, v1;
	v1 =	vadd.f32 v18, v17  }
0xd1: {  	v58 =	vld [tilespmem:s18+$0x10020];
	v16 =	vadd.f32 v9, v3;
	v3 =	vadd.f32 v22, v21  }
0xd2: {  	v59 =	vld [tilespmem:s18+$0x100A0];
	v14 =	vadd.f32 v14, v2;
	v9 =	vadd.f32 v28, v27  }
0xd3: {  	v61 =	vld [tilespmem:s18+$0x100B0];
	v18 =	vadd.f32 v1, v0;
	v0 =	vadd.f32 v24, v23  }
0xd4: {  	v60 =	vadd.f32 v3, v4;
	v4 =	vld [tilespmem:s18+$0x10030];
	v1 =	vadd.f32 v26, v25  }
0xd5: {  	v62 =	vld [tilespmem:s18+$0x10040];
	v2 =	vadd.f32 v0, v5;
	v0 =	vadd.f32 v10, v29  }
0xd6: {  	v63 =	vld [tilespmem:s18+$0x100C0];
	v3 =	vadd.f32 v1, v6;
	v1 =	vadd.f32 v9, v7  }
0xd7: {  	v5 =	vadd.f32 v8, v12;
	v9 =	vld [tilespmem:s18+$0x10050];
	v6 =	vadd.f32 v15, v13  }
0xd8: {  	v7 =	vadd.f32 v59, v58;
	v0 =	vadd.f32 v0, v11;
	v11 =	vld [tilespmem:s18+$0x100D0]  }
0xd9: {  	v10 =	vld [tilespmem:s18+$0x10060];
	v5 =	vadd.f32 v5, v16;
	v13 =	vadd.f32 v61, v4  }
0xda: {  	s16 =	simm.s32 $0x100;
	v12 =	vld [tilespmem:s18+$0x100E0];
	v6 =	vadd.f32 v6, v18;
	v4 =	vadd.f32 v7, v14  }
0xdb: {  	v8 =	vld [tilespmem:s16+$0x10070];
	s18 =	simm.s32 $0x800;
	v7 =	vadd.f32 v13, v60;
	v13 =	vadd.f32 v63, v62  }
.LBB2_9:
0xdc: {  	p0 =	sne.s32 s18, $0xBC00;
	v14 =	vld [tilespmem:s16+$0x100F0]  }
0xdd: {  	v15 =	vld [tilespmem:s16+$0x10000];
	v2 =	vadd.f32 v13, v2;
	v9 =	vadd.f32 v11, v9  }
0xde: {  	v11 =	vld [tilespmem:s16+$0x10080]  }
0xdf: {  	v13 =	vld [tilespmem:s16+$0x10010];
	v3 =	vadd.f32 v9, v3;
	v9 =	vadd.f32 v12, v10  }
0xe0: {  	v10 =	vld [tilespmem:s16+$0x10090]  }
0xe1: {  	v12 =	vld [tilespmem:s16+$0x10020];
	v8 =	vadd.f32 v14, v8;
	v1 =	vadd.f32 v9, v1  }
0xe2: {  	v9 =	vld [tilespmem:s16+$0x100A0]  }
0xe3: {  	v11 =	vadd.f32 v11, v15;
	v14 =	vld [tilespmem:s16+$0x10030];
	v0 =	vadd.f32 v8, v0  }
0xe4: {  	v8 =	vld [tilespmem:s16+$0x100B0]  }
0xe5: {  	v5 =	vadd.f32 v11, v5;
	v10 =	vadd.f32 v10, v13;
	v13 =	vld [tilespmem:s16+$0x10040]  }
0xe6: {  	v15 =	vld [tilespmem:s16+$0x100C0]  }
.Ltmp3:
0xe7: {  	v6 =	vadd.f32 v10, v6;
	v10 =	vadd.f32 v9, v12;
	v9 =	vld [tilespmem:s16+$0x10050];
	(pc) =	sbr.rel @p0 .LBB2_9-.Ltmp3, $4  }
0xe8: {  	v11 =	vld [tilespmem:s16+$0x100D0]  }
0xe9: {  	v4 =	vadd.f32 v10, v4;
	v14 =	vadd.f32 v8, v14;
	v10 =	vld [tilespmem:s16+$0x10060]  }
0xea: {  	v12 =	vld [tilespmem:s16+$0x100E0];
	s16 =	sshra.s32 s18, $0x2  }
0xeb: {  	s18 =	sadd.s32 $0x400, s18;
	v8 =	vld [tilespmem:s16+$0x10070];
	v7 =	vadd.f32 v14, v7;
	v13 =	vadd.f32 v15, v13  }
0xec: {  	v14 =	vld [tilespmem:s16+$0x10000]  }
0xed: {  	v15 =	vld [tilespmem:s16+$0x10080]  }
0xee: {  	v16 =	vld [tilespmem:s16+$0x10010]  }
0xef: {  	v17 =	vld [tilespmem:s16+$0x10090]  }
0xf0: {  	v18 =	vld [tilespmem:s16+$0x10020]  }
0xf1: {  	v19 =	vld [tilespmem:s16+$0x100A0]  }
0xf2: {  	v20 =	vld [tilespmem:s16+$0x10030]  }
0xf3: {  	v21 =	vld [tilespmem:s16+$0x100B0]  }
0xf4: {  	v22 =	vld [tilespmem:s16+$0x10040]  }
0xf5: {  	v23 =	vld [tilespmem:s16+$0x100C0]  }
0xf6: {  	v9 =	vadd.f32 v11, v9;
	v11 =	vld [tilespmem:s16+$0x10050]  }
0xf7: {  	v2 =	vadd.f32 v13, v2;
	v13 =	vld [tilespmem:s16+$0x10060];
	v10 =	vadd.f32 v12, v10  }
0xf8: {  	v12 =	vld [tilespmem:s16+$0x100D0];
	v3 =	vadd.f32 v9, v3;
	v9 =	vadd.f32 v15, v14  }
0xf9: {  	v1 =	vadd.f32 v10, v1;
	v10 =	vadd.f32 v17, v16;
	v14 =	vld [tilespmem:s16+$0x100E0]  }
0xfa: {  	v15 =	vld [tilespmem:s16+$0x100F0];
	v5 =	vadd.f32 v9, v5;
	v9 =	vadd.f32 v19, v18  }
0xfb: {  	v6 =	vadd.f32 v10, v6;
	v10 =	vadd.f32 v21, v20  }
0xfc: {  	s18 =	sadd.s32 $0x388, s12;
	v4 =	vadd.f32 v9, v4;
	v9 =	vadd.f32 v23, v22;
	v5 =	vmul.f32 $4.999999890e-03, v5  }
0xfd: {  	[tilespmem:s15], [sflag:$0x4] =	stream.indirect.gather [hbm4b:s2+s10], $0x80, s18, s10, $0xb8;
	v7 =	vadd.f32 v10, v7;
	v10 =	vadd.f32 v12, v11;
	v6 =	vmul.f32 $4.999999890e-03, v6;
	[tilespmem:$0x1DC00] =	vst v63  }
0xfe: {  	v2 =	vadd.f32 v9, v2;
	v9 =	vadd.f32 v14, v13;
	[tilespmem:s14+$0x19C80] =	vst v5;
	v4 =	vmul.f32 $4.999999890e-03, v4  }
0xff: {  	v5 =	vadd.f32 v15, v8;
	v3 =	vadd.f32 v10, v3;
	[tilespmem:s14+$0x19C90] =	vst v6;
	v6 =	vmul.f32 $4.999999890e-03, v7  }
0x100: {  	v1 =	vadd.f32 v9, v1;
	[tilespmem:s14+$0x19CA0] =	vst v4;
	v2 =	vmul.f32 $4.999999890e-03, v2  }
0x101: {  	v0 =	vadd.f32 v5, v0;
	[tilespmem:s14+$0x19CB0] =	vst v6;
	v3 =	vmul.f32 $4.999999890e-03, v3  }
0x102: {  	[tilespmem:s14+$0x19CC0] =	vst v2;
	v1 =	vmul.f32 $4.999999890e-03, v1  }
0x103: {  	[tilespmem:s14+$0x19CD0] =	vst v3;
	v0 =	vmul.f32 $4.999999890e-03, v0  }
0x104: {  	[tilespmem:s14+$0x19CE0] =	vst v1  }
0x105: {  	[tilespmem:s14+$0x19CF0] =	vst v0  }
0x106: {  	_ =	swait.ge [sflag:s24], $0x3400  }
0x107: {  	[sflag:s24] =	ssyncset.done $0x0  }
0x108: {  	s18 =	simm.s32 $0x0;
	[sflag:s24] =	ssyncadd.s32 $0xFFFFCC00  }
0x109: {  	v0 =	vld [tilespmem:s18+$0x13470]  }
0x10a: {  	v1 =	vld [tilespmem:s18+$0x134F0]  }
0x10b: {  	v2 =	vld [tilespmem:s18+$0x13400]  }
0x10c: {  	v3 =	vld [tilespmem:s18+$0x13480]  }
0x10d: {  	v4 =	vld [tilespmem:s18+$0x13410]  }
0x10e: {  	v6 =	vld [tilespmem:s18+$0x13490]  }
0x10f: {  	v7 =	vld [tilespmem:s18+$0x13420]  }
0x110: {  	v9 =	vld [tilespmem:s18+$0x134A0]  }
0x111: {  	v10 =	vld [tilespmem:s18+$0x13430]  }
0x112: {  	v11 =	vld [tilespmem:s18+$0x134B0]  }
0x113: {  	v13 =	vld [tilespmem:s18+$0x13440]  }
0x114: {  	v14 =	vld [tilespmem:s18+$0x134C0]  }
0x115: {  	v0 =	vadd.f32 v1, v0  }
0x116: {  	v5 =	vimm.f32 $0.0e+00  }
0x117: {  	v8 =	vld [tilespmem:s18+$0x13450];
	v2 =	vadd.f32 v3, v2;
	v1 =	vadd.f32 v0, v5  }
0x118: {  	v0 =	vadd.f32 v6, v4;
	v4 =	vadd.f32 v9, v7;
	v9 =	vld [tilespmem:s18+$0x134D0]  }
0x119: {  	v12 =	vld [tilespmem:s18+$0x134E0];
	v13 =	vadd.f32 v14, v13;
	v6 =	vadd.f32 v11, v10  }
0x11a: {  	s16 =	simm.s32 $0x100;
	v3 =	vadd.f32 v2, v5;
	v10 =	vld [tilespmem:s18+$0x13460];
	v7 =	vimm.f32 $0.0e+00;
	v0 =	vadd.f32 v0, v5  }
0x11b: {  	v11 =	vld [tilespmem:s16+$0x13470];
	s18 =	simm.s32 $0x800;
	v2 =	vadd.f32 v4, v5;
	v4 =	vadd.f32 v6, v5;
	v6 =	vimm.f32 $0.0e+00  }
.LBB2_11:
0x11c: {  	p0 =	sne.s32 s18, $0xCC00;
	v14 =	vld [tilespmem:s16+$0x134F0]  }
0x11d: {  	v15 =	vld [tilespmem:s16+$0x13400];
	v5 =	vadd.f32 v13, v5;
	v8 =	vadd.f32 v9, v8  }
0x11e: {  	v9 =	vld [tilespmem:s16+$0x13480]  }
0x11f: {  	v13 =	vld [tilespmem:s16+$0x13410];
	v6 =	vadd.f32 v8, v6;
	v8 =	vadd.f32 v12, v10  }
0x120: {  	v10 =	vld [tilespmem:s16+$0x13490]  }
0x121: {  	v12 =	vld [tilespmem:s16+$0x13420];
	v11 =	vadd.f32 v14, v11;
	v7 =	vadd.f32 v8, v7  }
0x122: {  	v8 =	vld [tilespmem:s16+$0x134A0]  }
0x123: {  	v9 =	vadd.f32 v9, v15;
	v14 =	vld [tilespmem:s16+$0x13430];
	v1 =	vadd.f32 v11, v1  }
0x124: {  	v11 =	vld [tilespmem:s16+$0x134B0]  }
0x125: {  	v3 =	vadd.f32 v9, v3;
	v9 =	vadd.f32 v10, v13;
	v13 =	vld [tilespmem:s16+$0x13440]  }
0x126: {  	v15 =	vld [tilespmem:s16+$0x134C0]  }
.Ltmp4:
0x127: {  	v0 =	vadd.f32 v9, v0;
	v10 =	vadd.f32 v8, v12;
	v8 =	vld [tilespmem:s16+$0x13450];
	(pc) =	sbr.rel @p0 .LBB2_11-.Ltmp4, $4  }
0x128: {  	v9 =	vld [tilespmem:s16+$0x134D0]  }
0x129: {  	v2 =	vadd.f32 v10, v2;
	v14 =	vadd.f32 v11, v14;
	v10 =	vld [tilespmem:s16+$0x13460]  }
0x12a: {  	v12 =	vld [tilespmem:s16+$0x134E0];
	s16 =	sshra.s32 s18, $0x2  }
0x12b: {  	s18 =	sadd.s32 $0x400, s18;
	v11 =	vld [tilespmem:s16+$0x13470];
	v4 =	vadd.f32 v14, v4;
	v13 =	vadd.f32 v15, v13  }
0x12c: {  	v14 =	vld [tilespmem:s16+$0x134F0]  }
0x12d: {  	v15 =	vld [tilespmem:s16+$0x13400]  }
0x12e: {  	v16 =	vld [tilespmem:s16+$0x13480]  }
0x12f: {  	v17 =	vld [tilespmem:s16+$0x13410]  }
0x130: {  	v18 =	vld [tilespmem:s16+$0x13490]  }
0x131: {  	v19 =	vld [tilespmem:s16+$0x13420]  }
0x132: {  	v20 =	vld [tilespmem:s16+$0x134A0]  }
0x133: {  	v21 =	vld [tilespmem:s16+$0x13430]  }
0x134: {  	v22 =	vld [tilespmem:s16+$0x134B0]  }
0x135: {  	v23 =	vld [tilespmem:s16+$0x13440]  }
0x136: {  	v24 =	vld [tilespmem:s16+$0x134C0]  }
0x137: {  	v25 =	vld [tilespmem:s16+$0x13450]  }
0x138: {  	v26 =	vld [tilespmem:s16+$0x134D0]  }
0x139: {  	v27 =	vld [tilespmem:s16+$0x13460];
	s18 =	sadd.s32 $0x3E8, s12  }
0x13a: {  	v28 =	vld [tilespmem:s16+$0x134E0];
	[tilespmem:s17], [sflag:$0x5] =	stream.indirect.gather [hbm4b:s2+s8], $0x80, s18, s8, $0xb8  }
0x13b: {  	_ =	swait.ge [sflag:s25], $0x3000  }
0x13c: {  	[sflag:s25] =	ssyncset.done $0x0  }
0x13d: {  	s18 =	simm.s32 $0x0;
	[sflag:s25] =	ssyncadd.s32 $0xFFFFD000  }
0x13e: {  	v8 =	vadd.f32 v9, v8;
	v29 =	vld [tilespmem:s18+$0x16870]  }
0x13f: {  	v9 =	vadd.f32 v12, v10;
	v10 =	vld [tilespmem:s18+$0x168F0]  }
0x140: {  	v5 =	vadd.f32 v13, v5;
	v6 =	vadd.f32 v8, v6;
	v12 =	vld [tilespmem:s18+$0x16800]  }
0x141: {  	v11 =	vadd.f32 v14, v11;
	v7 =	vadd.f32 v9, v7;
	v8 =	vld [tilespmem:s18+$0x16880]  }
0x142: {  	v9 =	vadd.f32 v16, v15;
	v13 =	vld [tilespmem:s18+$0x16810];
	v14 =	vadd.f32 v20, v19  }
0x143: {  	v15 =	vld [tilespmem:s18+$0x16890];
	v11 =	vadd.f32 v11, v1;
	v1 =	vadd.f32 v18, v17  }
0x144: {  	v58 =	vld [tilespmem:s18+$0x16820];
	v16 =	vadd.f32 v9, v3;
	v3 =	vadd.f32 v22, v21  }
0x145: {  	v59 =	vld [tilespmem:s18+$0x168A0];
	v14 =	vadd.f32 v14, v2;
	v9 =	vadd.f32 v28, v27  }
0x146: {  	v61 =	vld [tilespmem:s18+$0x168B0];
	v18 =	vadd.f32 v1, v0;
	v0 =	vadd.f32 v24, v23  }
0x147: {  	v60 =	vadd.f32 v3, v4;
	v4 =	vld [tilespmem:s18+$0x16830];
	v1 =	vadd.f32 v26, v25  }
0x148: {  	v62 =	vld [tilespmem:s18+$0x16840];
	v2 =	vadd.f32 v0, v5;
	v0 =	vadd.f32 v10, v29  }
0x149: {  	v63 =	vld [tilespmem:s18+$0x168C0];
	v3 =	vadd.f32 v1, v6;
	v1 =	vadd.f32 v9, v7  }
0x14a: {  	v5 =	vadd.f32 v8, v12;
	v9 =	vld [tilespmem:s18+$0x16850];
	v6 =	vadd.f32 v15, v13  }
0x14b: {  	v7 =	vadd.f32 v59, v58;
	v0 =	vadd.f32 v0, v11;
	v11 =	vld [tilespmem:s18+$0x168D0]  }
0x14c: {  	v10 =	vld [tilespmem:s18+$0x16860];
	v5 =	vadd.f32 v5, v16;
	v13 =	vadd.f32 v61, v4  }
0x14d: {  	s16 =	simm.s32 $0x100;
	v12 =	vld [tilespmem:s18+$0x168E0];
	v6 =	vadd.f32 v6, v18;
	v4 =	vadd.f32 v7, v14  }
0x14e: {  	v8 =	vld [tilespmem:s16+$0x16870];
	s18 =	simm.s32 $0x800;
	v7 =	vadd.f32 v13, v60;
	v13 =	vadd.f32 v63, v62  }
.LBB2_13:
0x14f: {  	p0 =	sne.s32 s18, $0xBC00;
	v14 =	vld [tilespmem:s16+$0x168F0]  }
0x150: {  	v15 =	vld [tilespmem:s16+$0x16800];
	v2 =	vadd.f32 v13, v2;
	v9 =	vadd.f32 v11, v9  }
0x151: {  	v11 =	vld [tilespmem:s16+$0x16880]  }
0x152: {  	v13 =	vld [tilespmem:s16+$0x16810];
	v3 =	vadd.f32 v9, v3;
	v9 =	vadd.f32 v12, v10  }
0x153: {  	v10 =	vld [tilespmem:s16+$0x16890]  }
0x154: {  	v12 =	vld [tilespmem:s16+$0x16820];
	v8 =	vadd.f32 v14, v8;
	v1 =	vadd.f32 v9, v1  }
0x155: {  	v9 =	vld [tilespmem:s16+$0x168A0]  }
0x156: {  	v11 =	vadd.f32 v11, v15;
	v14 =	vld [tilespmem:s16+$0x16830];
	v0 =	vadd.f32 v8, v0  }
0x157: {  	v8 =	vld [tilespmem:s16+$0x168B0]  }
0x158: {  	v5 =	vadd.f32 v11, v5;
	v10 =	vadd.f32 v10, v13;
	v13 =	vld [tilespmem:s16+$0x16840]  }
0x159: {  	v15 =	vld [tilespmem:s16+$0x168C0]  }
.Ltmp5:
0x15a: {  	v6 =	vadd.f32 v10, v6;
	v10 =	vadd.f32 v9, v12;
	v9 =	vld [tilespmem:s16+$0x16850];
	(pc) =	sbr.rel @p0 .LBB2_13-.Ltmp5, $4  }
0x15b: {  	v11 =	vld [tilespmem:s16+$0x168D0]  }
0x15c: {  	v4 =	vadd.f32 v10, v4;
	v14 =	vadd.f32 v8, v14;
	v10 =	vld [tilespmem:s16+$0x16860]  }
0x15d: {  	v12 =	vld [tilespmem:s16+$0x168E0];
	s16 =	sshra.s32 s18, $0x2  }
0x15e: {  	s18 =	sadd.s32 $0x400, s18;
	v8 =	vld [tilespmem:s16+$0x16870];
	v7 =	vadd.f32 v14, v7;
	v13 =	vadd.f32 v15, v13  }
0x15f: {  	v14 =	vld [tilespmem:s16+$0x16800]  }
0x160: {  	v15 =	vld [tilespmem:s16+$0x16880]  }
0x161: {  	v16 =	vld [tilespmem:s16+$0x16810]  }
0x162: {  	v17 =	vld [tilespmem:s16+$0x16890]  }
0x163: {  	v18 =	vld [tilespmem:s16+$0x16820]  }
0x164: {  	v19 =	vld [tilespmem:s16+$0x168A0]  }
0x165: {  	v20 =	vld [tilespmem:s16+$0x16830]  }
0x166: {  	v21 =	vld [tilespmem:s16+$0x168B0]  }
0x167: {  	v22 =	vld [tilespmem:s16+$0x16840]  }
0x168: {  	v23 =	vld [tilespmem:s16+$0x168C0]  }
0x169: {  	v50 =	vld [tilespmem:s16+$0x16850];
	v9 =	vadd.f32 v11, v9  }
0x16a: {  	v51 =	vld [tilespmem:s16+$0x168D0];
	v2 =	vadd.f32 v13, v2;
	v10 =	vadd.f32 v12, v10  }
0x16b: {  	v53 =	vld [tilespmem:s16+$0x16860];
	v3 =	vadd.f32 v9, v3;
	v52 =	vadd.f32 v15, v14  }
0x16c: {  	v55 =	vld [tilespmem:s16+$0x168E0];
	v1 =	vadd.f32 v10, v1;
	v54 =	vadd.f32 v17, v16  }
0x16d: {  	v57 =	vld [tilespmem:s16+$0x168F0];
	v56 =	vadd.f32 v19, v18;
	v5 =	vadd.f32 v52, v5  }
0x16e: {  	v58 =	vadd.f32 v21, v20;
	v6 =	vadd.f32 v54, v6  }
0x16f: {  	s12 =	sadd.s32 $0x450, s12;
	v59 =	vadd.f32 v23, v22;
	v4 =	vadd.f32 v56, v4;
	v5 =	vmul.f32 $4.999999890e-03, v5  }
0x170: {  	[tilespmem:s19], [sflag:$0x6] =	stream.indirect.gather [hbm4b:s2+s10], $0x80, s12, s10, $0xb8;
	v60 =	vadd.f32 v51, v50;
	v7 =	vadd.f32 v58, v7;
	v6 =	vmul.f32 $4.999999890e-03, v6;
	[tilespmem:$0x1DC00] =	vst v63  }
0x171: {  	v61 =	vadd.f32 v55, v53;
	v2 =	vadd.f32 v59, v2;
	v4 =	vmul.f32 $4.999999890e-03, v4;
	[tilespmem:s14+$0x19D00] =	vst v5  }
0x172: {  	s0 =	sadd.s32 $0x1, s0;
	v62 =	vadd.f32 v57, v8;
	v3 =	vadd.f32 v60, v3;
	v63 =	vmul.f32 $4.999999890e-03, v7;
	[tilespmem:s14+$0x19D10] =	vst v6  }
0x173: {  	p0 =	sne.s32 s0, $0x29;
	v1 =	vadd.f32 v61, v1;
	v2 =	vmul.f32 $4.999999890e-03, v2;
	[tilespmem:s14+$0x19D20] =	vst v4  }
.Ltmp6:
0x174: {  	v0 =	vadd.f32 v62, v0;
	v3 =	vmul.f32 $4.999999890e-03, v3;
	[tilespmem:s14+$0x19D30] =	vst v63;
	(pc) =	sbr.rel @p0 .LBB2_2-.Ltmp6, $4  }
0x175: {  	v1 =	vmul.f32 $4.999999890e-03, v1;
	[tilespmem:s14+$0x19D40] =	vst v2  }
0x176: {  	v0 =	vmul.f32 $4.999999890e-03, v0;
	[tilespmem:s14+$0x19D50] =	vst v3  }
0x177: {  	[tilespmem:s14+$0x19D60] =	vst v1  }
0x178: {  	[tilespmem:s14+$0x19D70] =	vst v0  }
0x179: {  	_ =	swait.ge [sflag:s20], $0x3400  }
0x17a: {  	[sflag:s20] =	ssyncset.done $0x0  }
0x17b: {  	s12 =	simm.s32 $0x0;
	[sflag:s20] =	ssyncadd.s32 $0xFFFFCC00  }
0x17c: {  	v0 =	vld [tilespmem:s12+$0x6470]  }
0x17d: {  	v1 =	vld [tilespmem:s12+$0x64F0]  }
0x17e: {  	v2 =	vld [tilespmem:s12+$0x6400]  }
0x17f: {  	v3 =	vld [tilespmem:s12+$0x6480]  }
0x180: {  	v4 =	vld [tilespmem:s12+$0x6410]  }
0x181: {  	v6 =	vld [tilespmem:s12+$0x6490]  }
0x182: {  	v7 =	vld [tilespmem:s12+$0x6420]  }
0x183: {  	v9 =	vld [tilespmem:s12+$0x64A0]  }
0x184: {  	v10 =	vld [tilespmem:s12+$0x6430]  }
0x185: {  	v11 =	vld [tilespmem:s12+$0x64B0]  }
0x186: {  	v13 =	vld [tilespmem:s12+$0x6440]  }
0x187: {  	v14 =	vld [tilespmem:s12+$0x64C0]  }
0x188: {  	v0 =	vadd.f32 v1, v0  }
0x189: {  	v5 =	vimm.f32 $0.0e+00  }
0x18a: {  	v8 =	vld [tilespmem:s12+$0x6450];
	v2 =	vadd.f32 v3, v2;
	v1 =	vadd.f32 v0, v5  }
0x18b: {  	v0 =	vadd.f32 v6, v4;
	v4 =	vadd.f32 v9, v7;
	v9 =	vld [tilespmem:s12+$0x64D0]  }
0x18c: {  	v12 =	vld [tilespmem:s12+$0x64E0];
	v13 =	vadd.f32 v14, v13;
	v6 =	vadd.f32 v11, v10  }
0x18d: {  	s0 =	simm.s32 $0x100;
	v3 =	vadd.f32 v2, v5;
	v10 =	vld [tilespmem:s12+$0x6460];
	v7 =	vimm.f32 $0.0e+00;
	v0 =	vadd.f32 v0, v5  }
0x18e: {  	v11 =	vld [tilespmem:s0+$0x6470];
	s12 =	simm.s32 $0x800;
	v2 =	vadd.f32 v4, v5;
	v4 =	vadd.f32 v6, v5;
	v6 =	vimm.f32 $0.0e+00  }
.LBB2_16:
0x18f: {  	p0 =	sne.s32 s12, $0xCC00;
	v14 =	vld [tilespmem:s0+$0x64F0]  }
0x190: {  	v15 =	vld [tilespmem:s0+$0x6400];
	v5 =	vadd.f32 v13, v5;
	v8 =	vadd.f32 v9, v8  }
0x191: {  	v9 =	vld [tilespmem:s0+$0x6480]  }
0x192: {  	v13 =	vld [tilespmem:s0+$0x6410];
	v6 =	vadd.f32 v8, v6;
	v8 =	vadd.f32 v12, v10  }
0x193: {  	v10 =	vld [tilespmem:s0+$0x6490]  }
0x194: {  	v12 =	vld [tilespmem:s0+$0x6420];
	v11 =	vadd.f32 v14, v11;
	v7 =	vadd.f32 v8, v7  }
0x195: {  	v8 =	vld [tilespmem:s0+$0x64A0]  }
0x196: {  	v9 =	vadd.f32 v9, v15;
	v14 =	vld [tilespmem:s0+$0x6430];
	v1 =	vadd.f32 v11, v1  }
0x197: {  	v11 =	vld [tilespmem:s0+$0x64B0]  }
0x198: {  	v3 =	vadd.f32 v9, v3;
	v9 =	vadd.f32 v10, v13;
	v13 =	vld [tilespmem:s0+$0x6440]  }
0x199: {  	v15 =	vld [tilespmem:s0+$0x64C0]  }
.Ltmp7:
0x19a: {  	v0 =	vadd.f32 v9, v0;
	v10 =	vadd.f32 v8, v12;
	v8 =	vld [tilespmem:s0+$0x6450];
	(pc) =	sbr.rel @p0 .LBB2_16-.Ltmp7, $4  }
0x19b: {  	v9 =	vld [tilespmem:s0+$0x64D0]  }
0x19c: {  	v2 =	vadd.f32 v10, v2;
	v14 =	vadd.f32 v11, v14;
	v10 =	vld [tilespmem:s0+$0x6460]  }
0x19d: {  	v12 =	vld [tilespmem:s0+$0x64E0];
	s0 =	sshra.s32 s12, $0x2  }
0x19e: {  	s12 =	sadd.s32 $0x400, s12;
	v11 =	vld [tilespmem:s0+$0x6470];
	v4 =	vadd.f32 v14, v4;
	v13 =	vadd.f32 v15, v13  }
0x19f: {  	v14 =	vld [tilespmem:s0+$0x64F0]  }
0x1a0: {  	v15 =	vld [tilespmem:s0+$0x6400]  }
0x1a1: {  	v16 =	vld [tilespmem:s0+$0x6480]  }
0x1a2: {  	v17 =	vld [tilespmem:s0+$0x6410]  }
0x1a3: {  	v18 =	vld [tilespmem:s0+$0x6490]  }
0x1a4: {  	v19 =	vld [tilespmem:s0+$0x6420]  }
0x1a5: {  	v20 =	vld [tilespmem:s0+$0x64A0]  }
0x1a6: {  	v21 =	vld [tilespmem:s0+$0x6430]  }
0x1a7: {  	v22 =	vld [tilespmem:s0+$0x64B0]  }
0x1a8: {  	v23 =	vld [tilespmem:s0+$0x6440]  }
0x1a9: {  	v24 =	vld [tilespmem:s0+$0x64C0]  }
0x1aa: {  	v25 =	vld [tilespmem:s0+$0x6450]  }
0x1ab: {  	v26 =	vld [tilespmem:s0+$0x64D0]  }
0x1ac: {  	v27 =	vld [tilespmem:s0+$0x6460]  }
0x1ad: {  	v28 =	vld [tilespmem:s0+$0x64E0];
	[tilespmem:s9], [sflag:$0x1] =	stream.indirect.gather [hbm4b:s2+s8], $0x80, s26, s8, $0xb8  }
0x1ae: {  	_ =	swait.ge [sflag:s21], $0x3000  }
0x1af: {  	[sflag:s21] =	ssyncset.done $0x0  }
0x1b0: {  	s12 =	simm.s32 $0x0;
	[sflag:s21] =	ssyncadd.s32 $0xFFFFD000  }
0x1b1: {  	v8 =	vadd.f32 v9, v8;
	v29 =	vld [tilespmem:s12+$0x9870]  }
0x1b2: {  	v9 =	vadd.f32 v12, v10;
	v10 =	vld [tilespmem:s12+$0x98F0]  }
0x1b3: {  	v5 =	vadd.f32 v13, v5;
	v6 =	vadd.f32 v8, v6;
	v12 =	vld [tilespmem:s12+$0x9800]  }
0x1b4: {  	v8 =	vld [tilespmem:s12+$0x9880];
	v11 =	vadd.f32 v14, v11;
	v7 =	vadd.f32 v9, v7  }
0x1b5: {  	v13 =	vld [tilespmem:s12+$0x9810];
	v9 =	vadd.f32 v16, v15;
	v14 =	vadd.f32 v20, v19  }
0x1b6: {  	v58 =	vld [tilespmem:s12+$0x9820];
	v11 =	vadd.f32 v11, v1;
	v1 =	vadd.f32 v18, v17  }
0x1b7: {  	v59 =	vld [tilespmem:s12+$0x98A0];
	v16 =	vadd.f32 v9, v3;
	v3 =	vadd.f32 v22, v21  }
0x1b8: {  	v15 =	vld [tilespmem:s12+$0x9890];
	v14 =	vadd.f32 v14, v2;
	v9 =	vadd.f32 v28, v27  }
0x1b9: {  	v61 =	vld [tilespmem:s12+$0x98B0];
	v18 =	vadd.f32 v1, v0;
	v0 =	vadd.f32 v24, v23  }
0x1ba: {  	v60 =	vadd.f32 v3, v4;
	v4 =	vld [tilespmem:s12+$0x9830];
	v1 =	vadd.f32 v26, v25  }
0x1bb: {  	v62 =	vld [tilespmem:s12+$0x9840];
	v2 =	vadd.f32 v0, v5;
	v0 =	vadd.f32 v10, v29  }
0x1bc: {  	v63 =	vld [tilespmem:s12+$0x98C0];
	v3 =	vadd.f32 v1, v6;
	v1 =	vadd.f32 v9, v7  }
0x1bd: {  	v5 =	vadd.f32 v8, v12;
	v9 =	vld [tilespmem:s12+$0x9850];
	v6 =	vadd.f32 v15, v13  }
0x1be: {  	v7 =	vadd.f32 v59, v58;
	v0 =	vadd.f32 v0, v11;
	v11 =	vld [tilespmem:s12+$0x98D0]  }
0x1bf: {  	v10 =	vld [tilespmem:s12+$0x9860];
	v5 =	vadd.f32 v5, v16;
	v13 =	vadd.f32 v61, v4  }
0x1c0: {  	s0 =	simm.s32 $0x100;
	v12 =	vld [tilespmem:s12+$0x98E0];
	v6 =	vadd.f32 v6, v18;
	v4 =	vadd.f32 v7, v14  }
0x1c1: {  	v8 =	vld [tilespmem:s0+$0x9870];
	s12 =	simm.s32 $0x800;
	v7 =	vadd.f32 v13, v60;
	v13 =	vadd.f32 v63, v62  }
.LBB2_18:
0x1c2: {  	p0 =	sne.s32 s12, $0xBC00;
	v14 =	vld [tilespmem:s0+$0x98F0]  }
0x1c3: {  	v15 =	vld [tilespmem:s0+$0x9800];
	v2 =	vadd.f32 v13, v2;
	v9 =	vadd.f32 v11, v9  }
0x1c4: {  	v11 =	vld [tilespmem:s0+$0x9880]  }
0x1c5: {  	v13 =	vld [tilespmem:s0+$0x9810];
	v3 =	vadd.f32 v9, v3;
	v9 =	vadd.f32 v12, v10  }
0x1c6: {  	v10 =	vld [tilespmem:s0+$0x9890]  }
0x1c7: {  	v12 =	vld [tilespmem:s0+$0x9820];
	v8 =	vadd.f32 v14, v8;
	v1 =	vadd.f32 v9, v1  }
0x1c8: {  	v9 =	vld [tilespmem:s0+$0x98A0]  }
0x1c9: {  	v11 =	vadd.f32 v11, v15;
	v14 =	vld [tilespmem:s0+$0x9830];
	v0 =	vadd.f32 v8, v0  }
0x1ca: {  	v8 =	vld [tilespmem:s0+$0x98B0]  }
0x1cb: {  	v5 =	vadd.f32 v11, v5;
	v10 =	vadd.f32 v10, v13;
	v13 =	vld [tilespmem:s0+$0x9840]  }
0x1cc: {  	v15 =	vld [tilespmem:s0+$0x98C0]  }
.Ltmp8:
0x1cd: {  	v6 =	vadd.f32 v10, v6;
	v10 =	vadd.f32 v9, v12;
	v9 =	vld [tilespmem:s0+$0x9850];
	(pc) =	sbr.rel @p0 .LBB2_18-.Ltmp8, $4  }
0x1ce: {  	v11 =	vld [tilespmem:s0+$0x98D0]  }
0x1cf: {  	v4 =	vadd.f32 v10, v4;
	v14 =	vadd.f32 v8, v14;
	v10 =	vld [tilespmem:s0+$0x9860]  }
0x1d0: {  	v12 =	vld [tilespmem:s0+$0x98E0];
	s0 =	sshra.s32 s12, $0x2  }
0x1d1: {  	s12 =	sadd.s32 $0x400, s12;
	v8 =	vld [tilespmem:s0+$0x9870];
	v7 =	vadd.f32 v14, v7;
	v13 =	vadd.f32 v15, v13  }
0x1d2: {  	v14 =	vld [tilespmem:s0+$0x9800]  }
0x1d3: {  	v15 =	vld [tilespmem:s0+$0x9880]  }
0x1d4: {  	v16 =	vld [tilespmem:s0+$0x9810]  }
0x1d5: {  	v17 =	vld [tilespmem:s0+$0x9890]  }
0x1d6: {  	v18 =	vld [tilespmem:s0+$0x9820]  }
0x1d7: {  	v19 =	vld [tilespmem:s0+$0x98A0]  }
0x1d8: {  	v20 =	vld [tilespmem:s0+$0x9830]  }
0x1d9: {  	v21 =	vld [tilespmem:s0+$0x98B0]  }
0x1da: {  	v22 =	vld [tilespmem:s0+$0x9840]  }
0x1db: {  	v23 =	vld [tilespmem:s0+$0x98C0]  }
0x1dc: {  	v9 =	vadd.f32 v11, v9;
	v11 =	vld [tilespmem:s0+$0x9850]  }
0x1dd: {  	v2 =	vadd.f32 v13, v2;
	v13 =	vld [tilespmem:s0+$0x9860];
	v10 =	vadd.f32 v12, v10  }
0x1de: {  	v12 =	vld [tilespmem:s0+$0x98D0];
	v3 =	vadd.f32 v9, v3;
	v9 =	vadd.f32 v15, v14  }
0x1df: {  	v1 =	vadd.f32 v10, v1;
	v10 =	vadd.f32 v17, v16;
	v14 =	vld [tilespmem:s0+$0x98E0]  }
0x1e0: {  	v15 =	vld [tilespmem:s0+$0x98F0];
	v5 =	vadd.f32 v9, v5;
	v9 =	vadd.f32 v19, v18  }
0x1e1: {  	v6 =	vadd.f32 v10, v6;
	v10 =	vadd.f32 v21, v20  }
0x1e2: {  	v4 =	vadd.f32 v9, v4;
	v9 =	vadd.f32 v23, v22;
	v5 =	vmul.f32 $4.999999890e-03, v5  }
0x1e3: {  	[tilespmem:s11], [sflag:$0x2] =	stream.indirect.gather [hbm4b:s2+s10], $0x80, s28, s10, $0xb8;
	v7 =	vadd.f32 v10, v7;
	v10 =	vadd.f32 v12, v11;
	v6 =	vmul.f32 $4.999999890e-03, v6;
	[tilespmem:$0x1DC00] =	vst v63  }
0x1e4: {  	v2 =	vadd.f32 v9, v2;
	v9 =	vadd.f32 v14, v13;
	[tilespmem:$0x1D980] =	vst v5;
	v4 =	vmul.f32 $4.999999890e-03, v4  }
0x1e5: {  	v5 =	vadd.f32 v15, v8;
	v3 =	vadd.f32 v10, v3;
	[tilespmem:$0x1D990] =	vst v6;
	v6 =	vmul.f32 $4.999999890e-03, v7  }
0x1e6: {  	v1 =	vadd.f32 v9, v1;
	[tilespmem:$0x1D9A0] =	vst v4;
	v2 =	vmul.f32 $4.999999890e-03, v2  }
0x1e7: {  	v0 =	vadd.f32 v5, v0;
	[tilespmem:$0x1D9B0] =	vst v6;
	v3 =	vmul.f32 $4.999999890e-03, v3  }
0x1e8: {  	[tilespmem:$0x1D9C0] =	vst v2;
	v1 =	vmul.f32 $4.999999890e-03, v1  }
0x1e9: {  	[tilespmem:$0x1D9D0] =	vst v3;
	v0 =	vmul.f32 $4.999999890e-03, v0  }
0x1ea: {  	[tilespmem:$0x1D9E0] =	vst v1  }
0x1eb: {  	[tilespmem:$0x1D9F0] =	vst v0  }
0x1ec: {  	_ =	swait.ge [sflag:s22], $0x3400  }
0x1ed: {  	[sflag:s22] =	ssyncset.done $0x0  }
0x1ee: {  	s12 =	simm.s32 $0x0;
	[sflag:s22] =	ssyncadd.s32 $0xFFFFCC00  }
0x1ef: {  	v0 =	vld [tilespmem:s12+$0xCC70]  }
0x1f0: {  	v1 =	vld [tilespmem:s12+$0xCCF0]  }
0x1f1: {  	v2 =	vld [tilespmem:s12+$0xCC00]  }
0x1f2: {  	v3 =	vld [tilespmem:s12+$0xCC80]  }
0x1f3: {  	v4 =	vld [tilespmem:s12+$0xCC10]  }
0x1f4: {  	v6 =	vld [tilespmem:s12+$0xCC90]  }
0x1f5: {  	v7 =	vld [tilespmem:s12+$0xCC20]  }
0x1f6: {  	v9 =	vld [tilespmem:s12+$0xCCA0]  }
0x1f7: {  	v10 =	vld [tilespmem:s12+$0xCC30]  }
0x1f8: {  	v11 =	vld [tilespmem:s12+$0xCCB0]  }
0x1f9: {  	v13 =	vld [tilespmem:s12+$0xCC40]  }
0x1fa: {  	v14 =	vld [tilespmem:s12+$0xCCC0]  }
0x1fb: {  	v0 =	vadd.f32 v1, v0  }
0x1fc: {  	v5 =	vimm.f32 $0.0e+00  }
0x1fd: {  	v8 =	vld [tilespmem:s12+$0xCC50];
	v2 =	vadd.f32 v3, v2;
	v1 =	vadd.f32 v0, v5  }
0x1fe: {  	v0 =	vadd.f32 v6, v4;
	v4 =	vadd.f32 v9, v7;
	v9 =	vld [tilespmem:s12+$0xCCD0]  }
0x1ff: {  	v12 =	vld [tilespmem:s12+$0xCCE0];
	v13 =	vadd.f32 v14, v13;
	v6 =	vadd.f32 v11, v10  }
0x200: {  	s0 =	simm.s32 $0x100;
	v3 =	vadd.f32 v2, v5;
	v10 =	vld [tilespmem:s12+$0xCC60];
	v7 =	vimm.f32 $0.0e+00;
	v0 =	vadd.f32 v0, v5  }
0x201: {  	v11 =	vld [tilespmem:s0+$0xCC70];
	s12 =	simm.s32 $0x800;
	v2 =	vadd.f32 v4, v5;
	v4 =	vadd.f32 v6, v5;
	v6 =	vimm.f32 $0.0e+00  }
.LBB2_20:
0x202: {  	p0 =	sne.s32 s12, $0xCC00;
	v14 =	vld [tilespmem:s0+$0xCCF0]  }
0x203: {  	v15 =	vld [tilespmem:s0+$0xCC00];
	v5 =	vadd.f32 v13, v5;
	v8 =	vadd.f32 v9, v8  }
0x204: {  	v9 =	vld [tilespmem:s0+$0xCC80]  }
0x205: {  	v13 =	vld [tilespmem:s0+$0xCC10];
	v6 =	vadd.f32 v8, v6;
	v8 =	vadd.f32 v12, v10  }
0x206: {  	v10 =	vld [tilespmem:s0+$0xCC90]  }
0x207: {  	v12 =	vld [tilespmem:s0+$0xCC20];
	v11 =	vadd.f32 v14, v11;
	v7 =	vadd.f32 v8, v7  }
0x208: {  	v8 =	vld [tilespmem:s0+$0xCCA0]  }
0x209: {  	v9 =	vadd.f32 v9, v15;
	v14 =	vld [tilespmem:s0+$0xCC30];
	v1 =	vadd.f32 v11, v1  }
0x20a: {  	v11 =	vld [tilespmem:s0+$0xCCB0]  }
0x20b: {  	v3 =	vadd.f32 v9, v3;
	v9 =	vadd.f32 v10, v13;
	v13 =	vld [tilespmem:s0+$0xCC40]  }
0x20c: {  	v15 =	vld [tilespmem:s0+$0xCCC0]  }
.Ltmp9:
0x20d: {  	v0 =	vadd.f32 v9, v0;
	v10 =	vadd.f32 v8, v12;
	v8 =	vld [tilespmem:s0+$0xCC50];
	(pc) =	sbr.rel @p0 .LBB2_20-.Ltmp9, $4  }
0x20e: {  	v9 =	vld [tilespmem:s0+$0xCCD0]  }
0x20f: {  	v2 =	vadd.f32 v10, v2;
	v14 =	vadd.f32 v11, v14;
	v10 =	vld [tilespmem:s0+$0xCC60]  }
0x210: {  	v12 =	vld [tilespmem:s0+$0xCCE0];
	s0 =	sshra.s32 s12, $0x2  }
0x211: {  	s12 =	sadd.s32 $0x400, s12;
	v11 =	vld [tilespmem:s0+$0xCC70];
	v4 =	vadd.f32 v14, v4;
	v13 =	vadd.f32 v15, v13  }
0x212: {  	v14 =	vld [tilespmem:s0+$0xCCF0]  }
0x213: {  	v15 =	vld [tilespmem:s0+$0xCC00]  }
0x214: {  	v16 =	vld [tilespmem:s0+$0xCC80]  }
0x215: {  	v17 =	vld [tilespmem:s0+$0xCC10]  }
0x216: {  	v18 =	vld [tilespmem:s0+$0xCC90]  }
0x217: {  	v19 =	vld [tilespmem:s0+$0xCC20]  }
0x218: {  	v20 =	vld [tilespmem:s0+$0xCCA0]  }
0x219: {  	v21 =	vld [tilespmem:s0+$0xCC30]  }
0x21a: {  	v22 =	vld [tilespmem:s0+$0xCCB0]  }
0x21b: {  	v23 =	vld [tilespmem:s0+$0xCC40]  }
0x21c: {  	v24 =	vld [tilespmem:s0+$0xCCC0]  }
0x21d: {  	v25 =	vld [tilespmem:s0+$0xCC50]  }
0x21e: {  	v26 =	vld [tilespmem:s0+$0xCCD0]  }
0x21f: {  	v27 =	vld [tilespmem:s0+$0xCC60]  }
0x220: {  	v28 =	vld [tilespmem:s0+$0xCCE0];
	[tilespmem:s13], [sflag:$0x3] =	stream.indirect.gather [hbm4b:s2+s8], $0x80, s29, s8, $0xb8  }
0x221: {  	_ =	swait.ge [sflag:s23], $0x3000  }
0x222: {  	[sflag:s23] =	ssyncset.done $0x0  }
0x223: {  	s12 =	simm.s32 $0x0;
	[sflag:s23] =	ssyncadd.s32 $0xFFFFD000  }
0x224: {  	v8 =	vadd.f32 v9, v8;
	v29 =	vld [tilespmem:s12+$0x10070]  }
0x225: {  	v9 =	vadd.f32 v12, v10;
	v10 =	vld [tilespmem:s12+$0x100F0]  }
0x226: {  	v5 =	vadd.f32 v13, v5;
	v6 =	vadd.f32 v8, v6;
	v12 =	vld [tilespmem:s12+$0x10000]  }
0x227: {  	v8 =	vld [tilespmem:s12+$0x10080];
	v11 =	vadd.f32 v14, v11;
	v7 =	vadd.f32 v9, v7  }
0x228: {  	v13 =	vld [tilespmem:s12+$0x10010];
	v9 =	vadd.f32 v16, v15;
	v14 =	vadd.f32 v20, v19  }
0x229: {  	v58 =	vld [tilespmem:s12+$0x10020];
	v11 =	vadd.f32 v11, v1;
	v1 =	vadd.f32 v18, v17  }
0x22a: {  	v59 =	vld [tilespmem:s12+$0x100A0];
	v16 =	vadd.f32 v9, v3;
	v3 =	vadd.f32 v22, v21  }
0x22b: {  	v15 =	vld [tilespmem:s12+$0x10090];
	v14 =	vadd.f32 v14, v2;
	v9 =	vadd.f32 v28, v27  }
0x22c: {  	v61 =	vld [tilespmem:s12+$0x100B0];
	v18 =	vadd.f32 v1, v0;
	v0 =	vadd.f32 v24, v23  }
0x22d: {  	v60 =	vadd.f32 v3, v4;
	v4 =	vld [tilespmem:s12+$0x10030];
	v1 =	vadd.f32 v26, v25  }
0x22e: {  	v62 =	vld [tilespmem:s12+$0x10040];
	v2 =	vadd.f32 v0, v5;
	v0 =	vadd.f32 v10, v29  }
0x22f: {  	v63 =	vld [tilespmem:s12+$0x100C0];
	v3 =	vadd.f32 v1, v6;
	v1 =	vadd.f32 v9, v7  }
0x230: {  	v5 =	vadd.f32 v8, v12;
	v9 =	vld [tilespmem:s12+$0x10050];
	v6 =	vadd.f32 v15, v13  }
0x231: {  	v7 =	vadd.f32 v59, v58;
	v0 =	vadd.f32 v0, v11;
	v11 =	vld [tilespmem:s12+$0x100D0]  }
0x232: {  	v10 =	vld [tilespmem:s12+$0x10060];
	v5 =	vadd.f32 v5, v16;
	v13 =	vadd.f32 v61, v4  }
0x233: {  	s0 =	simm.s32 $0x100;
	v12 =	vld [tilespmem:s12+$0x100E0];
	v6 =	vadd.f32 v6, v18;
	v4 =	vadd.f32 v7, v14  }
0x234: {  	v8 =	vld [tilespmem:s0+$0x10070];
	s12 =	simm.s32 $0x800;
	v7 =	vadd.f32 v13, v60;
	v13 =	vadd.f32 v63, v62  }
.LBB2_22:
0x235: {  	p0 =	sne.s32 s12, $0xBC00;
	v14 =	vld [tilespmem:s0+$0x100F0]  }
0x236: {  	v15 =	vld [tilespmem:s0+$0x10000];
	v2 =	vadd.f32 v13, v2;
	v9 =	vadd.f32 v11, v9  }
0x237: {  	v11 =	vld [tilespmem:s0+$0x10080]  }
0x238: {  	v13 =	vld [tilespmem:s0+$0x10010];
	v3 =	vadd.f32 v9, v3;
	v9 =	vadd.f32 v12, v10  }
0x239: {  	v10 =	vld [tilespmem:s0+$0x10090]  }
0x23a: {  	v12 =	vld [tilespmem:s0+$0x10020];
	v8 =	vadd.f32 v14, v8;
	v1 =	vadd.f32 v9, v1  }
0x23b: {  	v9 =	vld [tilespmem:s0+$0x100A0]  }
0x23c: {  	v11 =	vadd.f32 v11, v15;
	v14 =	vld [tilespmem:s0+$0x10030];
	v0 =	vadd.f32 v8, v0  }
0x23d: {  	v8 =	vld [tilespmem:s0+$0x100B0]  }
0x23e: {  	v5 =	vadd.f32 v11, v5;
	v10 =	vadd.f32 v10, v13;
	v13 =	vld [tilespmem:s0+$0x10040]  }
0x23f: {  	v15 =	vld [tilespmem:s0+$0x100C0]  }
.Ltmp10:
0x240: {  	v6 =	vadd.f32 v10, v6;
	v10 =	vadd.f32 v9, v12;
	v9 =	vld [tilespmem:s0+$0x10050];
	(pc) =	sbr.rel @p0 .LBB2_22-.Ltmp10, $4  }
0x241: {  	v11 =	vld [tilespmem:s0+$0x100D0]  }
0x242: {  	v4 =	vadd.f32 v10, v4;
	v14 =	vadd.f32 v8, v14;
	v10 =	vld [tilespmem:s0+$0x10060]  }
0x243: {  	v12 =	vld [tilespmem:s0+$0x100E0];
	s0 =	sshra.s32 s12, $0x2  }
0x244: {  	s12 =	sadd.s32 $0x400, s12;
	v8 =	vld [tilespmem:s0+$0x10070];
	v7 =	vadd.f32 v14, v7;
	v13 =	vadd.f32 v15, v13  }
0x245: {  	v14 =	vld [tilespmem:s0+$0x10000]  }
0x246: {  	v15 =	vld [tilespmem:s0+$0x10080]  }
0x247: {  	v16 =	vld [tilespmem:s0+$0x10010]  }
0x248: {  	v17 =	vld [tilespmem:s0+$0x10090]  }
0x249: {  	v18 =	vld [tilespmem:s0+$0x10020]  }
0x24a: {  	v19 =	vld [tilespmem:s0+$0x100A0]  }
0x24b: {  	v20 =	vld [tilespmem:s0+$0x10030]  }
0x24c: {  	v21 =	vld [tilespmem:s0+$0x100B0]  }
0x24d: {  	v22 =	vld [tilespmem:s0+$0x10040]  }
0x24e: {  	v23 =	vld [tilespmem:s0+$0x100C0]  }
0x24f: {  	v9 =	vadd.f32 v11, v9;
	v11 =	vld [tilespmem:s0+$0x10050]  }
0x250: {  	v2 =	vadd.f32 v13, v2;
	v13 =	vld [tilespmem:s0+$0x10060];
	v10 =	vadd.f32 v12, v10  }
0x251: {  	v12 =	vld [tilespmem:s0+$0x100D0];
	v3 =	vadd.f32 v9, v3;
	v9 =	vadd.f32 v15, v14  }
0x252: {  	v1 =	vadd.f32 v10, v1;
	v10 =	vadd.f32 v17, v16;
	v14 =	vld [tilespmem:s0+$0x100E0]  }
0x253: {  	v15 =	vld [tilespmem:s0+$0x100F0];
	v5 =	vadd.f32 v9, v5;
	v9 =	vadd.f32 v19, v18  }
0x254: {  	v6 =	vadd.f32 v10, v6;
	v10 =	vadd.f32 v21, v20  }
0x255: {  	v4 =	vadd.f32 v9, v4;
	v9 =	vadd.f32 v23, v22;
	v5 =	vmul.f32 $4.999999890e-03, v5  }
0x256: {  	[tilespmem:s15], [sflag:$0x4] =	stream.indirect.gather [hbm4b:s2+s10], $0x80, s30, s10, $0xb8;
	v7 =	vadd.f32 v10, v7;
	v10 =	vadd.f32 v12, v11;
	v6 =	vmul.f32 $4.999999890e-03, v6;
	[tilespmem:$0x1DC00] =	vst v63  }
0x257: {  	v2 =	vadd.f32 v9, v2;
	v9 =	vadd.f32 v14, v13;
	[tilespmem:$0x1DA00] =	vst v5;
	v4 =	vmul.f32 $4.999999890e-03, v4  }
0x258: {  	v5 =	vadd.f32 v15, v8;
	v3 =	vadd.f32 v10, v3;
	[tilespmem:$0x1DA10] =	vst v6;
	v6 =	vmul.f32 $4.999999890e-03, v7  }
0x259: {  	v1 =	vadd.f32 v9, v1;
	[tilespmem:$0x1DA20] =	vst v4;
	v2 =	vmul.f32 $4.999999890e-03, v2  }
0x25a: {  	v0 =	vadd.f32 v5, v0;
	[tilespmem:$0x1DA30] =	vst v6;
	v3 =	vmul.f32 $4.999999890e-03, v3  }
0x25b: {  	[tilespmem:$0x1DA40] =	vst v2;
	v1 =	vmul.f32 $4.999999890e-03, v1  }
0x25c: {  	[tilespmem:$0x1DA50] =	vst v3;
	v0 =	vmul.f32 $4.999999890e-03, v0  }
0x25d: {  	[tilespmem:$0x1DA60] =	vst v1  }
0x25e: {  	[tilespmem:$0x1DA70] =	vst v0  }
0x25f: {  	_ =	swait.ge [sflag:s24], $0x3400  }
0x260: {  	[sflag:s24] =	ssyncset.done $0x0  }
0x261: {  	s12 =	simm.s32 $0x0;
	[sflag:s24] =	ssyncadd.s32 $0xFFFFCC00  }
0x262: {  	v0 =	vld [tilespmem:s12+$0x13470]  }
0x263: {  	v1 =	vld [tilespmem:s12+$0x134F0]  }
0x264: {  	v2 =	vld [tilespmem:s12+$0x13400]  }
0x265: {  	v3 =	vld [tilespmem:s12+$0x13480]  }
0x266: {  	v4 =	vld [tilespmem:s12+$0x13410]  }
0x267: {  	v6 =	vld [tilespmem:s12+$0x13490]  }
0x268: {  	v7 =	vld [tilespmem:s12+$0x13420]  }
0x269: {  	v9 =	vld [tilespmem:s12+$0x134A0]  }
0x26a: {  	v10 =	vld [tilespmem:s12+$0x13430]  }
0x26b: {  	v11 =	vld [tilespmem:s12+$0x134B0]  }
0x26c: {  	v13 =	vld [tilespmem:s12+$0x13440]  }
0x26d: {  	v14 =	vld [tilespmem:s12+$0x134C0]  }
0x26e: {  	v0 =	vadd.f32 v1, v0  }
0x26f: {  	v5 =	vimm.f32 $0.0e+00  }
0x270: {  	v8 =	vld [tilespmem:s12+$0x13450];
	v2 =	vadd.f32 v3, v2;
	v1 =	vadd.f32 v0, v5  }
0x271: {  	v0 =	vadd.f32 v6, v4;
	v4 =	vadd.f32 v9, v7;
	v9 =	vld [tilespmem:s12+$0x134D0]  }
0x272: {  	v12 =	vld [tilespmem:s12+$0x134E0];
	v13 =	vadd.f32 v14, v13;
	v6 =	vadd.f32 v11, v10  }
0x273: {  	s0 =	simm.s32 $0x100;
	v3 =	vadd.f32 v2, v5;
	v10 =	vld [tilespmem:s12+$0x13460];
	v7 =	vimm.f32 $0.0e+00;
	v0 =	vadd.f32 v0, v5  }
0x274: {  	v11 =	vld [tilespmem:s0+$0x13470];
	s12 =	simm.s32 $0x800;
	v2 =	vadd.f32 v4, v5;
	v4 =	vadd.f32 v6, v5;
	v6 =	vimm.f32 $0.0e+00  }
.LBB2_24:
0x275: {  	p0 =	sne.s32 s12, $0xCC00;
	v14 =	vld [tilespmem:s0+$0x134F0]  }
0x276: {  	v15 =	vld [tilespmem:s0+$0x13400];
	v5 =	vadd.f32 v13, v5;
	v8 =	vadd.f32 v9, v8  }
0x277: {  	v9 =	vld [tilespmem:s0+$0x13480]  }
0x278: {  	v13 =	vld [tilespmem:s0+$0x13410];
	v6 =	vadd.f32 v8, v6;
	v8 =	vadd.f32 v12, v10  }
0x279: {  	v10 =	vld [tilespmem:s0+$0x13490]  }
0x27a: {  	v12 =	vld [tilespmem:s0+$0x13420];
	v11 =	vadd.f32 v14, v11;
	v7 =	vadd.f32 v8, v7  }
0x27b: {  	v8 =	vld [tilespmem:s0+$0x134A0]  }
0x27c: {  	v9 =	vadd.f32 v9, v15;
	v14 =	vld [tilespmem:s0+$0x13430];
	v1 =	vadd.f32 v11, v1  }
0x27d: {  	v11 =	vld [tilespmem:s0+$0x134B0]  }
0x27e: {  	v3 =	vadd.f32 v9, v3;
	v9 =	vadd.f32 v10, v13;
	v13 =	vld [tilespmem:s0+$0x13440]  }
0x27f: {  	v15 =	vld [tilespmem:s0+$0x134C0]  }
.Ltmp11:
0x280: {  	v0 =	vadd.f32 v9, v0;
	v10 =	vadd.f32 v8, v12;
	v8 =	vld [tilespmem:s0+$0x13450];
	(pc) =	sbr.rel @p0 .LBB2_24-.Ltmp11, $4  }
0x281: {  	v9 =	vld [tilespmem:s0+$0x134D0]  }
0x282: {  	v2 =	vadd.f32 v10, v2;
	v14 =	vadd.f32 v11, v14;
	v10 =	vld [tilespmem:s0+$0x13460]  }
0x283: {  	v12 =	vld [tilespmem:s0+$0x134E0];
	s0 =	sshra.s32 s12, $0x2  }
0x284: {  	s12 =	sadd.s32 $0x400, s12;
	v11 =	vld [tilespmem:s0+$0x13470];
	v4 =	vadd.f32 v14, v4;
	v13 =	vadd.f32 v15, v13  }
0x285: {  	v14 =	vld [tilespmem:s0+$0x134F0]  }
0x286: {  	v15 =	vld [tilespmem:s0+$0x13400]  }
0x287: {  	v16 =	vld [tilespmem:s0+$0x13480]  }
0x288: {  	v17 =	vld [tilespmem:s0+$0x13410]  }
0x289: {  	v18 =	vld [tilespmem:s0+$0x13490]  }
0x28a: {  	v19 =	vld [tilespmem:s0+$0x13420]  }
0x28b: {  	v20 =	vld [tilespmem:s0+$0x134A0]  }
0x28c: {  	v21 =	vld [tilespmem:s0+$0x13430]  }
0x28d: {  	v22 =	vld [tilespmem:s0+$0x134B0]  }
0x28e: {  	v23 =	vld [tilespmem:s0+$0x13440]  }
0x28f: {  	v24 =	vld [tilespmem:s0+$0x134C0]  }
0x290: {  	v25 =	vld [tilespmem:s0+$0x13450]  }
0x291: {  	v26 =	vld [tilespmem:s0+$0x134D0]  }
0x292: {  	v27 =	vld [tilespmem:s0+$0x13460]  }
0x293: {  	v28 =	vld [tilespmem:s0+$0x134E0];
	_ =	swait.ge [sflag:s25], $0x3000  }
0x294: {  	[sflag:s25] =	ssyncset.done $0x0  }
0x295: {  	s12 =	simm.s32 $0x0;
	[sflag:s25] =	ssyncadd.s32 $0xFFFFD000  }
0x296: {  	v8 =	vadd.f32 v9, v8;
	v29 =	vld [tilespmem:s12+$0x16870]  }
0x297: {  	v9 =	vadd.f32 v12, v10;
	v10 =	vld [tilespmem:s12+$0x168F0]  }
0x298: {  	v5 =	vadd.f32 v13, v5;
	v12 =	vld [tilespmem:s12+$0x16800];
	v6 =	vadd.f32 v8, v6  }
0x299: {  	v8 =	vld [tilespmem:s12+$0x16880];
	v11 =	vadd.f32 v14, v11;
	v7 =	vadd.f32 v9, v7  }
0x29a: {  	v13 =	vld [tilespmem:s12+$0x16810];
	v9 =	vadd.f32 v16, v15;
	v14 =	vadd.f32 v20, v19  }
0x29b: {  	v58 =	vld [tilespmem:s12+$0x16820];
	v11 =	vadd.f32 v11, v1;
	v1 =	vadd.f32 v18, v17  }
0x29c: {  	v59 =	vld [tilespmem:s12+$0x168A0];
	v16 =	vadd.f32 v9, v3;
	v3 =	vadd.f32 v22, v21  }
0x29d: {  	v15 =	vld [tilespmem:s12+$0x16890];
	v14 =	vadd.f32 v14, v2;
	v9 =	vadd.f32 v28, v27  }
0x29e: {  	v61 =	vld [tilespmem:s12+$0x168B0];
	v18 =	vadd.f32 v1, v0;
	v0 =	vadd.f32 v24, v23  }
0x29f: {  	v60 =	vadd.f32 v3, v4;
	v4 =	vld [tilespmem:s12+$0x16830];
	v1 =	vadd.f32 v26, v25  }
0x2a0: {  	v62 =	vld [tilespmem:s12+$0x16840];
	v2 =	vadd.f32 v0, v5;
	v0 =	vadd.f32 v10, v29  }
0x2a1: {  	v63 =	vld [tilespmem:s12+$0x168C0];
	v3 =	vadd.f32 v1, v6;
	v1 =	vadd.f32 v9, v7  }
0x2a2: {  	v5 =	vadd.f32 v8, v12;
	v9 =	vld [tilespmem:s12+$0x16850];
	v6 =	vadd.f32 v15, v13  }
0x2a3: {  	v7 =	vadd.f32 v59, v58;
	v0 =	vadd.f32 v0, v11;
	v11 =	vld [tilespmem:s12+$0x168D0]  }
0x2a4: {  	v10 =	vld [tilespmem:s12+$0x16860];
	v5 =	vadd.f32 v5, v16;
	v13 =	vadd.f32 v61, v4  }
0x2a5: {  	s0 =	simm.s32 $0x100;
	v12 =	vld [tilespmem:s12+$0x168E0];
	v6 =	vadd.f32 v6, v18;
	v4 =	vadd.f32 v7, v14  }
0x2a6: {  	v8 =	vld [tilespmem:s0+$0x16870];
	s12 =	simm.s32 $0x800;
	v7 =	vadd.f32 v13, v60;
	v13 =	vadd.f32 v63, v62  }
.LBB2_26:
0x2a7: {  	p0 =	sne.s32 s12, $0xBC00;
	v14 =	vld [tilespmem:s0+$0x168F0]  }
0x2a8: {  	v15 =	vld [tilespmem:s0+$0x16800];
	v2 =	vadd.f32 v13, v2;
	v9 =	vadd.f32 v11, v9  }
0x2a9: {  	v11 =	vld [tilespmem:s0+$0x16880]  }
0x2aa: {  	v13 =	vld [tilespmem:s0+$0x16810];
	v3 =	vadd.f32 v9, v3;
	v9 =	vadd.f32 v12, v10  }
0x2ab: {  	v10 =	vld [tilespmem:s0+$0x16890]  }
0x2ac: {  	v12 =	vld [tilespmem:s0+$0x16820];
	v8 =	vadd.f32 v14, v8;
	v1 =	vadd.f32 v9, v1  }
0x2ad: {  	v9 =	vld [tilespmem:s0+$0x168A0]  }
0x2ae: {  	v11 =	vadd.f32 v11, v15;
	v14 =	vld [tilespmem:s0+$0x16830];
	v0 =	vadd.f32 v8, v0  }
0x2af: {  	v8 =	vld [tilespmem:s0+$0x168B0]  }
0x2b0: {  	v5 =	vadd.f32 v11, v5;
	v10 =	vadd.f32 v10, v13;
	v13 =	vld [tilespmem:s0+$0x16840]  }
0x2b1: {  	v15 =	vld [tilespmem:s0+$0x168C0]  }
.Ltmp12:
0x2b2: {  	v6 =	vadd.f32 v10, v6;
	v10 =	vadd.f32 v9, v12;
	v9 =	vld [tilespmem:s0+$0x16850];
	(pc) =	sbr.rel @p0 .LBB2_26-.Ltmp12, $4  }
0x2b3: {  	v11 =	vld [tilespmem:s0+$0x168D0]  }
0x2b4: {  	v4 =	vadd.f32 v10, v4;
	v14 =	vadd.f32 v8, v14;
	v10 =	vld [tilespmem:s0+$0x16860]  }
0x2b5: {  	v12 =	vld [tilespmem:s0+$0x168E0];
	s0 =	sshra.s32 s12, $0x2  }
0x2b6: {  	s12 =	sadd.s32 $0x400, s12;
	v8 =	vld [tilespmem:s0+$0x16870];
	v7 =	vadd.f32 v14, v7;
	v13 =	vadd.f32 v15, v13  }
0x2b7: {  	v14 =	vld [tilespmem:s0+$0x16800]  }
0x2b8: {  	v15 =	vld [tilespmem:s0+$0x16880]  }
0x2b9: {  	v16 =	vld [tilespmem:s0+$0x16810]  }
0x2ba: {  	v17 =	vld [tilespmem:s0+$0x16890]  }
0x2bb: {  	v18 =	vld [tilespmem:s0+$0x16820]  }
0x2bc: {  	v19 =	vld [tilespmem:s0+$0x168A0]  }
0x2bd: {  	v20 =	vld [tilespmem:s0+$0x16830]  }
0x2be: {  	v21 =	vld [tilespmem:s0+$0x168B0]  }
0x2bf: {  	v22 =	vld [tilespmem:s0+$0x16840]  }
0x2c0: {  	v23 =	vld [tilespmem:s0+$0x168C0]  }
0x2c1: {  	v9 =	vadd.f32 v11, v9;
	v11 =	vld [tilespmem:s0+$0x16850]  }
0x2c2: {  	v2 =	vadd.f32 v13, v2;
	v13 =	vld [tilespmem:s0+$0x16860];
	v10 =	vadd.f32 v12, v10  }
0x2c3: {  	v12 =	vld [tilespmem:s0+$0x168D0];
	v3 =	vadd.f32 v9, v3;
	v9 =	vadd.f32 v15, v14  }
0x2c4: {  	v1 =	vadd.f32 v10, v1;
	v10 =	vadd.f32 v17, v16;
	v14 =	vld [tilespmem:s0+$0x168E0]  }
0x2c5: {  	v15 =	vld [tilespmem:s0+$0x168F0];
	v5 =	vadd.f32 v9, v5;
	v9 =	vadd.f32 v19, v18  }
0x2c6: {  	v6 =	vadd.f32 v10, v6;
	v10 =	vadd.f32 v21, v20  }
0x2c7: {  	v4 =	vadd.f32 v9, v4;
	v9 =	vadd.f32 v23, v22;
	v5 =	vmul.f32 $4.999999890e-03, v5  }
0x2c8: {  	v7 =	vadd.f32 v10, v7;
	v10 =	vadd.f32 v12, v11;
	v6 =	vmul.f32 $4.999999890e-03, v6  }
0x2c9: {  	v2 =	vadd.f32 v9, v2;
	v9 =	vadd.f32 v14, v13;
	[tilespmem:$0x1DA80] =	vst v5;
	v4 =	vmul.f32 $4.999999890e-03, v4  }
0x2ca: {  	v5 =	vadd.f32 v15, v8;
	v3 =	vadd.f32 v10, v3;
	[tilespmem:$0x1DA90] =	vst v6;
	v6 =	vmul.f32 $4.999999890e-03, v7  }
0x2cb: {  	v1 =	vadd.f32 v9, v1;
	[tilespmem:$0x1DAA0] =	vst v4;
	v2 =	vmul.f32 $4.999999890e-03, v2  }
0x2cc: {  	v0 =	vadd.f32 v5, v0;
	[tilespmem:$0x1DAB0] =	vst v6;
	v3 =	vmul.f32 $4.999999890e-03, v3  }
0x2cd: {  	[tilespmem:$0x1DAC0] =	vst v2;
	v1 =	vmul.f32 $4.999999890e-03, v1  }
0x2ce: {  	[tilespmem:$0x1DAD0] =	vst v3;
	v0 =	vmul.f32 $4.999999890e-03, v0  }
0x2cf: {  	[tilespmem:$0x1DAE0] =	vst v1  }
0x2d0: {  	[tilespmem:$0x1DAF0] =	vst v0  }
0x2d1: {  	_ =	swait.ge [sflag:s20], $0x3400  }
0x2d2: {  	[sflag:s20] =	ssyncset.done $0x0  }
0x2d3: {  	s12 =	simm.s32 $0x0;
	[sflag:s20] =	ssyncadd.s32 $0xFFFFCC00  }
0x2d4: {  	v0 =	vld [tilespmem:s12+$0x6470]  }
0x2d5: {  	v1 =	vld [tilespmem:s12+$0x64F0]  }
0x2d6: {  	v2 =	vld [tilespmem:s12+$0x6400]  }
0x2d7: {  	v3 =	vld [tilespmem:s12+$0x6480]  }
0x2d8: {  	v4 =	vld [tilespmem:s12+$0x6410]  }
0x2d9: {  	v6 =	vld [tilespmem:s12+$0x6490]  }
0x2da: {  	v7 =	vld [tilespmem:s12+$0x6420]  }
0x2db: {  	v9 =	vld [tilespmem:s12+$0x64A0]  }
0x2dc: {  	v10 =	vld [tilespmem:s12+$0x6430]  }
0x2dd: {  	v11 =	vld [tilespmem:s12+$0x64B0]  }
0x2de: {  	v13 =	vld [tilespmem:s12+$0x6440]  }
0x2df: {  	v14 =	vld [tilespmem:s12+$0x64C0]  }
0x2e0: {  	v0 =	vadd.f32 v1, v0  }
0x2e1: {  	v5 =	vimm.f32 $0.0e+00  }
0x2e2: {  	v8 =	vld [tilespmem:s12+$0x6450];
	v2 =	vadd.f32 v3, v2;
	v1 =	vadd.f32 v0, v5  }
0x2e3: {  	v0 =	vadd.f32 v6, v4;
	v4 =	vadd.f32 v9, v7;
	v9 =	vld [tilespmem:s12+$0x64D0]  }
0x2e4: {  	v12 =	vld [tilespmem:s12+$0x64E0];
	v13 =	vadd.f32 v14, v13;
	v6 =	vadd.f32 v11, v10  }
0x2e5: {  	s0 =	simm.s32 $0x100;
	v3 =	vadd.f32 v2, v5;
	v10 =	vld [tilespmem:s12+$0x6460];
	v7 =	vimm.f32 $0.0e+00;
	v0 =	vadd.f32 v0, v5  }
0x2e6: {  	v11 =	vld [tilespmem:s0+$0x6470];
	s12 =	simm.s32 $0x800;
	v2 =	vadd.f32 v4, v5;
	v4 =	vadd.f32 v6, v5;
	v6 =	vimm.f32 $0.0e+00  }
.LBB2_28:
0x2e7: {  	p0 =	sne.s32 s12, $0xCC00;
	v14 =	vld [tilespmem:s0+$0x64F0]  }
0x2e8: {  	v15 =	vld [tilespmem:s0+$0x6400];
	v5 =	vadd.f32 v13, v5;
	v8 =	vadd.f32 v9, v8  }
0x2e9: {  	v9 =	vld [tilespmem:s0+$0x6480]  }
0x2ea: {  	v13 =	vld [tilespmem:s0+$0x6410];
	v6 =	vadd.f32 v8, v6;
	v8 =	vadd.f32 v12, v10  }
0x2eb: {  	v10 =	vld [tilespmem:s0+$0x6490]  }
0x2ec: {  	v12 =	vld [tilespmem:s0+$0x6420];
	v11 =	vadd.f32 v14, v11;
	v7 =	vadd.f32 v8, v7  }
0x2ed: {  	v8 =	vld [tilespmem:s0+$0x64A0]  }
0x2ee: {  	v9 =	vadd.f32 v9, v15;
	v14 =	vld [tilespmem:s0+$0x6430];
	v1 =	vadd.f32 v11, v1  }
0x2ef: {  	v11 =	vld [tilespmem:s0+$0x64B0]  }
0x2f0: {  	v3 =	vadd.f32 v9, v3;
	v9 =	vadd.f32 v10, v13;
	v13 =	vld [tilespmem:s0+$0x6440]  }
0x2f1: {  	v15 =	vld [tilespmem:s0+$0x64C0]  }
.Ltmp13:
0x2f2: {  	v0 =	vadd.f32 v9, v0;
	v10 =	vadd.f32 v8, v12;
	v8 =	vld [tilespmem:s0+$0x6450];
	(pc) =	sbr.rel @p0 .LBB2_28-.Ltmp13, $4  }
0x2f3: {  	v9 =	vld [tilespmem:s0+$0x64D0]  }
0x2f4: {  	v2 =	vadd.f32 v10, v2;
	v14 =	vadd.f32 v11, v14;
	v10 =	vld [tilespmem:s0+$0x6460]  }
0x2f5: {  	v12 =	vld [tilespmem:s0+$0x64E0];
	s0 =	sshra.s32 s12, $0x2  }
0x2f6: {  	s12 =	sadd.s32 $0x400, s12;
	v11 =	vld [tilespmem:s0+$0x6470];
	v4 =	vadd.f32 v14, v4;
	v13 =	vadd.f32 v15, v13  }
0x2f7: {  	v14 =	vld [tilespmem:s0+$0x64F0]  }
0x2f8: {  	v15 =	vld [tilespmem:s0+$0x6400]  }
0x2f9: {  	v16 =	vld [tilespmem:s0+$0x6480]  }
0x2fa: {  	v17 =	vld [tilespmem:s0+$0x6410]  }
0x2fb: {  	v18 =	vld [tilespmem:s0+$0x6490]  }
0x2fc: {  	v19 =	vld [tilespmem:s0+$0x6420]  }
0x2fd: {  	v20 =	vld [tilespmem:s0+$0x64A0]  }
0x2fe: {  	v21 =	vld [tilespmem:s0+$0x6430]  }
0x2ff: {  	v22 =	vld [tilespmem:s0+$0x64B0]  }
0x300: {  	v23 =	vld [tilespmem:s0+$0x6440]  }
0x301: {  	v24 =	vld [tilespmem:s0+$0x64C0]  }
0x302: {  	v25 =	vld [tilespmem:s0+$0x6450]  }
0x303: {  	v26 =	vld [tilespmem:s0+$0x64D0]  }
0x304: {  	v27 =	vld [tilespmem:s0+$0x6460]  }
0x305: {  	v28 =	vld [tilespmem:s0+$0x64E0];
	_ =	swait.ge [sflag:s21], $0x3000  }
0x306: {  	[sflag:s21] =	ssyncset.done $0x0  }
0x307: {  	s12 =	simm.s32 $0x0;
	[sflag:s21] =	ssyncadd.s32 $0xFFFFD000  }
0x308: {  	v8 =	vadd.f32 v9, v8;
	v29 =	vld [tilespmem:s12+$0x9870]  }
0x309: {  	v9 =	vadd.f32 v12, v10;
	v10 =	vld [tilespmem:s12+$0x98F0]  }
0x30a: {  	v5 =	vadd.f32 v13, v5;
	v12 =	vld [tilespmem:s12+$0x9800];
	v6 =	vadd.f32 v8, v6  }
0x30b: {  	v8 =	vld [tilespmem:s12+$0x9880];
	v11 =	vadd.f32 v14, v11;
	v7 =	vadd.f32 v9, v7  }
0x30c: {  	v13 =	vld [tilespmem:s12+$0x9810];
	v9 =	vadd.f32 v16, v15;
	v14 =	vadd.f32 v20, v19  }
0x30d: {  	v58 =	vld [tilespmem:s12+$0x9820];
	v11 =	vadd.f32 v11, v1;
	v1 =	vadd.f32 v18, v17  }
0x30e: {  	v59 =	vld [tilespmem:s12+$0x98A0];
	v16 =	vadd.f32 v9, v3;
	v3 =	vadd.f32 v22, v21  }
0x30f: {  	v15 =	vld [tilespmem:s12+$0x9890];
	v14 =	vadd.f32 v14, v2;
	v9 =	vadd.f32 v28, v27  }
0x310: {  	v61 =	vld [tilespmem:s12+$0x98B0];
	v18 =	vadd.f32 v1, v0;
	v0 =	vadd.f32 v24, v23  }
0x311: {  	v60 =	vadd.f32 v3, v4;
	v4 =	vld [tilespmem:s12+$0x9830];
	v1 =	vadd.f32 v26, v25  }
0x312: {  	v62 =	vld [tilespmem:s12+$0x9840];
	v2 =	vadd.f32 v0, v5;
	v0 =	vadd.f32 v10, v29  }
0x313: {  	v63 =	vld [tilespmem:s12+$0x98C0];
	v3 =	vadd.f32 v1, v6;
	v1 =	vadd.f32 v9, v7  }
0x314: {  	v5 =	vadd.f32 v8, v12;
	v9 =	vld [tilespmem:s12+$0x9850];
	v6 =	vadd.f32 v15, v13  }
0x315: {  	v7 =	vadd.f32 v59, v58;
	v0 =	vadd.f32 v0, v11;
	v11 =	vld [tilespmem:s12+$0x98D0]  }
0x316: {  	v10 =	vld [tilespmem:s12+$0x9860];
	v5 =	vadd.f32 v5, v16;
	v13 =	vadd.f32 v61, v4  }
0x317: {  	s0 =	simm.s32 $0x100;
	v12 =	vld [tilespmem:s12+$0x98E0];
	v6 =	vadd.f32 v6, v18;
	v4 =	vadd.f32 v7, v14  }
0x318: {  	v8 =	vld [tilespmem:s0+$0x9870];
	s12 =	simm.s32 $0x800;
	v7 =	vadd.f32 v13, v60;
	v13 =	vadd.f32 v63, v62  }
.LBB2_30:
0x319: {  	p0 =	sne.s32 s12, $0xBC00;
	v14 =	vld [tilespmem:s0+$0x98F0]  }
0x31a: {  	v15 =	vld [tilespmem:s0+$0x9800];
	v2 =	vadd.f32 v13, v2;
	v9 =	vadd.f32 v11, v9  }
0x31b: {  	v11 =	vld [tilespmem:s0+$0x9880]  }
0x31c: {  	v13 =	vld [tilespmem:s0+$0x9810];
	v3 =	vadd.f32 v9, v3;
	v9 =	vadd.f32 v12, v10  }
0x31d: {  	v10 =	vld [tilespmem:s0+$0x9890]  }
0x31e: {  	v12 =	vld [tilespmem:s0+$0x9820];
	v8 =	vadd.f32 v14, v8;
	v1 =	vadd.f32 v9, v1  }
0x31f: {  	v9 =	vld [tilespmem:s0+$0x98A0]  }
0x320: {  	v11 =	vadd.f32 v11, v15;
	v14 =	vld [tilespmem:s0+$0x9830];
	v0 =	vadd.f32 v8, v0  }
0x321: {  	v8 =	vld [tilespmem:s0+$0x98B0]  }
0x322: {  	v5 =	vadd.f32 v11, v5;
	v10 =	vadd.f32 v10, v13;
	v13 =	vld [tilespmem:s0+$0x9840]  }
0x323: {  	v15 =	vld [tilespmem:s0+$0x98C0]  }
.Ltmp14:
0x324: {  	v6 =	vadd.f32 v10, v6;
	v10 =	vadd.f32 v9, v12;
	v9 =	vld [tilespmem:s0+$0x9850];
	(pc) =	sbr.rel @p0 .LBB2_30-.Ltmp14, $4  }
0x325: {  	v11 =	vld [tilespmem:s0+$0x98D0]  }
0x326: {  	v4 =	vadd.f32 v10, v4;
	v14 =	vadd.f32 v8, v14;
	v10 =	vld [tilespmem:s0+$0x9860]  }
0x327: {  	v12 =	vld [tilespmem:s0+$0x98E0];
	s0 =	sshra.s32 s12, $0x2  }
0x328: {  	s12 =	sadd.s32 $0x400, s12;
	v8 =	vld [tilespmem:s0+$0x9870];
	v7 =	vadd.f32 v14, v7;
	v13 =	vadd.f32 v15, v13  }
0x329: {  	v14 =	vld [tilespmem:s0+$0x9800]  }
0x32a: {  	v15 =	vld [tilespmem:s0+$0x9880]  }
0x32b: {  	v16 =	vld [tilespmem:s0+$0x9810]  }
0x32c: {  	v17 =	vld [tilespmem:s0+$0x9890]  }
0x32d: {  	v18 =	vld [tilespmem:s0+$0x9820]  }
0x32e: {  	v19 =	vld [tilespmem:s0+$0x98A0]  }
0x32f: {  	v20 =	vld [tilespmem:s0+$0x9830]  }
0x330: {  	v21 =	vld [tilespmem:s0+$0x98B0]  }
0x331: {  	v22 =	vld [tilespmem:s0+$0x9840]  }
0x332: {  	v23 =	vld [tilespmem:s0+$0x98C0]  }
0x333: {  	v9 =	vadd.f32 v11, v9;
	v11 =	vld [tilespmem:s0+$0x9850]  }
0x334: {  	v2 =	vadd.f32 v13, v2;
	v13 =	vld [tilespmem:s0+$0x9860];
	v10 =	vadd.f32 v12, v10  }
0x335: {  	v12 =	vld [tilespmem:s0+$0x98D0];
	v3 =	vadd.f32 v9, v3;
	v9 =	vadd.f32 v15, v14  }
0x336: {  	v1 =	vadd.f32 v10, v1;
	v10 =	vadd.f32 v17, v16;
	v14 =	vld [tilespmem:s0+$0x98E0]  }
0x337: {  	v15 =	vld [tilespmem:s0+$0x98F0];
	v5 =	vadd.f32 v9, v5;
	v9 =	vadd.f32 v19, v18  }
0x338: {  	v6 =	vadd.f32 v10, v6;
	v10 =	vadd.f32 v21, v20  }
0x339: {  	v4 =	vadd.f32 v9, v4;
	v9 =	vadd.f32 v23, v22;
	v5 =	vmul.f32 $4.999999890e-03, v5  }
0x33a: {  	v7 =	vadd.f32 v10, v7;
	v10 =	vadd.f32 v12, v11;
	v6 =	vmul.f32 $4.999999890e-03, v6  }
0x33b: {  	v2 =	vadd.f32 v9, v2;
	v9 =	vadd.f32 v14, v13;
	[tilespmem:$0x1DB00] =	vst v5;
	v4 =	vmul.f32 $4.999999890e-03, v4  }
0x33c: {  	v5 =	vadd.f32 v15, v8;
	v3 =	vadd.f32 v10, v3;
	[tilespmem:$0x1DB10] =	vst v6;
	v6 =	vmul.f32 $4.999999890e-03, v7  }
0x33d: {  	v1 =	vadd.f32 v9, v1;
	[tilespmem:$0x1DB20] =	vst v4;
	v2 =	vmul.f32 $4.999999890e-03, v2  }
0x33e: {  	v0 =	vadd.f32 v5, v0;
	[tilespmem:$0x1DB30] =	vst v6;
	v3 =	vmul.f32 $4.999999890e-03, v3  }
0x33f: {  	[tilespmem:$0x1DB40] =	vst v2;
	v1 =	vmul.f32 $4.999999890e-03, v1  }
0x340: {  	[tilespmem:$0x1DB50] =	vst v3;
	v0 =	vmul.f32 $4.999999890e-03, v0  }
0x341: {  	[tilespmem:$0x1DB60] =	vst v1  }
0x342: {  	[tilespmem:$0x1DB70] =	vst v0  }
0x343: {  	_ =	swait.ge [sflag:s22], $0x3400  }
0x344: {  	[sflag:s22] =	ssyncset.done $0x0  }
0x345: {  	s12 =	simm.s32 $0x0;
	[sflag:s22] =	ssyncadd.s32 $0xFFFFCC00  }
0x346: {  	v0 =	vld [tilespmem:s12+$0xCC70]  }
0x347: {  	v1 =	vld [tilespmem:s12+$0xCCF0]  }
0x348: {  	v2 =	vld [tilespmem:s12+$0xCC00]  }
0x349: {  	v3 =	vld [tilespmem:s12+$0xCC80]  }
0x34a: {  	v4 =	vld [tilespmem:s12+$0xCC10]  }
0x34b: {  	v6 =	vld [tilespmem:s12+$0xCC90]  }
0x34c: {  	v7 =	vld [tilespmem:s12+$0xCC20]  }
0x34d: {  	v9 =	vld [tilespmem:s12+$0xCCA0]  }
0x34e: {  	v10 =	vld [tilespmem:s12+$0xCC30]  }
0x34f: {  	v11 =	vld [tilespmem:s12+$0xCCB0]  }
0x350: {  	v13 =	vld [tilespmem:s12+$0xCC40]  }
0x351: {  	v14 =	vld [tilespmem:s12+$0xCCC0]  }
0x352: {  	v0 =	vadd.f32 v1, v0  }
0x353: {  	v5 =	vimm.f32 $0.0e+00  }
0x354: {  	v8 =	vld [tilespmem:s12+$0xCC50];
	v2 =	vadd.f32 v3, v2;
	v1 =	vadd.f32 v0, v5  }
0x355: {  	v0 =	vadd.f32 v6, v4;
	v4 =	vadd.f32 v9, v7;
	v9 =	vld [tilespmem:s12+$0xCCD0]  }
0x356: {  	v12 =	vld [tilespmem:s12+$0xCCE0];
	v13 =	vadd.f32 v14, v13;
	v6 =	vadd.f32 v11, v10  }
0x357: {  	s0 =	simm.s32 $0x100;
	v3 =	vadd.f32 v2, v5;
	v10 =	vld [tilespmem:s12+$0xCC60];
	v7 =	vimm.f32 $0.0e+00;
	v0 =	vadd.f32 v0, v5  }
0x358: {  	v11 =	vld [tilespmem:s0+$0xCC70];
	s12 =	simm.s32 $0x800;
	v2 =	vadd.f32 v4, v5;
	v4 =	vadd.f32 v6, v5;
	v6 =	vimm.f32 $0.0e+00  }
.LBB2_32:
0x359: {  	p0 =	sne.s32 s12, $0xCC00;
	v14 =	vld [tilespmem:s0+$0xCCF0]  }
0x35a: {  	v15 =	vld [tilespmem:s0+$0xCC00];
	v5 =	vadd.f32 v13, v5;
	v8 =	vadd.f32 v9, v8  }
0x35b: {  	v9 =	vld [tilespmem:s0+$0xCC80]  }
0x35c: {  	v13 =	vld [tilespmem:s0+$0xCC10];
	v6 =	vadd.f32 v8, v6;
	v8 =	vadd.f32 v12, v10  }
0x35d: {  	v10 =	vld [tilespmem:s0+$0xCC90]  }
0x35e: {  	v12 =	vld [tilespmem:s0+$0xCC20];
	v11 =	vadd.f32 v14, v11;
	v7 =	vadd.f32 v8, v7  }
0x35f: {  	v8 =	vld [tilespmem:s0+$0xCCA0]  }
0x360: {  	v9 =	vadd.f32 v9, v15;
	v14 =	vld [tilespmem:s0+$0xCC30];
	v1 =	vadd.f32 v11, v1  }
0x361: {  	v11 =	vld [tilespmem:s0+$0xCCB0]  }
0x362: {  	v3 =	vadd.f32 v9, v3;
	v9 =	vadd.f32 v10, v13;
	v13 =	vld [tilespmem:s0+$0xCC40]  }
0x363: {  	v15 =	vld [tilespmem:s0+$0xCCC0]  }
.Ltmp15:
0x364: {  	v0 =	vadd.f32 v9, v0;
	v10 =	vadd.f32 v8, v12;
	v8 =	vld [tilespmem:s0+$0xCC50];
	(pc) =	sbr.rel @p0 .LBB2_32-.Ltmp15, $4  }
0x365: {  	v9 =	vld [tilespmem:s0+$0xCCD0]  }
0x366: {  	v2 =	vadd.f32 v10, v2;
	v14 =	vadd.f32 v11, v14;
	v10 =	vld [tilespmem:s0+$0xCC60]  }
0x367: {  	v12 =	vld [tilespmem:s0+$0xCCE0];
	s0 =	sshra.s32 s12, $0x2  }
0x368: {  	s12 =	sadd.s32 $0x400, s12;
	v11 =	vld [tilespmem:s0+$0xCC70];
	v4 =	vadd.f32 v14, v4;
	v13 =	vadd.f32 v15, v13  }
0x369: {  	v14 =	vld [tilespmem:s0+$0xCCF0]  }
0x36a: {  	v15 =	vld [tilespmem:s0+$0xCC00]  }
0x36b: {  	v16 =	vld [tilespmem:s0+$0xCC80]  }
0x36c: {  	v17 =	vld [tilespmem:s0+$0xCC10]  }
0x36d: {  	v18 =	vld [tilespmem:s0+$0xCC90]  }
0x36e: {  	v19 =	vld [tilespmem:s0+$0xCC20]  }
0x36f: {  	v20 =	vld [tilespmem:s0+$0xCCA0]  }
0x370: {  	v21 =	vld [tilespmem:s0+$0xCC30]  }
0x371: {  	v22 =	vld [tilespmem:s0+$0xCCB0]  }
0x372: {  	v23 =	vld [tilespmem:s0+$0xCC40]  }
0x373: {  	v24 =	vld [tilespmem:s0+$0xCCC0]  }
0x374: {  	v25 =	vld [tilespmem:s0+$0xCC50]  }
0x375: {  	v26 =	vld [tilespmem:s0+$0xCCD0]  }
0x376: {  	v27 =	vld [tilespmem:s0+$0xCC60]  }
0x377: {  	v28 =	vld [tilespmem:s0+$0xCCE0];
	_ =	swait.ge [sflag:s23], $0x3000  }
0x378: {  	[sflag:s23] =	ssyncset.done $0x0  }
0x379: {  	s12 =	simm.s32 $0x0;
	[sflag:s23] =	ssyncadd.s32 $0xFFFFD000  }
0x37a: {  	v8 =	vadd.f32 v9, v8;
	v29 =	vld [tilespmem:s12+$0x10070]  }
0x37b: {  	v9 =	vadd.f32 v12, v10;
	v10 =	vld [tilespmem:s12+$0x100F0]  }
0x37c: {  	v5 =	vadd.f32 v13, v5;
	v12 =	vld [tilespmem:s12+$0x10000];
	v6 =	vadd.f32 v8, v6  }
0x37d: {  	v8 =	vld [tilespmem:s12+$0x10080];
	v11 =	vadd.f32 v14, v11;
	v7 =	vadd.f32 v9, v7  }
0x37e: {  	v13 =	vld [tilespmem:s12+$0x10010];
	v9 =	vadd.f32 v16, v15;
	v14 =	vadd.f32 v20, v19  }
0x37f: {  	v58 =	vld [tilespmem:s12+$0x10020];
	v11 =	vadd.f32 v11, v1;
	v1 =	vadd.f32 v18, v17  }
0x380: {  	v59 =	vld [tilespmem:s12+$0x100A0];
	v16 =	vadd.f32 v9, v3;
	v3 =	vadd.f32 v22, v21  }
0x381: {  	v15 =	vld [tilespmem:s12+$0x10090];
	v14 =	vadd.f32 v14, v2;
	v9 =	vadd.f32 v28, v27  }
0x382: {  	v61 =	vld [tilespmem:s12+$0x100B0];
	v18 =	vadd.f32 v1, v0;
	v0 =	vadd.f32 v24, v23  }
0x383: {  	v60 =	vadd.f32 v3, v4;
	v4 =	vld [tilespmem:s12+$0x10030];
	v1 =	vadd.f32 v26, v25  }
0x384: {  	v62 =	vld [tilespmem:s12+$0x10040];
	v2 =	vadd.f32 v0, v5;
	v0 =	vadd.f32 v10, v29  }
0x385: {  	v63 =	vld [tilespmem:s12+$0x100C0];
	v3 =	vadd.f32 v1, v6;
	v1 =	vadd.f32 v9, v7  }
0x386: {  	v5 =	vadd.f32 v8, v12;
	v9 =	vld [tilespmem:s12+$0x10050];
	v6 =	vadd.f32 v15, v13  }
0x387: {  	v7 =	vadd.f32 v59, v58;
	v0 =	vadd.f32 v0, v11;
	v11 =	vld [tilespmem:s12+$0x100D0]  }
0x388: {  	v10 =	vld [tilespmem:s12+$0x10060];
	v5 =	vadd.f32 v5, v16;
	v13 =	vadd.f32 v61, v4  }
0x389: {  	s0 =	simm.s32 $0x100;
	v12 =	vld [tilespmem:s12+$0x100E0];
	v6 =	vadd.f32 v6, v18;
	v4 =	vadd.f32 v7, v14  }
0x38a: {  	v8 =	vld [tilespmem:s0+$0x10070];
	s12 =	simm.s32 $0x800;
	v7 =	vadd.f32 v13, v60;
	v13 =	vadd.f32 v63, v62  }
.LBB2_34:
0x38b: {  	p0 =	sne.s32 s12, $0xBC00;
	v14 =	vld [tilespmem:s0+$0x100F0]  }
0x38c: {  	v15 =	vld [tilespmem:s0+$0x10000];
	v2 =	vadd.f32 v13, v2;
	v9 =	vadd.f32 v11, v9  }
0x38d: {  	v11 =	vld [tilespmem:s0+$0x10080]  }
0x38e: {  	v13 =	vld [tilespmem:s0+$0x10010];
	v3 =	vadd.f32 v9, v3;
	v9 =	vadd.f32 v12, v10  }
0x38f: {  	v10 =	vld [tilespmem:s0+$0x10090]  }
0x390: {  	v12 =	vld [tilespmem:s0+$0x10020];
	v8 =	vadd.f32 v14, v8;
	v1 =	vadd.f32 v9, v1  }
0x391: {  	v9 =	vld [tilespmem:s0+$0x100A0]  }
0x392: {  	v11 =	vadd.f32 v11, v15;
	v14 =	vld [tilespmem:s0+$0x10030];
	v0 =	vadd.f32 v8, v0  }
0x393: {  	v8 =	vld [tilespmem:s0+$0x100B0]  }
0x394: {  	v5 =	vadd.f32 v11, v5;
	v10 =	vadd.f32 v10, v13;
	v13 =	vld [tilespmem:s0+$0x10040]  }
0x395: {  	v15 =	vld [tilespmem:s0+$0x100C0]  }
.Ltmp16:
0x396: {  	v6 =	vadd.f32 v10, v6;
	v10 =	vadd.f32 v9, v12;
	v9 =	vld [tilespmem:s0+$0x10050];
	(pc) =	sbr.rel @p0 .LBB2_34-.Ltmp16, $4  }
0x397: {  	v11 =	vld [tilespmem:s0+$0x100D0]  }
0x398: {  	v4 =	vadd.f32 v10, v4;
	v14 =	vadd.f32 v8, v14;
	v10 =	vld [tilespmem:s0+$0x10060]  }
0x399: {  	v12 =	vld [tilespmem:s0+$0x100E0];
	s0 =	sshra.s32 s12, $0x2  }
0x39a: {  	s12 =	sadd.s32 $0x400, s12;
	v8 =	vld [tilespmem:s0+$0x10070];
	v7 =	vadd.f32 v14, v7;
	v13 =	vadd.f32 v15, v13  }
0x39b: {  	v14 =	vld [tilespmem:s0+$0x10000]  }
0x39c: {  	v15 =	vld [tilespmem:s0+$0x10080]  }
0x39d: {  	v16 =	vld [tilespmem:s0+$0x10010]  }
0x39e: {  	v17 =	vld [tilespmem:s0+$0x10090]  }
0x39f: {  	v18 =	vld [tilespmem:s0+$0x10020]  }
0x3a0: {  	v19 =	vld [tilespmem:s0+$0x100A0]  }
0x3a1: {  	v20 =	vld [tilespmem:s0+$0x10030]  }
0x3a2: {  	v21 =	vld [tilespmem:s0+$0x100B0]  }
0x3a3: {  	v22 =	vld [tilespmem:s0+$0x10040]  }
0x3a4: {  	v23 =	vld [tilespmem:s0+$0x100C0]  }
0x3a5: {  	v50 =	vld [tilespmem:s0+$0x10050];
	v9 =	vadd.f32 v11, v9  }
0x3a6: {  	v51 =	vld [tilespmem:s0+$0x100D0];
	v2 =	vadd.f32 v13, v2;
	v10 =	vadd.f32 v12, v10  }
0x3a7: {  	v53 =	vld [tilespmem:s0+$0x10060];
	v3 =	vadd.f32 v9, v3;
	v52 =	vadd.f32 v15, v14  }
0x3a8: {  	v55 =	vld [tilespmem:s0+$0x100E0];
	v1 =	vadd.f32 v10, v1;
	v54 =	vadd.f32 v17, v16  }
0x3a9: {  	v57 =	vld [tilespmem:s0+$0x100F0];
	v56 =	vadd.f32 v19, v18;
	v5 =	vadd.f32 v52, v5  }
0x3aa: {  	v58 =	vadd.f32 v21, v20;
	v6 =	vadd.f32 v54, v6  }
0x3ab: {  	v59 =	vadd.f32 v23, v22;
	v4 =	vadd.f32 v56, v4;
	v5 =	vmul.f32 $4.999999890e-03, v5  }
0x3ac: {  	v60 =	vadd.f32 v51, v50;
	v7 =	vadd.f32 v58, v7;
	v6 =	vmul.f32 $4.999999890e-03, v6  }
0x3ad: {  	v61 =	vadd.f32 v55, v53;
	v2 =	vadd.f32 v59, v2;
	v4 =	vmul.f32 $4.999999890e-03, v4;
	[tilespmem:$0x1DB80] =	vst v5  }
0x3ae: {  	v62 =	vadd.f32 v57, v8;
	v3 =	vadd.f32 v60, v3;
	v63 =	vmul.f32 $4.999999890e-03, v7;
	[tilespmem:$0x1DB90] =	vst v6  }
0x3af: {  	v1 =	vadd.f32 v61, v1;
	v2 =	vmul.f32 $4.999999890e-03, v2;
	[tilespmem:$0x1DBA0] =	vst v4  }
0x3b0: {  	v0 =	vadd.f32 v62, v0;
	v3 =	vmul.f32 $4.999999890e-03, v3;
	[tilespmem:$0x1DBB0] =	vst v63  }
0x3b1: {  	v1 =	vmul.f32 $4.999999890e-03, v1;
	[tilespmem:$0x1DBC0] =	vst v2  }
0x3b2: {  	s1 =	sadd.s32 $0x1, s1;
	v0 =	vmul.f32 $4.999999890e-03, v0;
	[tilespmem:$0x1DBD0] =	vst v3  }
0x3b3: {  	p0 =	sne.s32 s1, s6;
	[tilespmem:$0x1DBE0] =	vst v1  }
.Ltmp17:
0x3b4: {  	[tilespmem:$0x1DBF0] =	vst v0;
	(pc) =	sbr.rel @p0 .LBB2_1-.Ltmp17, $4  }
0x3b5: {  	[hbm4b:s5+s3] =	stream.linear.scatter [tilespmem:s31], [sflag:$0x7], $0x4000, $0x38;
	[tilespmem:$0x1DC00] =	vst v63  }
0x3b6: {  	_ =	swait.ge [sflag:s7], $0x4000  }
0x3b7: {  	[sflag:s7] =	ssyncset.done $0x0  }
0x3b8: {  	[sflag:s7] =	ssyncadd.s32 $0xFFFFC000  }
0x3b9: {  	_ =	sfence.sel $0x180000  }
0x3ba: {  	[bflag:$0x0] =	sbarrier.arrive $0xFFFF  }
0x3bb: {  	_ =	strace $0x90000047  }
0x3bc: {  	s0 =	stileid.u32;
	[bflag:$0x2] =	sbarrier.arrive $0xFFFF  }
0x3bd: {  	p0 =	sne.s32 s0, $0x0;
	s0 =	rddreg [dreg:$0x3]  }
0x3be: {  	s0 =	sadd.s32 @!p0 $0x100000, s0  }
0x3bf: {  	[sflag:s0] =	ssyncadd.tile.s32 @!p0 $0x1;
	_ =	shalt  }
.Lfunc_end2:
_tile_overlayer_lowered:
.L_overlay_start_2:
0x3c0: {  	(tag) =	ssettag $0x2  }
0x3c1: {  	s0 =	rddreg [dreg:$0x0];
	s2 =	stileid.u32  }
0x3c2: {  	s1 =	rddreg [dreg:$0x1];
	p0 =	sne.s32 s2, $0x0  }
0x3c3: {  	s3 =	rddreg [dreg:$0x2];
	[bflag:$0x3] =	sbarrier.arrive $0xFFFF;
	s2 =	simm.s32 @!p0 $0x1C07  }
0x3c4: {  	[timem:s3], [sflag:s2] =	dma.local @!p0 [hbm:s0], s1  }
0x3c5: {  	s0 =	simm.s32 @!p0 $0x7  }
0x3c6: {  	_ =	swait.ge @!p0 [sflag:s0], s1  }
0x3c7: {  	s1 =	ssub.s32 @!p0 $0x0, s1;
	[sflag:s0] =	ssyncset.done @!p0 $0x0  }
0x3c8: {  	[sflag:s0] =	ssyncadd.s32 @!p0 s1  }
0x3c9: {  	[bflag:$0x3] =	sbarrier.arrive $0xFFFF  }
0x3ca: {  	_ =	shalt  }

</sc_bundles>
